<compile_context>
chip_gen: v7x
topology: tpu7x:2x2x1
jax: 0.10.2.dev20260603
libtpu: 0.0.44.dev20260713+nightly
codegen_flags: <defaults>
</compile_context>

<pallas_src>
import functools

import jax
import jax.numpy as jnp
from jax import lax
from jax.experimental import pallas as pl
from jax.experimental.pallas import tpu as pltpu
from jax.experimental.pallas import tpu_sc as plsc

POOL_N = 128
BATCH_N = 32
ROW_SUB = 1536
LANE = 128

_PROB = [True, False, True, True, True, True, True, False, False, True, True,
         True, True, True, False, False, True, True, False, True, False, True,
         False, True, True, True, True, True, True, False, True, False]
_INDEX = [83, 2, 65, 73, 78, 32, 15, 10, 71, 48, 85, 25, 116, 109, 114, 115,
          77, 28, 106, 93, 92, 0, 82, 49, 69, 87, 89, 104, 75, 4, 90, 60]

_SWAPS = [(b, _INDEX[b]) for b in range(BATCH_N) if _PROB[b]]

NUM_WORKERS = 32


SC_CHUNK = ROW_SUB // NUM_WORKERS
SC_SLOTS = 4
SC_AHEAD = 2

_IMG_TASKS = [((1, _INDEX[b]) if _PROB[b] else (0, b)) for b in range(BATCH_N)]


def _make_sc_images_call():
    mesh = plsc.VectorSubcoreMesh(core_axis_name="c", subcore_axis_name="s")

    @functools.partial(
        pl.kernel,
        out_type=jax.ShapeDtypeStruct((BATCH_N * ROW_SUB, LANE), jnp.float32),
        mesh=mesh,
        scratch_types=[
            pltpu.VMEM((SC_SLOTS, SC_CHUNK, LANE), jnp.float32),
            pltpu.SemaphoreType.DMA((SC_SLOTS,)),
            pltpu.SemaphoreType.DMA((SC_SLOTS,)),
        ],
    )
    def sc_call(img_hbm, pool_hbm, out_img_hbm, buf, rsem, wsem):
        wid = lax.axis_index("c") * 16 + lax.axis_index("s")
        coff = wid * SC_CHUNK
        srcs = (img_hbm, pool_hbm)
        n = len(_IMG_TASKS)
        reads, writes = [], []
        for b, (sa, sr) in enumerate(_IMG_TASKS):
            s = b % SC_SLOTS
            reads.append(pltpu.make_async_copy(
                srcs[sa].at[pl.ds(sr * ROW_SUB + coff, SC_CHUNK), :],
                buf.at[s], rsem.at[s]))
            writes.append(pltpu.make_async_copy(
                buf.at[s],
                out_img_hbm.at[pl.ds(b * ROW_SUB + coff, SC_CHUNK), :],
                wsem.at[s]))
        for i in range(min(SC_AHEAD, n)):
            reads[i].start()
        for i in range(n):
            reads[i].wait()
            writes[i].start()
            j = i + SC_AHEAD
            if j < n:
                if j >= SC_SLOTS:
                    writes[j - SC_SLOTS].wait()
                reads[j].start()
        for i in range(max(0, n - SC_SLOTS), n):
            writes[i].wait()

    return sc_call



TC_SLOTS = 8
TC_AHEAD = 4


def _tc_scatter_body(img_ref, pool_ref, out_ref, buf, rsem, wsem):
    del pool_ref
    n = len(_SWAPS)
    reads, writes = [], []
    for i, (b, r) in enumerate(_SWAPS):
        s = i % TC_SLOTS
        reads.append(pltpu.make_async_copy(
            img_ref.at[pl.ds(b * ROW_SUB, ROW_SUB), :], buf.at[s],
            rsem.at[s]))
        writes.append(pltpu.make_async_copy(
            buf.at[s], out_ref.at[pl.ds(r * ROW_SUB, ROW_SUB), :],
            wsem.at[s]))
    for i in range(min(TC_AHEAD, n)):
        reads[i].start()
    for i in range(n):
        reads[i].wait()
        writes[i].start()
        j = i + TC_AHEAD
        if j < n:
            if j >= TC_SLOTS:
                writes[j - TC_SLOTS].wait()
            reads[j].start()
    for i in range(max(0, n - TC_SLOTS), n):
        writes[i].wait()


def _tc_scatter_call(img2, pool2):
    return pl.pallas_call(
        _tc_scatter_body,
        in_specs=[
            pl.BlockSpec(memory_space=pl.ANY),
            pl.BlockSpec(memory_space=pl.ANY),
        ],
        out_specs=pl.BlockSpec(memory_space=pl.ANY),
        out_shape=jax.ShapeDtypeStruct((POOL_N * ROW_SUB, LANE), jnp.float32),
        scratch_shapes=[
            pltpu.VMEM((TC_SLOTS, ROW_SUB, LANE), jnp.float32),
            pltpu.SemaphoreType.DMA((TC_SLOTS,)),
            pltpu.SemaphoreType.DMA((TC_SLOTS,)),
        ],
        input_output_aliases={1: 0},
    )(img2, pool2)


def kernel(images, pool):
    img2 = images.reshape(BATCH_N * ROW_SUB, LANE)
    pool2 = pool.reshape(POOL_N * ROW_SUB, LANE)
    out_img2 = _make_sc_images_call()(img2, pool2)
    out_pool2 = _tc_scatter_call(img2, pool2)
    return (out_img2.reshape(BATCH_N, 3, 256, 256),
            out_pool2.reshape(POOL_N, 3, 256, 256))

# --- scband reference (transcript-rebuilt; emitter-appended) ---
"""Pipeline reference for scband-image-pool-27831388078850 (READ-ONLY COPY).

The authoritative reference and input builder live on the scoring server;
editing this copy changes nothing except your own understanding.
"""

import jax, jax.numpy as jnp
import numpy as np

POOL_SIZE = 128
BATCH = 32
C, H, W = 3, 256, 256


def setup_inputs(seed: int = 0) -> dict:
    key = jax.random.key(seed)
    k1, k2 = jax.random.split(key)
    images = jax.random.normal(k1, (BATCH, C, H, W), dtype=jnp.float32)
    pool = jax.random.normal(k2, (POOL_SIZE, C, H, W), dtype=jnp.float32)
    return {"images": images, "pool": pool}


def reference(images, pool):
    # Steady-state branch of ImagePool.__call__ (counts >= pool_size):
    #   prob = rand(B) > 0.5
    #   index = randperm(pool_size)[:B]
    #   pool_images = pool[index[prob]].clone()
    #   pool[index[prob]] = images[prob]
    #   images[prob] = pool_images
    # Randomness made deterministic with a fixed jax key.
    B = images.shape[0]
    rk = jax.random.key(42)
    rk1, rk2 = jax.random.split(rk)
    prob = jax.random.uniform(rk1, (B,)) > 0.5
    index = jax.random.permutation(rk2, pool.shape[0])[:B]

    mask = prob[:, None, None, None]
    old_pool_rows = pool[index]  # gather [B, C, H, W]
    # returned batch: swapped where prob is True
    out_images = jnp.where(mask, old_pool_rows, images)
    # pool update: overwrite selected rows where prob is True.
    # index rows are unique (randperm), so writing back old rows where prob
    # is False is equivalent to only writing the prob-True rows.
    new_rows = jnp.where(mask, images, old_pool_rows)
    new_pool = pool.at[index].set(new_rows)  # scatter-overwrite
    return out_images, new_pool

if __name__ == "__main__":
    import jax
    _d = setup_inputs()
    print(jax.jit(kernel)(*tuple(_d.values())))

</pallas_src>

<mosaic_0001>
#map = affine_map<(d0, d1) -> (0, 0)>
module attributes {stable_mosaic.version = 14 : i64} {
  func.func @sc_call(%arg0: i32, %arg1: i32, %arg2: memref<49152x128xf32, #tpu.memory_space<hbm>>, %arg3: memref<196608x128xf32, #tpu.memory_space<hbm>>, %arg4: memref<49152x128xf32, #tpu.memory_space<hbm>>, %arg5: memref<4x48x128xf32, #tpu.memory_space<vmem>>, %arg6: memref<4x!tpu.dma_semaphore, #tpu.memory_space<semaphore_mem>>, %arg7: memref<4x!tpu.dma_semaphore, #tpu.memory_space<semaphore_mem>>) attributes {dimension_semantics = [#tpu.dimension_semantics<core_parallel>, #tpu.dimension_semantics<subcore_parallel>], iteration_bounds = array<i64: 2, 16>, scalar_prefetch = 0 : i64, scratch_operands = 3 : i64, tpu.core_type = #tpu.core_type<sc_vector_subcore>, window_params = [{transform_indices = #map}, {transform_indices = #map}, {transform_indices = #map}]} {
    %mul3A = arith.constant 16 : i32
    %mul3A_0 = arith.muli %arg0, %mul3A : i32
    %add3A = arith.addi %mul3A_0, %arg1 : i32
    %mul3A_1 = arith.constant 48 : i32
    %mul3A_2 = arith.muli %add3A, %mul3A_1 : i32
    %add3A_3 = arith.constant 127488 : i32
    %add3A_4 = arith.addi %add3A_3, %mul3A_2 : i32
    %add3A_5 = arith.constant 0 : i32
    %add3A_6 = arith.addi %add3A_5, %mul3A_2 : i32
    %add3A_7 = arith.constant 1536 : i32
    %add3A_8 = arith.addi %add3A_7, %mul3A_2 : i32
    %add3A_9 = arith.constant 1536 : i32
    %add3A_10 = arith.addi %add3A_9, %mul3A_2 : i32
    %add3A_11 = arith.constant 99840 : i32
    %add3A_12 = arith.addi %add3A_11, %mul3A_2 : i32
    %add3A_13 = arith.constant 3072 : i32
    %add3A_14 = arith.addi %add3A_13, %mul3A_2 : i32
    %add3A_15 = arith.constant 112128 : i32
    %add3A_16 = arith.addi %add3A_15, %mul3A_2 : i32
    %add3A_17 = arith.constant 4608 : i32
    %add3A_18 = arith.addi %add3A_17, %mul3A_2 : i32
    %add3A_19 = arith.constant 119808 : i32
    %add3A_20 = arith.addi %add3A_19, %mul3A_2 : i32
    %add3A_21 = arith.constant 6144 : i32
    %add3A_22 = arith.addi %add3A_21, %mul3A_2 : i32
    %add3A_23 = arith.constant 49152 : i32
    %add3A_24 = arith.addi %add3A_23, %mul3A_2 : i32
    %add3A_25 = arith.constant 7680 : i32
    %add3A_26 = arith.addi %add3A_25, %mul3A_2 : i32
    %add3A_27 = arith.constant 23040 : i32
    %add3A_28 = arith.addi %add3A_27, %mul3A_2 : i32
    %add3A_29 = arith.constant 9216 : i32
    %add3A_30 = arith.addi %add3A_29, %mul3A_2 : i32
    %add3A_31 = arith.constant 10752 : i32
    %add3A_32 = arith.addi %add3A_31, %mul3A_2 : i32
    %add3A_33 = arith.constant 10752 : i32
    %add3A_34 = arith.addi %add3A_33, %mul3A_2 : i32
    %add3A_35 = arith.constant 12288 : i32
    %add3A_36 = arith.addi %add3A_35, %mul3A_2 : i32
    %add3A_37 = arith.constant 12288 : i32
    %add3A_38 = arith.addi %add3A_37, %mul3A_2 : i32
    %add3A_39 = arith.constant 73728 : i32
    %add3A_40 = arith.addi %add3A_39, %mul3A_2 : i32
    %add3A_41 = arith.constant 13824 : i32
    %add3A_42 = arith.addi %add3A_41, %mul3A_2 : i32
    %add3A_43 = arith.constant 130560 : i32
    %add3A_44 = arith.addi %add3A_43, %mul3A_2 : i32
    %add3A_45 = arith.constant 15360 : i32
    %add3A_46 = arith.addi %add3A_45, %mul3A_2 : i32
    %add3A_47 = arith.constant 38400 : i32
    %add3A_48 = arith.addi %add3A_47, %mul3A_2 : i32
    %add3A_49 = arith.constant 16896 : i32
    %add3A_50 = arith.addi %add3A_49, %mul3A_2 : i32
    %add3A_51 = arith.constant 178176 : i32
    %add3A_52 = arith.addi %add3A_51, %mul3A_2 : i32
    %add3A_53 = arith.constant 18432 : i32
    %add3A_54 = arith.addi %add3A_53, %mul3A_2 : i32
    %add3A_55 = arith.constant 167424 : i32
    %add3A_56 = arith.addi %add3A_55, %mul3A_2 : i32
    %add3A_57 = arith.constant 19968 : i32
    %add3A_58 = arith.addi %add3A_57, %mul3A_2 : i32
    %add3A_59 = arith.constant 21504 : i32
    %add3A_60 = arith.addi %add3A_59, %mul3A_2 : i32
    %add3A_61 = arith.constant 21504 : i32
    %add3A_62 = arith.addi %add3A_61, %mul3A_2 : i32
    %add3A_63 = arith.constant 23040 : i32
    %add3A_64 = arith.addi %add3A_63, %mul3A_2 : i32
    %add3A_65 = arith.constant 23040 : i32
    %add3A_66 = arith.addi %add3A_65, %mul3A_2 : i32
    %add3A_67 = arith.constant 118272 : i32
    %add3A_68 = arith.addi %add3A_67, %mul3A_2 : i32
    %add3A_69 = arith.constant 24576 : i32
    %add3A_70 = arith.addi %add3A_69, %mul3A_2 : i32
    %add3A_71 = arith.constant 43008 : i32
    %add3A_72 = arith.addi %add3A_71, %mul3A_2 : i32
    %add3A_73 = arith.constant 26112 : i32
    %add3A_74 = arith.addi %add3A_73, %mul3A_2 : i32
    %add3A_75 = arith.constant 27648 : i32
    %add3A_76 = arith.addi %add3A_75, %mul3A_2 : i32
    %add3A_77 = arith.constant 27648 : i32
    %add3A_78 = arith.addi %add3A_77, %mul3A_2 : i32
    %add3A_79 = arith.constant 142848 : i32
    %add3A_80 = arith.addi %add3A_79, %mul3A_2 : i32
    %add3A_81 = arith.constant 29184 : i32
    %add3A_82 = arith.addi %add3A_81, %mul3A_2 : i32
    %add3A_83 = arith.constant 30720 : i32
    %add3A_84 = arith.addi %add3A_83, %mul3A_2 : i32
    %add3A_85 = arith.constant 30720 : i32
    %add3A_86 = arith.addi %add3A_85, %mul3A_2 : i32
    %add3A_87 = arith.constant 0 : i32
    %add3A_88 = arith.addi %add3A_87, %mul3A_2 : i32
    %add3A_89 = arith.constant 32256 : i32
    %add3A_90 = arith.addi %add3A_89, %mul3A_2 : i32
    %add3A_91 = arith.constant 33792 : i32
    %add3A_92 = arith.addi %add3A_91, %mul3A_2 : i32
    %add3A_93 = arith.constant 33792 : i32
    %add3A_94 = arith.addi %add3A_93, %mul3A_2 : i32
    %add3A_95 = arith.constant 75264 : i32
    %add3A_96 = arith.addi %add3A_95, %mul3A_2 : i32
    %add3A_97 = arith.constant 35328 : i32
    %add3A_98 = arith.addi %add3A_97, %mul3A_2 : i32
    %add3A_99 = arith.constant 105984 : i32
    %add3A_100 = arith.addi %add3A_99, %mul3A_2 : i32
    %add3A_101 = arith.constant 36864 : i32
    %add3A_102 = arith.addi %add3A_101, %mul3A_2 : i32
    %add3A_103 = arith.constant 133632 : i32
    %add3A_104 = arith.addi %add3A_103, %mul3A_2 : i32
    %add3A_105 = arith.constant 38400 : i32
    %add3A_106 = arith.addi %add3A_105, %mul3A_2 : i32
    %add3A_107 = arith.constant 136704 : i32
    %add3A_108 = arith.addi %add3A_107, %mul3A_2 : i32
    %add3A_109 = arith.constant 39936 : i32
    %add3A_110 = arith.addi %add3A_109, %mul3A_2 : i32
    %add3A_111 = arith.constant 159744 : i32
    %add3A_112 = arith.addi %add3A_111, %mul3A_2 : i32
    %add3A_113 = arith.constant 41472 : i32
    %add3A_114 = arith.addi %add3A_113, %mul3A_2 : i32
    %add3A_115 = arith.constant 115200 : i32
    %add3A_116 = arith.addi %add3A_115, %mul3A_2 : i32
    %add3A_117 = arith.constant 43008 : i32
    %add3A_118 = arith.addi %add3A_117, %mul3A_2 : i32
    %add3A_119 = arith.constant 44544 : i32
    %add3A_120 = arith.addi %add3A_119, %mul3A_2 : i32
    %add3A_121 = arith.constant 44544 : i32
    %add3A_122 = arith.addi %add3A_121, %mul3A_2 : i32
    %add3A_123 = arith.constant 138240 : i32
    %add3A_124 = arith.addi %add3A_123, %mul3A_2 : i32
    %add3A_125 = arith.constant 46080 : i32
    %add3A_126 = arith.addi %add3A_125, %mul3A_2 : i32
    %add3A_127 = arith.constant 47616 : i32
    %add3A_128 = arith.addi %add3A_127, %mul3A_2 : i32
    %add3A_129 = arith.constant 47616 : i32
    %add3A_130 = arith.addi %add3A_129, %mul3A_2 : i32
    %dma_start3A = arith.constant 0 : i32
    %dma_start3A_131 = arith.constant 0 : i32
    %dma_start3A_132 = arith.constant 0 : i32
    %dma_start3A_133 = arith.constant 0 : i32
    %dma_start3A_134 = tpu.memref_slice %arg5[%dma_start3A, %dma_start3A_132, %dma_start3A_133] : memref<4x48x128xf32, #tpu.memory_space<vmem>> -> memref<1x48x128xf32, #tpu.memory_space<vmem>>
    %dma_start3A_135 = tpu.memref_squeeze %dma_start3A_134 : memref<1x48x128xf32, #tpu.memory_space<vmem>> -> memref<48x128xf32, #tpu.memory_space<vmem>>
    %dma_start3A_136 = arith.constant 0 : i32
    %dma_start3A_137 = tpu.memref_slice %arg3[%add3A_4, %dma_start3A_136] : memref<196608x128xf32, #tpu.memory_space<hbm>> -> memref<48x128xf32, #tpu.memory_space<hbm>>
    %dma_start3A_138 = tpu.memref_slice %arg6[%dma_start3A_131] : memref<4x!tpu.dma_semaphore, #tpu.memory_space<semaphore_mem>> -> memref<1x!tpu.dma_semaphore, #tpu.memory_space<semaphore_mem>>
    %dma_start3A_139 = tpu.memref_squeeze %dma_start3A_138 : memref<1x!tpu.dma_semaphore, #tpu.memory_space<semaphore_mem>> -> memref<!tpu.dma_semaphore, #tpu.memory_space<semaphore_mem>>
    %dma_start3A_140 = arith.constant 0 : i32
    %dma_start3A_141 = arith.constant 0 : i32
    %dma_start3A_142 = tpu.memref_slice %arg5[%dma_start3A, %dma_start3A_140, %dma_start3A_141] : memref<4x48x128xf32, #tpu.memory_space<vmem>> -> memref<1x48x128xf32, #tpu.memory_space<vmem>>
    %dma_start3A_143 = tpu.memref_squeeze %dma_start3A_142 : memref<1x48x128xf32, #tpu.memory_space<vmem>> -> memref<48x128xf32, #tpu.memory_space<vmem>>
    %dma_start3A_144 = arith.constant 0 : i32
    %dma_start3A_145 = tpu.memref_slice %arg3[%add3A_4, %dma_start3A_144] : memref<196608x128xf32, #tpu.memory_space<hbm>> -> memref<48x128xf32, #tpu.memory_space<hbm>>
    tpu.enqueue_dma source(%dma_start3A_145 : memref<48x128xf32, #tpu.memory_space<hbm>>) target(%dma_start3A_143 : memref<48x128xf32, #tpu.memory_space<vmem>>) target_semaphore(%dma_start3A_139 : memref<!tpu.dma_semaphore, #tpu.memory_space<semaphore_mem>>)
    %dma_start3A_146 = arith.constant 1 : i32
    %dma_start3A_147 = arith.constant 1 : i32
    %dma_start3A_148 = arith.constant 0 : i32
    %dma_start3A_149 = arith.constant 0 : i32
    %dma_start3A_150 = tpu.memref_slice %arg5[%dma_start3A_146, %dma_start3A_148, %dma_start3A_149] : memref<4x48x128xf32, #tpu.memory_space<vmem>> -> memref<1x48x128xf32, #tpu.memory_space<vmem>>
    %dma_start3A_151 = tpu.memref_squeeze %dma_start3A_150 : memref<1x48x128xf32, #tpu.memory_space<vmem>> -> memref<48x128xf32, #tpu.memory_space<vmem>>
    %dma_start3A_152 = arith.constant 0 : i32
    %dma_start3A_153 = tpu.memref_slice %arg2[%add3A_8, %dma_start3A_152] : memref<49152x128xf32, #tpu.memory_space<hbm>> -> memref<48x128xf32, #tpu.memory_space<hbm>>
    %dma_start3A_154 = tpu.memref_slice %arg6[%dma_start3A_147] : memref<4x!tpu.dma_semaphore, #tpu.memory_space<semaphore_mem>> -> memref<1x!tpu.dma_semaphore, #tpu.memory_space<semaphore_mem>>
    %dma_start3A_155 = tpu.memref_squeeze %dma_start3A_154 : memref<1x!tpu.dma_semaphore, #tpu.memory_space<semaphore_mem>> -> memref<!tpu.dma_semaphore, #tpu.memory_space<semaphore_mem>>
    %dma_start3A_156 = arith.constant 0 : i32
    %dma_start3A_157 = arith.constant 0 : i32
    %dma_start3A_158 = tpu.memref_slice %arg5[%dma_start3A_146, %dma_start3A_156, %dma_start3A_157] : memref<4x48x128xf32, #tpu.memory_space<vmem>> -> memref<1x48x128xf32, #tpu.memory_space<vmem>>
    %dma_start3A_159 = tpu.memref_squeeze %dma_start3A_158 : memref<1x48x128xf32, #tpu.memory_space<vmem>> -> memref<48x128xf32, #tpu.memory_space<vmem>>
    %dma_start3A_160 = arith.constant 0 : i32
    %dma_start3A_161 = tpu.memref_slice %arg2[%add3A_8, %dma_start3A_160] : memref<49152x128xf32, #tpu.memory_space<hbm>> -> memref<48x128xf32, #tpu.memory_space<hbm>>
    tpu.enqueue_dma source(%dma_start3A_161 : memref<48x128xf32, #tpu.memory_space<hbm>>) target(%dma_start3A_159 : memref<48x128xf32, #tpu.memory_space<vmem>>) target_semaphore(%dma_start3A_155 : memref<!tpu.dma_semaphore, #tpu.memory_space<semaphore_mem>>)
    %dma_wait3A = arith.constant 0 : i32
    %dma_wait3A_162 = arith.constant 0 : i32
    %dma_wait3A_163 = arith.constant 0 : i32
    %dma_wait3A_164 = arith.constant 0 : i32
    %dma_wait3A_165 = tpu.memref_slice %arg5[%dma_wait3A, %dma_wait3A_163, %dma_wait3A_164] : memref<4x48x128xf32, #tpu.memory_space<vmem>> -> memref<1x48x128xf32, #tpu.memory_space<vmem>>
    %dma_wait3A_166 = tpu.memref_squeeze %dma_wait3A_165 : memref<1x48x128xf32, #tpu.memory_space<vmem>> -> memref<48x128xf32, #tpu.memory_space<vmem>>
    %dma_wait3A_167 = arith.constant 0 : i32
    %dma_wait3A_168 = tpu.memref_slice %arg3[%add3A_4, %dma_wait3A_167] : memref<196608x128xf32, #tpu.memory_space<hbm>> -> memref<48x128xf32, #tpu.memory_space<hbm>>
    %dma_wait3A_169 = tpu.memref_slice %arg6[%dma_wait3A_162] : memref<4x!tpu.dma_semaphore, #tpu.memory_space<semaphore_mem>> -> memref<1x!tpu.dma_semaphore, #tpu.memory_space<semaphore_mem>>
    %dma_wait3A_170 = tpu.memref_squeeze %dma_wait3A_169 : memref<1x!tpu.dma_semaphore, #tpu.memory_space<semaphore_mem>> -> memref<!tpu.dma_semaphore, #tpu.memory_space<semaphore_mem>>
    %dma_wait3A_171 = arith.constant 0 : i32
    %dma_wait3A_172 = arith.constant 0 : i32
    %dma_wait3A_173 = tpu.memref_slice %arg5[%dma_wait3A, %dma_wait3A_171, %dma_wait3A_172] : memref<4x48x128xf32, #tpu.memory_space<vmem>> -> memref<1x48x128xf32, #tpu.memory_space<vmem>>
    %dma_wait3A_174 = tpu.memref_squeeze %dma_wait3A_173 : memref<1x48x128xf32, #tpu.memory_space<vmem>> -> memref<48x128xf32, #tpu.memory_space<vmem>>
    %dma_wait3A_175 = arith.constant 0 : i32
    %dma_wait3A_176 = tpu.memref_slice %arg3[%add3A_4, %dma_wait3A_175] : memref<196608x128xf32, #tpu.memory_space<hbm>> -> memref<48x128xf32, #tpu.memory_space<hbm>>
    tpu.wait_dma2 semaphore(%dma_wait3A_170 : memref<!tpu.dma_semaphore, #tpu.memory_space<semaphore_mem>>) src(%dma_wait3A_176 : memref<48x128xf32, #tpu.memory_space<hbm>>) dst(%dma_wait3A_174 : memref<48x128xf32, #tpu.memory_space<vmem>>)
    %dma_start3A_177 = arith.constant 0 : i32
    %dma_start3A_178 = arith.constant 0 : i32
    %dma_start3A_179 = arith.constant 0 : i32
    %dma_start3A_180 = arith.constant 0 : i32
    %dma_start3A_181 = tpu.memref_slice %arg5[%dma_start3A_177, %dma_start3A_179, %dma_start3A_180] : memref<4x48x128xf32, #tpu.memory_space<vmem>> -> memref<1x48x128xf32, #tpu.memory_space<vmem>>
    %dma_start3A_182 = tpu.memref_squeeze %dma_start3A_181 : memref<1x48x128xf32, #tpu.memory_space<vmem>> -> memref<48x128xf32, #tpu.memory_space<vmem>>
    %dma_start3A_183 = arith.constant 0 : i32
    %dma_start3A_184 = tpu.memref_slice %arg4[%add3A_6, %dma_start3A_183] : memref<49152x128xf32, #tpu.memory_space<hbm>> -> memref<48x128xf32, #tpu.memory_space<hbm>>
    %dma_start3A_185 = tpu.memref_slice %arg7[%dma_start3A_178] : memref<4x!tpu.dma_semaphore, #tpu.memory_space<semaphore_mem>> -> memref<1x!tpu.dma_semaphore, #tpu.memory_space<semaphore_mem>>
    %dma_start3A_186 = tpu.memref_squeeze %dma_start3A_185 : memref<1x!tpu.dma_semaphore, #tpu.memory_space<semaphore_mem>> -> memref<!tpu.dma_semaphore, #tpu.memory_space<semaphore_mem>>
    %dma_start3A_187 = arith.constant 0 : i32
    %dma_start3A_188 = tpu.memref_slice %arg4[%add3A_6, %dma_start3A_187] : memref<49152x128xf32, #tpu.memory_space<hbm>> -> memref<48x128xf32, #tpu.memory_space<hbm>>
    %dma_start3A_189 = arith.constant 0 : i32
    %dma_start3A_190 = arith.constant 0 : i32
    %dma_start3A_191 = tpu.memref_slice %arg5[%dma_start3A_177, %dma_start3A_189, %dma_start3A_190] : memref<4x48x128xf32, #tpu.memory_space<vmem>> -> memref<1x48x128xf32, #tpu.memory_space<vmem>>
    %dma_start3A_192 = tpu.memref_squeeze %dma_start3A_191 : memref<1x48x128xf32, #tpu.memory_space<vmem>> -> memref<48x128xf32, #tpu.memory_space<vmem>>
    tpu.enqueue_dma source(%dma_start3A_192 : memref<48x128xf32, #tpu.memory_space<vmem>>) target(%dma_start3A_188 : memref<48x128xf32, #tpu.memory_space<hbm>>) target_semaphore(%dma_start3A_186 : memref<!tpu.dma_semaphore, #tpu.memory_space<semaphore_mem>>)
    %dma_start3A_193 = arith.constant 2 : i32
    %dma_start3A_194 = arith.constant 2 : i32
    %dma_start3A_195 = arith.constant 0 : i32
    %dma_start3A_196 = arith.constant 0 : i32
    %dma_start3A_197 = tpu.memref_slice %arg5[%dma_start3A_193, %dma_start3A_195, %dma_start3A_196] : memref<4x48x128xf32, #tpu.memory_space<vmem>> -> memref<1x48x128xf32, #tpu.memory_space<vmem>>
    %dma_start3A_198 = tpu.memref_squeeze %dma_start3A_197 : memref<1x48x128xf32, #tpu.memory_space<vmem>> -> memref<48x128xf32, #tpu.memory_space<vmem>>
    %dma_start3A_199 = arith.constant 0 : i32
    %dma_start3A_200 = tpu.memref_slice %arg3[%add3A_12, %dma_start3A_199] : memref<196608x128xf32, #tpu.memory_space<hbm>> -> memref<48x128xf32, #tpu.memory_space<hbm>>
    %dma_start3A_201 = tpu.memref_slice %arg6[%dma_start3A_194] : memref<4x!tpu.dma_semaphore, #tpu.memory_space<semaphore_mem>> -> memref<1x!tpu.dma_semaphore, #tpu.memory_space<semaphore_mem>>
    %dma_start3A_202 = tpu.memref_squeeze %dma_start3A_201 : memref<1x!tpu.dma_semaphore, #tpu.memory_space<semaphore_mem>> -> memref<!tpu.dma_semaphore, #tpu.memory_space<semaphore_mem>>
    %dma_start3A_203 = arith.constant 0 : i32
    %dma_start3A_204 = arith.constant 0 : i32
    %dma_start3A_205 = tpu.memref_slice %arg5[%dma_start3A_193, %dma_start3A_203, %dma_start3A_204] : memref<4x48x128xf32, #tpu.memory_space<vmem>> -> memref<1x48x128xf32, #tpu.memory_space<vmem>>
    %dma_start3A_206 = tpu.memref_squeeze %dma_start3A_205 : memref<1x48x128xf32, #tpu.memory_space<vmem>> -> memref<48x128xf32, #tpu.memory_space<vmem>>
    %dma_start3A_207 = arith.constant 0 : i32
    %dma_start3A_208 = tpu.memref_slice %arg3[%add3A_12, %dma_start3A_207] : memref<196608x128xf32, #tpu.memory_space<hbm>> -> memref<48x128xf32, #tpu.memory_space<hbm>>
    tpu.enqueue_dma source(%dma_start3A_208 : memref<48x128xf32, #tpu.memory_space<hbm>>) target(%dma_start3A_206 : memref<48x128xf32, #tpu.memory_space<vmem>>) target_semaphore(%dma_start3A_202 : memref<!tpu.dma_semaphore, #tpu.memory_space<semaphore_mem>>)
    %dma_wait3A_209 = arith.constant 1 : i32
    %dma_wait3A_210 = arith.constant 1 : i32
    %dma_wait3A_211 = arith.constant 0 : i32
    %dma_wait3A_212 = arith.constant 0 : i32
    %dma_wait3A_213 = tpu.memref_slice %arg5[%dma_wait3A_209, %dma_wait3A_211, %dma_wait3A_212] : memref<4x48x128xf32, #tpu.memory_space<vmem>> -> memref<1x48x128xf32, #tpu.memory_space<vmem>>
    %dma_wait3A_214 = tpu.memref_squeeze %dma_wait3A_213 : memref<1x48x128xf32, #tpu.memory_space<vmem>> -> memref<48x128xf32, #tpu.memory_space<vmem>>
    %dma_wait3A_215 = arith.constant 0 : i32
    %dma_wait3A_216 = tpu.memref_slice %arg2[%add3A_8, %dma_wait3A_215] : memref<49152x128xf32, #tpu.memory_space<hbm>> -> memref<48x128xf32, #tpu.memory_space<hbm>>
    %dma_wait3A_217 = tpu.memref_slice %arg6[%dma_wait3A_210] : memref<4x!tpu.dma_semaphore, #tpu.memory_space<semaphore_mem>> -> memref<1x!tpu.dma_semaphore, #tpu.memory_space<semaphore_mem>>
    %dma_wait3A_218 = tpu.memref_squeeze %dma_wait3A_217 : memref<1x!tpu.dma_semaphore, #tpu.memory_space<semaphore_mem>> -> memref<!tpu.dma_semaphore, #tpu.memory_space<semaphore_mem>>
    %dma_wait3A_219 = arith.constant 0 : i32
    %dma_wait3A_220 = arith.constant 0 : i32
    %dma_wait3A_221 = tpu.memref_slice %arg5[%dma_wait3A_209, %dma_wait3A_219, %dma_wait3A_220] : memref<4x48x128xf32, #tpu.memory_space<vmem>> -> memref<1x48x128xf32, #tpu.memory_space<vmem>>
    %dma_wait3A_222 = tpu.memref_squeeze %dma_wait3A_221 : memref<1x48x128xf32, #tpu.memory_space<vmem>> -> memref<48x128xf32, #tpu.memory_space<vmem>>
    %dma_wait3A_223 = arith.constant 0 : i32
    %dma_wait3A_224 = tpu.memref_slice %arg2[%add3A_8, %dma_wait3A_223] : memref<49152x128xf32, #tpu.memory_space<hbm>> -> memref<48x128xf32, #tpu.memory_space<hbm>>
    tpu.wait_dma2 semaphore(%dma_wait3A_218 : memref<!tpu.dma_semaphore, #tpu.memory_space<semaphore_mem>>) src(%dma_wait3A_224 : memref<48x128xf32, #tpu.memory_space<hbm>>) dst(%dma_wait3A_222 : memref<48x128xf32, #tpu.memory_space<vmem>>)
    %dma_start3A_225 = arith.constant 1 : i32
    %dma_start3A_226 = arith.constant 1 : i32
    %dma_start3A_227 = arith.constant 0 : i32
    %dma_start3A_228 = arith.constant 0 : i32
    %dma_start3A_229 = tpu.memref_slice %arg5[%dma_start3A_225, %dma_start3A_227, %dma_start3A_228] : memref<4x48x128xf32, #tpu.memory_space<vmem>> -> memref<1x48x128xf32, #tpu.memory_space<vmem>>
    %dma_start3A_230 = tpu.memref_squeeze %dma_start3A_229 : memref<1x48x128xf32, #tpu.memory_space<vmem>> -> memref<48x128xf32, #tpu.memory_space<vmem>>
    %dma_start3A_231 = arith.constant 0 : i32
    %dma_start3A_232 = tpu.memref_slice %arg4[%add3A_10, %dma_start3A_231] : memref<49152x128xf32, #tpu.memory_space<hbm>> -> memref<48x128xf32, #tpu.memory_space<hbm>>
    %dma_start3A_233 = tpu.memref_slice %arg7[%dma_start3A_226] : memref<4x!tpu.dma_semaphore, #tpu.memory_space<semaphore_mem>> -> memref<1x!tpu.dma_semaphore, #tpu.memory_space<semaphore_mem>>
    %dma_start3A_234 = tpu.memref_squeeze %dma_start3A_233 : memref<1x!tpu.dma_semaphore, #tpu.memory_space<semaphore_mem>> -> memref<!tpu.dma_semaphore, #tpu.memory_space<semaphore_mem>>
    %dma_start3A_235 = arith.constant 0 : i32
    %dma_start3A_236 = tpu.memref_slice %arg4[%add3A_10, %dma_start3A_235] : memref<49152x128xf32, #tpu.memory_space<hbm>> -> memref<48x128xf32, #tpu.memory_space<hbm>>
    %dma_start3A_237 = arith.constant 0 : i32
    %dma_start3A_238 = arith.constant 0 : i32
    %dma_start3A_239 = tpu.memref_slice %arg5[%dma_start3A_225, %dma_start3A_237, %dma_start3A_238] : memref<4x48x128xf32, #tpu.memory_space<vmem>> -> memref<1x48x128xf32, #tpu.memory_space<vmem>>
    %dma_start3A_240 = tpu.memref_squeeze %dma_start3A_239 : memref<1x48x128xf32, #tpu.memory_space<vmem>> -> memref<48x128xf32, #tpu.memory_space<vmem>>
    tpu.enqueue_dma source(%dma_start3A_240 : memref<48x128xf32, #tpu.memory_space<vmem>>) target(%dma_start3A_236 : memref<48x128xf32, #tpu.memory_space<hbm>>) target_semaphore(%dma_start3A_234 : memref<!tpu.dma_semaphore, #tpu.memory_space<semaphore_mem>>)
    %dma_start3A_241 = arith.constant 3 : i32
    %dma_start3A_242 = arith.constant 3 : i32
    %dma_start3A_243 = arith.constant 0 : i32
    %dma_start3A_244 = arith.constant 0 : i32
    %dma_start3A_245 = tpu.memref_slice %arg5[%dma_start3A_241, %dma_start3A_243, %dma_start3A_244] : memref<4x48x128xf32, #tpu.memory_space<vmem>> -> memref<1x48x128xf32, #tpu.memory_space<vmem>>
    %dma_start3A_246 = tpu.memref_squeeze %dma_start3A_245 : memref<1x48x128xf32, #tpu.memory_space<vmem>> -> memref<48x128xf32, #tpu.memory_space<vmem>>
    %dma_start3A_247 = arith.constant 0 : i32
    %dma_start3A_248 = tpu.memref_slice %arg3[%add3A_16, %dma_start3A_247] : memref<196608x128xf32, #tpu.memory_space<hbm>> -> memref<48x128xf32, #tpu.memory_space<hbm>>
    %dma_start3A_249 = tpu.memref_slice %arg6[%dma_start3A_242] : memref<4x!tpu.dma_semaphore, #tpu.memory_space<semaphore_mem>> -> memref<1x!tpu.dma_semaphore, #tpu.memory_space<semaphore_mem>>
    %dma_start3A_250 = tpu.memref_squeeze %dma_start3A_249 : memref<1x!tpu.dma_semaphore, #tpu.memory_space<semaphore_mem>> -> memref<!tpu.dma_semaphore, #tpu.memory_space<semaphore_mem>>
    %dma_start3A_251 = arith.constant 0 : i32
    %dma_start3A_252 = arith.constant 0 : i32
    %dma_start3A_253 = tpu.memref_slice %arg5[%dma_start3A_241, %dma_start3A_251, %dma_start3A_252] : memref<4x48x128xf32, #tpu.memory_space<vmem>> -> memref<1x48x128xf32, #tpu.memory_space<vmem>>
    %dma_start3A_254 = tpu.memref_squeeze %dma_start3A_253 : memref<1x48x128xf32, #tpu.memory_space<vmem>> -> memref<48x128xf32, #tpu.memory_space<vmem>>
    %dma_start3A_255 = arith.constant 0 : i32
    %dma_start3A_256 = tpu.memref_slice %arg3[%add3A_16, %dma_start3A_255] : memref<196608x128xf32, #tpu.memory_space<hbm>> -> memref<48x128xf32, #tpu.memory_space<hbm>>
    tpu.enqueue_dma source(%dma_start3A_256 : memref<48x128xf32, #tpu.memory_space<hbm>>) target(%dma_start3A_254 : memref<48x128xf32, #tpu.memory_space<vmem>>) target_semaphore(%dma_start3A_250 : memref<!tpu.dma_semaphore, #tpu.memory_space<semaphore_mem>>)
    %dma_wait3A_257 = arith.constant 2 : i32
    %dma_wait3A_258 = arith.constant 2 : i32
    %dma_wait3A_259 = arith.constant 0 : i32
    %dma_wait3A_260 = arith.constant 0 : i32
    %dma_wait3A_261 = tpu.memref_slice %arg5[%dma_wait3A_257, %dma_wait3A_259, %dma_wait3A_260] : memref<4x48x128xf32, #tpu.memory_space<vmem>> -> memref<1x48x128xf32, #tpu.memory_space<vmem>>
    %dma_wait3A_262 = tpu.memref_squeeze %dma_wait3A_261 : memref<1x48x128xf32, #tpu.memory_space<vmem>> -> memref<48x128xf32, #tpu.memory_space<vmem>>
    %dma_wait3A_263 = arith.constant 0 : i32
    %dma_wait3A_264 = tpu.memref_slice %arg3[%add3A_12, %dma_wait3A_263] : memref<196608x128xf32, #tpu.memory_space<hbm>> -> memref<48x128xf32, #tpu.memory_space<hbm>>
    %dma_wait3A_265 = tpu.memref_slice %arg6[%dma_wait3A_258] : memref<4x!tpu.dma_semaphore, #tpu.memory_space<semaphore_mem>> -> memref<1x!tpu.dma_semaphore, #tpu.memory_space<semaphore_mem>>
    %dma_wait3A_266 = tpu.memref_squeeze %dma_wait3A_265 : memref<1x!tpu.dma_semaphore, #tpu.memory_space<semaphore_mem>> -> memref<!tpu.dma_semaphore, #tpu.memory_space<semaphore_mem>>
    %dma_wait3A_267 = arith.constant 0 : i32
    %dma_wait3A_268 = arith.constant 0 : i32
    %dma_wait3A_269 = tpu.memref_slice %arg5[%dma_wait3A_257, %dma_wait3A_267, %dma_wait3A_268] : memref<4x48x128xf32, #tpu.memory_space<vmem>> -> memref<1x48x128xf32, #tpu.memory_space<vmem>>
    %dma_wait3A_270 = tpu.memref_squeeze %dma_wait3A_269 : memref<1x48x128xf32, #tpu.memory_space<vmem>> -> memref<48x128xf32, #tpu.memory_space<vmem>>
    %dma_wait3A_271 = arith.constant 0 : i32
    %dma_wait3A_272 = tpu.memref_slice %arg3[%add3A_12, %dma_wait3A_271] : memref<196608x128xf32, #tpu.memory_space<hbm>> -> memref<48x128xf32, #tpu.memory_space<hbm>>
    tpu.wait_dma2 semaphore(%dma_wait3A_266 : memref<!tpu.dma_semaphore, #tpu.memory_space<semaphore_mem>>) src(%dma_wait3A_272 : memref<48x128xf32, #tpu.memory_space<hbm>>) dst(%dma_wait3A_270 : memref<48x128xf32, #tpu.memory_space<vmem>>)
    %dma_start3A_273 = arith.constant 2 : i32
    %dma_start3A_274 = arith.constant 2 : i32
    %dma_start3A_275 = arith.constant 0 : i32
    %dma_start3A_276 = arith.constant 0 : i32
    %dma_start3A_277 = tpu.memref_slice %arg5[%dma_start3A_273, %dma_start3A_275, %dma_start3A_276] : memref<4x48x128xf32, #tpu.memory_space<vmem>> -> memref<1x48x128xf32, #tpu.memory_space<vmem>>
    %dma_start3A_278 = tpu.memref_squeeze %dma_start3A_277 : memref<1x48x128xf32, #tpu.memory_space<vmem>> -> memref<48x128xf32, #tpu.memory_space<vmem>>
    %dma_start3A_279 = arith.constant 0 : i32
    %dma_start3A_280 = tpu.memref_slice %arg4[%add3A_14, %dma_start3A_279] : memref<49152x128xf32, #tpu.memory_space<hbm>> -> memref<48x128xf32, #tpu.memory_space<hbm>>
    %dma_start3A_281 = tpu.memref_slice %arg7[%dma_start3A_274] : memref<4x!tpu.dma_semaphore, #tpu.memory_space<semaphore_mem>> -> memref<1x!tpu.dma_semaphore, #tpu.memory_space<semaphore_mem>>
    %dma_start3A_282 = tpu.memref_squeeze %dma_start3A_281 : memref<1x!tpu.dma_semaphore, #tpu.memory_space<semaphore_mem>> -> memref<!tpu.dma_semaphore, #tpu.memory_space<semaphore_mem>>
    %dma_start3A_283 = arith.constant 0 : i32
    %dma_start3A_284 = tpu.memref_slice %arg4[%add3A_14, %dma_start3A_283] : memref<49152x128xf32, #tpu.memory_space<hbm>> -> memref<48x128xf32, #tpu.memory_space<hbm>>
    %dma_start3A_285 = arith.constant 0 : i32
    %dma_start3A_286 = arith.constant 0 : i32
    %dma_start3A_287 = tpu.memref_slice %arg5[%dma_start3A_273, %dma_start3A_285, %dma_start3A_286] : memref<4x48x128xf32, #tpu.memory_space<vmem>> -> memref<1x48x128xf32, #tpu.memory_space<vmem>>
    %dma_start3A_288 = tpu.memref_squeeze %dma_start3A_287 : memref<1x48x128xf32, #tpu.memory_space<vmem>> -> memref<48x128xf32, #tpu.memory_space<vmem>>
    tpu.enqueue_dma source(%dma_start3A_288 : memref<48x128xf32, #tpu.memory_space<vmem>>) target(%dma_start3A_284 : memref<48x128xf32, #tpu.memory_space<hbm>>) target_semaphore(%dma_start3A_282 : memref<!tpu.dma_semaphore, #tpu.memory_space<semaphore_mem>>)
    %dma_wait3A_289 = arith.constant 0 : i32
    %dma_wait3A_290 = arith.constant 0 : i32
    %dma_wait3A_291 = arith.constant 0 : i32
    %dma_wait3A_292 = arith.constant 0 : i32
    %dma_wait3A_293 = tpu.memref_slice %arg5[%dma_wait3A_289, %dma_wait3A_291, %dma_wait3A_292] : memref<4x48x128xf32, #tpu.memory_space<vmem>> -> memref<1x48x128xf32, #tpu.memory_space<vmem>>
    %dma_wait3A_294 = tpu.memref_squeeze %dma_wait3A_293 : memref<1x48x128xf32, #tpu.memory_space<vmem>> -> memref<48x128xf32, #tpu.memory_space<vmem>>
    %dma_wait3A_295 = arith.constant 0 : i32
    %dma_wait3A_296 = tpu.memref_slice %arg4[%add3A_6, %dma_wait3A_295] : memref<49152x128xf32, #tpu.memory_space<hbm>> -> memref<48x128xf32, #tpu.memory_space<hbm>>
    %dma_wait3A_297 = tpu.memref_slice %arg7[%dma_wait3A_290] : memref<4x!tpu.dma_semaphore, #tpu.memory_space<semaphore_mem>> -> memref<1x!tpu.dma_semaphore, #tpu.memory_space<semaphore_mem>>
    %dma_wait3A_298 = tpu.memref_squeeze %dma_wait3A_297 : memref<1x!tpu.dma_semaphore, #tpu.memory_space<semaphore_mem>> -> memref<!tpu.dma_semaphore, #tpu.memory_space<semaphore_mem>>
    %dma_wait3A_299 = arith.constant 0 : i32
    %dma_wait3A_300 = tpu.memref_slice %arg4[%add3A_6, %dma_wait3A_299] : memref<49152x128xf32, #tpu.memory_space<hbm>> -> memref<48x128xf32, #tpu.memory_space<hbm>>
    %dma_wait3A_301 = arith.constant 0 : i32
    %dma_wait3A_302 = arith.constant 0 : i32
    %dma_wait3A_303 = tpu.memref_slice %arg5[%dma_wait3A_289, %dma_wait3A_301, %dma_wait3A_302] : memref<4x48x128xf32, #tpu.memory_space<vmem>> -> memref<1x48x128xf32, #tpu.memory_space<vmem>>
    %dma_wait3A_304 = tpu.memref_squeeze %dma_wait3A_303 : memref<1x48x128xf32, #tpu.memory_space<vmem>> -> memref<48x128xf32, #tpu.memory_space<vmem>>
    tpu.wait_dma2 semaphore(%dma_wait3A_298 : memref<!tpu.dma_semaphore, #tpu.memory_space<semaphore_mem>>) src(%dma_wait3A_304 : memref<48x128xf32, #tpu.memory_space<vmem>>) dst(%dma_wait3A_300 : memref<48x128xf32, #tpu.memory_space<hbm>>)
    %dma_start3A_305 = arith.constant 0 : i32
    %dma_start3A_306 = arith.constant 0 : i32
    %dma_start3A_307 = arith.constant 0 : i32
    %dma_start3A_308 = arith.constant 0 : i32
    %dma_start3A_309 = tpu.memref_slice %arg5[%dma_start3A_305, %dma_start3A_307, %dma_start3A_308] : memref<4x48x128xf32, #tpu.memory_space<vmem>> -> memref<1x48x128xf32, #tpu.memory_space<vmem>>
    %dma_start3A_310 = tpu.memref_squeeze %dma_start3A_309 : memref<1x48x128xf32, #tpu.memory_space<vmem>> -> memref<48x128xf32, #tpu.memory_space<vmem>>
    %dma_start3A_311 = arith.constant 0 : i32
    %dma_start3A_312 = tpu.memref_slice %arg3[%add3A_20, %dma_start3A_311] : memref<196608x128xf32, #tpu.memory_space<hbm>> -> memref<48x128xf32, #tpu.memory_space<hbm>>
    %dma_start3A_313 = tpu.memref_slice %arg6[%dma_start3A_306] : memref<4x!tpu.dma_semaphore, #tpu.memory_space<semaphore_mem>> -> memref<1x!tpu.dma_semaphore, #tpu.memory_space<semaphore_mem>>
    %dma_start3A_314 = tpu.memref_squeeze %dma_start3A_313 : memref<1x!tpu.dma_semaphore, #tpu.memory_space<semaphore_mem>> -> memref<!tpu.dma_semaphore, #tpu.memory_space<semaphore_mem>>
    %dma_start3A_315 = arith.constant 0 : i32
    %dma_start3A_316 = arith.constant 0 : i32
    %dma_start3A_317 = tpu.memref_slice %arg5[%dma_start3A_305, %dma_start3A_315, %dma_start3A_316] : memref<4x48x128xf32, #tpu.memory_space<vmem>> -> memref<1x48x128xf32, #tpu.memory_space<vmem>>
    %dma_start3A_318 = tpu.memref_squeeze %dma_start3A_317 : memref<1x48x128xf32, #tpu.memory_space<vmem>> -> memref<48x128xf32, #tpu.memory_space<vmem>>
    %dma_start3A_319 = arith.constant 0 : i32
    %dma_start3A_320 = tpu.memref_slice %arg3[%add3A_20, %dma_start3A_319] : memref<196608x128xf32, #tpu.memory_space<hbm>> -> memref<48x128xf32, #tpu.memory_space<hbm>>
    tpu.enqueue_dma source(%dma_start3A_320 : memref<48x128xf32, #tpu.memory_space<hbm>>) target(%dma_start3A_318 : memref<48x128xf32, #tpu.memory_space<vmem>>) target_semaphore(%dma_start3A_314 : memref<!tpu.dma_semaphore, #tpu.memory_space<semaphore_mem>>)
    %dma_wait3A_321 = arith.constant 3 : i32
    %dma_wait3A_322 = arith.constant 3 : i32
    %dma_wait3A_323 = arith.constant 0 : i32
    %dma_wait3A_324 = arith.constant 0 : i32
    %dma_wait3A_325 = tpu.memref_slice %arg5[%dma_wait3A_321, %dma_wait3A_323, %dma_wait3A_324] : memref<4x48x128xf32, #tpu.memory_space<vmem>> -> memref<1x48x128xf32, #tpu.memory_space<vmem>>
    %dma_wait3A_326 = tpu.memref_squeeze %dma_wait3A_325 : memref<1x48x128xf32, #tpu.memory_space<vmem>> -> memref<48x128xf32, #tpu.memory_space<vmem>>
    %dma_wait3A_327 = arith.constant 0 : i32
    %dma_wait3A_328 = tpu.memref_slice %arg3[%add3A_16, %dma_wait3A_327] : memref<196608x128xf32, #tpu.memory_space<hbm>> -> memref<48x128xf32, #tpu.memory_space<hbm>>
    %dma_wait3A_329 = tpu.memref_slice %arg6[%dma_wait3A_322] : memref<4x!tpu.dma_semaphore, #tpu.memory_space<semaphore_mem>> -> memref<1x!tpu.dma_semaphore, #tpu.memory_space<semaphore_mem>>
    %dma_wait3A_330 = tpu.memref_squeeze %dma_wait3A_329 : memref<1x!tpu.dma_semaphore, #tpu.memory_space<semaphore_mem>> -> memref<!tpu.dma_semaphore, #tpu.memory_space<semaphore_mem>>
    %dma_wait3A_331 = arith.constant 0 : i32
    %dma_wait3A_332 = arith.constant 0 : i32
    %dma_wait3A_333 = tpu.memref_slice %arg5[%dma_wait3A_321, %dma_wait3A_331, %dma_wait3A_332] : memref<4x48x128xf32, #tpu.memory_space<vmem>> -> memref<1x48x128xf32, #tpu.memory_space<vmem>>
    %dma_wait3A_334 = tpu.memref_squeeze %dma_wait3A_333 : memref<1x48x128xf32, #tpu.memory_space<vmem>> -> memref<48x128xf32, #tpu.memory_space<vmem>>
    %dma_wait3A_335 = arith.constant 0 : i32
    %dma_wait3A_336 = tpu.memref_slice %arg3[%add3A_16, %dma_wait3A_335] : memref<196608x128xf32, #tpu.memory_space<hbm>> -> memref<48x128xf32, #tpu.memory_space<hbm>>
    tpu.wait_dma2 semaphore(%dma_wait3A_330 : memref<!tpu.dma_semaphore, #tpu.memory_space<semaphore_mem>>) src(%dma_wait3A_336 : memref<48x128xf32, #tpu.memory_space<hbm>>) dst(%dma_wait3A_334 : memref<48x128xf32, #tpu.memory_space<vmem>>)
    %dma_start3A_337 = arith.constant 3 : i32
    %dma_start3A_338 = arith.constant 3 : i32
    %dma_start3A_339 = arith.constant 0 : i32
    %dma_start3A_340 = arith.constant 0 : i32
    %dma_start3A_341 = tpu.memref_slice %arg5[%dma_start3A_337, %dma_start3A_339, %dma_start3A_340] : memref<4x48x128xf32, #tpu.memory_space<vmem>> -> memref<1x48x128xf32, #tpu.memory_space<vmem>>
    %dma_start3A_342 = tpu.memref_squeeze %dma_start3A_341 : memref<1x48x128xf32, #tpu.memory_space<vmem>> -> memref<48x128xf32, #tpu.memory_space<vmem>>
    %dma_start3A_343 = arith.constant 0 : i32
    %dma_start3A_344 = tpu.memref_slice %arg4[%add3A_18, %dma_start3A_343] : memref<49152x128xf32, #tpu.memory_space<hbm>> -> memref<48x128xf32, #tpu.memory_space<hbm>>
    %dma_start3A_345 = tpu.memref_slice %arg7[%dma_start3A_338] : memref<4x!tpu.dma_semaphore, #tpu.memory_space<semaphore_mem>> -> memref<1x!tpu.dma_semaphore, #tpu.memory_space<semaphore_mem>>
    %dma_start3A_346 = tpu.memref_squeeze %dma_start3A_345 : memref<1x!tpu.dma_semaphore, #tpu.memory_space<semaphore_mem>> -> memref<!tpu.dma_semaphore, #tpu.memory_space<semaphore_mem>>
    %dma_start3A_347 = arith.constant 0 : i32
    %dma_start3A_348 = tpu.memref_slice %arg4[%add3A_18, %dma_start3A_347] : memref<49152x128xf32, #tpu.memory_space<hbm>> -> memref<48x128xf32, #tpu.memory_space<hbm>>
    %dma_start3A_349 = arith.constant 0 : i32
    %dma_start3A_350 = arith.constant 0 : i32
    %dma_start3A_351 = tpu.memref_slice %arg5[%dma_start3A_337, %dma_start3A_349, %dma_start3A_350] : memref<4x48x128xf32, #tpu.memory_space<vmem>> -> memref<1x48x128xf32, #tpu.memory_space<vmem>>
    %dma_start3A_352 = tpu.memref_squeeze %dma_start3A_351 : memref<1x48x128xf32, #tpu.memory_space<vmem>> -> memref<48x128xf32, #tpu.memory_space<vmem>>
    tpu.enqueue_dma source(%dma_start3A_352 : memref<48x128xf32, #tpu.memory_space<vmem>>) target(%dma_start3A_348 : memref<48x128xf32, #tpu.memory_space<hbm>>) target_semaphore(%dma_start3A_346 : memref<!tpu.dma_semaphore, #tpu.memory_space<semaphore_mem>>)
    %dma_wait3A_353 = arith.constant 1 : i32
    %dma_wait3A_354 = arith.constant 1 : i32
    %dma_wait3A_355 = arith.constant 0 : i32
    %dma_wait3A_356 = arith.constant 0 : i32
    %dma_wait3A_357 = tpu.memref_slice %arg5[%dma_wait3A_353, %dma_wait3A_355, %dma_wait3A_356] : memref<4x48x128xf32, #tpu.memory_space<vmem>> -> memref<1x48x128xf32, #tpu.memory_space<vmem>>
    %dma_wait3A_358 = tpu.memref_squeeze %dma_wait3A_357 : memref<1x48x128xf32, #tpu.memory_space<vmem>> -> memref<48x128xf32, #tpu.memory_space<vmem>>
    %dma_wait3A_359 = arith.constant 0 : i32
    %dma_wait3A_360 = tpu.memref_slice %arg4[%add3A_10, %dma_wait3A_359] : memref<49152x128xf32, #tpu.memory_space<hbm>> -> memref<48x128xf32, #tpu.memory_space<hbm>>
    %dma_wait3A_361 = tpu.memref_slice %arg7[%dma_wait3A_354] : memref<4x!tpu.dma_semaphore, #tpu.memory_space<semaphore_mem>> -> memref<1x!tpu.dma_semaphore, #tpu.memory_space<semaphore_mem>>
    %dma_wait3A_362 = tpu.memref_squeeze %dma_wait3A_361 : memref<1x!tpu.dma_semaphore, #tpu.memory_space<semaphore_mem>> -> memref<!tpu.dma_semaphore, #tpu.memory_space<semaphore_mem>>
    %dma_wait3A_363 = arith.constant 0 : i32
    %dma_wait3A_364 = tpu.memref_slice %arg4[%add3A_10, %dma_wait3A_363] : memref<49152x128xf32, #tpu.memory_space<hbm>> -> memref<48x128xf32, #tpu.memory_space<hbm>>
    %dma_wait3A_365 = arith.constant 0 : i32
    %dma_wait3A_366 = arith.constant 0 : i32
    %dma_wait3A_367 = tpu.memref_slice %arg5[%dma_wait3A_353, %dma_wait3A_365, %dma_wait3A_366] : memref<4x48x128xf32, #tpu.memory_space<vmem>> -> memref<1x48x128xf32, #tpu.memory_space<vmem>>
    %dma_wait3A_368 = tpu.memref_squeeze %dma_wait3A_367 : memref<1x48x128xf32, #tpu.memory_space<vmem>> -> memref<48x128xf32, #tpu.memory_space<vmem>>
    tpu.wait_dma2 semaphore(%dma_wait3A_362 : memref<!tpu.dma_semaphore, #tpu.memory_space<semaphore_mem>>) src(%dma_wait3A_368 : memref<48x128xf32, #tpu.memory_space<vmem>>) dst(%dma_wait3A_364 : memref<48x128xf32, #tpu.memory_space<hbm>>)
    %dma_start3A_369 = arith.constant 1 : i32
    %dma_start3A_370 = arith.constant 1 : i32
    %dma_start3A_371 = arith.constant 0 : i32
    %dma_start3A_372 = arith.constant 0 : i32
    %dma_start3A_373 = tpu.memref_slice %arg5[%dma_start3A_369, %dma_start3A_371, %dma_start3A_372] : memref<4x48x128xf32, #tpu.memory_space<vmem>> -> memref<1x48x128xf32, #tpu.memory_space<vmem>>
    %dma_start3A_374 = tpu.memref_squeeze %dma_start3A_373 : memref<1x48x128xf32, #tpu.memory_space<vmem>> -> memref<48x128xf32, #tpu.memory_space<vmem>>
    %dma_start3A_375 = arith.constant 0 : i32
    %dma_start3A_376 = tpu.memref_slice %arg3[%add3A_24, %dma_start3A_375] : memref<196608x128xf32, #tpu.memory_space<hbm>> -> memref<48x128xf32, #tpu.memory_space<hbm>>
    %dma_start3A_377 = tpu.memref_slice %arg6[%dma_start3A_370] : memref<4x!tpu.dma_semaphore, #tpu.memory_space<semaphore_mem>> -> memref<1x!tpu.dma_semaphore, #tpu.memory_space<semaphore_mem>>
    %dma_start3A_378 = tpu.memref_squeeze %dma_start3A_377 : memref<1x!tpu.dma_semaphore, #tpu.memory_space<semaphore_mem>> -> memref<!tpu.dma_semaphore, #tpu.memory_space<semaphore_mem>>
    %dma_start3A_379 = arith.constant 0 : i32
    %dma_start3A_380 = arith.constant 0 : i32
    %dma_start3A_381 = tpu.memref_slice %arg5[%dma_start3A_369, %dma_start3A_379, %dma_start3A_380] : memref<4x48x128xf32, #tpu.memory_space<vmem>> -> memref<1x48x128xf32, #tpu.memory_space<vmem>>
    %dma_start3A_382 = tpu.memref_squeeze %dma_start3A_381 : memref<1x48x128xf32, #tpu.memory_space<vmem>> -> memref<48x128xf32, #tpu.memory_space<vmem>>
    %dma_start3A_383 = arith.constant 0 : i32
    %dma_start3A_384 = tpu.memref_slice %arg3[%add3A_24, %dma_start3A_383] : memref<196608x128xf32, #tpu.memory_space<hbm>> -> memref<48x128xf32, #tpu.memory_space<hbm>>
    tpu.enqueue_dma source(%dma_start3A_384 : memref<48x128xf32, #tpu.memory_space<hbm>>) target(%dma_start3A_382 : memref<48x128xf32, #tpu.memory_space<vmem>>) target_semaphore(%dma_start3A_378 : memref<!tpu.dma_semaphore, #tpu.memory_space<semaphore_mem>>)
    %dma_wait3A_385 = arith.constant 0 : i32
    %dma_wait3A_386 = arith.constant 0 : i32
    %dma_wait3A_387 = arith.constant 0 : i32
    %dma_wait3A_388 = arith.constant 0 : i32
    %dma_wait3A_389 = tpu.memref_slice %arg5[%dma_wait3A_385, %dma_wait3A_387, %dma_wait3A_388] : memref<4x48x128xf32, #tpu.memory_space<vmem>> -> memref<1x48x128xf32, #tpu.memory_space<vmem>>
    %dma_wait3A_390 = tpu.memref_squeeze %dma_wait3A_389 : memref<1x48x128xf32, #tpu.memory_space<vmem>> -> memref<48x128xf32, #tpu.memory_space<vmem>>
    %dma_wait3A_391 = arith.constant 0 : i32
    %dma_wait3A_392 = tpu.memref_slice %arg3[%add3A_20, %dma_wait3A_391] : memref<196608x128xf32, #tpu.memory_space<hbm>> -> memref<48x128xf32, #tpu.memory_space<hbm>>
    %dma_wait3A_393 = tpu.memref_slice %arg6[%dma_wait3A_386] : memref<4x!tpu.dma_semaphore, #tpu.memory_space<semaphore_mem>> -> memref<1x!tpu.dma_semaphore, #tpu.memory_space<semaphore_mem>>
    %dma_wait3A_394 = tpu.memref_squeeze %dma_wait3A_393 : memref<1x!tpu.dma_semaphore, #tpu.memory_space<semaphore_mem>> -> memref<!tpu.dma_semaphore, #tpu.memory_space<semaphore_mem>>
    %dma_wait3A_395 = arith.constant 0 : i32
    %dma_wait3A_396 = arith.constant 0 : i32
    %dma_wait3A_397 = tpu.memref_slice %arg5[%dma_wait3A_385, %dma_wait3A_395, %dma_wait3A_396] : memref<4x48x128xf32, #tpu.memory_space<vmem>> -> memref<1x48x128xf32, #tpu.memory_space<vmem>>
    %dma_wait3A_398 = tpu.memref_squeeze %dma_wait3A_397 : memref<1x48x128xf32, #tpu.memory_space<vmem>> -> memref<48x128xf32, #tpu.memory_space<vmem>>
    %dma_wait3A_399 = arith.constant 0 : i32
    %dma_wait3A_400 = tpu.memref_slice %arg3[%add3A_20, %dma_wait3A_399] : memref<196608x128xf32, #tpu.memory_space<hbm>> -> memref<48x128xf32, #tpu.memory_space<hbm>>
    tpu.wait_dma2 semaphore(%dma_wait3A_394 : memref<!tpu.dma_semaphore, #tpu.memory_space<semaphore_mem>>) src(%dma_wait3A_400 : memref<48x128xf32, #tpu.memory_space<hbm>>) dst(%dma_wait3A_398 : memref<48x128xf32, #tpu.memory_space<vmem>>)
    %dma_start3A_401 = arith.constant 0 : i32
    %dma_start3A_402 = arith.constant 0 : i32
    %dma_start3A_403 = arith.constant 0 : i32
    %dma_start3A_404 = arith.constant 0 : i32
    %dma_start3A_405 = tpu.memref_slice %arg5[%dma_start3A_401, %dma_start3A_403, %dma_start3A_404] : memref<4x48x128xf32, #tpu.memory_space<vmem>> -> memref<1x48x128xf32, #tpu.memory_space<vmem>>
    %dma_start3A_406 = tpu.memref_squeeze %dma_start3A_405 : memref<1x48x128xf32, #tpu.memory_space<vmem>> -> memref<48x128xf32, #tpu.memory_space<vmem>>
    %dma_start3A_407 = arith.constant 0 : i32
    %dma_start3A_408 = tpu.memref_slice %arg4[%add3A_22, %dma_start3A_407] : memref<49152x128xf32, #tpu.memory_space<hbm>> -> memref<48x128xf32, #tpu.memory_space<hbm>>
    %dma_start3A_409 = tpu.memref_slice %arg7[%dma_start3A_402] : memref<4x!tpu.dma_semaphore, #tpu.memory_space<semaphore_mem>> -> memref<1x!tpu.dma_semaphore, #tpu.memory_space<semaphore_mem>>
    %dma_start3A_410 = tpu.memref_squeeze %dma_start3A_409 : memref<1x!tpu.dma_semaphore, #tpu.memory_space<semaphore_mem>> -> memref<!tpu.dma_semaphore, #tpu.memory_space<semaphore_mem>>
    %dma_start3A_411 = arith.constant 0 : i32
    %dma_start3A_412 = tpu.memref_slice %arg4[%add3A_22, %dma_start3A_411] : memref<49152x128xf32, #tpu.memory_space<hbm>> -> memref<48x128xf32, #tpu.memory_space<hbm>>
    %dma_start3A_413 = arith.constant 0 : i32
    %dma_start3A_414 = arith.constant 0 : i32
    %dma_start3A_415 = tpu.memref_slice %arg5[%dma_start3A_401, %dma_start3A_413, %dma_start3A_414] : memref<4x48x128xf32, #tpu.memory_space<vmem>> -> memref<1x48x128xf32, #tpu.memory_space<vmem>>
    %dma_start3A_416 = tpu.memref_squeeze %dma_start3A_415 : memref<1x48x128xf32, #tpu.memory_space<vmem>> -> memref<48x128xf32, #tpu.memory_space<vmem>>
    tpu.enqueue_dma source(%dma_start3A_416 : memref<48x128xf32, #tpu.memory_space<vmem>>) target(%dma_start3A_412 : memref<48x128xf32, #tpu.memory_space<hbm>>) target_semaphore(%dma_start3A_410 : memref<!tpu.dma_semaphore, #tpu.memory_space<semaphore_mem>>)
    %dma_wait3A_417 = arith.constant 2 : i32
    %dma_wait3A_418 = arith.constant 2 : i32
    %dma_wait3A_419 = arith.constant 0 : i32
    %dma_wait3A_420 = arith.constant 0 : i32
    %dma_wait3A_421 = tpu.memref_slice %arg5[%dma_wait3A_417, %dma_wait3A_419, %dma_wait3A_420] : memref<4x48x128xf32, #tpu.memory_space<vmem>> -> memref<1x48x128xf32, #tpu.memory_space<vmem>>
    %dma_wait3A_422 = tpu.memref_squeeze %dma_wait3A_421 : memref<1x48x128xf32, #tpu.memory_space<vmem>> -> memref<48x128xf32, #tpu.memory_space<vmem>>
    %dma_wait3A_423 = arith.constant 0 : i32
    %dma_wait3A_424 = tpu.memref_slice %arg4[%add3A_14, %dma_wait3A_423] : memref<49152x128xf32, #tpu.memory_space<hbm>> -> memref<48x128xf32, #tpu.memory_space<hbm>>
    %dma_wait3A_425 = tpu.memref_slice %arg7[%dma_wait3A_418] : memref<4x!tpu.dma_semaphore, #tpu.memory_space<semaphore_mem>> -> memref<1x!tpu.dma_semaphore, #tpu.memory_space<semaphore_mem>>
    %dma_wait3A_426 = tpu.memref_squeeze %dma_wait3A_425 : memref<1x!tpu.dma_semaphore, #tpu.memory_space<semaphore_mem>> -> memref<!tpu.dma_semaphore, #tpu.memory_space<semaphore_mem>>
    %dma_wait3A_427 = arith.constant 0 : i32
    %dma_wait3A_428 = tpu.memref_slice %arg4[%add3A_14, %dma_wait3A_427] : memref<49152x128xf32, #tpu.memory_space<hbm>> -> memref<48x128xf32, #tpu.memory_space<hbm>>
    %dma_wait3A_429 = arith.constant 0 : i32
    %dma_wait3A_430 = arith.constant 0 : i32
    %dma_wait3A_431 = tpu.memref_slice %arg5[%dma_wait3A_417, %dma_wait3A_429, %dma_wait3A_430] : memref<4x48x128xf32, #tpu.memory_space<vmem>> -> memref<1x48x128xf32, #tpu.memory_space<vmem>>
    %dma_wait3A_432 = tpu.memref_squeeze %dma_wait3A_431 : memref<1x48x128xf32, #tpu.memory_space<vmem>> -> memref<48x128xf32, #tpu.memory_space<vmem>>
    tpu.wait_dma2 semaphore(%dma_wait3A_426 : memref<!tpu.dma_semaphore, #tpu.memory_space<semaphore_mem>>) src(%dma_wait3A_432 : memref<48x128xf32, #tpu.memory_space<vmem>>) dst(%dma_wait3A_428 : memref<48x128xf32, #tpu.memory_space<hbm>>)
    %dma_start3A_433 = arith.constant 2 : i32
    %dma_start3A_434 = arith.constant 2 : i32
    %dma_start3A_435 = arith.constant 0 : i32
    %dma_start3A_436 = arith.constant 0 : i32
    %dma_start3A_437 = tpu.memref_slice %arg5[%dma_start3A_433, %dma_start3A_435, %dma_start3A_436] : memref<4x48x128xf32, #tpu.memory_space<vmem>> -> memref<1x48x128xf32, #tpu.memory_space<vmem>>
    %dma_start3A_438 = tpu.memref_squeeze %dma_start3A_437 : memref<1x48x128xf32, #tpu.memory_space<vmem>> -> memref<48x128xf32, #tpu.memory_space<vmem>>
    %dma_start3A_439 = arith.constant 0 : i32
    %dma_start3A_440 = tpu.memref_slice %arg3[%add3A_28, %dma_start3A_439] : memref<196608x128xf32, #tpu.memory_space<hbm>> -> memref<48x128xf32, #tpu.memory_space<hbm>>
    %dma_start3A_441 = tpu.memref_slice %arg6[%dma_start3A_434] : memref<4x!tpu.dma_semaphore, #tpu.memory_space<semaphore_mem>> -> memref<1x!tpu.dma_semaphore, #tpu.memory_space<semaphore_mem>>
    %dma_start3A_442 = tpu.memref_squeeze %dma_start3A_441 : memref<1x!tpu.dma_semaphore, #tpu.memory_space<semaphore_mem>> -> memref<!tpu.dma_semaphore, #tpu.memory_space<semaphore_mem>>
    %dma_start3A_443 = arith.constant 0 : i32
    %dma_start3A_444 = arith.constant 0 : i32
    %dma_start3A_445 = tpu.memref_slice %arg5[%dma_start3A_433, %dma_start3A_443, %dma_start3A_444] : memref<4x48x128xf32, #tpu.memory_space<vmem>> -> memref<1x48x128xf32, #tpu.memory_space<vmem>>
    %dma_start3A_446 = tpu.memref_squeeze %dma_start3A_445 : memref<1x48x128xf32, #tpu.memory_space<vmem>> -> memref<48x128xf32, #tpu.memory_space<vmem>>
    %dma_start3A_447 = arith.constant 0 : i32
    %dma_start3A_448 = tpu.memref_slice %arg3[%add3A_28, %dma_start3A_447] : memref<196608x128xf32, #tpu.memory_space<hbm>> -> memref<48x128xf32, #tpu.memory_space<hbm>>
    tpu.enqueue_dma source(%dma_start3A_448 : memref<48x128xf32, #tpu.memory_space<hbm>>) target(%dma_start3A_446 : memref<48x128xf32, #tpu.memory_space<vmem>>) target_semaphore(%dma_start3A_442 : memref<!tpu.dma_semaphore, #tpu.memory_space<semaphore_mem>>)
    %dma_wait3A_449 = arith.constant 1 : i32
    %dma_wait3A_450 = arith.constant 1 : i32
    %dma_wait3A_451 = arith.constant 0 : i32
    %dma_wait3A_452 = arith.constant 0 : i32
    %dma_wait3A_453 = tpu.memref_slice %arg5[%dma_wait3A_449, %dma_wait3A_451, %dma_wait3A_452] : memref<4x48x128xf32, #tpu.memory_space<vmem>> -> memref<1x48x128xf32, #tpu.memory_space<vmem>>
    %dma_wait3A_454 = tpu.memref_squeeze %dma_wait3A_453 : memref<1x48x128xf32, #tpu.memory_space<vmem>> -> memref<48x128xf32, #tpu.memory_space<vmem>>
    %dma_wait3A_455 = arith.constant 0 : i32
    %dma_wait3A_456 = tpu.memref_slice %arg3[%add3A_24, %dma_wait3A_455] : memref<196608x128xf32, #tpu.memory_space<hbm>> -> memref<48x128xf32, #tpu.memory_space<hbm>>
    %dma_wait3A_457 = tpu.memref_slice %arg6[%dma_wait3A_450] : memref<4x!tpu.dma_semaphore, #tpu.memory_space<semaphore_mem>> -> memref<1x!tpu.dma_semaphore, #tpu.memory_space<semaphore_mem>>
    %dma_wait3A_458 = tpu.memref_squeeze %dma_wait3A_457 : memref<1x!tpu.dma_semaphore, #tpu.memory_space<semaphore_mem>> -> memref<!tpu.dma_semaphore, #tpu.memory_space<semaphore_mem>>
    %dma_wait3A_459 = arith.constant 0 : i32
    %dma_wait3A_460 = arith.constant 0 : i32
    %dma_wait3A_461 = tpu.memref_slice %arg5[%dma_wait3A_449, %dma_wait3A_459, %dma_wait3A_460] : memref<4x48x128xf32, #tpu.memory_space<vmem>> -> memref<1x48x128xf32, #tpu.memory_space<vmem>>
    %dma_wait3A_462 = tpu.memref_squeeze %dma_wait3A_461 : memref<1x48x128xf32, #tpu.memory_space<vmem>> -> memref<48x128xf32, #tpu.memory_space<vmem>>
    %dma_wait3A_463 = arith.constant 0 : i32
    %dma_wait3A_464 = tpu.memref_slice %arg3[%add3A_24, %dma_wait3A_463] : memref<196608x128xf32, #tpu.memory_space<hbm>> -> memref<48x128xf32, #tpu.memory_space<hbm>>
    tpu.wait_dma2 semaphore(%dma_wait3A_458 : memref<!tpu.dma_semaphore, #tpu.memory_space<semaphore_mem>>) src(%dma_wait3A_464 : memref<48x128xf32, #tpu.memory_space<hbm>>) dst(%dma_wait3A_462 : memref<48x128xf32, #tpu.memory_space<vmem>>)
    %dma_start3A_465 = arith.constant 1 : i32
    %dma_start3A_466 = arith.constant 1 : i32
    %dma_start3A_467 = arith.constant 0 : i32
    %dma_start3A_468 = arith.constant 0 : i32
    %dma_start3A_469 = tpu.memref_slice %arg5[%dma_start3A_465, %dma_start3A_467, %dma_start3A_468] : memref<4x48x128xf32, #tpu.memory_space<vmem>> -> memref<1x48x128xf32, #tpu.memory_space<vmem>>
    %dma_start3A_470 = tpu.memref_squeeze %dma_start3A_469 : memref<1x48x128xf32, #tpu.memory_space<vmem>> -> memref<48x128xf32, #tpu.memory_space<vmem>>
    %dma_start3A_471 = arith.constant 0 : i32
    %dma_start3A_472 = tpu.memref_slice %arg4[%add3A_26, %dma_start3A_471] : memref<49152x128xf32, #tpu.memory_space<hbm>> -> memref<48x128xf32, #tpu.memory_space<hbm>>
    %dma_start3A_473 = tpu.memref_slice %arg7[%dma_start3A_466] : memref<4x!tpu.dma_semaphore, #tpu.memory_space<semaphore_mem>> -> memref<1x!tpu.dma_semaphore, #tpu.memory_space<semaphore_mem>>
    %dma_start3A_474 = tpu.memref_squeeze %dma_start3A_473 : memref<1x!tpu.dma_semaphore, #tpu.memory_space<semaphore_mem>> -> memref<!tpu.dma_semaphore, #tpu.memory_space<semaphore_mem>>
    %dma_start3A_475 = arith.constant 0 : i32
    %dma_start3A_476 = tpu.memref_slice %arg4[%add3A_26, %dma_start3A_475] : memref<49152x128xf32, #tpu.memory_space<hbm>> -> memref<48x128xf32, #tpu.memory_space<hbm>>
    %dma_start3A_477 = arith.constant 0 : i32
    %dma_start3A_478 = arith.constant 0 : i32
    %dma_start3A_479 = tpu.memref_slice %arg5[%dma_start3A_465, %dma_start3A_477, %dma_start3A_478] : memref<4x48x128xf32, #tpu.memory_space<vmem>> -> memref<1x48x128xf32, #tpu.memory_space<vmem>>
    %dma_start3A_480 = tpu.memref_squeeze %dma_start3A_479 : memref<1x48x128xf32, #tpu.memory_space<vmem>> -> memref<48x128xf32, #tpu.memory_space<vmem>>
    tpu.enqueue_dma source(%dma_start3A_480 : memref<48x128xf32, #tpu.memory_space<vmem>>) target(%dma_start3A_476 : memref<48x128xf32, #tpu.memory_space<hbm>>) target_semaphore(%dma_start3A_474 : memref<!tpu.dma_semaphore, #tpu.memory_space<semaphore_mem>>)
    %dma_wait3A_481 = arith.constant 3 : i32
    %dma_wait3A_482 = arith.constant 3 : i32
    %dma_wait3A_483 = arith.constant 0 : i32
    %dma_wait3A_484 = arith.constant 0 : i32
    %dma_wait3A_485 = tpu.memref_slice %arg5[%dma_wait3A_481, %dma_wait3A_483, %dma_wait3A_484] : memref<4x48x128xf32, #tpu.memory_space<vmem>> -> memref<1x48x128xf32, #tpu.memory_space<vmem>>
    %dma_wait3A_486 = tpu.memref_squeeze %dma_wait3A_485 : memref<1x48x128xf32, #tpu.memory_space<vmem>> -> memref<48x128xf32, #tpu.memory_space<vmem>>
    %dma_wait3A_487 = arith.constant 0 : i32
    %dma_wait3A_488 = tpu.memref_slice %arg4[%add3A_18, %dma_wait3A_487] : memref<49152x128xf32, #tpu.memory_space<hbm>> -> memref<48x128xf32, #tpu.memory_space<hbm>>
    %dma_wait3A_489 = tpu.memref_slice %arg7[%dma_wait3A_482] : memref<4x!tpu.dma_semaphore, #tpu.memory_space<semaphore_mem>> -> memref<1x!tpu.dma_semaphore, #tpu.memory_space<semaphore_mem>>
    %dma_wait3A_490 = tpu.memref_squeeze %dma_wait3A_489 : memref<1x!tpu.dma_semaphore, #tpu.memory_space<semaphore_mem>> -> memref<!tpu.dma_semaphore, #tpu.memory_space<semaphore_mem>>
    %dma_wait3A_491 = arith.constant 0 : i32
    %dma_wait3A_492 = tpu.memref_slice %arg4[%add3A_18, %dma_wait3A_491] : memref<49152x128xf32, #tpu.memory_space<hbm>> -> memref<48x128xf32, #tpu.memory_space<hbm>>
    %dma_wait3A_493 = arith.constant 0 : i32
    %dma_wait3A_494 = arith.constant 0 : i32
    %dma_wait3A_495 = tpu.memref_slice %arg5[%dma_wait3A_481, %dma_wait3A_493, %dma_wait3A_494] : memref<4x48x128xf32, #tpu.memory_space<vmem>> -> memref<1x48x128xf32, #tpu.memory_space<vmem>>
    %dma_wait3A_496 = tpu.memref_squeeze %dma_wait3A_495 : memref<1x48x128xf32, #tpu.memory_space<vmem>> -> memref<48x128xf32, #tpu.memory_space<vmem>>
    tpu.wait_dma2 semaphore(%dma_wait3A_490 : memref<!tpu.dma_semaphore, #tpu.memory_space<semaphore_mem>>) src(%dma_wait3A_496 : memref<48x128xf32, #tpu.memory_space<vmem>>) dst(%dma_wait3A_492 : memref<48x128xf32, #tpu.memory_space<hbm>>)
    %dma_start3A_497 = arith.constant 3 : i32
    %dma_start3A_498 = arith.constant 3 : i32
    %dma_start3A_499 = arith.constant 0 : i32
    %dma_start3A_500 = arith.constant 0 : i32
    %dma_start3A_501 = tpu.memref_slice %arg5[%dma_start3A_497, %dma_start3A_499, %dma_start3A_500] : memref<4x48x128xf32, #tpu.memory_space<vmem>> -> memref<1x48x128xf32, #tpu.memory_space<vmem>>
    %dma_start3A_502 = tpu.memref_squeeze %dma_start3A_501 : memref<1x48x128xf32, #tpu.memory_space<vmem>> -> memref<48x128xf32, #tpu.memory_space<vmem>>
    %dma_start3A_503 = arith.constant 0 : i32
    %dma_start3A_504 = tpu.memref_slice %arg2[%add3A_32, %dma_start3A_503] : memref<49152x128xf32, #tpu.memory_space<hbm>> -> memref<48x128xf32, #tpu.memory_space<hbm>>
    %dma_start3A_505 = tpu.memref_slice %arg6[%dma_start3A_498] : memref<4x!tpu.dma_semaphore, #tpu.memory_space<semaphore_mem>> -> memref<1x!tpu.dma_semaphore, #tpu.memory_space<semaphore_mem>>
    %dma_start3A_506 = tpu.memref_squeeze %dma_start3A_505 : memref<1x!tpu.dma_semaphore, #tpu.memory_space<semaphore_mem>> -> memref<!tpu.dma_semaphore, #tpu.memory_space<semaphore_mem>>
    %dma_start3A_507 = arith.constant 0 : i32
    %dma_start3A_508 = arith.constant 0 : i32
    %dma_start3A_509 = tpu.memref_slice %arg5[%dma_start3A_497, %dma_start3A_507, %dma_start3A_508] : memref<4x48x128xf32, #tpu.memory_space<vmem>> -> memref<1x48x128xf32, #tpu.memory_space<vmem>>
    %dma_start3A_510 = tpu.memref_squeeze %dma_start3A_509 : memref<1x48x128xf32, #tpu.memory_space<vmem>> -> memref<48x128xf32, #tpu.memory_space<vmem>>
    %dma_start3A_511 = arith.constant 0 : i32
    %dma_start3A_512 = tpu.memref_slice %arg2[%add3A_32, %dma_start3A_511] : memref<49152x128xf32, #tpu.memory_space<hbm>> -> memref<48x128xf32, #tpu.memory_space<hbm>>
    tpu.enqueue_dma source(%dma_start3A_512 : memref<48x128xf32, #tpu.memory_space<hbm>>) target(%dma_start3A_510 : memref<48x128xf32, #tpu.memory_space<vmem>>) target_semaphore(%dma_start3A_506 : memref<!tpu.dma_semaphore, #tpu.memory_space<semaphore_mem>>)
    %dma_wait3A_513 = arith.constant 2 : i32
    %dma_wait3A_514 = arith.constant 2 : i32
    %dma_wait3A_515 = arith.constant 0 : i32
    %dma_wait3A_516 = arith.constant 0 : i32
    %dma_wait3A_517 = tpu.memref_slice %arg5[%dma_wait3A_513, %dma_wait3A_515, %dma_wait3A_516] : memref<4x48x128xf32, #tpu.memory_space<vmem>> -> memref<1x48x128xf32, #tpu.memory_space<vmem>>
    %dma_wait3A_518 = tpu.memref_squeeze %dma_wait3A_517 : memref<1x48x128xf32, #tpu.memory_space<vmem>> -> memref<48x128xf32, #tpu.memory_space<vmem>>
    %dma_wait3A_519 = arith.constant 0 : i32
    %dma_wait3A_520 = tpu.memref_slice %arg3[%add3A_28, %dma_wait3A_519] : memref<196608x128xf32, #tpu.memory_space<hbm>> -> memref<48x128xf32, #tpu.memory_space<hbm>>
    %dma_wait3A_521 = tpu.memref_slice %arg6[%dma_wait3A_514] : memref<4x!tpu.dma_semaphore, #tpu.memory_space<semaphore_mem>> -> memref<1x!tpu.dma_semaphore, #tpu.memory_space<semaphore_mem>>
    %dma_wait3A_522 = tpu.memref_squeeze %dma_wait3A_521 : memref<1x!tpu.dma_semaphore, #tpu.memory_space<semaphore_mem>> -> memref<!tpu.dma_semaphore, #tpu.memory_space<semaphore_mem>>
    %dma_wait3A_523 = arith.constant 0 : i32
    %dma_wait3A_524 = arith.constant 0 : i32
    %dma_wait3A_525 = tpu.memref_slice %arg5[%dma_wait3A_513, %dma_wait3A_523, %dma_wait3A_524] : memref<4x48x128xf32, #tpu.memory_space<vmem>> -> memref<1x48x128xf32, #tpu.memory_space<vmem>>
    %dma_wait3A_526 = tpu.memref_squeeze %dma_wait3A_525 : memref<1x48x128xf32, #tpu.memory_space<vmem>> -> memref<48x128xf32, #tpu.memory_space<vmem>>
    %dma_wait3A_527 = arith.constant 0 : i32
    %dma_wait3A_528 = tpu.memref_slice %arg3[%add3A_28, %dma_wait3A_527] : memref<196608x128xf32, #tpu.memory_space<hbm>> -> memref<48x128xf32, #tpu.memory_space<hbm>>
    tpu.wait_dma2 semaphore(%dma_wait3A_522 : memref<!tpu.dma_semaphore, #tpu.memory_space<semaphore_mem>>) src(%dma_wait3A_528 : memref<48x128xf32, #tpu.memory_space<hbm>>) dst(%dma_wait3A_526 : memref<48x128xf32, #tpu.memory_space<vmem>>)
    %dma_start3A_529 = arith.constant 2 : i32
    %dma_start3A_530 = arith.constant 2 : i32
    %dma_start3A_531 = arith.constant 0 : i32
    %dma_start3A_532 = arith.constant 0 : i32
    %dma_start3A_533 = tpu.memref_slice %arg5[%dma_start3A_529, %dma_start3A_531, %dma_start3A_532] : memref<4x48x128xf32, #tpu.memory_space<vmem>> -> memref<1x48x128xf32, #tpu.memory_space<vmem>>
    %dma_start3A_534 = tpu.memref_squeeze %dma_start3A_533 : memref<1x48x128xf32, #tpu.memory_space<vmem>> -> memref<48x128xf32, #tpu.memory_space<vmem>>
    %dma_start3A_535 = arith.constant 0 : i32
    %dma_start3A_536 = tpu.memref_slice %arg4[%add3A_30, %dma_start3A_535] : memref<49152x128xf32, #tpu.memory_space<hbm>> -> memref<48x128xf32, #tpu.memory_space<hbm>>
    %dma_start3A_537 = tpu.memref_slice %arg7[%dma_start3A_530] : memref<4x!tpu.dma_semaphore, #tpu.memory_space<semaphore_mem>> -> memref<1x!tpu.dma_semaphore, #tpu.memory_space<semaphore_mem>>
    %dma_start3A_538 = tpu.memref_squeeze %dma_start3A_537 : memref<1x!tpu.dma_semaphore, #tpu.memory_space<semaphore_mem>> -> memref<!tpu.dma_semaphore, #tpu.memory_space<semaphore_mem>>
    %dma_start3A_539 = arith.constant 0 : i32
    %dma_start3A_540 = tpu.memref_slice %arg4[%add3A_30, %dma_start3A_539] : memref<49152x128xf32, #tpu.memory_space<hbm>> -> memref<48x128xf32, #tpu.memory_space<hbm>>
    %dma_start3A_541 = arith.constant 0 : i32
    %dma_start3A_542 = arith.constant 0 : i32
    %dma_start3A_543 = tpu.memref_slice %arg5[%dma_start3A_529, %dma_start3A_541, %dma_start3A_542] : memref<4x48x128xf32, #tpu.memory_space<vmem>> -> memref<1x48x128xf32, #tpu.memory_space<vmem>>
    %dma_start3A_544 = tpu.memref_squeeze %dma_start3A_543 : memref<1x48x128xf32, #tpu.memory_space<vmem>> -> memref<48x128xf32, #tpu.memory_space<vmem>>
    tpu.enqueue_dma source(%dma_start3A_544 : memref<48x128xf32, #tpu.memory_space<vmem>>) target(%dma_start3A_540 : memref<48x128xf32, #tpu.memory_space<hbm>>) target_semaphore(%dma_start3A_538 : memref<!tpu.dma_semaphore, #tpu.memory_space<semaphore_mem>>)
    %dma_wait3A_545 = arith.constant 0 : i32
    %dma_wait3A_546 = arith.constant 0 : i32
    %dma_wait3A_547 = arith.constant 0 : i32
    %dma_wait3A_548 = arith.constant 0 : i32
    %dma_wait3A_549 = tpu.memref_slice %arg5[%dma_wait3A_545, %dma_wait3A_547, %dma_wait3A_548] : memref<4x48x128xf32, #tpu.memory_space<vmem>> -> memref<1x48x128xf32, #tpu.memory_space<vmem>>
    %dma_wait3A_550 = tpu.memref_squeeze %dma_wait3A_549 : memref<1x48x128xf32, #tpu.memory_space<vmem>> -> memref<48x128xf32, #tpu.memory_space<vmem>>
    %dma_wait3A_551 = arith.constant 0 : i32
    %dma_wait3A_552 = tpu.memref_slice %arg4[%add3A_22, %dma_wait3A_551] : memref<49152x128xf32, #tpu.memory_space<hbm>> -> memref<48x128xf32, #tpu.memory_space<hbm>>
    %dma_wait3A_553 = tpu.memref_slice %arg7[%dma_wait3A_546] : memref<4x!tpu.dma_semaphore, #tpu.memory_space<semaphore_mem>> -> memref<1x!tpu.dma_semaphore, #tpu.memory_space<semaphore_mem>>
    %dma_wait3A_554 = tpu.memref_squeeze %dma_wait3A_553 : memref<1x!tpu.dma_semaphore, #tpu.memory_space<semaphore_mem>> -> memref<!tpu.dma_semaphore, #tpu.memory_space<semaphore_mem>>
    %dma_wait3A_555 = arith.constant 0 : i32
    %dma_wait3A_556 = tpu.memref_slice %arg4[%add3A_22, %dma_wait3A_555] : memref<49152x128xf32, #tpu.memory_space<hbm>> -> memref<48x128xf32, #tpu.memory_space<hbm>>
    %dma_wait3A_557 = arith.constant 0 : i32
    %dma_wait3A_558 = arith.constant 0 : i32
    %dma_wait3A_559 = tpu.memref_slice %arg5[%dma_wait3A_545, %dma_wait3A_557, %dma_wait3A_558] : memref<4x48x128xf32, #tpu.memory_space<vmem>> -> memref<1x48x128xf32, #tpu.memory_space<vmem>>
    %dma_wait3A_560 = tpu.memref_squeeze %dma_wait3A_559 : memref<1x48x128xf32, #tpu.memory_space<vmem>> -> memref<48x128xf32, #tpu.memory_space<vmem>>
    tpu.wait_dma2 semaphore(%dma_wait3A_554 : memref<!tpu.dma_semaphore, #tpu.memory_space<semaphore_mem>>) src(%dma_wait3A_560 : memref<48x128xf32, #tpu.memory_space<vmem>>) dst(%dma_wait3A_556 : memref<48x128xf32, #tpu.memory_space<hbm>>)
    %dma_start3A_561 = arith.constant 0 : i32
    %dma_start3A_562 = arith.constant 0 : i32
    %dma_start3A_563 = arith.constant 0 : i32
    %dma_start3A_564 = arith.constant 0 : i32
    %dma_start3A_565 = tpu.memref_slice %arg5[%dma_start3A_561, %dma_start3A_563, %dma_start3A_564] : memref<4x48x128xf32, #tpu.memory_space<vmem>> -> memref<1x48x128xf32, #tpu.memory_space<vmem>>
    %dma_start3A_566 = tpu.memref_squeeze %dma_start3A_565 : memref<1x48x128xf32, #tpu.memory_space<vmem>> -> memref<48x128xf32, #tpu.memory_space<vmem>>
    %dma_start3A_567 = arith.constant 0 : i32
    %dma_start3A_568 = tpu.memref_slice %arg2[%add3A_36, %dma_start3A_567] : memref<49152x128xf32, #tpu.memory_space<hbm>> -> memref<48x128xf32, #tpu.memory_space<hbm>>
    %dma_start3A_569 = tpu.memref_slice %arg6[%dma_start3A_562] : memref<4x!tpu.dma_semaphore, #tpu.memory_space<semaphore_mem>> -> memref<1x!tpu.dma_semaphore, #tpu.memory_space<semaphore_mem>>
    %dma_start3A_570 = tpu.memref_squeeze %dma_start3A_569 : memref<1x!tpu.dma_semaphore, #tpu.memory_space<semaphore_mem>> -> memref<!tpu.dma_semaphore, #tpu.memory_space<semaphore_mem>>
    %dma_start3A_571 = arith.constant 0 : i32
    %dma_start3A_572 = arith.constant 0 : i32
    %dma_start3A_573 = tpu.memref_slice %arg5[%dma_start3A_561, %dma_start3A_571, %dma_start3A_572] : memref<4x48x128xf32, #tpu.memory_space<vmem>> -> memref<1x48x128xf32, #tpu.memory_space<vmem>>
    %dma_start3A_574 = tpu.memref_squeeze %dma_start3A_573 : memref<1x48x128xf32, #tpu.memory_space<vmem>> -> memref<48x128xf32, #tpu.memory_space<vmem>>
    %dma_start3A_575 = arith.constant 0 : i32
    %dma_start3A_576 = tpu.memref_slice %arg2[%add3A_36, %dma_start3A_575] : memref<49152x128xf32, #tpu.memory_space<hbm>> -> memref<48x128xf32, #tpu.memory_space<hbm>>
    tpu.enqueue_dma source(%dma_start3A_576 : memref<48x128xf32, #tpu.memory_space<hbm>>) target(%dma_start3A_574 : memref<48x128xf32, #tpu.memory_space<vmem>>) target_semaphore(%dma_start3A_570 : memref<!tpu.dma_semaphore, #tpu.memory_space<semaphore_mem>>)
    %dma_wait3A_577 = arith.constant 3 : i32
    %dma_wait3A_578 = arith.constant 3 : i32
    %dma_wait3A_579 = arith.constant 0 : i32
    %dma_wait3A_580 = arith.constant 0 : i32
    %dma_wait3A_581 = tpu.memref_slice %arg5[%dma_wait3A_577, %dma_wait3A_579, %dma_wait3A_580] : memref<4x48x128xf32, #tpu.memory_space<vmem>> -> memref<1x48x128xf32, #tpu.memory_space<vmem>>
    %dma_wait3A_582 = tpu.memref_squeeze %dma_wait3A_581 : memref<1x48x128xf32, #tpu.memory_space<vmem>> -> memref<48x128xf32, #tpu.memory_space<vmem>>
    %dma_wait3A_583 = arith.constant 0 : i32
    %dma_wait3A_584 = tpu.memref_slice %arg2[%add3A_32, %dma_wait3A_583] : memref<49152x128xf32, #tpu.memory_space<hbm>> -> memref<48x128xf32, #tpu.memory_space<hbm>>
    %dma_wait3A_585 = tpu.memref_slice %arg6[%dma_wait3A_578] : memref<4x!tpu.dma_semaphore, #tpu.memory_space<semaphore_mem>> -> memref<1x!tpu.dma_semaphore, #tpu.memory_space<semaphore_mem>>
    %dma_wait3A_586 = tpu.memref_squeeze %dma_wait3A_585 : memref<1x!tpu.dma_semaphore, #tpu.memory_space<semaphore_mem>> -> memref<!tpu.dma_semaphore, #tpu.memory_space<semaphore_mem>>
    %dma_wait3A_587 = arith.constant 0 : i32
    %dma_wait3A_588 = arith.constant 0 : i32
    %dma_wait3A_589 = tpu.memref_slice %arg5[%dma_wait3A_577, %dma_wait3A_587, %dma_wait3A_588] : memref<4x48x128xf32, #tpu.memory_space<vmem>> -> memref<1x48x128xf32, #tpu.memory_space<vmem>>
    %dma_wait3A_590 = tpu.memref_squeeze %dma_wait3A_589 : memref<1x48x128xf32, #tpu.memory_space<vmem>> -> memref<48x128xf32, #tpu.memory_space<vmem>>
    %dma_wait3A_591 = arith.constant 0 : i32
    %dma_wait3A_592 = tpu.memref_slice %arg2[%add3A_32, %dma_wait3A_591] : memref<49152x128xf32, #tpu.memory_space<hbm>> -> memref<48x128xf32, #tpu.memory_space<hbm>>
    tpu.wait_dma2 semaphore(%dma_wait3A_586 : memref<!tpu.dma_semaphore, #tpu.memory_space<semaphore_mem>>) src(%dma_wait3A_592 : memref<48x128xf32, #tpu.memory_space<hbm>>) dst(%dma_wait3A_590 : memref<48x128xf32, #tpu.memory_space<vmem>>)
    %dma_start3A_593 = arith.constant 3 : i32
    %dma_start3A_594 = arith.constant 3 : i32
    %dma_start3A_595 = arith.constant 0 : i32
    %dma_start3A_596 = arith.constant 0 : i32
    %dma_start3A_597 = tpu.memref_slice %arg5[%dma_start3A_593, %dma_start3A_595, %dma_start3A_596] : memref<4x48x128xf32, #tpu.memory_space<vmem>> -> memref<1x48x128xf32, #tpu.memory_space<vmem>>
    %dma_start3A_598 = tpu.memref_squeeze %dma_start3A_597 : memref<1x48x128xf32, #tpu.memory_space<vmem>> -> memref<48x128xf32, #tpu.memory_space<vmem>>
    %dma_start3A_599 = arith.constant 0 : i32
    %dma_start3A_600 = tpu.memref_slice %arg4[%add3A_34, %dma_start3A_599] : memref<49152x128xf32, #tpu.memory_space<hbm>> -> memref<48x128xf32, #tpu.memory_space<hbm>>
    %dma_start3A_601 = tpu.memref_slice %arg7[%dma_start3A_594] : memref<4x!tpu.dma_semaphore, #tpu.memory_space<semaphore_mem>> -> memref<1x!tpu.dma_semaphore, #tpu.memory_space<semaphore_mem>>
    %dma_start3A_602 = tpu.memref_squeeze %dma_start3A_601 : memref<1x!tpu.dma_semaphore, #tpu.memory_space<semaphore_mem>> -> memref<!tpu.dma_semaphore, #tpu.memory_space<semaphore_mem>>
    %dma_start3A_603 = arith.constant 0 : i32
    %dma_start3A_604 = tpu.memref_slice %arg4[%add3A_34, %dma_start3A_603] : memref<49152x128xf32, #tpu.memory_space<hbm>> -> memref<48x128xf32, #tpu.memory_space<hbm>>
    %dma_start3A_605 = arith.constant 0 : i32
    %dma_start3A_606 = arith.constant 0 : i32
    %dma_start3A_607 = tpu.memref_slice %arg5[%dma_start3A_593, %dma_start3A_605, %dma_start3A_606] : memref<4x48x128xf32, #tpu.memory_space<vmem>> -> memref<1x48x128xf32, #tpu.memory_space<vmem>>
    %dma_start3A_608 = tpu.memref_squeeze %dma_start3A_607 : memref<1x48x128xf32, #tpu.memory_space<vmem>> -> memref<48x128xf32, #tpu.memory_space<vmem>>
    tpu.enqueue_dma source(%dma_start3A_608 : memref<48x128xf32, #tpu.memory_space<vmem>>) target(%dma_start3A_604 : memref<48x128xf32, #tpu.memory_space<hbm>>) target_semaphore(%dma_start3A_602 : memref<!tpu.dma_semaphore, #tpu.memory_space<semaphore_mem>>)
    %dma_wait3A_609 = arith.constant 1 : i32
    %dma_wait3A_610 = arith.constant 1 : i32
    %dma_wait3A_611 = arith.constant 0 : i32
    %dma_wait3A_612 = arith.constant 0 : i32
    %dma_wait3A_613 = tpu.memref_slice %arg5[%dma_wait3A_609, %dma_wait3A_611, %dma_wait3A_612] : memref<4x48x128xf32, #tpu.memory_space<vmem>> -> memref<1x48x128xf32, #tpu.memory_space<vmem>>
    %dma_wait3A_614 = tpu.memref_squeeze %dma_wait3A_613 : memref<1x48x128xf32, #tpu.memory_space<vmem>> -> memref<48x128xf32, #tpu.memory_space<vmem>>
    %dma_wait3A_615 = arith.constant 0 : i32
    %dma_wait3A_616 = tpu.memref_slice %arg4[%add3A_26, %dma_wait3A_615] : memref<49152x128xf32, #tpu.memory_space<hbm>> -> memref<48x128xf32, #tpu.memory_space<hbm>>
    %dma_wait3A_617 = tpu.memref_slice %arg7[%dma_wait3A_610] : memref<4x!tpu.dma_semaphore, #tpu.memory_space<semaphore_mem>> -> memref<1x!tpu.dma_semaphore, #tpu.memory_space<semaphore_mem>>
    %dma_wait3A_618 = tpu.memref_squeeze %dma_wait3A_617 : memref<1x!tpu.dma_semaphore, #tpu.memory_space<semaphore_mem>> -> memref<!tpu.dma_semaphore, #tpu.memory_space<semaphore_mem>>
    %dma_wait3A_619 = arith.constant 0 : i32
    %dma_wait3A_620 = tpu.memref_slice %arg4[%add3A_26, %dma_wait3A_619] : memref<49152x128xf32, #tpu.memory_space<hbm>> -> memref<48x128xf32, #tpu.memory_space<hbm>>
    %dma_wait3A_621 = arith.constant 0 : i32
    %dma_wait3A_622 = arith.constant 0 : i32
    %dma_wait3A_623 = tpu.memref_slice %arg5[%dma_wait3A_609, %dma_wait3A_621, %dma_wait3A_622] : memref<4x48x128xf32, #tpu.memory_space<vmem>> -> memref<1x48x128xf32, #tpu.memory_space<vmem>>
    %dma_wait3A_624 = tpu.memref_squeeze %dma_wait3A_623 : memref<1x48x128xf32, #tpu.memory_space<vmem>> -> memref<48x128xf32, #tpu.memory_space<vmem>>
    tpu.wait_dma2 semaphore(%dma_wait3A_618 : memref<!tpu.dma_semaphore, #tpu.memory_space<semaphore_mem>>) src(%dma_wait3A_624 : memref<48x128xf32, #tpu.memory_space<vmem>>) dst(%dma_wait3A_620 : memref<48x128xf32, #tpu.memory_space<hbm>>)
    %dma_start3A_625 = arith.constant 1 : i32
    %dma_start3A_626 = arith.constant 1 : i32
    %dma_start3A_627 = arith.constant 0 : i32
    %dma_start3A_628 = arith.constant 0 : i32
    %dma_start3A_629 = tpu.memref_slice %arg5[%dma_start3A_625, %dma_start3A_627, %dma_start3A_628] : memref<4x48x128xf32, #tpu.memory_space<vmem>> -> memref<1x48x128xf32, #tpu.memory_space<vmem>>
    %dma_start3A_630 = tpu.memref_squeeze %dma_start3A_629 : memref<1x48x128xf32, #tpu.memory_space<vmem>> -> memref<48x128xf32, #tpu.memory_space<vmem>>
    %dma_start3A_631 = arith.constant 0 : i32
    %dma_start3A_632 = tpu.memref_slice %arg3[%add3A_40, %dma_start3A_631] : memref<196608x128xf32, #tpu.memory_space<hbm>> -> memref<48x128xf32, #tpu.memory_space<hbm>>
    %dma_start3A_633 = tpu.memref_slice %arg6[%dma_start3A_626] : memref<4x!tpu.dma_semaphore, #tpu.memory_space<semaphore_mem>> -> memref<1x!tpu.dma_semaphore, #tpu.memory_space<semaphore_mem>>
    %dma_start3A_634 = tpu.memref_squeeze %dma_start3A_633 : memref<1x!tpu.dma_semaphore, #tpu.memory_space<semaphore_mem>> -> memref<!tpu.dma_semaphore, #tpu.memory_space<semaphore_mem>>
    %dma_start3A_635 = arith.constant 0 : i32
    %dma_start3A_636 = arith.constant 0 : i32
    %dma_start3A_637 = tpu.memref_slice %arg5[%dma_start3A_625, %dma_start3A_635, %dma_start3A_636] : memref<4x48x128xf32, #tpu.memory_space<vmem>> -> memref<1x48x128xf32, #tpu.memory_space<vmem>>
    %dma_start3A_638 = tpu.memref_squeeze %dma_start3A_637 : memref<1x48x128xf32, #tpu.memory_space<vmem>> -> memref<48x128xf32, #tpu.memory_space<vmem>>
    %dma_start3A_639 = arith.constant 0 : i32
    %dma_start3A_640 = tpu.memref_slice %arg3[%add3A_40, %dma_start3A_639] : memref<196608x128xf32, #tpu.memory_space<hbm>> -> memref<48x128xf32, #tpu.memory_space<hbm>>
    tpu.enqueue_dma source(%dma_start3A_640 : memref<48x128xf32, #tpu.memory_space<hbm>>) target(%dma_start3A_638 : memref<48x128xf32, #tpu.memory_space<vmem>>) target_semaphore(%dma_start3A_634 : memref<!tpu.dma_semaphore, #tpu.memory_space<semaphore_mem>>)
    %dma_wait3A_641 = arith.constant 0 : i32
    %dma_wait3A_642 = arith.constant 0 : i32
    %dma_wait3A_643 = arith.constant 0 : i32
    %dma_wait3A_644 = arith.constant 0 : i32
    %dma_wait3A_645 = tpu.memref_slice %arg5[%dma_wait3A_641, %dma_wait3A_643, %dma_wait3A_644] : memref<4x48x128xf32, #tpu.memory_space<vmem>> -> memref<1x48x128xf32, #tpu.memory_space<vmem>>
    %dma_wait3A_646 = tpu.memref_squeeze %dma_wait3A_645 : memref<1x48x128xf32, #tpu.memory_space<vmem>> -> memref<48x128xf32, #tpu.memory_space<vmem>>
    %dma_wait3A_647 = arith.constant 0 : i32
    %dma_wait3A_648 = tpu.memref_slice %arg2[%add3A_36, %dma_wait3A_647] : memref<49152x128xf32, #tpu.memory_space<hbm>> -> memref<48x128xf32, #tpu.memory_space<hbm>>
    %dma_wait3A_649 = tpu.memref_slice %arg6[%dma_wait3A_642] : memref<4x!tpu.dma_semaphore, #tpu.memory_space<semaphore_mem>> -> memref<1x!tpu.dma_semaphore, #tpu.memory_space<semaphore_mem>>
    %dma_wait3A_650 = tpu.memref_squeeze %dma_wait3A_649 : memref<1x!tpu.dma_semaphore, #tpu.memory_space<semaphore_mem>> -> memref<!tpu.dma_semaphore, #tpu.memory_space<semaphore_mem>>
    %dma_wait3A_651 = arith.constant 0 : i32
    %dma_wait3A_652 = arith.constant 0 : i32
    %dma_wait3A_653 = tpu.memref_slice %arg5[%dma_wait3A_641, %dma_wait3A_651, %dma_wait3A_652] : memref<4x48x128xf32, #tpu.memory_space<vmem>> -> memref<1x48x128xf32, #tpu.memory_space<vmem>>
    %dma_wait3A_654 = tpu.memref_squeeze %dma_wait3A_653 : memref<1x48x128xf32, #tpu.memory_space<vmem>> -> memref<48x128xf32, #tpu.memory_space<vmem>>
    %dma_wait3A_655 = arith.constant 0 : i32
    %dma_wait3A_656 = tpu.memref_slice %arg2[%add3A_36, %dma_wait3A_655] : memref<49152x128xf32, #tpu.memory_space<hbm>> -> memref<48x128xf32, #tpu.memory_space<hbm>>
    tpu.wait_dma2 semaphore(%dma_wait3A_650 : memref<!tpu.dma_semaphore, #tpu.memory_space<semaphore_mem>>) src(%dma_wait3A_656 : memref<48x128xf32, #tpu.memory_space<hbm>>) dst(%dma_wait3A_654 : memref<48x128xf32, #tpu.memory_space<vmem>>)
    %dma_start3A_657 = arith.constant 0 : i32
    %dma_start3A_658 = arith.constant 0 : i32
    %dma_start3A_659 = arith.constant 0 : i32
    %dma_start3A_660 = arith.constant 0 : i32
    %dma_start3A_661 = tpu.memref_slice %arg5[%dma_start3A_657, %dma_start3A_659, %dma_start3A_660] : memref<4x48x128xf32, #tpu.memory_space<vmem>> -> memref<1x48x128xf32, #tpu.memory_space<vmem>>
    %dma_start3A_662 = tpu.memref_squeeze %dma_start3A_661 : memref<1x48x128xf32, #tpu.memory_space<vmem>> -> memref<48x128xf32, #tpu.memory_space<vmem>>
    %dma_start3A_663 = arith.constant 0 : i32
    %dma_start3A_664 = tpu.memref_slice %arg4[%add3A_38, %dma_start3A_663] : memref<49152x128xf32, #tpu.memory_space<hbm>> -> memref<48x128xf32, #tpu.memory_space<hbm>>
    %dma_start3A_665 = tpu.memref_slice %arg7[%dma_start3A_658] : memref<4x!tpu.dma_semaphore, #tpu.memory_space<semaphore_mem>> -> memref<1x!tpu.dma_semaphore, #tpu.memory_space<semaphore_mem>>
    %dma_start3A_666 = tpu.memref_squeeze %dma_start3A_665 : memref<1x!tpu.dma_semaphore, #tpu.memory_space<semaphore_mem>> -> memref<!tpu.dma_semaphore, #tpu.memory_space<semaphore_mem>>
    %dma_start3A_667 = arith.constant 0 : i32
    %dma_start3A_668 = tpu.memref_slice %arg4[%add3A_38, %dma_start3A_667] : memref<49152x128xf32, #tpu.memory_space<hbm>> -> memref<48x128xf32, #tpu.memory_space<hbm>>
    %dma_start3A_669 = arith.constant 0 : i32
    %dma_start3A_670 = arith.constant 0 : i32
    %dma_start3A_671 = tpu.memref_slice %arg5[%dma_start3A_657, %dma_start3A_669, %dma_start3A_670] : memref<4x48x128xf32, #tpu.memory_space<vmem>> -> memref<1x48x128xf32, #tpu.memory_space<vmem>>
    %dma_start3A_672 = tpu.memref_squeeze %dma_start3A_671 : memref<1x48x128xf32, #tpu.memory_space<vmem>> -> memref<48x128xf32, #tpu.memory_space<vmem>>
    tpu.enqueue_dma source(%dma_start3A_672 : memref<48x128xf32, #tpu.memory_space<vmem>>) target(%dma_start3A_668 : memref<48x128xf32, #tpu.memory_space<hbm>>) target_semaphore(%dma_start3A_666 : memref<!tpu.dma_semaphore, #tpu.memory_space<semaphore_mem>>)
    %dma_wait3A_673 = arith.constant 2 : i32
    %dma_wait3A_674 = arith.constant 2 : i32
    %dma_wait3A_675 = arith.constant 0 : i32
    %dma_wait3A_676 = arith.constant 0 : i32
    %dma_wait3A_677 = tpu.memref_slice %arg5[%dma_wait3A_673, %dma_wait3A_675, %dma_wait3A_676] : memref<4x48x128xf32, #tpu.memory_space<vmem>> -> memref<1x48x128xf32, #tpu.memory_space<vmem>>
    %dma_wait3A_678 = tpu.memref_squeeze %dma_wait3A_677 : memref<1x48x128xf32, #tpu.memory_space<vmem>> -> memref<48x128xf32, #tpu.memory_space<vmem>>
    %dma_wait3A_679 = arith.constant 0 : i32
    %dma_wait3A_680 = tpu.memref_slice %arg4[%add3A_30, %dma_wait3A_679] : memref<49152x128xf32, #tpu.memory_space<hbm>> -> memref<48x128xf32, #tpu.memory_space<hbm>>
    %dma_wait3A_681 = tpu.memref_slice %arg7[%dma_wait3A_674] : memref<4x!tpu.dma_semaphore, #tpu.memory_space<semaphore_mem>> -> memref<1x!tpu.dma_semaphore, #tpu.memory_space<semaphore_mem>>
    %dma_wait3A_682 = tpu.memref_squeeze %dma_wait3A_681 : memref<1x!tpu.dma_semaphore, #tpu.memory_space<semaphore_mem>> -> memref<!tpu.dma_semaphore, #tpu.memory_space<semaphore_mem>>
    %dma_wait3A_683 = arith.constant 0 : i32
    %dma_wait3A_684 = tpu.memref_slice %arg4[%add3A_30, %dma_wait3A_683] : memref<49152x128xf32, #tpu.memory_space<hbm>> -> memref<48x128xf32, #tpu.memory_space<hbm>>
    %dma_wait3A_685 = arith.constant 0 : i32
    %dma_wait3A_686 = arith.constant 0 : i32
    %dma_wait3A_687 = tpu.memref_slice %arg5[%dma_wait3A_673, %dma_wait3A_685, %dma_wait3A_686] : memref<4x48x128xf32, #tpu.memory_space<vmem>> -> memref<1x48x128xf32, #tpu.memory_space<vmem>>
    %dma_wait3A_688 = tpu.memref_squeeze %dma_wait3A_687 : memref<1x48x128xf32, #tpu.memory_space<vmem>> -> memref<48x128xf32, #tpu.memory_space<vmem>>
    tpu.wait_dma2 semaphore(%dma_wait3A_682 : memref<!tpu.dma_semaphore, #tpu.memory_space<semaphore_mem>>) src(%dma_wait3A_688 : memref<48x128xf32, #tpu.memory_space<vmem>>) dst(%dma_wait3A_684 : memref<48x128xf32, #tpu.memory_space<hbm>>)
    %dma_start3A_689 = arith.constant 2 : i32
    %dma_start3A_690 = arith.constant 2 : i32
    %dma_start3A_691 = arith.constant 0 : i32
    %dma_start3A_692 = arith.constant 0 : i32
    %dma_start3A_693 = tpu.memref_slice %arg5[%dma_start3A_689, %dma_start3A_691, %dma_start3A_692] : memref<4x48x128xf32, #tpu.memory_space<vmem>> -> memref<1x48x128xf32, #tpu.memory_space<vmem>>
    %dma_start3A_694 = tpu.memref_squeeze %dma_start3A_693 : memref<1x48x128xf32, #tpu.memory_space<vmem>> -> memref<48x128xf32, #tpu.memory_space<vmem>>
    %dma_start3A_695 = arith.constant 0 : i32
    %dma_start3A_696 = tpu.memref_slice %arg3[%add3A_44, %dma_start3A_695] : memref<196608x128xf32, #tpu.memory_space<hbm>> -> memref<48x128xf32, #tpu.memory_space<hbm>>
    %dma_start3A_697 = tpu.memref_slice %arg6[%dma_start3A_690] : memref<4x!tpu.dma_semaphore, #tpu.memory_space<semaphore_mem>> -> memref<1x!tpu.dma_semaphore, #tpu.memory_space<semaphore_mem>>
    %dma_start3A_698 = tpu.memref_squeeze %dma_start3A_697 : memref<1x!tpu.dma_semaphore, #tpu.memory_space<semaphore_mem>> -> memref<!tpu.dma_semaphore, #tpu.memory_space<semaphore_mem>>
    %dma_start3A_699 = arith.constant 0 : i32
    %dma_start3A_700 = arith.constant 0 : i32
    %dma_start3A_701 = tpu.memref_slice %arg5[%dma_start3A_689, %dma_start3A_699, %dma_start3A_700] : memref<4x48x128xf32, #tpu.memory_space<vmem>> -> memref<1x48x128xf32, #tpu.memory_space<vmem>>
    %dma_start3A_702 = tpu.memref_squeeze %dma_start3A_701 : memref<1x48x128xf32, #tpu.memory_space<vmem>> -> memref<48x128xf32, #tpu.memory_space<vmem>>
    %dma_start3A_703 = arith.constant 0 : i32
    %dma_start3A_704 = tpu.memref_slice %arg3[%add3A_44, %dma_start3A_703] : memref<196608x128xf32, #tpu.memory_space<hbm>> -> memref<48x128xf32, #tpu.memory_space<hbm>>
    tpu.enqueue_dma source(%dma_start3A_704 : memref<48x128xf32, #tpu.memory_space<hbm>>) target(%dma_start3A_702 : memref<48x128xf32, #tpu.memory_space<vmem>>) target_semaphore(%dma_start3A_698 : memref<!tpu.dma_semaphore, #tpu.memory_space<semaphore_mem>>)
    %dma_wait3A_705 = arith.constant 1 : i32
    %dma_wait3A_706 = arith.constant 1 : i32
    %dma_wait3A_707 = arith.constant 0 : i32
    %dma_wait3A_708 = arith.constant 0 : i32
    %dma_wait3A_709 = tpu.memref_slice %arg5[%dma_wait3A_705, %dma_wait3A_707, %dma_wait3A_708] : memref<4x48x128xf32, #tpu.memory_space<vmem>> -> memref<1x48x128xf32, #tpu.memory_space<vmem>>
    %dma_wait3A_710 = tpu.memref_squeeze %dma_wait3A_709 : memref<1x48x128xf32, #tpu.memory_space<vmem>> -> memref<48x128xf32, #tpu.memory_space<vmem>>
    %dma_wait3A_711 = arith.constant 0 : i32
    %dma_wait3A_712 = tpu.memref_slice %arg3[%add3A_40, %dma_wait3A_711] : memref<196608x128xf32, #tpu.memory_space<hbm>> -> memref<48x128xf32, #tpu.memory_space<hbm>>
    %dma_wait3A_713 = tpu.memref_slice %arg6[%dma_wait3A_706] : memref<4x!tpu.dma_semaphore, #tpu.memory_space<semaphore_mem>> -> memref<1x!tpu.dma_semaphore, #tpu.memory_space<semaphore_mem>>
    %dma_wait3A_714 = tpu.memref_squeeze %dma_wait3A_713 : memref<1x!tpu.dma_semaphore, #tpu.memory_space<semaphore_mem>> -> memref<!tpu.dma_semaphore, #tpu.memory_space<semaphore_mem>>
    %dma_wait3A_715 = arith.constant 0 : i32
    %dma_wait3A_716 = arith.constant 0 : i32
    %dma_wait3A_717 = tpu.memref_slice %arg5[%dma_wait3A_705, %dma_wait3A_715, %dma_wait3A_716] : memref<4x48x128xf32, #tpu.memory_space<vmem>> -> memref<1x48x128xf32, #tpu.memory_space<vmem>>
    %dma_wait3A_718 = tpu.memref_squeeze %dma_wait3A_717 : memref<1x48x128xf32, #tpu.memory_space<vmem>> -> memref<48x128xf32, #tpu.memory_space<vmem>>
    %dma_wait3A_719 = arith.constant 0 : i32
    %dma_wait3A_720 = tpu.memref_slice %arg3[%add3A_40, %dma_wait3A_719] : memref<196608x128xf32, #tpu.memory_space<hbm>> -> memref<48x128xf32, #tpu.memory_space<hbm>>
    tpu.wait_dma2 semaphore(%dma_wait3A_714 : memref<!tpu.dma_semaphore, #tpu.memory_space<semaphore_mem>>) src(%dma_wait3A_720 : memref<48x128xf32, #tpu.memory_space<hbm>>) dst(%dma_wait3A_718 : memref<48x128xf32, #tpu.memory_space<vmem>>)
    %dma_start3A_721 = arith.constant 1 : i32
    %dma_start3A_722 = arith.constant 1 : i32
    %dma_start3A_723 = arith.constant 0 : i32
    %dma_start3A_724 = arith.constant 0 : i32
    %dma_start3A_725 = tpu.memref_slice %arg5[%dma_start3A_721, %dma_start3A_723, %dma_start3A_724] : memref<4x48x128xf32, #tpu.memory_space<vmem>> -> memref<1x48x128xf32, #tpu.memory_space<vmem>>
    %dma_start3A_726 = tpu.memref_squeeze %dma_start3A_725 : memref<1x48x128xf32, #tpu.memory_space<vmem>> -> memref<48x128xf32, #tpu.memory_space<vmem>>
    %dma_start3A_727 = arith.constant 0 : i32
    %dma_start3A_728 = tpu.memref_slice %arg4[%add3A_42, %dma_start3A_727] : memref<49152x128xf32, #tpu.memory_space<hbm>> -> memref<48x128xf32, #tpu.memory_space<hbm>>
    %dma_start3A_729 = tpu.memref_slice %arg7[%dma_start3A_722] : memref<4x!tpu.dma_semaphore, #tpu.memory_space<semaphore_mem>> -> memref<1x!tpu.dma_semaphore, #tpu.memory_space<semaphore_mem>>
    %dma_start3A_730 = tpu.memref_squeeze %dma_start3A_729 : memref<1x!tpu.dma_semaphore, #tpu.memory_space<semaphore_mem>> -> memref<!tpu.dma_semaphore, #tpu.memory_space<semaphore_mem>>
    %dma_start3A_731 = arith.constant 0 : i32
    %dma_start3A_732 = tpu.memref_slice %arg4[%add3A_42, %dma_start3A_731] : memref<49152x128xf32, #tpu.memory_space<hbm>> -> memref<48x128xf32, #tpu.memory_space<hbm>>
    %dma_start3A_733 = arith.constant 0 : i32
    %dma_start3A_734 = arith.constant 0 : i32
    %dma_start3A_735 = tpu.memref_slice %arg5[%dma_start3A_721, %dma_start3A_733, %dma_start3A_734] : memref<4x48x128xf32, #tpu.memory_space<vmem>> -> memref<1x48x128xf32, #tpu.memory_space<vmem>>
    %dma_start3A_736 = tpu.memref_squeeze %dma_start3A_735 : memref<1x48x128xf32, #tpu.memory_space<vmem>> -> memref<48x128xf32, #tpu.memory_space<vmem>>
    tpu.enqueue_dma source(%dma_start3A_736 : memref<48x128xf32, #tpu.memory_space<vmem>>) target(%dma_start3A_732 : memref<48x128xf32, #tpu.memory_space<hbm>>) target_semaphore(%dma_start3A_730 : memref<!tpu.dma_semaphore, #tpu.memory_space<semaphore_mem>>)
    %dma_wait3A_737 = arith.constant 3 : i32
    %dma_wait3A_738 = arith.constant 3 : i32
    %dma_wait3A_739 = arith.constant 0 : i32
    %dma_wait3A_740 = arith.constant 0 : i32
    %dma_wait3A_741 = tpu.memref_slice %arg5[%dma_wait3A_737, %dma_wait3A_739, %dma_wait3A_740] : memref<4x48x128xf32, #tpu.memory_space<vmem>> -> memref<1x48x128xf32, #tpu.memory_space<vmem>>
    %dma_wait3A_742 = tpu.memref_squeeze %dma_wait3A_741 : memref<1x48x128xf32, #tpu.memory_space<vmem>> -> memref<48x128xf32, #tpu.memory_space<vmem>>
    %dma_wait3A_743 = arith.constant 0 : i32
    %dma_wait3A_744 = tpu.memref_slice %arg4[%add3A_34, %dma_wait3A_743] : memref<49152x128xf32, #tpu.memory_space<hbm>> -> memref<48x128xf32, #tpu.memory_space<hbm>>
    %dma_wait3A_745 = tpu.memref_slice %arg7[%dma_wait3A_738] : memref<4x!tpu.dma_semaphore, #tpu.memory_space<semaphore_mem>> -> memref<1x!tpu.dma_semaphore, #tpu.memory_space<semaphore_mem>>
    %dma_wait3A_746 = tpu.memref_squeeze %dma_wait3A_745 : memref<1x!tpu.dma_semaphore, #tpu.memory_space<semaphore_mem>> -> memref<!tpu.dma_semaphore, #tpu.memory_space<semaphore_mem>>
    %dma_wait3A_747 = arith.constant 0 : i32
    %dma_wait3A_748 = tpu.memref_slice %arg4[%add3A_34, %dma_wait3A_747] : memref<49152x128xf32, #tpu.memory_space<hbm>> -> memref<48x128xf32, #tpu.memory_space<hbm>>
    %dma_wait3A_749 = arith.constant 0 : i32
    %dma_wait3A_750 = arith.constant 0 : i32
    %dma_wait3A_751 = tpu.memref_slice %arg5[%dma_wait3A_737, %dma_wait3A_749, %dma_wait3A_750] : memref<4x48x128xf32, #tpu.memory_space<vmem>> -> memref<1x48x128xf32, #tpu.memory_space<vmem>>
    %dma_wait3A_752 = tpu.memref_squeeze %dma_wait3A_751 : memref<1x48x128xf32, #tpu.memory_space<vmem>> -> memref<48x128xf32, #tpu.memory_space<vmem>>
    tpu.wait_dma2 semaphore(%dma_wait3A_746 : memref<!tpu.dma_semaphore, #tpu.memory_space<semaphore_mem>>) src(%dma_wait3A_752 : memref<48x128xf32, #tpu.memory_space<vmem>>) dst(%dma_wait3A_748 : memref<48x128xf32, #tpu.memory_space<hbm>>)
    %dma_start3A_753 = arith.constant 3 : i32
    %dma_start3A_754 = arith.constant 3 : i32
    %dma_start3A_755 = arith.constant 0 : i32
    %dma_start3A_756 = arith.constant 0 : i32
    %dma_start3A_757 = tpu.memref_slice %arg5[%dma_start3A_753, %dma_start3A_755, %dma_start3A_756] : memref<4x48x128xf32, #tpu.memory_space<vmem>> -> memref<1x48x128xf32, #tpu.memory_space<vmem>>
    %dma_start3A_758 = tpu.memref_squeeze %dma_start3A_757 : memref<1x48x128xf32, #tpu.memory_space<vmem>> -> memref<48x128xf32, #tpu.memory_space<vmem>>
    %dma_start3A_759 = arith.constant 0 : i32
    %dma_start3A_760 = tpu.memref_slice %arg3[%add3A_48, %dma_start3A_759] : memref<196608x128xf32, #tpu.memory_space<hbm>> -> memref<48x128xf32, #tpu.memory_space<hbm>>
    %dma_start3A_761 = tpu.memref_slice %arg6[%dma_start3A_754] : memref<4x!tpu.dma_semaphore, #tpu.memory_space<semaphore_mem>> -> memref<1x!tpu.dma_semaphore, #tpu.memory_space<semaphore_mem>>
    %dma_start3A_762 = tpu.memref_squeeze %dma_start3A_761 : memref<1x!tpu.dma_semaphore, #tpu.memory_space<semaphore_mem>> -> memref<!tpu.dma_semaphore, #tpu.memory_space<semaphore_mem>>
    %dma_start3A_763 = arith.constant 0 : i32
    %dma_start3A_764 = arith.constant 0 : i32
    %dma_start3A_765 = tpu.memref_slice %arg5[%dma_start3A_753, %dma_start3A_763, %dma_start3A_764] : memref<4x48x128xf32, #tpu.memory_space<vmem>> -> memref<1x48x128xf32, #tpu.memory_space<vmem>>
    %dma_start3A_766 = tpu.memref_squeeze %dma_start3A_765 : memref<1x48x128xf32, #tpu.memory_space<vmem>> -> memref<48x128xf32, #tpu.memory_space<vmem>>
    %dma_start3A_767 = arith.constant 0 : i32
    %dma_start3A_768 = tpu.memref_slice %arg3[%add3A_48, %dma_start3A_767] : memref<196608x128xf32, #tpu.memory_space<hbm>> -> memref<48x128xf32, #tpu.memory_space<hbm>>
    tpu.enqueue_dma source(%dma_start3A_768 : memref<48x128xf32, #tpu.memory_space<hbm>>) target(%dma_start3A_766 : memref<48x128xf32, #tpu.memory_space<vmem>>) target_semaphore(%dma_start3A_762 : memref<!tpu.dma_semaphore, #tpu.memory_space<semaphore_mem>>)
    %dma_wait3A_769 = arith.constant 2 : i32
    %dma_wait3A_770 = arith.constant 2 : i32
    %dma_wait3A_771 = arith.constant 0 : i32
    %dma_wait3A_772 = arith.constant 0 : i32
    %dma_wait3A_773 = tpu.memref_slice %arg5[%dma_wait3A_769, %dma_wait3A_771, %dma_wait3A_772] : memref<4x48x128xf32, #tpu.memory_space<vmem>> -> memref<1x48x128xf32, #tpu.memory_space<vmem>>
    %dma_wait3A_774 = tpu.memref_squeeze %dma_wait3A_773 : memref<1x48x128xf32, #tpu.memory_space<vmem>> -> memref<48x128xf32, #tpu.memory_space<vmem>>
    %dma_wait3A_775 = arith.constant 0 : i32
    %dma_wait3A_776 = tpu.memref_slice %arg3[%add3A_44, %dma_wait3A_775] : memref<196608x128xf32, #tpu.memory_space<hbm>> -> memref<48x128xf32, #tpu.memory_space<hbm>>
    %dma_wait3A_777 = tpu.memref_slice %arg6[%dma_wait3A_770] : memref<4x!tpu.dma_semaphore, #tpu.memory_space<semaphore_mem>> -> memref<1x!tpu.dma_semaphore, #tpu.memory_space<semaphore_mem>>
    %dma_wait3A_778 = tpu.memref_squeeze %dma_wait3A_777 : memref<1x!tpu.dma_semaphore, #tpu.memory_space<semaphore_mem>> -> memref<!tpu.dma_semaphore, #tpu.memory_space<semaphore_mem>>
    %dma_wait3A_779 = arith.constant 0 : i32
    %dma_wait3A_780 = arith.constant 0 : i32
    %dma_wait3A_781 = tpu.memref_slice %arg5[%dma_wait3A_769, %dma_wait3A_779, %dma_wait3A_780] : memref<4x48x128xf32, #tpu.memory_space<vmem>> -> memref<1x48x128xf32, #tpu.memory_space<vmem>>
    %dma_wait3A_782 = tpu.memref_squeeze %dma_wait3A_781 : memref<1x48x128xf32, #tpu.memory_space<vmem>> -> memref<48x128xf32, #tpu.memory_space<vmem>>
    %dma_wait3A_783 = arith.constant 0 : i32
    %dma_wait3A_784 = tpu.memref_slice %arg3[%add3A_44, %dma_wait3A_783] : memref<196608x128xf32, #tpu.memory_space<hbm>> -> memref<48x128xf32, #tpu.memory_space<hbm>>
    tpu.wait_dma2 semaphore(%dma_wait3A_778 : memref<!tpu.dma_semaphore, #tpu.memory_space<semaphore_mem>>) src(%dma_wait3A_784 : memref<48x128xf32, #tpu.memory_space<hbm>>) dst(%dma_wait3A_782 : memref<48x128xf32, #tpu.memory_space<vmem>>)
    %dma_start3A_785 = arith.constant 2 : i32
    %dma_start3A_786 = arith.constant 2 : i32
    %dma_start3A_787 = arith.constant 0 : i32
    %dma_start3A_788 = arith.constant 0 : i32
    %dma_start3A_789 = tpu.memref_slice %arg5[%dma_start3A_785, %dma_start3A_787, %dma_start3A_788] : memref<4x48x128xf32, #tpu.memory_space<vmem>> -> memref<1x48x128xf32, #tpu.memory_space<vmem>>
    %dma_start3A_790 = tpu.memref_squeeze %dma_start3A_789 : memref<1x48x128xf32, #tpu.memory_space<vmem>> -> memref<48x128xf32, #tpu.memory_space<vmem>>
    %dma_start3A_791 = arith.constant 0 : i32
    %dma_start3A_792 = tpu.memref_slice %arg4[%add3A_46, %dma_start3A_791] : memref<49152x128xf32, #tpu.memory_space<hbm>> -> memref<48x128xf32, #tpu.memory_space<hbm>>
    %dma_start3A_793 = tpu.memref_slice %arg7[%dma_start3A_786] : memref<4x!tpu.dma_semaphore, #tpu.memory_space<semaphore_mem>> -> memref<1x!tpu.dma_semaphore, #tpu.memory_space<semaphore_mem>>
    %dma_start3A_794 = tpu.memref_squeeze %dma_start3A_793 : memref<1x!tpu.dma_semaphore, #tpu.memory_space<semaphore_mem>> -> memref<!tpu.dma_semaphore, #tpu.memory_space<semaphore_mem>>
    %dma_start3A_795 = arith.constant 0 : i32
    %dma_start3A_796 = tpu.memref_slice %arg4[%add3A_46, %dma_start3A_795] : memref<49152x128xf32, #tpu.memory_space<hbm>> -> memref<48x128xf32, #tpu.memory_space<hbm>>
    %dma_start3A_797 = arith.constant 0 : i32
    %dma_start3A_798 = arith.constant 0 : i32
    %dma_start3A_799 = tpu.memref_slice %arg5[%dma_start3A_785, %dma_start3A_797, %dma_start3A_798] : memref<4x48x128xf32, #tpu.memory_space<vmem>> -> memref<1x48x128xf32, #tpu.memory_space<vmem>>
    %dma_start3A_800 = tpu.memref_squeeze %dma_start3A_799 : memref<1x48x128xf32, #tpu.memory_space<vmem>> -> memref<48x128xf32, #tpu.memory_space<vmem>>
    tpu.enqueue_dma source(%dma_start3A_800 : memref<48x128xf32, #tpu.memory_space<vmem>>) target(%dma_start3A_796 : memref<48x128xf32, #tpu.memory_space<hbm>>) target_semaphore(%dma_start3A_794 : memref<!tpu.dma_semaphore, #tpu.memory_space<semaphore_mem>>)
    %dma_wait3A_801 = arith.constant 0 : i32
    %dma_wait3A_802 = arith.constant 0 : i32
    %dma_wait3A_803 = arith.constant 0 : i32
    %dma_wait3A_804 = arith.constant 0 : i32
    %dma_wait3A_805 = tpu.memref_slice %arg5[%dma_wait3A_801, %dma_wait3A_803, %dma_wait3A_804] : memref<4x48x128xf32, #tpu.memory_space<vmem>> -> memref<1x48x128xf32, #tpu.memory_space<vmem>>
    %dma_wait3A_806 = tpu.memref_squeeze %dma_wait3A_805 : memref<1x48x128xf32, #tpu.memory_space<vmem>> -> memref<48x128xf32, #tpu.memory_space<vmem>>
    %dma_wait3A_807 = arith.constant 0 : i32
    %dma_wait3A_808 = tpu.memref_slice %arg4[%add3A_38, %dma_wait3A_807] : memref<49152x128xf32, #tpu.memory_space<hbm>> -> memref<48x128xf32, #tpu.memory_space<hbm>>
    %dma_wait3A_809 = tpu.memref_slice %arg7[%dma_wait3A_802] : memref<4x!tpu.dma_semaphore, #tpu.memory_space<semaphore_mem>> -> memref<1x!tpu.dma_semaphore, #tpu.memory_space<semaphore_mem>>
    %dma_wait3A_810 = tpu.memref_squeeze %dma_wait3A_809 : memref<1x!tpu.dma_semaphore, #tpu.memory_space<semaphore_mem>> -> memref<!tpu.dma_semaphore, #tpu.memory_space<semaphore_mem>>
    %dma_wait3A_811 = arith.constant 0 : i32
    %dma_wait3A_812 = tpu.memref_slice %arg4[%add3A_38, %dma_wait3A_811] : memref<49152x128xf32, #tpu.memory_space<hbm>> -> memref<48x128xf32, #tpu.memory_space<hbm>>
    %dma_wait3A_813 = arith.constant 0 : i32
    %dma_wait3A_814 = arith.constant 0 : i32
    %dma_wait3A_815 = tpu.memref_slice %arg5[%dma_wait3A_801, %dma_wait3A_813, %dma_wait3A_814] : memref<4x48x128xf32, #tpu.memory_space<vmem>> -> memref<1x48x128xf32, #tpu.memory_space<vmem>>
    %dma_wait3A_816 = tpu.memref_squeeze %dma_wait3A_815 : memref<1x48x128xf32, #tpu.memory_space<vmem>> -> memref<48x128xf32, #tpu.memory_space<vmem>>
    tpu.wait_dma2 semaphore(%dma_wait3A_810 : memref<!tpu.dma_semaphore, #tpu.memory_space<semaphore_mem>>) src(%dma_wait3A_816 : memref<48x128xf32, #tpu.memory_space<vmem>>) dst(%dma_wait3A_812 : memref<48x128xf32, #tpu.memory_space<hbm>>)
    %dma_start3A_817 = arith.constant 0 : i32
    %dma_start3A_818 = arith.constant 0 : i32
    %dma_start3A_819 = arith.constant 0 : i32
    %dma_start3A_820 = arith.constant 0 : i32
    %dma_start3A_821 = tpu.memref_slice %arg5[%dma_start3A_817, %dma_start3A_819, %dma_start3A_820] : memref<4x48x128xf32, #tpu.memory_space<vmem>> -> memref<1x48x128xf32, #tpu.memory_space<vmem>>
    %dma_start3A_822 = tpu.memref_squeeze %dma_start3A_821 : memref<1x48x128xf32, #tpu.memory_space<vmem>> -> memref<48x128xf32, #tpu.memory_space<vmem>>
    %dma_start3A_823 = arith.constant 0 : i32
    %dma_start3A_824 = tpu.memref_slice %arg3[%add3A_52, %dma_start3A_823] : memref<196608x128xf32, #tpu.memory_space<hbm>> -> memref<48x128xf32, #tpu.memory_space<hbm>>
    %dma_start3A_825 = tpu.memref_slice %arg6[%dma_start3A_818] : memref<4x!tpu.dma_semaphore, #tpu.memory_space<semaphore_mem>> -> memref<1x!tpu.dma_semaphore, #tpu.memory_space<semaphore_mem>>
    %dma_start3A_826 = tpu.memref_squeeze %dma_start3A_825 : memref<1x!tpu.dma_semaphore, #tpu.memory_space<semaphore_mem>> -> memref<!tpu.dma_semaphore, #tpu.memory_space<semaphore_mem>>
    %dma_start3A_827 = arith.constant 0 : i32
    %dma_start3A_828 = arith.constant 0 : i32
    %dma_start3A_829 = tpu.memref_slice %arg5[%dma_start3A_817, %dma_start3A_827, %dma_start3A_828] : memref<4x48x128xf32, #tpu.memory_space<vmem>> -> memref<1x48x128xf32, #tpu.memory_space<vmem>>
    %dma_start3A_830 = tpu.memref_squeeze %dma_start3A_829 : memref<1x48x128xf32, #tpu.memory_space<vmem>> -> memref<48x128xf32, #tpu.memory_space<vmem>>
    %dma_start3A_831 = arith.constant 0 : i32
    %dma_start3A_832 = tpu.memref_slice %arg3[%add3A_52, %dma_start3A_831] : memref<196608x128xf32, #tpu.memory_space<hbm>> -> memref<48x128xf32, #tpu.memory_space<hbm>>
    tpu.enqueue_dma source(%dma_start3A_832 : memref<48x128xf32, #tpu.memory_space<hbm>>) target(%dma_start3A_830 : memref<48x128xf32, #tpu.memory_space<vmem>>) target_semaphore(%dma_start3A_826 : memref<!tpu.dma_semaphore, #tpu.memory_space<semaphore_mem>>)
    %dma_wait3A_833 = arith.constant 3 : i32
    %dma_wait3A_834 = arith.constant 3 : i32
    %dma_wait3A_835 = arith.constant 0 : i32
    %dma_wait3A_836 = arith.constant 0 : i32
    %dma_wait3A_837 = tpu.memref_slice %arg5[%dma_wait3A_833, %dma_wait3A_835, %dma_wait3A_836] : memref<4x48x128xf32, #tpu.memory_space<vmem>> -> memref<1x48x128xf32, #tpu.memory_space<vmem>>
    %dma_wait3A_838 = tpu.memref_squeeze %dma_wait3A_837 : memref<1x48x128xf32, #tpu.memory_space<vmem>> -> memref<48x128xf32, #tpu.memory_space<vmem>>
    %dma_wait3A_839 = arith.constant 0 : i32
    %dma_wait3A_840 = tpu.memref_slice %arg3[%add3A_48, %dma_wait3A_839] : memref<196608x128xf32, #tpu.memory_space<hbm>> -> memref<48x128xf32, #tpu.memory_space<hbm>>
    %dma_wait3A_841 = tpu.memref_slice %arg6[%dma_wait3A_834] : memref<4x!tpu.dma_semaphore, #tpu.memory_space<semaphore_mem>> -> memref<1x!tpu.dma_semaphore, #tpu.memory_space<semaphore_mem>>
    %dma_wait3A_842 = tpu.memref_squeeze %dma_wait3A_841 : memref<1x!tpu.dma_semaphore, #tpu.memory_space<semaphore_mem>> -> memref<!tpu.dma_semaphore, #tpu.memory_space<semaphore_mem>>
    %dma_wait3A_843 = arith.constant 0 : i32
    %dma_wait3A_844 = arith.constant 0 : i32
    %dma_wait3A_845 = tpu.memref_slice %arg5[%dma_wait3A_833, %dma_wait3A_843, %dma_wait3A_844] : memref<4x48x128xf32, #tpu.memory_space<vmem>> -> memref<1x48x128xf32, #tpu.memory_space<vmem>>
    %dma_wait3A_846 = tpu.memref_squeeze %dma_wait3A_845 : memref<1x48x128xf32, #tpu.memory_space<vmem>> -> memref<48x128xf32, #tpu.memory_space<vmem>>
    %dma_wait3A_847 = arith.constant 0 : i32
    %dma_wait3A_848 = tpu.memref_slice %arg3[%add3A_48, %dma_wait3A_847] : memref<196608x128xf32, #tpu.memory_space<hbm>> -> memref<48x128xf32, #tpu.memory_space<hbm>>
    tpu.wait_dma2 semaphore(%dma_wait3A_842 : memref<!tpu.dma_semaphore, #tpu.memory_space<semaphore_mem>>) src(%dma_wait3A_848 : memref<48x128xf32, #tpu.memory_space<hbm>>) dst(%dma_wait3A_846 : memref<48x128xf32, #tpu.memory_space<vmem>>)
    %dma_start3A_849 = arith.constant 3 : i32
    %dma_start3A_850 = arith.constant 3 : i32
    %dma_start3A_851 = arith.constant 0 : i32
    %dma_start3A_852 = arith.constant 0 : i32
    %dma_start3A_853 = tpu.memref_slice %arg5[%dma_start3A_849, %dma_start3A_851, %dma_start3A_852] : memref<4x48x128xf32, #tpu.memory_space<vmem>> -> memref<1x48x128xf32, #tpu.memory_space<vmem>>
    %dma_start3A_854 = tpu.memref_squeeze %dma_start3A_853 : memref<1x48x128xf32, #tpu.memory_space<vmem>> -> memref<48x128xf32, #tpu.memory_space<vmem>>
    %dma_start3A_855 = arith.constant 0 : i32
    %dma_start3A_856 = tpu.memref_slice %arg4[%add3A_50, %dma_start3A_855] : memref<49152x128xf32, #tpu.memory_space<hbm>> -> memref<48x128xf32, #tpu.memory_space<hbm>>
    %dma_start3A_857 = tpu.memref_slice %arg7[%dma_start3A_850] : memref<4x!tpu.dma_semaphore, #tpu.memory_space<semaphore_mem>> -> memref<1x!tpu.dma_semaphore, #tpu.memory_space<semaphore_mem>>
    %dma_start3A_858 = tpu.memref_squeeze %dma_start3A_857 : memref<1x!tpu.dma_semaphore, #tpu.memory_space<semaphore_mem>> -> memref<!tpu.dma_semaphore, #tpu.memory_space<semaphore_mem>>
    %dma_start3A_859 = arith.constant 0 : i32
    %dma_start3A_860 = tpu.memref_slice %arg4[%add3A_50, %dma_start3A_859] : memref<49152x128xf32, #tpu.memory_space<hbm>> -> memref<48x128xf32, #tpu.memory_space<hbm>>
    %dma_start3A_861 = arith.constant 0 : i32
    %dma_start3A_862 = arith.constant 0 : i32
    %dma_start3A_863 = tpu.memref_slice %arg5[%dma_start3A_849, %dma_start3A_861, %dma_start3A_862] : memref<4x48x128xf32, #tpu.memory_space<vmem>> -> memref<1x48x128xf32, #tpu.memory_space<vmem>>
    %dma_start3A_864 = tpu.memref_squeeze %dma_start3A_863 : memref<1x48x128xf32, #tpu.memory_space<vmem>> -> memref<48x128xf32, #tpu.memory_space<vmem>>
    tpu.enqueue_dma source(%dma_start3A_864 : memref<48x128xf32, #tpu.memory_space<vmem>>) target(%dma_start3A_860 : memref<48x128xf32, #tpu.memory_space<hbm>>) target_semaphore(%dma_start3A_858 : memref<!tpu.dma_semaphore, #tpu.memory_space<semaphore_mem>>)
    %dma_wait3A_865 = arith.constant 1 : i32
    %dma_wait3A_866 = arith.constant 1 : i32
    %dma_wait3A_867 = arith.constant 0 : i32
    %dma_wait3A_868 = arith.constant 0 : i32
    %dma_wait3A_869 = tpu.memref_slice %arg5[%dma_wait3A_865, %dma_wait3A_867, %dma_wait3A_868] : memref<4x48x128xf32, #tpu.memory_space<vmem>> -> memref<1x48x128xf32, #tpu.memory_space<vmem>>
    %dma_wait3A_870 = tpu.memref_squeeze %dma_wait3A_869 : memref<1x48x128xf32, #tpu.memory_space<vmem>> -> memref<48x128xf32, #tpu.memory_space<vmem>>
    %dma_wait3A_871 = arith.constant 0 : i32
    %dma_wait3A_872 = tpu.memref_slice %arg4[%add3A_42, %dma_wait3A_871] : memref<49152x128xf32, #tpu.memory_space<hbm>> -> memref<48x128xf32, #tpu.memory_space<hbm>>
    %dma_wait3A_873 = tpu.memref_slice %arg7[%dma_wait3A_866] : memref<4x!tpu.dma_semaphore, #tpu.memory_space<semaphore_mem>> -> memref<1x!tpu.dma_semaphore, #tpu.memory_space<semaphore_mem>>
    %dma_wait3A_874 = tpu.memref_squeeze %dma_wait3A_873 : memref<1x!tpu.dma_semaphore, #tpu.memory_space<semaphore_mem>> -> memref<!tpu.dma_semaphore, #tpu.memory_space<semaphore_mem>>
    %dma_wait3A_875 = arith.constant 0 : i32
    %dma_wait3A_876 = tpu.memref_slice %arg4[%add3A_42, %dma_wait3A_875] : memref<49152x128xf32, #tpu.memory_space<hbm>> -> memref<48x128xf32, #tpu.memory_space<hbm>>
    %dma_wait3A_877 = arith.constant 0 : i32
    %dma_wait3A_878 = arith.constant 0 : i32
    %dma_wait3A_879 = tpu.memref_slice %arg5[%dma_wait3A_865, %dma_wait3A_877, %dma_wait3A_878] : memref<4x48x128xf32, #tpu.memory_space<vmem>> -> memref<1x48x128xf32, #tpu.memory_space<vmem>>
    %dma_wait3A_880 = tpu.memref_squeeze %dma_wait3A_879 : memref<1x48x128xf32, #tpu.memory_space<vmem>> -> memref<48x128xf32, #tpu.memory_space<vmem>>
    tpu.wait_dma2 semaphore(%dma_wait3A_874 : memref<!tpu.dma_semaphore, #tpu.memory_space<semaphore_mem>>) src(%dma_wait3A_880 : memref<48x128xf32, #tpu.memory_space<vmem>>) dst(%dma_wait3A_876 : memref<48x128xf32, #tpu.memory_space<hbm>>)
    %dma_start3A_881 = arith.constant 1 : i32
    %dma_start3A_882 = arith.constant 1 : i32
    %dma_start3A_883 = arith.constant 0 : i32
    %dma_start3A_884 = arith.constant 0 : i32
    %dma_start3A_885 = tpu.memref_slice %arg5[%dma_start3A_881, %dma_start3A_883, %dma_start3A_884] : memref<4x48x128xf32, #tpu.memory_space<vmem>> -> memref<1x48x128xf32, #tpu.memory_space<vmem>>
    %dma_start3A_886 = tpu.memref_squeeze %dma_start3A_885 : memref<1x48x128xf32, #tpu.memory_space<vmem>> -> memref<48x128xf32, #tpu.memory_space<vmem>>
    %dma_start3A_887 = arith.constant 0 : i32
    %dma_start3A_888 = tpu.memref_slice %arg3[%add3A_56, %dma_start3A_887] : memref<196608x128xf32, #tpu.memory_space<hbm>> -> memref<48x128xf32, #tpu.memory_space<hbm>>
    %dma_start3A_889 = tpu.memref_slice %arg6[%dma_start3A_882] : memref<4x!tpu.dma_semaphore, #tpu.memory_space<semaphore_mem>> -> memref<1x!tpu.dma_semaphore, #tpu.memory_space<semaphore_mem>>
    %dma_start3A_890 = tpu.memref_squeeze %dma_start3A_889 : memref<1x!tpu.dma_semaphore, #tpu.memory_space<semaphore_mem>> -> memref<!tpu.dma_semaphore, #tpu.memory_space<semaphore_mem>>
    %dma_start3A_891 = arith.constant 0 : i32
    %dma_start3A_892 = arith.constant 0 : i32
    %dma_start3A_893 = tpu.memref_slice %arg5[%dma_start3A_881, %dma_start3A_891, %dma_start3A_892] : memref<4x48x128xf32, #tpu.memory_space<vmem>> -> memref<1x48x128xf32, #tpu.memory_space<vmem>>
    %dma_start3A_894 = tpu.memref_squeeze %dma_start3A_893 : memref<1x48x128xf32, #tpu.memory_space<vmem>> -> memref<48x128xf32, #tpu.memory_space<vmem>>
    %dma_start3A_895 = arith.constant 0 : i32
    %dma_start3A_896 = tpu.memref_slice %arg3[%add3A_56, %dma_start3A_895] : memref<196608x128xf32, #tpu.memory_space<hbm>> -> memref<48x128xf32, #tpu.memory_space<hbm>>
    tpu.enqueue_dma source(%dma_start3A_896 : memref<48x128xf32, #tpu.memory_space<hbm>>) target(%dma_start3A_894 : memref<48x128xf32, #tpu.memory_space<vmem>>) target_semaphore(%dma_start3A_890 : memref<!tpu.dma_semaphore, #tpu.memory_space<semaphore_mem>>)
    %dma_wait3A_897 = arith.constant 0 : i32
    %dma_wait3A_898 = arith.constant 0 : i32
    %dma_wait3A_899 = arith.constant 0 : i32
    %dma_wait3A_900 = arith.constant 0 : i32
    %dma_wait3A_901 = tpu.memref_slice %arg5[%dma_wait3A_897, %dma_wait3A_899, %dma_wait3A_900] : memref<4x48x128xf32, #tpu.memory_space<vmem>> -> memref<1x48x128xf32, #tpu.memory_space<vmem>>
    %dma_wait3A_902 = tpu.memref_squeeze %dma_wait3A_901 : memref<1x48x128xf32, #tpu.memory_space<vmem>> -> memref<48x128xf32, #tpu.memory_space<vmem>>
    %dma_wait3A_903 = arith.constant 0 : i32
    %dma_wait3A_904 = tpu.memref_slice %arg3[%add3A_52, %dma_wait3A_903] : memref<196608x128xf32, #tpu.memory_space<hbm>> -> memref<48x128xf32, #tpu.memory_space<hbm>>
    %dma_wait3A_905 = tpu.memref_slice %arg6[%dma_wait3A_898] : memref<4x!tpu.dma_semaphore, #tpu.memory_space<semaphore_mem>> -> memref<1x!tpu.dma_semaphore, #tpu.memory_space<semaphore_mem>>
    %dma_wait3A_906 = tpu.memref_squeeze %dma_wait3A_905 : memref<1x!tpu.dma_semaphore, #tpu.memory_space<semaphore_mem>> -> memref<!tpu.dma_semaphore, #tpu.memory_space<semaphore_mem>>
    %dma_wait3A_907 = arith.constant 0 : i32
    %dma_wait3A_908 = arith.constant 0 : i32
    %dma_wait3A_909 = tpu.memref_slice %arg5[%dma_wait3A_897, %dma_wait3A_907, %dma_wait3A_908] : memref<4x48x128xf32, #tpu.memory_space<vmem>> -> memref<1x48x128xf32, #tpu.memory_space<vmem>>
    %dma_wait3A_910 = tpu.memref_squeeze %dma_wait3A_909 : memref<1x48x128xf32, #tpu.memory_space<vmem>> -> memref<48x128xf32, #tpu.memory_space<vmem>>
    %dma_wait3A_911 = arith.constant 0 : i32
    %dma_wait3A_912 = tpu.memref_slice %arg3[%add3A_52, %dma_wait3A_911] : memref<196608x128xf32, #tpu.memory_space<hbm>> -> memref<48x128xf32, #tpu.memory_space<hbm>>
    tpu.wait_dma2 semaphore(%dma_wait3A_906 : memref<!tpu.dma_semaphore, #tpu.memory_space<semaphore_mem>>) src(%dma_wait3A_912 : memref<48x128xf32, #tpu.memory_space<hbm>>) dst(%dma_wait3A_910 : memref<48x128xf32, #tpu.memory_space<vmem>>)
    %dma_start3A_913 = arith.constant 0 : i32
    %dma_start3A_914 = arith.constant 0 : i32
    %dma_start3A_915 = arith.constant 0 : i32
    %dma_start3A_916 = arith.constant 0 : i32
    %dma_start3A_917 = tpu.memref_slice %arg5[%dma_start3A_913, %dma_start3A_915, %dma_start3A_916] : memref<4x48x128xf32, #tpu.memory_space<vmem>> -> memref<1x48x128xf32, #tpu.memory_space<vmem>>
    %dma_start3A_918 = tpu.memref_squeeze %dma_start3A_917 : memref<1x48x128xf32, #tpu.memory_space<vmem>> -> memref<48x128xf32, #tpu.memory_space<vmem>>
    %dma_start3A_919 = arith.constant 0 : i32
    %dma_start3A_920 = tpu.memref_slice %arg4[%add3A_54, %dma_start3A_919] : memref<49152x128xf32, #tpu.memory_space<hbm>> -> memref<48x128xf32, #tpu.memory_space<hbm>>
    %dma_start3A_921 = tpu.memref_slice %arg7[%dma_start3A_914] : memref<4x!tpu.dma_semaphore, #tpu.memory_space<semaphore_mem>> -> memref<1x!tpu.dma_semaphore, #tpu.memory_space<semaphore_mem>>
    %dma_start3A_922 = tpu.memref_squeeze %dma_start3A_921 : memref<1x!tpu.dma_semaphore, #tpu.memory_space<semaphore_mem>> -> memref<!tpu.dma_semaphore, #tpu.memory_space<semaphore_mem>>
    %dma_start3A_923 = arith.constant 0 : i32
    %dma_start3A_924 = tpu.memref_slice %arg4[%add3A_54, %dma_start3A_923] : memref<49152x128xf32, #tpu.memory_space<hbm>> -> memref<48x128xf32, #tpu.memory_space<hbm>>
    %dma_start3A_925 = arith.constant 0 : i32
    %dma_start3A_926 = arith.constant 0 : i32
    %dma_start3A_927 = tpu.memref_slice %arg5[%dma_start3A_913, %dma_start3A_925, %dma_start3A_926] : memref<4x48x128xf32, #tpu.memory_space<vmem>> -> memref<1x48x128xf32, #tpu.memory_space<vmem>>
    %dma_start3A_928 = tpu.memref_squeeze %dma_start3A_927 : memref<1x48x128xf32, #tpu.memory_space<vmem>> -> memref<48x128xf32, #tpu.memory_space<vmem>>
    tpu.enqueue_dma source(%dma_start3A_928 : memref<48x128xf32, #tpu.memory_space<vmem>>) target(%dma_start3A_924 : memref<48x128xf32, #tpu.memory_space<hbm>>) target_semaphore(%dma_start3A_922 : memref<!tpu.dma_semaphore, #tpu.memory_space<semaphore_mem>>)
    %dma_wait3A_929 = arith.constant 2 : i32
    %dma_wait3A_930 = arith.constant 2 : i32
    %dma_wait3A_931 = arith.constant 0 : i32
    %dma_wait3A_932 = arith.constant 0 : i32
    %dma_wait3A_933 = tpu.memref_slice %arg5[%dma_wait3A_929, %dma_wait3A_931, %dma_wait3A_932] : memref<4x48x128xf32, #tpu.memory_space<vmem>> -> memref<1x48x128xf32, #tpu.memory_space<vmem>>
    %dma_wait3A_934 = tpu.memref_squeeze %dma_wait3A_933 : memref<1x48x128xf32, #tpu.memory_space<vmem>> -> memref<48x128xf32, #tpu.memory_space<vmem>>
    %dma_wait3A_935 = arith.constant 0 : i32
    %dma_wait3A_936 = tpu.memref_slice %arg4[%add3A_46, %dma_wait3A_935] : memref<49152x128xf32, #tpu.memory_space<hbm>> -> memref<48x128xf32, #tpu.memory_space<hbm>>
    %dma_wait3A_937 = tpu.memref_slice %arg7[%dma_wait3A_930] : memref<4x!tpu.dma_semaphore, #tpu.memory_space<semaphore_mem>> -> memref<1x!tpu.dma_semaphore, #tpu.memory_space<semaphore_mem>>
    %dma_wait3A_938 = tpu.memref_squeeze %dma_wait3A_937 : memref<1x!tpu.dma_semaphore, #tpu.memory_space<semaphore_mem>> -> memref<!tpu.dma_semaphore, #tpu.memory_space<semaphore_mem>>
    %dma_wait3A_939 = arith.constant 0 : i32
    %dma_wait3A_940 = tpu.memref_slice %arg4[%add3A_46, %dma_wait3A_939] : memref<49152x128xf32, #tpu.memory_space<hbm>> -> memref<48x128xf32, #tpu.memory_space<hbm>>
    %dma_wait3A_941 = arith.constant 0 : i32
    %dma_wait3A_942 = arith.constant 0 : i32
    %dma_wait3A_943 = tpu.memref_slice %arg5[%dma_wait3A_929, %dma_wait3A_941, %dma_wait3A_942] : memref<4x48x128xf32, #tpu.memory_space<vmem>> -> memref<1x48x128xf32, #tpu.memory_space<vmem>>
    %dma_wait3A_944 = tpu.memref_squeeze %dma_wait3A_943 : memref<1x48x128xf32, #tpu.memory_space<vmem>> -> memref<48x128xf32, #tpu.memory_space<vmem>>
    tpu.wait_dma2 semaphore(%dma_wait3A_938 : memref<!tpu.dma_semaphore, #tpu.memory_space<semaphore_mem>>) src(%dma_wait3A_944 : memref<48x128xf32, #tpu.memory_space<vmem>>) dst(%dma_wait3A_940 : memref<48x128xf32, #tpu.memory_space<hbm>>)
    %dma_start3A_945 = arith.constant 2 : i32
    %dma_start3A_946 = arith.constant 2 : i32
    %dma_start3A_947 = arith.constant 0 : i32
    %dma_start3A_948 = arith.constant 0 : i32
    %dma_start3A_949 = tpu.memref_slice %arg5[%dma_start3A_945, %dma_start3A_947, %dma_start3A_948] : memref<4x48x128xf32, #tpu.memory_space<vmem>> -> memref<1x48x128xf32, #tpu.memory_space<vmem>>
    %dma_start3A_950 = tpu.memref_squeeze %dma_start3A_949 : memref<1x48x128xf32, #tpu.memory_space<vmem>> -> memref<48x128xf32, #tpu.memory_space<vmem>>
    %dma_start3A_951 = arith.constant 0 : i32
    %dma_start3A_952 = tpu.memref_slice %arg2[%add3A_60, %dma_start3A_951] : memref<49152x128xf32, #tpu.memory_space<hbm>> -> memref<48x128xf32, #tpu.memory_space<hbm>>
    %dma_start3A_953 = tpu.memref_slice %arg6[%dma_start3A_946] : memref<4x!tpu.dma_semaphore, #tpu.memory_space<semaphore_mem>> -> memref<1x!tpu.dma_semaphore, #tpu.memory_space<semaphore_mem>>
    %dma_start3A_954 = tpu.memref_squeeze %dma_start3A_953 : memref<1x!tpu.dma_semaphore, #tpu.memory_space<semaphore_mem>> -> memref<!tpu.dma_semaphore, #tpu.memory_space<semaphore_mem>>
    %dma_start3A_955 = arith.constant 0 : i32
    %dma_start3A_956 = arith.constant 0 : i32
    %dma_start3A_957 = tpu.memref_slice %arg5[%dma_start3A_945, %dma_start3A_955, %dma_start3A_956] : memref<4x48x128xf32, #tpu.memory_space<vmem>> -> memref<1x48x128xf32, #tpu.memory_space<vmem>>
    %dma_start3A_958 = tpu.memref_squeeze %dma_start3A_957 : memref<1x48x128xf32, #tpu.memory_space<vmem>> -> memref<48x128xf32, #tpu.memory_space<vmem>>
    %dma_start3A_959 = arith.constant 0 : i32
    %dma_start3A_960 = tpu.memref_slice %arg2[%add3A_60, %dma_start3A_959] : memref<49152x128xf32, #tpu.memory_space<hbm>> -> memref<48x128xf32, #tpu.memory_space<hbm>>
    tpu.enqueue_dma source(%dma_start3A_960 : memref<48x128xf32, #tpu.memory_space<hbm>>) target(%dma_start3A_958 : memref<48x128xf32, #tpu.memory_space<vmem>>) target_semaphore(%dma_start3A_954 : memref<!tpu.dma_semaphore, #tpu.memory_space<semaphore_mem>>)
    %dma_wait3A_961 = arith.constant 1 : i32
    %dma_wait3A_962 = arith.constant 1 : i32
    %dma_wait3A_963 = arith.constant 0 : i32
    %dma_wait3A_964 = arith.constant 0 : i32
    %dma_wait3A_965 = tpu.memref_slice %arg5[%dma_wait3A_961, %dma_wait3A_963, %dma_wait3A_964] : memref<4x48x128xf32, #tpu.memory_space<vmem>> -> memref<1x48x128xf32, #tpu.memory_space<vmem>>
    %dma_wait3A_966 = tpu.memref_squeeze %dma_wait3A_965 : memref<1x48x128xf32, #tpu.memory_space<vmem>> -> memref<48x128xf32, #tpu.memory_space<vmem>>
    %dma_wait3A_967 = arith.constant 0 : i32
    %dma_wait3A_968 = tpu.memref_slice %arg3[%add3A_56, %dma_wait3A_967] : memref<196608x128xf32, #tpu.memory_space<hbm>> -> memref<48x128xf32, #tpu.memory_space<hbm>>
    %dma_wait3A_969 = tpu.memref_slice %arg6[%dma_wait3A_962] : memref<4x!tpu.dma_semaphore, #tpu.memory_space<semaphore_mem>> -> memref<1x!tpu.dma_semaphore, #tpu.memory_space<semaphore_mem>>
    %dma_wait3A_970 = tpu.memref_squeeze %dma_wait3A_969 : memref<1x!tpu.dma_semaphore, #tpu.memory_space<semaphore_mem>> -> memref<!tpu.dma_semaphore, #tpu.memory_space<semaphore_mem>>
    %dma_wait3A_971 = arith.constant 0 : i32
    %dma_wait3A_972 = arith.constant 0 : i32
    %dma_wait3A_973 = tpu.memref_slice %arg5[%dma_wait3A_961, %dma_wait3A_971, %dma_wait3A_972] : memref<4x48x128xf32, #tpu.memory_space<vmem>> -> memref<1x48x128xf32, #tpu.memory_space<vmem>>
    %dma_wait3A_974 = tpu.memref_squeeze %dma_wait3A_973 : memref<1x48x128xf32, #tpu.memory_space<vmem>> -> memref<48x128xf32, #tpu.memory_space<vmem>>
    %dma_wait3A_975 = arith.constant 0 : i32
    %dma_wait3A_976 = tpu.memref_slice %arg3[%add3A_56, %dma_wait3A_975] : memref<196608x128xf32, #tpu.memory_space<hbm>> -> memref<48x128xf32, #tpu.memory_space<hbm>>
    tpu.wait_dma2 semaphore(%dma_wait3A_970 : memref<!tpu.dma_semaphore, #tpu.memory_space<semaphore_mem>>) src(%dma_wait3A_976 : memref<48x128xf32, #tpu.memory_space<hbm>>) dst(%dma_wait3A_974 : memref<48x128xf32, #tpu.memory_space<vmem>>)
    %dma_start3A_977 = arith.constant 1 : i32
    %dma_start3A_978 = arith.constant 1 : i32
    %dma_start3A_979 = arith.constant 0 : i32
    %dma_start3A_980 = arith.constant 0 : i32
    %dma_start3A_981 = tpu.memref_slice %arg5[%dma_start3A_977, %dma_start3A_979, %dma_start3A_980] : memref<4x48x128xf32, #tpu.memory_space<vmem>> -> memref<1x48x128xf32, #tpu.memory_space<vmem>>
    %dma_start3A_982 = tpu.memref_squeeze %dma_start3A_981 : memref<1x48x128xf32, #tpu.memory_space<vmem>> -> memref<48x128xf32, #tpu.memory_space<vmem>>
    %dma_start3A_983 = arith.constant 0 : i32
    %dma_start3A_984 = tpu.memref_slice %arg4[%add3A_58, %dma_start3A_983] : memref<49152x128xf32, #tpu.memory_space<hbm>> -> memref<48x128xf32, #tpu.memory_space<hbm>>
    %dma_start3A_985 = tpu.memref_slice %arg7[%dma_start3A_978] : memref<4x!tpu.dma_semaphore, #tpu.memory_space<semaphore_mem>> -> memref<1x!tpu.dma_semaphore, #tpu.memory_space<semaphore_mem>>
    %dma_start3A_986 = tpu.memref_squeeze %dma_start3A_985 : memref<1x!tpu.dma_semaphore, #tpu.memory_space<semaphore_mem>> -> memref<!tpu.dma_semaphore, #tpu.memory_space<semaphore_mem>>
    %dma_start3A_987 = arith.constant 0 : i32
    %dma_start3A_988 = tpu.memref_slice %arg4[%add3A_58, %dma_start3A_987] : memref<49152x128xf32, #tpu.memory_space<hbm>> -> memref<48x128xf32, #tpu.memory_space<hbm>>
    %dma_start3A_989 = arith.constant 0 : i32
    %dma_start3A_990 = arith.constant 0 : i32
    %dma_start3A_991 = tpu.memref_slice %arg5[%dma_start3A_977, %dma_start3A_989, %dma_start3A_990] : memref<4x48x128xf32, #tpu.memory_space<vmem>> -> memref<1x48x128xf32, #tpu.memory_space<vmem>>
    %dma_start3A_992 = tpu.memref_squeeze %dma_start3A_991 : memref<1x48x128xf32, #tpu.memory_space<vmem>> -> memref<48x128xf32, #tpu.memory_space<vmem>>
    tpu.enqueue_dma source(%dma_start3A_992 : memref<48x128xf32, #tpu.memory_space<vmem>>) target(%dma_start3A_988 : memref<48x128xf32, #tpu.memory_space<hbm>>) target_semaphore(%dma_start3A_986 : memref<!tpu.dma_semaphore, #tpu.memory_space<semaphore_mem>>)
    %dma_wait3A_993 = arith.constant 3 : i32
    %dma_wait3A_994 = arith.constant 3 : i32
    %dma_wait3A_995 = arith.constant 0 : i32
    %dma_wait3A_996 = arith.constant 0 : i32
    %dma_wait3A_997 = tpu.memref_slice %arg5[%dma_wait3A_993, %dma_wait3A_995, %dma_wait3A_996] : memref<4x48x128xf32, #tpu.memory_space<vmem>> -> memref<1x48x128xf32, #tpu.memory_space<vmem>>
    %dma_wait3A_998 = tpu.memref_squeeze %dma_wait3A_997 : memref<1x48x128xf32, #tpu.memory_space<vmem>> -> memref<48x128xf32, #tpu.memory_space<vmem>>
    %dma_wait3A_999 = arith.constant 0 : i32
    %dma_wait3A_1000 = tpu.memref_slice %arg4[%add3A_50, %dma_wait3A_999] : memref<49152x128xf32, #tpu.memory_space<hbm>> -> memref<48x128xf32, #tpu.memory_space<hbm>>
    %dma_wait3A_1001 = tpu.memref_slice %arg7[%dma_wait3A_994] : memref<4x!tpu.dma_semaphore, #tpu.memory_space<semaphore_mem>> -> memref<1x!tpu.dma_semaphore, #tpu.memory_space<semaphore_mem>>
    %dma_wait3A_1002 = tpu.memref_squeeze %dma_wait3A_1001 : memref<1x!tpu.dma_semaphore, #tpu.memory_space<semaphore_mem>> -> memref<!tpu.dma_semaphore, #tpu.memory_space<semaphore_mem>>
    %dma_wait3A_1003 = arith.constant 0 : i32
    %dma_wait3A_1004 = tpu.memref_slice %arg4[%add3A_50, %dma_wait3A_1003] : memref<49152x128xf32, #tpu.memory_space<hbm>> -> memref<48x128xf32, #tpu.memory_space<hbm>>
    %dma_wait3A_1005 = arith.constant 0 : i32
    %dma_wait3A_1006 = arith.constant 0 : i32
    %dma_wait3A_1007 = tpu.memref_slice %arg5[%dma_wait3A_993, %dma_wait3A_1005, %dma_wait3A_1006] : memref<4x48x128xf32, #tpu.memory_space<vmem>> -> memref<1x48x128xf32, #tpu.memory_space<vmem>>
    %dma_wait3A_1008 = tpu.memref_squeeze %dma_wait3A_1007 : memref<1x48x128xf32, #tpu.memory_space<vmem>> -> memref<48x128xf32, #tpu.memory_space<vmem>>
    tpu.wait_dma2 semaphore(%dma_wait3A_1002 : memref<!tpu.dma_semaphore, #tpu.memory_space<semaphore_mem>>) src(%dma_wait3A_1008 : memref<48x128xf32, #tpu.memory_space<vmem>>) dst(%dma_wait3A_1004 : memref<48x128xf32, #tpu.memory_space<hbm>>)
    %dma_start3A_1009 = arith.constant 3 : i32
    %dma_start3A_1010 = arith.constant 3 : i32
    %dma_start3A_1011 = arith.constant 0 : i32
    %dma_start3A_1012 = arith.constant 0 : i32
    %dma_start3A_1013 = tpu.memref_slice %arg5[%dma_start3A_1009, %dma_start3A_1011, %dma_start3A_1012] : memref<4x48x128xf32, #tpu.memory_space<vmem>> -> memref<1x48x128xf32, #tpu.memory_space<vmem>>
    %dma_start3A_1014 = tpu.memref_squeeze %dma_start3A_1013 : memref<1x48x128xf32, #tpu.memory_space<vmem>> -> memref<48x128xf32, #tpu.memory_space<vmem>>
    %dma_start3A_1015 = arith.constant 0 : i32
    %dma_start3A_1016 = tpu.memref_slice %arg2[%add3A_64, %dma_start3A_1015] : memref<49152x128xf32, #tpu.memory_space<hbm>> -> memref<48x128xf32, #tpu.memory_space<hbm>>
    %dma_start3A_1017 = tpu.memref_slice %arg6[%dma_start3A_1010] : memref<4x!tpu.dma_semaphore, #tpu.memory_space<semaphore_mem>> -> memref<1x!tpu.dma_semaphore, #tpu.memory_space<semaphore_mem>>
    %dma_start3A_1018 = tpu.memref_squeeze %dma_start3A_1017 : memref<1x!tpu.dma_semaphore, #tpu.memory_space<semaphore_mem>> -> memref<!tpu.dma_semaphore, #tpu.memory_space<semaphore_mem>>
    %dma_start3A_1019 = arith.constant 0 : i32
    %dma_start3A_1020 = arith.constant 0 : i32
    %dma_start3A_1021 = tpu.memref_slice %arg5[%dma_start3A_1009, %dma_start3A_1019, %dma_start3A_1020] : memref<4x48x128xf32, #tpu.memory_space<vmem>> -> memref<1x48x128xf32, #tpu.memory_space<vmem>>
    %dma_start3A_1022 = tpu.memref_squeeze %dma_start3A_1021 : memref<1x48x128xf32, #tpu.memory_space<vmem>> -> memref<48x128xf32, #tpu.memory_space<vmem>>
    %dma_start3A_1023 = arith.constant 0 : i32
    %dma_start3A_1024 = tpu.memref_slice %arg2[%add3A_64, %dma_start3A_1023] : memref<49152x128xf32, #tpu.memory_space<hbm>> -> memref<48x128xf32, #tpu.memory_space<hbm>>
    tpu.enqueue_dma source(%dma_start3A_1024 : memref<48x128xf32, #tpu.memory_space<hbm>>) target(%dma_start3A_1022 : memref<48x128xf32, #tpu.memory_space<vmem>>) target_semaphore(%dma_start3A_1018 : memref<!tpu.dma_semaphore, #tpu.memory_space<semaphore_mem>>)
    %dma_wait3A_1025 = arith.constant 2 : i32
    %dma_wait3A_1026 = arith.constant 2 : i32
    %dma_wait3A_1027 = arith.constant 0 : i32
    %dma_wait3A_1028 = arith.constant 0 : i32
    %dma_wait3A_1029 = tpu.memref_slice %arg5[%dma_wait3A_1025, %dma_wait3A_1027, %dma_wait3A_1028] : memref<4x48x128xf32, #tpu.memory_space<vmem>> -> memref<1x48x128xf32, #tpu.memory_space<vmem>>
    %dma_wait3A_1030 = tpu.memref_squeeze %dma_wait3A_1029 : memref<1x48x128xf32, #tpu.memory_space<vmem>> -> memref<48x128xf32, #tpu.memory_space<vmem>>
    %dma_wait3A_1031 = arith.constant 0 : i32
    %dma_wait3A_1032 = tpu.memref_slice %arg2[%add3A_60, %dma_wait3A_1031] : memref<49152x128xf32, #tpu.memory_space<hbm>> -> memref<48x128xf32, #tpu.memory_space<hbm>>
    %dma_wait3A_1033 = tpu.memref_slice %arg6[%dma_wait3A_1026] : memref<4x!tpu.dma_semaphore, #tpu.memory_space<semaphore_mem>> -> memref<1x!tpu.dma_semaphore, #tpu.memory_space<semaphore_mem>>
    %dma_wait3A_1034 = tpu.memref_squeeze %dma_wait3A_1033 : memref<1x!tpu.dma_semaphore, #tpu.memory_space<semaphore_mem>> -> memref<!tpu.dma_semaphore, #tpu.memory_space<semaphore_mem>>
    %dma_wait3A_1035 = arith.constant 0 : i32
    %dma_wait3A_1036 = arith.constant 0 : i32
    %dma_wait3A_1037 = tpu.memref_slice %arg5[%dma_wait3A_1025, %dma_wait3A_1035, %dma_wait3A_1036] : memref<4x48x128xf32, #tpu.memory_space<vmem>> -> memref<1x48x128xf32, #tpu.memory_space<vmem>>
    %dma_wait3A_1038 = tpu.memref_squeeze %dma_wait3A_1037 : memref<1x48x128xf32, #tpu.memory_space<vmem>> -> memref<48x128xf32, #tpu.memory_space<vmem>>
    %dma_wait3A_1039 = arith.constant 0 : i32
    %dma_wait3A_1040 = tpu.memref_slice %arg2[%add3A_60, %dma_wait3A_1039] : memref<49152x128xf32, #tpu.memory_space<hbm>> -> memref<48x128xf32, #tpu.memory_space<hbm>>
    tpu.wait_dma2 semaphore(%dma_wait3A_1034 : memref<!tpu.dma_semaphore, #tpu.memory_space<semaphore_mem>>) src(%dma_wait3A_1040 : memref<48x128xf32, #tpu.memory_space<hbm>>) dst(%dma_wait3A_1038 : memref<48x128xf32, #tpu.memory_space<vmem>>)
    %dma_start3A_1041 = arith.constant 2 : i32
    %dma_start3A_1042 = arith.constant 2 : i32
    %dma_start3A_1043 = arith.constant 0 : i32
    %dma_start3A_1044 = arith.constant 0 : i32
    %dma_start3A_1045 = tpu.memref_slice %arg5[%dma_start3A_1041, %dma_start3A_1043, %dma_start3A_1044] : memref<4x48x128xf32, #tpu.memory_space<vmem>> -> memref<1x48x128xf32, #tpu.memory_space<vmem>>
    %dma_start3A_1046 = tpu.memref_squeeze %dma_start3A_1045 : memref<1x48x128xf32, #tpu.memory_space<vmem>> -> memref<48x128xf32, #tpu.memory_space<vmem>>
    %dma_start3A_1047 = arith.constant 0 : i32
    %dma_start3A_1048 = tpu.memref_slice %arg4[%add3A_62, %dma_start3A_1047] : memref<49152x128xf32, #tpu.memory_space<hbm>> -> memref<48x128xf32, #tpu.memory_space<hbm>>
    %dma_start3A_1049 = tpu.memref_slice %arg7[%dma_start3A_1042] : memref<4x!tpu.dma_semaphore, #tpu.memory_space<semaphore_mem>> -> memref<1x!tpu.dma_semaphore, #tpu.memory_space<semaphore_mem>>
    %dma_start3A_1050 = tpu.memref_squeeze %dma_start3A_1049 : memref<1x!tpu.dma_semaphore, #tpu.memory_space<semaphore_mem>> -> memref<!tpu.dma_semaphore, #tpu.memory_space<semaphore_mem>>
    %dma_start3A_1051 = arith.constant 0 : i32
    %dma_start3A_1052 = tpu.memref_slice %arg4[%add3A_62, %dma_start3A_1051] : memref<49152x128xf32, #tpu.memory_space<hbm>> -> memref<48x128xf32, #tpu.memory_space<hbm>>
    %dma_start3A_1053 = arith.constant 0 : i32
    %dma_start3A_1054 = arith.constant 0 : i32
    %dma_start3A_1055 = tpu.memref_slice %arg5[%dma_start3A_1041, %dma_start3A_1053, %dma_start3A_1054] : memref<4x48x128xf32, #tpu.memory_space<vmem>> -> memref<1x48x128xf32, #tpu.memory_space<vmem>>
    %dma_start3A_1056 = tpu.memref_squeeze %dma_start3A_1055 : memref<1x48x128xf32, #tpu.memory_space<vmem>> -> memref<48x128xf32, #tpu.memory_space<vmem>>
    tpu.enqueue_dma source(%dma_start3A_1056 : memref<48x128xf32, #tpu.memory_space<vmem>>) target(%dma_start3A_1052 : memref<48x128xf32, #tpu.memory_space<hbm>>) target_semaphore(%dma_start3A_1050 : memref<!tpu.dma_semaphore, #tpu.memory_space<semaphore_mem>>)
    %dma_wait3A_1057 = arith.constant 0 : i32
    %dma_wait3A_1058 = arith.constant 0 : i32
    %dma_wait3A_1059 = arith.constant 0 : i32
    %dma_wait3A_1060 = arith.constant 0 : i32
    %dma_wait3A_1061 = tpu.memref_slice %arg5[%dma_wait3A_1057, %dma_wait3A_1059, %dma_wait3A_1060] : memref<4x48x128xf32, #tpu.memory_space<vmem>> -> memref<1x48x128xf32, #tpu.memory_space<vmem>>
    %dma_wait3A_1062 = tpu.memref_squeeze %dma_wait3A_1061 : memref<1x48x128xf32, #tpu.memory_space<vmem>> -> memref<48x128xf32, #tpu.memory_space<vmem>>
    %dma_wait3A_1063 = arith.constant 0 : i32
    %dma_wait3A_1064 = tpu.memref_slice %arg4[%add3A_54, %dma_wait3A_1063] : memref<49152x128xf32, #tpu.memory_space<hbm>> -> memref<48x128xf32, #tpu.memory_space<hbm>>
    %dma_wait3A_1065 = tpu.memref_slice %arg7[%dma_wait3A_1058] : memref<4x!tpu.dma_semaphore, #tpu.memory_space<semaphore_mem>> -> memref<1x!tpu.dma_semaphore, #tpu.memory_space<semaphore_mem>>
    %dma_wait3A_1066 = tpu.memref_squeeze %dma_wait3A_1065 : memref<1x!tpu.dma_semaphore, #tpu.memory_space<semaphore_mem>> -> memref<!tpu.dma_semaphore, #tpu.memory_space<semaphore_mem>>
    %dma_wait3A_1067 = arith.constant 0 : i32
    %dma_wait3A_1068 = tpu.memref_slice %arg4[%add3A_54, %dma_wait3A_1067] : memref<49152x128xf32, #tpu.memory_space<hbm>> -> memref<48x128xf32, #tpu.memory_space<hbm>>
    %dma_wait3A_1069 = arith.constant 0 : i32
    %dma_wait3A_1070 = arith.constant 0 : i32
    %dma_wait3A_1071 = tpu.memref_slice %arg5[%dma_wait3A_1057, %dma_wait3A_1069, %dma_wait3A_1070] : memref<4x48x128xf32, #tpu.memory_space<vmem>> -> memref<1x48x128xf32, #tpu.memory_space<vmem>>
    %dma_wait3A_1072 = tpu.memref_squeeze %dma_wait3A_1071 : memref<1x48x128xf32, #tpu.memory_space<vmem>> -> memref<48x128xf32, #tpu.memory_space<vmem>>
    tpu.wait_dma2 semaphore(%dma_wait3A_1066 : memref<!tpu.dma_semaphore, #tpu.memory_space<semaphore_mem>>) src(%dma_wait3A_1072 : memref<48x128xf32, #tpu.memory_space<vmem>>) dst(%dma_wait3A_1068 : memref<48x128xf32, #tpu.memory_space<hbm>>)
    %dma_start3A_1073 = arith.constant 0 : i32
    %dma_start3A_1074 = arith.constant 0 : i32
    %dma_start3A_1075 = arith.constant 0 : i32
    %dma_start3A_1076 = arith.constant 0 : i32
    %dma_start3A_1077 = tpu.memref_slice %arg5[%dma_start3A_1073, %dma_start3A_1075, %dma_start3A_1076] : memref<4x48x128xf32, #tpu.memory_space<vmem>> -> memref<1x48x128xf32, #tpu.memory_space<vmem>>
    %dma_start3A_1078 = tpu.memref_squeeze %dma_start3A_1077 : memref<1x48x128xf32, #tpu.memory_space<vmem>> -> memref<48x128xf32, #tpu.memory_space<vmem>>
    %dma_start3A_1079 = arith.constant 0 : i32
    %dma_start3A_1080 = tpu.memref_slice %arg3[%add3A_68, %dma_start3A_1079] : memref<196608x128xf32, #tpu.memory_space<hbm>> -> memref<48x128xf32, #tpu.memory_space<hbm>>
    %dma_start3A_1081 = tpu.memref_slice %arg6[%dma_start3A_1074] : memref<4x!tpu.dma_semaphore, #tpu.memory_space<semaphore_mem>> -> memref<1x!tpu.dma_semaphore, #tpu.memory_space<semaphore_mem>>
    %dma_start3A_1082 = tpu.memref_squeeze %dma_start3A_1081 : memref<1x!tpu.dma_semaphore, #tpu.memory_space<semaphore_mem>> -> memref<!tpu.dma_semaphore, #tpu.memory_space<semaphore_mem>>
    %dma_start3A_1083 = arith.constant 0 : i32
    %dma_start3A_1084 = arith.constant 0 : i32
    %dma_start3A_1085 = tpu.memref_slice %arg5[%dma_start3A_1073, %dma_start3A_1083, %dma_start3A_1084] : memref<4x48x128xf32, #tpu.memory_space<vmem>> -> memref<1x48x128xf32, #tpu.memory_space<vmem>>
    %dma_start3A_1086 = tpu.memref_squeeze %dma_start3A_1085 : memref<1x48x128xf32, #tpu.memory_space<vmem>> -> memref<48x128xf32, #tpu.memory_space<vmem>>
    %dma_start3A_1087 = arith.constant 0 : i32
    %dma_start3A_1088 = tpu.memref_slice %arg3[%add3A_68, %dma_start3A_1087] : memref<196608x128xf32, #tpu.memory_space<hbm>> -> memref<48x128xf32, #tpu.memory_space<hbm>>
    tpu.enqueue_dma source(%dma_start3A_1088 : memref<48x128xf32, #tpu.memory_space<hbm>>) target(%dma_start3A_1086 : memref<48x128xf32, #tpu.memory_space<vmem>>) target_semaphore(%dma_start3A_1082 : memref<!tpu.dma_semaphore, #tpu.memory_space<semaphore_mem>>)
    %dma_wait3A_1089 = arith.constant 3 : i32
    %dma_wait3A_1090 = arith.constant 3 : i32
    %dma_wait3A_1091 = arith.constant 0 : i32
    %dma_wait3A_1092 = arith.constant 0 : i32
    %dma_wait3A_1093 = tpu.memref_slice %arg5[%dma_wait3A_1089, %dma_wait3A_1091, %dma_wait3A_1092] : memref<4x48x128xf32, #tpu.memory_space<vmem>> -> memref<1x48x128xf32, #tpu.memory_space<vmem>>
    %dma_wait3A_1094 = tpu.memref_squeeze %dma_wait3A_1093 : memref<1x48x128xf32, #tpu.memory_space<vmem>> -> memref<48x128xf32, #tpu.memory_space<vmem>>
    %dma_wait3A_1095 = arith.constant 0 : i32
    %dma_wait3A_1096 = tpu.memref_slice %arg2[%add3A_64, %dma_wait3A_1095] : memref<49152x128xf32, #tpu.memory_space<hbm>> -> memref<48x128xf32, #tpu.memory_space<hbm>>
    %dma_wait3A_1097 = tpu.memref_slice %arg6[%dma_wait3A_1090] : memref<4x!tpu.dma_semaphore, #tpu.memory_space<semaphore_mem>> -> memref<1x!tpu.dma_semaphore, #tpu.memory_space<semaphore_mem>>
    %dma_wait3A_1098 = tpu.memref_squeeze %dma_wait3A_1097 : memref<1x!tpu.dma_semaphore, #tpu.memory_space<semaphore_mem>> -> memref<!tpu.dma_semaphore, #tpu.memory_space<semaphore_mem>>
    %dma_wait3A_1099 = arith.constant 0 : i32
    %dma_wait3A_1100 = arith.constant 0 : i32
    %dma_wait3A_1101 = tpu.memref_slice %arg5[%dma_wait3A_1089, %dma_wait3A_1099, %dma_wait3A_1100] : memref<4x48x128xf32, #tpu.memory_space<vmem>> -> memref<1x48x128xf32, #tpu.memory_space<vmem>>
    %dma_wait3A_1102 = tpu.memref_squeeze %dma_wait3A_1101 : memref<1x48x128xf32, #tpu.memory_space<vmem>> -> memref<48x128xf32, #tpu.memory_space<vmem>>
    %dma_wait3A_1103 = arith.constant 0 : i32
    %dma_wait3A_1104 = tpu.memref_slice %arg2[%add3A_64, %dma_wait3A_1103] : memref<49152x128xf32, #tpu.memory_space<hbm>> -> memref<48x128xf32, #tpu.memory_space<hbm>>
    tpu.wait_dma2 semaphore(%dma_wait3A_1098 : memref<!tpu.dma_semaphore, #tpu.memory_space<semaphore_mem>>) src(%dma_wait3A_1104 : memref<48x128xf32, #tpu.memory_space<hbm>>) dst(%dma_wait3A_1102 : memref<48x128xf32, #tpu.memory_space<vmem>>)
    %dma_start3A_1105 = arith.constant 3 : i32
    %dma_start3A_1106 = arith.constant 3 : i32
    %dma_start3A_1107 = arith.constant 0 : i32
    %dma_start3A_1108 = arith.constant 0 : i32
    %dma_start3A_1109 = tpu.memref_slice %arg5[%dma_start3A_1105, %dma_start3A_1107, %dma_start3A_1108] : memref<4x48x128xf32, #tpu.memory_space<vmem>> -> memref<1x48x128xf32, #tpu.memory_space<vmem>>
    %dma_start3A_1110 = tpu.memref_squeeze %dma_start3A_1109 : memref<1x48x128xf32, #tpu.memory_space<vmem>> -> memref<48x128xf32, #tpu.memory_space<vmem>>
    %dma_start3A_1111 = arith.constant 0 : i32
    %dma_start3A_1112 = tpu.memref_slice %arg4[%add3A_66, %dma_start3A_1111] : memref<49152x128xf32, #tpu.memory_space<hbm>> -> memref<48x128xf32, #tpu.memory_space<hbm>>
    %dma_start3A_1113 = tpu.memref_slice %arg7[%dma_start3A_1106] : memref<4x!tpu.dma_semaphore, #tpu.memory_space<semaphore_mem>> -> memref<1x!tpu.dma_semaphore, #tpu.memory_space<semaphore_mem>>
    %dma_start3A_1114 = tpu.memref_squeeze %dma_start3A_1113 : memref<1x!tpu.dma_semaphore, #tpu.memory_space<semaphore_mem>> -> memref<!tpu.dma_semaphore, #tpu.memory_space<semaphore_mem>>
    %dma_start3A_1115 = arith.constant 0 : i32
    %dma_start3A_1116 = tpu.memref_slice %arg4[%add3A_66, %dma_start3A_1115] : memref<49152x128xf32, #tpu.memory_space<hbm>> -> memref<48x128xf32, #tpu.memory_space<hbm>>
    %dma_start3A_1117 = arith.constant 0 : i32
    %dma_start3A_1118 = arith.constant 0 : i32
    %dma_start3A_1119 = tpu.memref_slice %arg5[%dma_start3A_1105, %dma_start3A_1117, %dma_start3A_1118] : memref<4x48x128xf32, #tpu.memory_space<vmem>> -> memref<1x48x128xf32, #tpu.memory_space<vmem>>
    %dma_start3A_1120 = tpu.memref_squeeze %dma_start3A_1119 : memref<1x48x128xf32, #tpu.memory_space<vmem>> -> memref<48x128xf32, #tpu.memory_space<vmem>>
    tpu.enqueue_dma source(%dma_start3A_1120 : memref<48x128xf32, #tpu.memory_space<vmem>>) target(%dma_start3A_1116 : memref<48x128xf32, #tpu.memory_space<hbm>>) target_semaphore(%dma_start3A_1114 : memref<!tpu.dma_semaphore, #tpu.memory_space<semaphore_mem>>)
    %dma_wait3A_1121 = arith.constant 1 : i32
    %dma_wait3A_1122 = arith.constant 1 : i32
    %dma_wait3A_1123 = arith.constant 0 : i32
    %dma_wait3A_1124 = arith.constant 0 : i32
    %dma_wait3A_1125 = tpu.memref_slice %arg5[%dma_wait3A_1121, %dma_wait3A_1123, %dma_wait3A_1124] : memref<4x48x128xf32, #tpu.memory_space<vmem>> -> memref<1x48x128xf32, #tpu.memory_space<vmem>>
    %dma_wait3A_1126 = tpu.memref_squeeze %dma_wait3A_1125 : memref<1x48x128xf32, #tpu.memory_space<vmem>> -> memref<48x128xf32, #tpu.memory_space<vmem>>
    %dma_wait3A_1127 = arith.constant 0 : i32
    %dma_wait3A_1128 = tpu.memref_slice %arg4[%add3A_58, %dma_wait3A_1127] : memref<49152x128xf32, #tpu.memory_space<hbm>> -> memref<48x128xf32, #tpu.memory_space<hbm>>
    %dma_wait3A_1129 = tpu.memref_slice %arg7[%dma_wait3A_1122] : memref<4x!tpu.dma_semaphore, #tpu.memory_space<semaphore_mem>> -> memref<1x!tpu.dma_semaphore, #tpu.memory_space<semaphore_mem>>
    %dma_wait3A_1130 = tpu.memref_squeeze %dma_wait3A_1129 : memref<1x!tpu.dma_semaphore, #tpu.memory_space<semaphore_mem>> -> memref<!tpu.dma_semaphore, #tpu.memory_space<semaphore_mem>>
    %dma_wait3A_1131 = arith.constant 0 : i32
    %dma_wait3A_1132 = tpu.memref_slice %arg4[%add3A_58, %dma_wait3A_1131] : memref<49152x128xf32, #tpu.memory_space<hbm>> -> memref<48x128xf32, #tpu.memory_space<hbm>>
    %dma_wait3A_1133 = arith.constant 0 : i32
    %dma_wait3A_1134 = arith.constant 0 : i32
    %dma_wait3A_1135 = tpu.memref_slice %arg5[%dma_wait3A_1121, %dma_wait3A_1133, %dma_wait3A_1134] : memref<4x48x128xf32, #tpu.memory_space<vmem>> -> memref<1x48x128xf32, #tpu.memory_space<vmem>>
    %dma_wait3A_1136 = tpu.memref_squeeze %dma_wait3A_1135 : memref<1x48x128xf32, #tpu.memory_space<vmem>> -> memref<48x128xf32, #tpu.memory_space<vmem>>
    tpu.wait_dma2 semaphore(%dma_wait3A_1130 : memref<!tpu.dma_semaphore, #tpu.memory_space<semaphore_mem>>) src(%dma_wait3A_1136 : memref<48x128xf32, #tpu.memory_space<vmem>>) dst(%dma_wait3A_1132 : memref<48x128xf32, #tpu.memory_space<hbm>>)
    %dma_start3A_1137 = arith.constant 1 : i32
    %dma_start3A_1138 = arith.constant 1 : i32
    %dma_start3A_1139 = arith.constant 0 : i32
    %dma_start3A_1140 = arith.constant 0 : i32
    %dma_start3A_1141 = tpu.memref_slice %arg5[%dma_start3A_1137, %dma_start3A_1139, %dma_start3A_1140] : memref<4x48x128xf32, #tpu.memory_space<vmem>> -> memref<1x48x128xf32, #tpu.memory_space<vmem>>
    %dma_start3A_1142 = tpu.memref_squeeze %dma_start3A_1141 : memref<1x48x128xf32, #tpu.memory_space<vmem>> -> memref<48x128xf32, #tpu.memory_space<vmem>>
    %dma_start3A_1143 = arith.constant 0 : i32
    %dma_start3A_1144 = tpu.memref_slice %arg3[%add3A_72, %dma_start3A_1143] : memref<196608x128xf32, #tpu.memory_space<hbm>> -> memref<48x128xf32, #tpu.memory_space<hbm>>
    %dma_start3A_1145 = tpu.memref_slice %arg6[%dma_start3A_1138] : memref<4x!tpu.dma_semaphore, #tpu.memory_space<semaphore_mem>> -> memref<1x!tpu.dma_semaphore, #tpu.memory_space<semaphore_mem>>
    %dma_start3A_1146 = tpu.memref_squeeze %dma_start3A_1145 : memref<1x!tpu.dma_semaphore, #tpu.memory_space<semaphore_mem>> -> memref<!tpu.dma_semaphore, #tpu.memory_space<semaphore_mem>>
    %dma_start3A_1147 = arith.constant 0 : i32
    %dma_start3A_1148 = arith.constant 0 : i32
    %dma_start3A_1149 = tpu.memref_slice %arg5[%dma_start3A_1137, %dma_start3A_1147, %dma_start3A_1148] : memref<4x48x128xf32, #tpu.memory_space<vmem>> -> memref<1x48x128xf32, #tpu.memory_space<vmem>>
    %dma_start3A_1150 = tpu.memref_squeeze %dma_start3A_1149 : memref<1x48x128xf32, #tpu.memory_space<vmem>> -> memref<48x128xf32, #tpu.memory_space<vmem>>
    %dma_start3A_1151 = arith.constant 0 : i32
    %dma_start3A_1152 = tpu.memref_slice %arg3[%add3A_72, %dma_start3A_1151] : memref<196608x128xf32, #tpu.memory_space<hbm>> -> memref<48x128xf32, #tpu.memory_space<hbm>>
    tpu.enqueue_dma source(%dma_start3A_1152 : memref<48x128xf32, #tpu.memory_space<hbm>>) target(%dma_start3A_1150 : memref<48x128xf32, #tpu.memory_space<vmem>>) target_semaphore(%dma_start3A_1146 : memref<!tpu.dma_semaphore, #tpu.memory_space<semaphore_mem>>)
    %dma_wait3A_1153 = arith.constant 0 : i32
    %dma_wait3A_1154 = arith.constant 0 : i32
    %dma_wait3A_1155 = arith.constant 0 : i32
    %dma_wait3A_1156 = arith.constant 0 : i32
    %dma_wait3A_1157 = tpu.memref_slice %arg5[%dma_wait3A_1153, %dma_wait3A_1155, %dma_wait3A_1156] : memref<4x48x128xf32, #tpu.memory_space<vmem>> -> memref<1x48x128xf32, #tpu.memory_space<vmem>>
    %dma_wait3A_1158 = tpu.memref_squeeze %dma_wait3A_1157 : memref<1x48x128xf32, #tpu.memory_space<vmem>> -> memref<48x128xf32, #tpu.memory_space<vmem>>
    %dma_wait3A_1159 = arith.constant 0 : i32
    %dma_wait3A_1160 = tpu.memref_slice %arg3[%add3A_68, %dma_wait3A_1159] : memref<196608x128xf32, #tpu.memory_space<hbm>> -> memref<48x128xf32, #tpu.memory_space<hbm>>
    %dma_wait3A_1161 = tpu.memref_slice %arg6[%dma_wait3A_1154] : memref<4x!tpu.dma_semaphore, #tpu.memory_space<semaphore_mem>> -> memref<1x!tpu.dma_semaphore, #tpu.memory_space<semaphore_mem>>
    %dma_wait3A_1162 = tpu.memref_squeeze %dma_wait3A_1161 : memref<1x!tpu.dma_semaphore, #tpu.memory_space<semaphore_mem>> -> memref<!tpu.dma_semaphore, #tpu.memory_space<semaphore_mem>>
    %dma_wait3A_1163 = arith.constant 0 : i32
    %dma_wait3A_1164 = arith.constant 0 : i32
    %dma_wait3A_1165 = tpu.memref_slice %arg5[%dma_wait3A_1153, %dma_wait3A_1163, %dma_wait3A_1164] : memref<4x48x128xf32, #tpu.memory_space<vmem>> -> memref<1x48x128xf32, #tpu.memory_space<vmem>>
    %dma_wait3A_1166 = tpu.memref_squeeze %dma_wait3A_1165 : memref<1x48x128xf32, #tpu.memory_space<vmem>> -> memref<48x128xf32, #tpu.memory_space<vmem>>
    %dma_wait3A_1167 = arith.constant 0 : i32
    %dma_wait3A_1168 = tpu.memref_slice %arg3[%add3A_68, %dma_wait3A_1167] : memref<196608x128xf32, #tpu.memory_space<hbm>> -> memref<48x128xf32, #tpu.memory_space<hbm>>
    tpu.wait_dma2 semaphore(%dma_wait3A_1162 : memref<!tpu.dma_semaphore, #tpu.memory_space<semaphore_mem>>) src(%dma_wait3A_1168 : memref<48x128xf32, #tpu.memory_space<hbm>>) dst(%dma_wait3A_1166 : memref<48x128xf32, #tpu.memory_space<vmem>>)
    %dma_start3A_1169 = arith.constant 0 : i32
    %dma_start3A_1170 = arith.constant 0 : i32
    %dma_start3A_1171 = arith.constant 0 : i32
    %dma_start3A_1172 = arith.constant 0 : i32
    %dma_start3A_1173 = tpu.memref_slice %arg5[%dma_start3A_1169, %dma_start3A_1171, %dma_start3A_1172] : memref<4x48x128xf32, #tpu.memory_space<vmem>> -> memref<1x48x128xf32, #tpu.memory_space<vmem>>
    %dma_start3A_1174 = tpu.memref_squeeze %dma_start3A_1173 : memref<1x48x128xf32, #tpu.memory_space<vmem>> -> memref<48x128xf32, #tpu.memory_space<vmem>>
    %dma_start3A_1175 = arith.constant 0 : i32
    %dma_start3A_1176 = tpu.memref_slice %arg4[%add3A_70, %dma_start3A_1175] : memref<49152x128xf32, #tpu.memory_space<hbm>> -> memref<48x128xf32, #tpu.memory_space<hbm>>
    %dma_start3A_1177 = tpu.memref_slice %arg7[%dma_start3A_1170] : memref<4x!tpu.dma_semaphore, #tpu.memory_space<semaphore_mem>> -> memref<1x!tpu.dma_semaphore, #tpu.memory_space<semaphore_mem>>
    %dma_start3A_1178 = tpu.memref_squeeze %dma_start3A_1177 : memref<1x!tpu.dma_semaphore, #tpu.memory_space<semaphore_mem>> -> memref<!tpu.dma_semaphore, #tpu.memory_space<semaphore_mem>>
    %dma_start3A_1179 = arith.constant 0 : i32
    %dma_start3A_1180 = tpu.memref_slice %arg4[%add3A_70, %dma_start3A_1179] : memref<49152x128xf32, #tpu.memory_space<hbm>> -> memref<48x128xf32, #tpu.memory_space<hbm>>
    %dma_start3A_1181 = arith.constant 0 : i32
    %dma_start3A_1182 = arith.constant 0 : i32
    %dma_start3A_1183 = tpu.memref_slice %arg5[%dma_start3A_1169, %dma_start3A_1181, %dma_start3A_1182] : memref<4x48x128xf32, #tpu.memory_space<vmem>> -> memref<1x48x128xf32, #tpu.memory_space<vmem>>
    %dma_start3A_1184 = tpu.memref_squeeze %dma_start3A_1183 : memref<1x48x128xf32, #tpu.memory_space<vmem>> -> memref<48x128xf32, #tpu.memory_space<vmem>>
    tpu.enqueue_dma source(%dma_start3A_1184 : memref<48x128xf32, #tpu.memory_space<vmem>>) target(%dma_start3A_1180 : memref<48x128xf32, #tpu.memory_space<hbm>>) target_semaphore(%dma_start3A_1178 : memref<!tpu.dma_semaphore, #tpu.memory_space<semaphore_mem>>)
    %dma_wait3A_1185 = arith.constant 2 : i32
    %dma_wait3A_1186 = arith.constant 2 : i32
    %dma_wait3A_1187 = arith.constant 0 : i32
    %dma_wait3A_1188 = arith.constant 0 : i32
    %dma_wait3A_1189 = tpu.memref_slice %arg5[%dma_wait3A_1185, %dma_wait3A_1187, %dma_wait3A_1188] : memref<4x48x128xf32, #tpu.memory_space<vmem>> -> memref<1x48x128xf32, #tpu.memory_space<vmem>>
    %dma_wait3A_1190 = tpu.memref_squeeze %dma_wait3A_1189 : memref<1x48x128xf32, #tpu.memory_space<vmem>> -> memref<48x128xf32, #tpu.memory_space<vmem>>
    %dma_wait3A_1191 = arith.constant 0 : i32
    %dma_wait3A_1192 = tpu.memref_slice %arg4[%add3A_62, %dma_wait3A_1191] : memref<49152x128xf32, #tpu.memory_space<hbm>> -> memref<48x128xf32, #tpu.memory_space<hbm>>
    %dma_wait3A_1193 = tpu.memref_slice %arg7[%dma_wait3A_1186] : memref<4x!tpu.dma_semaphore, #tpu.memory_space<semaphore_mem>> -> memref<1x!tpu.dma_semaphore, #tpu.memory_space<semaphore_mem>>
    %dma_wait3A_1194 = tpu.memref_squeeze %dma_wait3A_1193 : memref<1x!tpu.dma_semaphore, #tpu.memory_space<semaphore_mem>> -> memref<!tpu.dma_semaphore, #tpu.memory_space<semaphore_mem>>
    %dma_wait3A_1195 = arith.constant 0 : i32
    %dma_wait3A_1196 = tpu.memref_slice %arg4[%add3A_62, %dma_wait3A_1195] : memref<49152x128xf32, #tpu.memory_space<hbm>> -> memref<48x128xf32, #tpu.memory_space<hbm>>
    %dma_wait3A_1197 = arith.constant 0 : i32
    %dma_wait3A_1198 = arith.constant 0 : i32
    %dma_wait3A_1199 = tpu.memref_slice %arg5[%dma_wait3A_1185, %dma_wait3A_1197, %dma_wait3A_1198] : memref<4x48x128xf32, #tpu.memory_space<vmem>> -> memref<1x48x128xf32, #tpu.memory_space<vmem>>
    %dma_wait3A_1200 = tpu.memref_squeeze %dma_wait3A_1199 : memref<1x48x128xf32, #tpu.memory_space<vmem>> -> memref<48x128xf32, #tpu.memory_space<vmem>>
    tpu.wait_dma2 semaphore(%dma_wait3A_1194 : memref<!tpu.dma_semaphore, #tpu.memory_space<semaphore_mem>>) src(%dma_wait3A_1200 : memref<48x128xf32, #tpu.memory_space<vmem>>) dst(%dma_wait3A_1196 : memref<48x128xf32, #tpu.memory_space<hbm>>)
    %dma_start3A_1201 = arith.constant 2 : i32
    %dma_start3A_1202 = arith.constant 2 : i32
    %dma_start3A_1203 = arith.constant 0 : i32
    %dma_start3A_1204 = arith.constant 0 : i32
    %dma_start3A_1205 = tpu.memref_slice %arg5[%dma_start3A_1201, %dma_start3A_1203, %dma_start3A_1204] : memref<4x48x128xf32, #tpu.memory_space<vmem>> -> memref<1x48x128xf32, #tpu.memory_space<vmem>>
    %dma_start3A_1206 = tpu.memref_squeeze %dma_start3A_1205 : memref<1x48x128xf32, #tpu.memory_space<vmem>> -> memref<48x128xf32, #tpu.memory_space<vmem>>
    %dma_start3A_1207 = arith.constant 0 : i32
    %dma_start3A_1208 = tpu.memref_slice %arg2[%add3A_76, %dma_start3A_1207] : memref<49152x128xf32, #tpu.memory_space<hbm>> -> memref<48x128xf32, #tpu.memory_space<hbm>>
    %dma_start3A_1209 = tpu.memref_slice %arg6[%dma_start3A_1202] : memref<4x!tpu.dma_semaphore, #tpu.memory_space<semaphore_mem>> -> memref<1x!tpu.dma_semaphore, #tpu.memory_space<semaphore_mem>>
    %dma_start3A_1210 = tpu.memref_squeeze %dma_start3A_1209 : memref<1x!tpu.dma_semaphore, #tpu.memory_space<semaphore_mem>> -> memref<!tpu.dma_semaphore, #tpu.memory_space<semaphore_mem>>
    %dma_start3A_1211 = arith.constant 0 : i32
    %dma_start3A_1212 = arith.constant 0 : i32
    %dma_start3A_1213 = tpu.memref_slice %arg5[%dma_start3A_1201, %dma_start3A_1211, %dma_start3A_1212] : memref<4x48x128xf32, #tpu.memory_space<vmem>> -> memref<1x48x128xf32, #tpu.memory_space<vmem>>
    %dma_start3A_1214 = tpu.memref_squeeze %dma_start3A_1213 : memref<1x48x128xf32, #tpu.memory_space<vmem>> -> memref<48x128xf32, #tpu.memory_space<vmem>>
    %dma_start3A_1215 = arith.constant 0 : i32
    %dma_start3A_1216 = tpu.memref_slice %arg2[%add3A_76, %dma_start3A_1215] : memref<49152x128xf32, #tpu.memory_space<hbm>> -> memref<48x128xf32, #tpu.memory_space<hbm>>
    tpu.enqueue_dma source(%dma_start3A_1216 : memref<48x128xf32, #tpu.memory_space<hbm>>) target(%dma_start3A_1214 : memref<48x128xf32, #tpu.memory_space<vmem>>) target_semaphore(%dma_start3A_1210 : memref<!tpu.dma_semaphore, #tpu.memory_space<semaphore_mem>>)
    %dma_wait3A_1217 = arith.constant 1 : i32
    %dma_wait3A_1218 = arith.constant 1 : i32
    %dma_wait3A_1219 = arith.constant 0 : i32
    %dma_wait3A_1220 = arith.constant 0 : i32
    %dma_wait3A_1221 = tpu.memref_slice %arg5[%dma_wait3A_1217, %dma_wait3A_1219, %dma_wait3A_1220] : memref<4x48x128xf32, #tpu.memory_space<vmem>> -> memref<1x48x128xf32, #tpu.memory_space<vmem>>
    %dma_wait3A_1222 = tpu.memref_squeeze %dma_wait3A_1221 : memref<1x48x128xf32, #tpu.memory_space<vmem>> -> memref<48x128xf32, #tpu.memory_space<vmem>>
    %dma_wait3A_1223 = arith.constant 0 : i32
    %dma_wait3A_1224 = tpu.memref_slice %arg3[%add3A_72, %dma_wait3A_1223] : memref<196608x128xf32, #tpu.memory_space<hbm>> -> memref<48x128xf32, #tpu.memory_space<hbm>>
    %dma_wait3A_1225 = tpu.memref_slice %arg6[%dma_wait3A_1218] : memref<4x!tpu.dma_semaphore, #tpu.memory_space<semaphore_mem>> -> memref<1x!tpu.dma_semaphore, #tpu.memory_space<semaphore_mem>>
    %dma_wait3A_1226 = tpu.memref_squeeze %dma_wait3A_1225 : memref<1x!tpu.dma_semaphore, #tpu.memory_space<semaphore_mem>> -> memref<!tpu.dma_semaphore, #tpu.memory_space<semaphore_mem>>
    %dma_wait3A_1227 = arith.constant 0 : i32
    %dma_wait3A_1228 = arith.constant 0 : i32
    %dma_wait3A_1229 = tpu.memref_slice %arg5[%dma_wait3A_1217, %dma_wait3A_1227, %dma_wait3A_1228] : memref<4x48x128xf32, #tpu.memory_space<vmem>> -> memref<1x48x128xf32, #tpu.memory_space<vmem>>
    %dma_wait3A_1230 = tpu.memref_squeeze %dma_wait3A_1229 : memref<1x48x128xf32, #tpu.memory_space<vmem>> -> memref<48x128xf32, #tpu.memory_space<vmem>>
    %dma_wait3A_1231 = arith.constant 0 : i32
    %dma_wait3A_1232 = tpu.memref_slice %arg3[%add3A_72, %dma_wait3A_1231] : memref<196608x128xf32, #tpu.memory_space<hbm>> -> memref<48x128xf32, #tpu.memory_space<hbm>>
    tpu.wait_dma2 semaphore(%dma_wait3A_1226 : memref<!tpu.dma_semaphore, #tpu.memory_space<semaphore_mem>>) src(%dma_wait3A_1232 : memref<48x128xf32, #tpu.memory_space<hbm>>) dst(%dma_wait3A_1230 : memref<48x128xf32, #tpu.memory_space<vmem>>)
    %dma_start3A_1233 = arith.constant 1 : i32
    %dma_start3A_1234 = arith.constant 1 : i32
    %dma_start3A_1235 = arith.constant 0 : i32
    %dma_start3A_1236 = arith.constant 0 : i32
    %dma_start3A_1237 = tpu.memref_slice %arg5[%dma_start3A_1233, %dma_start3A_1235, %dma_start3A_1236] : memref<4x48x128xf32, #tpu.memory_space<vmem>> -> memref<1x48x128xf32, #tpu.memory_space<vmem>>
    %dma_start3A_1238 = tpu.memref_squeeze %dma_start3A_1237 : memref<1x48x128xf32, #tpu.memory_space<vmem>> -> memref<48x128xf32, #tpu.memory_space<vmem>>
    %dma_start3A_1239 = arith.constant 0 : i32
    %dma_start3A_1240 = tpu.memref_slice %arg4[%add3A_74, %dma_start3A_1239] : memref<49152x128xf32, #tpu.memory_space<hbm>> -> memref<48x128xf32, #tpu.memory_space<hbm>>
    %dma_start3A_1241 = tpu.memref_slice %arg7[%dma_start3A_1234] : memref<4x!tpu.dma_semaphore, #tpu.memory_space<semaphore_mem>> -> memref<1x!tpu.dma_semaphore, #tpu.memory_space<semaphore_mem>>
    %dma_start3A_1242 = tpu.memref_squeeze %dma_start3A_1241 : memref<1x!tpu.dma_semaphore, #tpu.memory_space<semaphore_mem>> -> memref<!tpu.dma_semaphore, #tpu.memory_space<semaphore_mem>>
    %dma_start3A_1243 = arith.constant 0 : i32
    %dma_start3A_1244 = tpu.memref_slice %arg4[%add3A_74, %dma_start3A_1243] : memref<49152x128xf32, #tpu.memory_space<hbm>> -> memref<48x128xf32, #tpu.memory_space<hbm>>
    %dma_start3A_1245 = arith.constant 0 : i32
    %dma_start3A_1246 = arith.constant 0 : i32
    %dma_start3A_1247 = tpu.memref_slice %arg5[%dma_start3A_1233, %dma_start3A_1245, %dma_start3A_1246] : memref<4x48x128xf32, #tpu.memory_space<vmem>> -> memref<1x48x128xf32, #tpu.memory_space<vmem>>
    %dma_start3A_1248 = tpu.memref_squeeze %dma_start3A_1247 : memref<1x48x128xf32, #tpu.memory_space<vmem>> -> memref<48x128xf32, #tpu.memory_space<vmem>>
    tpu.enqueue_dma source(%dma_start3A_1248 : memref<48x128xf32, #tpu.memory_space<vmem>>) target(%dma_start3A_1244 : memref<48x128xf32, #tpu.memory_space<hbm>>) target_semaphore(%dma_start3A_1242 : memref<!tpu.dma_semaphore, #tpu.memory_space<semaphore_mem>>)
    %dma_wait3A_1249 = arith.constant 3 : i32
    %dma_wait3A_1250 = arith.constant 3 : i32
    %dma_wait3A_1251 = arith.constant 0 : i32
    %dma_wait3A_1252 = arith.constant 0 : i32
    %dma_wait3A_1253 = tpu.memref_slice %arg5[%dma_wait3A_1249, %dma_wait3A_1251, %dma_wait3A_1252] : memref<4x48x128xf32, #tpu.memory_space<vmem>> -> memref<1x48x128xf32, #tpu.memory_space<vmem>>
    %dma_wait3A_1254 = tpu.memref_squeeze %dma_wait3A_1253 : memref<1x48x128xf32, #tpu.memory_space<vmem>> -> memref<48x128xf32, #tpu.memory_space<vmem>>
    %dma_wait3A_1255 = arith.constant 0 : i32
    %dma_wait3A_1256 = tpu.memref_slice %arg4[%add3A_66, %dma_wait3A_1255] : memref<49152x128xf32, #tpu.memory_space<hbm>> -> memref<48x128xf32, #tpu.memory_space<hbm>>
    %dma_wait3A_1257 = tpu.memref_slice %arg7[%dma_wait3A_1250] : memref<4x!tpu.dma_semaphore, #tpu.memory_space<semaphore_mem>> -> memref<1x!tpu.dma_semaphore, #tpu.memory_space<semaphore_mem>>
    %dma_wait3A_1258 = tpu.memref_squeeze %dma_wait3A_1257 : memref<1x!tpu.dma_semaphore, #tpu.memory_space<semaphore_mem>> -> memref<!tpu.dma_semaphore, #tpu.memory_space<semaphore_mem>>
    %dma_wait3A_1259 = arith.constant 0 : i32
    %dma_wait3A_1260 = tpu.memref_slice %arg4[%add3A_66, %dma_wait3A_1259] : memref<49152x128xf32, #tpu.memory_space<hbm>> -> memref<48x128xf32, #tpu.memory_space<hbm>>
    %dma_wait3A_1261 = arith.constant 0 : i32
    %dma_wait3A_1262 = arith.constant 0 : i32
    %dma_wait3A_1263 = tpu.memref_slice %arg5[%dma_wait3A_1249, %dma_wait3A_1261, %dma_wait3A_1262] : memref<4x48x128xf32, #tpu.memory_space<vmem>> -> memref<1x48x128xf32, #tpu.memory_space<vmem>>
    %dma_wait3A_1264 = tpu.memref_squeeze %dma_wait3A_1263 : memref<1x48x128xf32, #tpu.memory_space<vmem>> -> memref<48x128xf32, #tpu.memory_space<vmem>>
    tpu.wait_dma2 semaphore(%dma_wait3A_1258 : memref<!tpu.dma_semaphore, #tpu.memory_space<semaphore_mem>>) src(%dma_wait3A_1264 : memref<48x128xf32, #tpu.memory_space<vmem>>) dst(%dma_wait3A_1260 : memref<48x128xf32, #tpu.memory_space<hbm>>)
    %dma_start3A_1265 = arith.constant 3 : i32
    %dma_start3A_1266 = arith.constant 3 : i32
    %dma_start3A_1267 = arith.constant 0 : i32
    %dma_start3A_1268 = arith.constant 0 : i32
    %dma_start3A_1269 = tpu.memref_slice %arg5[%dma_start3A_1265, %dma_start3A_1267, %dma_start3A_1268] : memref<4x48x128xf32, #tpu.memory_space<vmem>> -> memref<1x48x128xf32, #tpu.memory_space<vmem>>
    %dma_start3A_1270 = tpu.memref_squeeze %dma_start3A_1269 : memref<1x48x128xf32, #tpu.memory_space<vmem>> -> memref<48x128xf32, #tpu.memory_space<vmem>>
    %dma_start3A_1271 = arith.constant 0 : i32
    %dma_start3A_1272 = tpu.memref_slice %arg3[%add3A_80, %dma_start3A_1271] : memref<196608x128xf32, #tpu.memory_space<hbm>> -> memref<48x128xf32, #tpu.memory_space<hbm>>
    %dma_start3A_1273 = tpu.memref_slice %arg6[%dma_start3A_1266] : memref<4x!tpu.dma_semaphore, #tpu.memory_space<semaphore_mem>> -> memref<1x!tpu.dma_semaphore, #tpu.memory_space<semaphore_mem>>
    %dma_start3A_1274 = tpu.memref_squeeze %dma_start3A_1273 : memref<1x!tpu.dma_semaphore, #tpu.memory_space<semaphore_mem>> -> memref<!tpu.dma_semaphore, #tpu.memory_space<semaphore_mem>>
    %dma_start3A_1275 = arith.constant 0 : i32
    %dma_start3A_1276 = arith.constant 0 : i32
    %dma_start3A_1277 = tpu.memref_slice %arg5[%dma_start3A_1265, %dma_start3A_1275, %dma_start3A_1276] : memref<4x48x128xf32, #tpu.memory_space<vmem>> -> memref<1x48x128xf32, #tpu.memory_space<vmem>>
    %dma_start3A_1278 = tpu.memref_squeeze %dma_start3A_1277 : memref<1x48x128xf32, #tpu.memory_space<vmem>> -> memref<48x128xf32, #tpu.memory_space<vmem>>
    %dma_start3A_1279 = arith.constant 0 : i32
    %dma_start3A_1280 = tpu.memref_slice %arg3[%add3A_80, %dma_start3A_1279] : memref<196608x128xf32, #tpu.memory_space<hbm>> -> memref<48x128xf32, #tpu.memory_space<hbm>>
    tpu.enqueue_dma source(%dma_start3A_1280 : memref<48x128xf32, #tpu.memory_space<hbm>>) target(%dma_start3A_1278 : memref<48x128xf32, #tpu.memory_space<vmem>>) target_semaphore(%dma_start3A_1274 : memref<!tpu.dma_semaphore, #tpu.memory_space<semaphore_mem>>)
    %dma_wait3A_1281 = arith.constant 2 : i32
    %dma_wait3A_1282 = arith.constant 2 : i32
    %dma_wait3A_1283 = arith.constant 0 : i32
    %dma_wait3A_1284 = arith.constant 0 : i32
    %dma_wait3A_1285 = tpu.memref_slice %arg5[%dma_wait3A_1281, %dma_wait3A_1283, %dma_wait3A_1284] : memref<4x48x128xf32, #tpu.memory_space<vmem>> -> memref<1x48x128xf32, #tpu.memory_space<vmem>>
    %dma_wait3A_1286 = tpu.memref_squeeze %dma_wait3A_1285 : memref<1x48x128xf32, #tpu.memory_space<vmem>> -> memref<48x128xf32, #tpu.memory_space<vmem>>
    %dma_wait3A_1287 = arith.constant 0 : i32
    %dma_wait3A_1288 = tpu.memref_slice %arg2[%add3A_76, %dma_wait3A_1287] : memref<49152x128xf32, #tpu.memory_space<hbm>> -> memref<48x128xf32, #tpu.memory_space<hbm>>
    %dma_wait3A_1289 = tpu.memref_slice %arg6[%dma_wait3A_1282] : memref<4x!tpu.dma_semaphore, #tpu.memory_space<semaphore_mem>> -> memref<1x!tpu.dma_semaphore, #tpu.memory_space<semaphore_mem>>
    %dma_wait3A_1290 = tpu.memref_squeeze %dma_wait3A_1289 : memref<1x!tpu.dma_semaphore, #tpu.memory_space<semaphore_mem>> -> memref<!tpu.dma_semaphore, #tpu.memory_space<semaphore_mem>>
    %dma_wait3A_1291 = arith.constant 0 : i32
    %dma_wait3A_1292 = arith.constant 0 : i32
    %dma_wait3A_1293 = tpu.memref_slice %arg5[%dma_wait3A_1281, %dma_wait3A_1291, %dma_wait3A_1292] : memref<4x48x128xf32, #tpu.memory_space<vmem>> -> memref<1x48x128xf32, #tpu.memory_space<vmem>>
    %dma_wait3A_1294 = tpu.memref_squeeze %dma_wait3A_1293 : memref<1x48x128xf32, #tpu.memory_space<vmem>> -> memref<48x128xf32, #tpu.memory_space<vmem>>
    %dma_wait3A_1295 = arith.constant 0 : i32
    %dma_wait3A_1296 = tpu.memref_slice %arg2[%add3A_76, %dma_wait3A_1295] : memref<49152x128xf32, #tpu.memory_space<hbm>> -> memref<48x128xf32, #tpu.memory_space<hbm>>
    tpu.wait_dma2 semaphore(%dma_wait3A_1290 : memref<!tpu.dma_semaphore, #tpu.memory_space<semaphore_mem>>) src(%dma_wait3A_1296 : memref<48x128xf32, #tpu.memory_space<hbm>>) dst(%dma_wait3A_1294 : memref<48x128xf32, #tpu.memory_space<vmem>>)
    %dma_start3A_1297 = arith.constant 2 : i32
    %dma_start3A_1298 = arith.constant 2 : i32
    %dma_start3A_1299 = arith.constant 0 : i32
    %dma_start3A_1300 = arith.constant 0 : i32
    %dma_start3A_1301 = tpu.memref_slice %arg5[%dma_start3A_1297, %dma_start3A_1299, %dma_start3A_1300] : memref<4x48x128xf32, #tpu.memory_space<vmem>> -> memref<1x48x128xf32, #tpu.memory_space<vmem>>
    %dma_start3A_1302 = tpu.memref_squeeze %dma_start3A_1301 : memref<1x48x128xf32, #tpu.memory_space<vmem>> -> memref<48x128xf32, #tpu.memory_space<vmem>>
    %dma_start3A_1303 = arith.constant 0 : i32
    %dma_start3A_1304 = tpu.memref_slice %arg4[%add3A_78, %dma_start3A_1303] : memref<49152x128xf32, #tpu.memory_space<hbm>> -> memref<48x128xf32, #tpu.memory_space<hbm>>
    %dma_start3A_1305 = tpu.memref_slice %arg7[%dma_start3A_1298] : memref<4x!tpu.dma_semaphore, #tpu.memory_space<semaphore_mem>> -> memref<1x!tpu.dma_semaphore, #tpu.memory_space<semaphore_mem>>
    %dma_start3A_1306 = tpu.memref_squeeze %dma_start3A_1305 : memref<1x!tpu.dma_semaphore, #tpu.memory_space<semaphore_mem>> -> memref<!tpu.dma_semaphore, #tpu.memory_space<semaphore_mem>>
    %dma_start3A_1307 = arith.constant 0 : i32
    %dma_start3A_1308 = tpu.memref_slice %arg4[%add3A_78, %dma_start3A_1307] : memref<49152x128xf32, #tpu.memory_space<hbm>> -> memref<48x128xf32, #tpu.memory_space<hbm>>
    %dma_start3A_1309 = arith.constant 0 : i32
    %dma_start3A_1310 = arith.constant 0 : i32
    %dma_start3A_1311 = tpu.memref_slice %arg5[%dma_start3A_1297, %dma_start3A_1309, %dma_start3A_1310] : memref<4x48x128xf32, #tpu.memory_space<vmem>> -> memref<1x48x128xf32, #tpu.memory_space<vmem>>
    %dma_start3A_1312 = tpu.memref_squeeze %dma_start3A_1311 : memref<1x48x128xf32, #tpu.memory_space<vmem>> -> memref<48x128xf32, #tpu.memory_space<vmem>>
    tpu.enqueue_dma source(%dma_start3A_1312 : memref<48x128xf32, #tpu.memory_space<vmem>>) target(%dma_start3A_1308 : memref<48x128xf32, #tpu.memory_space<hbm>>) target_semaphore(%dma_start3A_1306 : memref<!tpu.dma_semaphore, #tpu.memory_space<semaphore_mem>>)
    %dma_wait3A_1313 = arith.constant 0 : i32
    %dma_wait3A_1314 = arith.constant 0 : i32
    %dma_wait3A_1315 = arith.constant 0 : i32
    %dma_wait3A_1316 = arith.constant 0 : i32
    %dma_wait3A_1317 = tpu.memref_slice %arg5[%dma_wait3A_1313, %dma_wait3A_1315, %dma_wait3A_1316] : memref<4x48x128xf32, #tpu.memory_space<vmem>> -> memref<1x48x128xf32, #tpu.memory_space<vmem>>
    %dma_wait3A_1318 = tpu.memref_squeeze %dma_wait3A_1317 : memref<1x48x128xf32, #tpu.memory_space<vmem>> -> memref<48x128xf32, #tpu.memory_space<vmem>>
    %dma_wait3A_1319 = arith.constant 0 : i32
    %dma_wait3A_1320 = tpu.memref_slice %arg4[%add3A_70, %dma_wait3A_1319] : memref<49152x128xf32, #tpu.memory_space<hbm>> -> memref<48x128xf32, #tpu.memory_space<hbm>>
    %dma_wait3A_1321 = tpu.memref_slice %arg7[%dma_wait3A_1314] : memref<4x!tpu.dma_semaphore, #tpu.memory_space<semaphore_mem>> -> memref<1x!tpu.dma_semaphore, #tpu.memory_space<semaphore_mem>>
    %dma_wait3A_1322 = tpu.memref_squeeze %dma_wait3A_1321 : memref<1x!tpu.dma_semaphore, #tpu.memory_space<semaphore_mem>> -> memref<!tpu.dma_semaphore, #tpu.memory_space<semaphore_mem>>
    %dma_wait3A_1323 = arith.constant 0 : i32
    %dma_wait3A_1324 = tpu.memref_slice %arg4[%add3A_70, %dma_wait3A_1323] : memref<49152x128xf32, #tpu.memory_space<hbm>> -> memref<48x128xf32, #tpu.memory_space<hbm>>
    %dma_wait3A_1325 = arith.constant 0 : i32
    %dma_wait3A_1326 = arith.constant 0 : i32
    %dma_wait3A_1327 = tpu.memref_slice %arg5[%dma_wait3A_1313, %dma_wait3A_1325, %dma_wait3A_1326] : memref<4x48x128xf32, #tpu.memory_space<vmem>> -> memref<1x48x128xf32, #tpu.memory_space<vmem>>
    %dma_wait3A_1328 = tpu.memref_squeeze %dma_wait3A_1327 : memref<1x48x128xf32, #tpu.memory_space<vmem>> -> memref<48x128xf32, #tpu.memory_space<vmem>>
    tpu.wait_dma2 semaphore(%dma_wait3A_1322 : memref<!tpu.dma_semaphore, #tpu.memory_space<semaphore_mem>>) src(%dma_wait3A_1328 : memref<48x128xf32, #tpu.memory_space<vmem>>) dst(%dma_wait3A_1324 : memref<48x128xf32, #tpu.memory_space<hbm>>)
    %dma_start3A_1329 = arith.constant 0 : i32
    %dma_start3A_1330 = arith.constant 0 : i32
    %dma_start3A_1331 = arith.constant 0 : i32
    %dma_start3A_1332 = arith.constant 0 : i32
    %dma_start3A_1333 = tpu.memref_slice %arg5[%dma_start3A_1329, %dma_start3A_1331, %dma_start3A_1332] : memref<4x48x128xf32, #tpu.memory_space<vmem>> -> memref<1x48x128xf32, #tpu.memory_space<vmem>>
    %dma_start3A_1334 = tpu.memref_squeeze %dma_start3A_1333 : memref<1x48x128xf32, #tpu.memory_space<vmem>> -> memref<48x128xf32, #tpu.memory_space<vmem>>
    %dma_start3A_1335 = arith.constant 0 : i32
    %dma_start3A_1336 = tpu.memref_slice %arg2[%add3A_84, %dma_start3A_1335] : memref<49152x128xf32, #tpu.memory_space<hbm>> -> memref<48x128xf32, #tpu.memory_space<hbm>>
    %dma_start3A_1337 = tpu.memref_slice %arg6[%dma_start3A_1330] : memref<4x!tpu.dma_semaphore, #tpu.memory_space<semaphore_mem>> -> memref<1x!tpu.dma_semaphore, #tpu.memory_space<semaphore_mem>>
    %dma_start3A_1338 = tpu.memref_squeeze %dma_start3A_1337 : memref<1x!tpu.dma_semaphore, #tpu.memory_space<semaphore_mem>> -> memref<!tpu.dma_semaphore, #tpu.memory_space<semaphore_mem>>
    %dma_start3A_1339 = arith.constant 0 : i32
    %dma_start3A_1340 = arith.constant 0 : i32
    %dma_start3A_1341 = tpu.memref_slice %arg5[%dma_start3A_1329, %dma_start3A_1339, %dma_start3A_1340] : memref<4x48x128xf32, #tpu.memory_space<vmem>> -> memref<1x48x128xf32, #tpu.memory_space<vmem>>
    %dma_start3A_1342 = tpu.memref_squeeze %dma_start3A_1341 : memref<1x48x128xf32, #tpu.memory_space<vmem>> -> memref<48x128xf32, #tpu.memory_space<vmem>>
    %dma_start3A_1343 = arith.constant 0 : i32
    %dma_start3A_1344 = tpu.memref_slice %arg2[%add3A_84, %dma_start3A_1343] : memref<49152x128xf32, #tpu.memory_space<hbm>> -> memref<48x128xf32, #tpu.memory_space<hbm>>
    tpu.enqueue_dma source(%dma_start3A_1344 : memref<48x128xf32, #tpu.memory_space<hbm>>) target(%dma_start3A_1342 : memref<48x128xf32, #tpu.memory_space<vmem>>) target_semaphore(%dma_start3A_1338 : memref<!tpu.dma_semaphore, #tpu.memory_space<semaphore_mem>>)
    %dma_wait3A_1345 = arith.constant 3 : i32
    %dma_wait3A_1346 = arith.constant 3 : i32
    %dma_wait3A_1347 = arith.constant 0 : i32
    %dma_wait3A_1348 = arith.constant 0 : i32
    %dma_wait3A_1349 = tpu.memref_slice %arg5[%dma_wait3A_1345, %dma_wait3A_1347, %dma_wait3A_1348] : memref<4x48x128xf32, #tpu.memory_space<vmem>> -> memref<1x48x128xf32, #tpu.memory_space<vmem>>
    %dma_wait3A_1350 = tpu.memref_squeeze %dma_wait3A_1349 : memref<1x48x128xf32, #tpu.memory_space<vmem>> -> memref<48x128xf32, #tpu.memory_space<vmem>>
    %dma_wait3A_1351 = arith.constant 0 : i32
    %dma_wait3A_1352 = tpu.memref_slice %arg3[%add3A_80, %dma_wait3A_1351] : memref<196608x128xf32, #tpu.memory_space<hbm>> -> memref<48x128xf32, #tpu.memory_space<hbm>>
    %dma_wait3A_1353 = tpu.memref_slice %arg6[%dma_wait3A_1346] : memref<4x!tpu.dma_semaphore, #tpu.memory_space<semaphore_mem>> -> memref<1x!tpu.dma_semaphore, #tpu.memory_space<semaphore_mem>>
    %dma_wait3A_1354 = tpu.memref_squeeze %dma_wait3A_1353 : memref<1x!tpu.dma_semaphore, #tpu.memory_space<semaphore_mem>> -> memref<!tpu.dma_semaphore, #tpu.memory_space<semaphore_mem>>
    %dma_wait3A_1355 = arith.constant 0 : i32
    %dma_wait3A_1356 = arith.constant 0 : i32
    %dma_wait3A_1357 = tpu.memref_slice %arg5[%dma_wait3A_1345, %dma_wait3A_1355, %dma_wait3A_1356] : memref<4x48x128xf32, #tpu.memory_space<vmem>> -> memref<1x48x128xf32, #tpu.memory_space<vmem>>
    %dma_wait3A_1358 = tpu.memref_squeeze %dma_wait3A_1357 : memref<1x48x128xf32, #tpu.memory_space<vmem>> -> memref<48x128xf32, #tpu.memory_space<vmem>>
    %dma_wait3A_1359 = arith.constant 0 : i32
    %dma_wait3A_1360 = tpu.memref_slice %arg3[%add3A_80, %dma_wait3A_1359] : memref<196608x128xf32, #tpu.memory_space<hbm>> -> memref<48x128xf32, #tpu.memory_space<hbm>>
    tpu.wait_dma2 semaphore(%dma_wait3A_1354 : memref<!tpu.dma_semaphore, #tpu.memory_space<semaphore_mem>>) src(%dma_wait3A_1360 : memref<48x128xf32, #tpu.memory_space<hbm>>) dst(%dma_wait3A_1358 : memref<48x128xf32, #tpu.memory_space<vmem>>)
    %dma_start3A_1361 = arith.constant 3 : i32
    %dma_start3A_1362 = arith.constant 3 : i32
    %dma_start3A_1363 = arith.constant 0 : i32
    %dma_start3A_1364 = arith.constant 0 : i32
    %dma_start3A_1365 = tpu.memref_slice %arg5[%dma_start3A_1361, %dma_start3A_1363, %dma_start3A_1364] : memref<4x48x128xf32, #tpu.memory_space<vmem>> -> memref<1x48x128xf32, #tpu.memory_space<vmem>>
    %dma_start3A_1366 = tpu.memref_squeeze %dma_start3A_1365 : memref<1x48x128xf32, #tpu.memory_space<vmem>> -> memref<48x128xf32, #tpu.memory_space<vmem>>
    %dma_start3A_1367 = arith.constant 0 : i32
    %dma_start3A_1368 = tpu.memref_slice %arg4[%add3A_82, %dma_start3A_1367] : memref<49152x128xf32, #tpu.memory_space<hbm>> -> memref<48x128xf32, #tpu.memory_space<hbm>>
    %dma_start3A_1369 = tpu.memref_slice %arg7[%dma_start3A_1362] : memref<4x!tpu.dma_semaphore, #tpu.memory_space<semaphore_mem>> -> memref<1x!tpu.dma_semaphore, #tpu.memory_space<semaphore_mem>>
    %dma_start3A_1370 = tpu.memref_squeeze %dma_start3A_1369 : memref<1x!tpu.dma_semaphore, #tpu.memory_space<semaphore_mem>> -> memref<!tpu.dma_semaphore, #tpu.memory_space<semaphore_mem>>
    %dma_start3A_1371 = arith.constant 0 : i32
    %dma_start3A_1372 = tpu.memref_slice %arg4[%add3A_82, %dma_start3A_1371] : memref<49152x128xf32, #tpu.memory_space<hbm>> -> memref<48x128xf32, #tpu.memory_space<hbm>>
    %dma_start3A_1373 = arith.constant 0 : i32
    %dma_start3A_1374 = arith.constant 0 : i32
    %dma_start3A_1375 = tpu.memref_slice %arg5[%dma_start3A_1361, %dma_start3A_1373, %dma_start3A_1374] : memref<4x48x128xf32, #tpu.memory_space<vmem>> -> memref<1x48x128xf32, #tpu.memory_space<vmem>>
    %dma_start3A_1376 = tpu.memref_squeeze %dma_start3A_1375 : memref<1x48x128xf32, #tpu.memory_space<vmem>> -> memref<48x128xf32, #tpu.memory_space<vmem>>
    tpu.enqueue_dma source(%dma_start3A_1376 : memref<48x128xf32, #tpu.memory_space<vmem>>) target(%dma_start3A_1372 : memref<48x128xf32, #tpu.memory_space<hbm>>) target_semaphore(%dma_start3A_1370 : memref<!tpu.dma_semaphore, #tpu.memory_space<semaphore_mem>>)
    %dma_wait3A_1377 = arith.constant 1 : i32
    %dma_wait3A_1378 = arith.constant 1 : i32
    %dma_wait3A_1379 = arith.constant 0 : i32
    %dma_wait3A_1380 = arith.constant 0 : i32
    %dma_wait3A_1381 = tpu.memref_slice %arg5[%dma_wait3A_1377, %dma_wait3A_1379, %dma_wait3A_1380] : memref<4x48x128xf32, #tpu.memory_space<vmem>> -> memref<1x48x128xf32, #tpu.memory_space<vmem>>
    %dma_wait3A_1382 = tpu.memref_squeeze %dma_wait3A_1381 : memref<1x48x128xf32, #tpu.memory_space<vmem>> -> memref<48x128xf32, #tpu.memory_space<vmem>>
    %dma_wait3A_1383 = arith.constant 0 : i32
    %dma_wait3A_1384 = tpu.memref_slice %arg4[%add3A_74, %dma_wait3A_1383] : memref<49152x128xf32, #tpu.memory_space<hbm>> -> memref<48x128xf32, #tpu.memory_space<hbm>>
    %dma_wait3A_1385 = tpu.memref_slice %arg7[%dma_wait3A_1378] : memref<4x!tpu.dma_semaphore, #tpu.memory_space<semaphore_mem>> -> memref<1x!tpu.dma_semaphore, #tpu.memory_space<semaphore_mem>>
    %dma_wait3A_1386 = tpu.memref_squeeze %dma_wait3A_1385 : memref<1x!tpu.dma_semaphore, #tpu.memory_space<semaphore_mem>> -> memref<!tpu.dma_semaphore, #tpu.memory_space<semaphore_mem>>
    %dma_wait3A_1387 = arith.constant 0 : i32
    %dma_wait3A_1388 = tpu.memref_slice %arg4[%add3A_74, %dma_wait3A_1387] : memref<49152x128xf32, #tpu.memory_space<hbm>> -> memref<48x128xf32, #tpu.memory_space<hbm>>
    %dma_wait3A_1389 = arith.constant 0 : i32
    %dma_wait3A_1390 = arith.constant 0 : i32
    %dma_wait3A_1391 = tpu.memref_slice %arg5[%dma_wait3A_1377, %dma_wait3A_1389, %dma_wait3A_1390] : memref<4x48x128xf32, #tpu.memory_space<vmem>> -> memref<1x48x128xf32, #tpu.memory_space<vmem>>
    %dma_wait3A_1392 = tpu.memref_squeeze %dma_wait3A_1391 : memref<1x48x128xf32, #tpu.memory_space<vmem>> -> memref<48x128xf32, #tpu.memory_space<vmem>>
    tpu.wait_dma2 semaphore(%dma_wait3A_1386 : memref<!tpu.dma_semaphore, #tpu.memory_space<semaphore_mem>>) src(%dma_wait3A_1392 : memref<48x128xf32, #tpu.memory_space<vmem>>) dst(%dma_wait3A_1388 : memref<48x128xf32, #tpu.memory_space<hbm>>)
    %dma_start3A_1393 = arith.constant 1 : i32
    %dma_start3A_1394 = arith.constant 1 : i32
    %dma_start3A_1395 = arith.constant 0 : i32
    %dma_start3A_1396 = arith.constant 0 : i32
    %dma_start3A_1397 = tpu.memref_slice %arg5[%dma_start3A_1393, %dma_start3A_1395, %dma_start3A_1396] : memref<4x48x128xf32, #tpu.memory_space<vmem>> -> memref<1x48x128xf32, #tpu.memory_space<vmem>>
    %dma_start3A_1398 = tpu.memref_squeeze %dma_start3A_1397 : memref<1x48x128xf32, #tpu.memory_space<vmem>> -> memref<48x128xf32, #tpu.memory_space<vmem>>
    %dma_start3A_1399 = arith.constant 0 : i32
    %dma_start3A_1400 = tpu.memref_slice %arg3[%add3A_88, %dma_start3A_1399] : memref<196608x128xf32, #tpu.memory_space<hbm>> -> memref<48x128xf32, #tpu.memory_space<hbm>>
    %dma_start3A_1401 = tpu.memref_slice %arg6[%dma_start3A_1394] : memref<4x!tpu.dma_semaphore, #tpu.memory_space<semaphore_mem>> -> memref<1x!tpu.dma_semaphore, #tpu.memory_space<semaphore_mem>>
    %dma_start3A_1402 = tpu.memref_squeeze %dma_start3A_1401 : memref<1x!tpu.dma_semaphore, #tpu.memory_space<semaphore_mem>> -> memref<!tpu.dma_semaphore, #tpu.memory_space<semaphore_mem>>
    %dma_start3A_1403 = arith.constant 0 : i32
    %dma_start3A_1404 = arith.constant 0 : i32
    %dma_start3A_1405 = tpu.memref_slice %arg5[%dma_start3A_1393, %dma_start3A_1403, %dma_start3A_1404] : memref<4x48x128xf32, #tpu.memory_space<vmem>> -> memref<1x48x128xf32, #tpu.memory_space<vmem>>
    %dma_start3A_1406 = tpu.memref_squeeze %dma_start3A_1405 : memref<1x48x128xf32, #tpu.memory_space<vmem>> -> memref<48x128xf32, #tpu.memory_space<vmem>>
    %dma_start3A_1407 = arith.constant 0 : i32
    %dma_start3A_1408 = tpu.memref_slice %arg3[%add3A_88, %dma_start3A_1407] : memref<196608x128xf32, #tpu.memory_space<hbm>> -> memref<48x128xf32, #tpu.memory_space<hbm>>
    tpu.enqueue_dma source(%dma_start3A_1408 : memref<48x128xf32, #tpu.memory_space<hbm>>) target(%dma_start3A_1406 : memref<48x128xf32, #tpu.memory_space<vmem>>) target_semaphore(%dma_start3A_1402 : memref<!tpu.dma_semaphore, #tpu.memory_space<semaphore_mem>>)
    %dma_wait3A_1409 = arith.constant 0 : i32
    %dma_wait3A_1410 = arith.constant 0 : i32
    %dma_wait3A_1411 = arith.constant 0 : i32
    %dma_wait3A_1412 = arith.constant 0 : i32
    %dma_wait3A_1413 = tpu.memref_slice %arg5[%dma_wait3A_1409, %dma_wait3A_1411, %dma_wait3A_1412] : memref<4x48x128xf32, #tpu.memory_space<vmem>> -> memref<1x48x128xf32, #tpu.memory_space<vmem>>
    %dma_wait3A_1414 = tpu.memref_squeeze %dma_wait3A_1413 : memref<1x48x128xf32, #tpu.memory_space<vmem>> -> memref<48x128xf32, #tpu.memory_space<vmem>>
    %dma_wait3A_1415 = arith.constant 0 : i32
    %dma_wait3A_1416 = tpu.memref_slice %arg2[%add3A_84, %dma_wait3A_1415] : memref<49152x128xf32, #tpu.memory_space<hbm>> -> memref<48x128xf32, #tpu.memory_space<hbm>>
    %dma_wait3A_1417 = tpu.memref_slice %arg6[%dma_wait3A_1410] : memref<4x!tpu.dma_semaphore, #tpu.memory_space<semaphore_mem>> -> memref<1x!tpu.dma_semaphore, #tpu.memory_space<semaphore_mem>>
    %dma_wait3A_1418 = tpu.memref_squeeze %dma_wait3A_1417 : memref<1x!tpu.dma_semaphore, #tpu.memory_space<semaphore_mem>> -> memref<!tpu.dma_semaphore, #tpu.memory_space<semaphore_mem>>
    %dma_wait3A_1419 = arith.constant 0 : i32
    %dma_wait3A_1420 = arith.constant 0 : i32
    %dma_wait3A_1421 = tpu.memref_slice %arg5[%dma_wait3A_1409, %dma_wait3A_1419, %dma_wait3A_1420] : memref<4x48x128xf32, #tpu.memory_space<vmem>> -> memref<1x48x128xf32, #tpu.memory_space<vmem>>
    %dma_wait3A_1422 = tpu.memref_squeeze %dma_wait3A_1421 : memref<1x48x128xf32, #tpu.memory_space<vmem>> -> memref<48x128xf32, #tpu.memory_space<vmem>>
    %dma_wait3A_1423 = arith.constant 0 : i32
    %dma_wait3A_1424 = tpu.memref_slice %arg2[%add3A_84, %dma_wait3A_1423] : memref<49152x128xf32, #tpu.memory_space<hbm>> -> memref<48x128xf32, #tpu.memory_space<hbm>>
    tpu.wait_dma2 semaphore(%dma_wait3A_1418 : memref<!tpu.dma_semaphore, #tpu.memory_space<semaphore_mem>>) src(%dma_wait3A_1424 : memref<48x128xf32, #tpu.memory_space<hbm>>) dst(%dma_wait3A_1422 : memref<48x128xf32, #tpu.memory_space<vmem>>)
    %dma_start3A_1425 = arith.constant 0 : i32
    %dma_start3A_1426 = arith.constant 0 : i32
    %dma_start3A_1427 = arith.constant 0 : i32
    %dma_start3A_1428 = arith.constant 0 : i32
    %dma_start3A_1429 = tpu.memref_slice %arg5[%dma_start3A_1425, %dma_start3A_1427, %dma_start3A_1428] : memref<4x48x128xf32, #tpu.memory_space<vmem>> -> memref<1x48x128xf32, #tpu.memory_space<vmem>>
    %dma_start3A_1430 = tpu.memref_squeeze %dma_start3A_1429 : memref<1x48x128xf32, #tpu.memory_space<vmem>> -> memref<48x128xf32, #tpu.memory_space<vmem>>
    %dma_start3A_1431 = arith.constant 0 : i32
    %dma_start3A_1432 = tpu.memref_slice %arg4[%add3A_86, %dma_start3A_1431] : memref<49152x128xf32, #tpu.memory_space<hbm>> -> memref<48x128xf32, #tpu.memory_space<hbm>>
    %dma_start3A_1433 = tpu.memref_slice %arg7[%dma_start3A_1426] : memref<4x!tpu.dma_semaphore, #tpu.memory_space<semaphore_mem>> -> memref<1x!tpu.dma_semaphore, #tpu.memory_space<semaphore_mem>>
    %dma_start3A_1434 = tpu.memref_squeeze %dma_start3A_1433 : memref<1x!tpu.dma_semaphore, #tpu.memory_space<semaphore_mem>> -> memref<!tpu.dma_semaphore, #tpu.memory_space<semaphore_mem>>
    %dma_start3A_1435 = arith.constant 0 : i32
    %dma_start3A_1436 = tpu.memref_slice %arg4[%add3A_86, %dma_start3A_1435] : memref<49152x128xf32, #tpu.memory_space<hbm>> -> memref<48x128xf32, #tpu.memory_space<hbm>>
    %dma_start3A_1437 = arith.constant 0 : i32
    %dma_start3A_1438 = arith.constant 0 : i32
    %dma_start3A_1439 = tpu.memref_slice %arg5[%dma_start3A_1425, %dma_start3A_1437, %dma_start3A_1438] : memref<4x48x128xf32, #tpu.memory_space<vmem>> -> memref<1x48x128xf32, #tpu.memory_space<vmem>>
    %dma_start3A_1440 = tpu.memref_squeeze %dma_start3A_1439 : memref<1x48x128xf32, #tpu.memory_space<vmem>> -> memref<48x128xf32, #tpu.memory_space<vmem>>
    tpu.enqueue_dma source(%dma_start3A_1440 : memref<48x128xf32, #tpu.memory_space<vmem>>) target(%dma_start3A_1436 : memref<48x128xf32, #tpu.memory_space<hbm>>) target_semaphore(%dma_start3A_1434 : memref<!tpu.dma_semaphore, #tpu.memory_space<semaphore_mem>>)
    %dma_wait3A_1441 = arith.constant 2 : i32
    %dma_wait3A_1442 = arith.constant 2 : i32
    %dma_wait3A_1443 = arith.constant 0 : i32
    %dma_wait3A_1444 = arith.constant 0 : i32
    %dma_wait3A_1445 = tpu.memref_slice %arg5[%dma_wait3A_1441, %dma_wait3A_1443, %dma_wait3A_1444] : memref<4x48x128xf32, #tpu.memory_space<vmem>> -> memref<1x48x128xf32, #tpu.memory_space<vmem>>
    %dma_wait3A_1446 = tpu.memref_squeeze %dma_wait3A_1445 : memref<1x48x128xf32, #tpu.memory_space<vmem>> -> memref<48x128xf32, #tpu.memory_space<vmem>>
    %dma_wait3A_1447 = arith.constant 0 : i32
    %dma_wait3A_1448 = tpu.memref_slice %arg4[%add3A_78, %dma_wait3A_1447] : memref<49152x128xf32, #tpu.memory_space<hbm>> -> memref<48x128xf32, #tpu.memory_space<hbm>>
    %dma_wait3A_1449 = tpu.memref_slice %arg7[%dma_wait3A_1442] : memref<4x!tpu.dma_semaphore, #tpu.memory_space<semaphore_mem>> -> memref<1x!tpu.dma_semaphore, #tpu.memory_space<semaphore_mem>>
    %dma_wait3A_1450 = tpu.memref_squeeze %dma_wait3A_1449 : memref<1x!tpu.dma_semaphore, #tpu.memory_space<semaphore_mem>> -> memref<!tpu.dma_semaphore, #tpu.memory_space<semaphore_mem>>
    %dma_wait3A_1451 = arith.constant 0 : i32
    %dma_wait3A_1452 = tpu.memref_slice %arg4[%add3A_78, %dma_wait3A_1451] : memref<49152x128xf32, #tpu.memory_space<hbm>> -> memref<48x128xf32, #tpu.memory_space<hbm>>
    %dma_wait3A_1453 = arith.constant 0 : i32
    %dma_wait3A_1454 = arith.constant 0 : i32
    %dma_wait3A_1455 = tpu.memref_slice %arg5[%dma_wait3A_1441, %dma_wait3A_1453, %dma_wait3A_1454] : memref<4x48x128xf32, #tpu.memory_space<vmem>> -> memref<1x48x128xf32, #tpu.memory_space<vmem>>
    %dma_wait3A_1456 = tpu.memref_squeeze %dma_wait3A_1455 : memref<1x48x128xf32, #tpu.memory_space<vmem>> -> memref<48x128xf32, #tpu.memory_space<vmem>>
    tpu.wait_dma2 semaphore(%dma_wait3A_1450 : memref<!tpu.dma_semaphore, #tpu.memory_space<semaphore_mem>>) src(%dma_wait3A_1456 : memref<48x128xf32, #tpu.memory_space<vmem>>) dst(%dma_wait3A_1452 : memref<48x128xf32, #tpu.memory_space<hbm>>)
    %dma_start3A_1457 = arith.constant 2 : i32
    %dma_start3A_1458 = arith.constant 2 : i32
    %dma_start3A_1459 = arith.constant 0 : i32
    %dma_start3A_1460 = arith.constant 0 : i32
    %dma_start3A_1461 = tpu.memref_slice %arg5[%dma_start3A_1457, %dma_start3A_1459, %dma_start3A_1460] : memref<4x48x128xf32, #tpu.memory_space<vmem>> -> memref<1x48x128xf32, #tpu.memory_space<vmem>>
    %dma_start3A_1462 = tpu.memref_squeeze %dma_start3A_1461 : memref<1x48x128xf32, #tpu.memory_space<vmem>> -> memref<48x128xf32, #tpu.memory_space<vmem>>
    %dma_start3A_1463 = arith.constant 0 : i32
    %dma_start3A_1464 = tpu.memref_slice %arg2[%add3A_92, %dma_start3A_1463] : memref<49152x128xf32, #tpu.memory_space<hbm>> -> memref<48x128xf32, #tpu.memory_space<hbm>>
    %dma_start3A_1465 = tpu.memref_slice %arg6[%dma_start3A_1458] : memref<4x!tpu.dma_semaphore, #tpu.memory_space<semaphore_mem>> -> memref<1x!tpu.dma_semaphore, #tpu.memory_space<semaphore_mem>>
    %dma_start3A_1466 = tpu.memref_squeeze %dma_start3A_1465 : memref<1x!tpu.dma_semaphore, #tpu.memory_space<semaphore_mem>> -> memref<!tpu.dma_semaphore, #tpu.memory_space<semaphore_mem>>
    %dma_start3A_1467 = arith.constant 0 : i32
    %dma_start3A_1468 = arith.constant 0 : i32
    %dma_start3A_1469 = tpu.memref_slice %arg5[%dma_start3A_1457, %dma_start3A_1467, %dma_start3A_1468] : memref<4x48x128xf32, #tpu.memory_space<vmem>> -> memref<1x48x128xf32, #tpu.memory_space<vmem>>
    %dma_start3A_1470 = tpu.memref_squeeze %dma_start3A_1469 : memref<1x48x128xf32, #tpu.memory_space<vmem>> -> memref<48x128xf32, #tpu.memory_space<vmem>>
    %dma_start3A_1471 = arith.constant 0 : i32
    %dma_start3A_1472 = tpu.memref_slice %arg2[%add3A_92, %dma_start3A_1471] : memref<49152x128xf32, #tpu.memory_space<hbm>> -> memref<48x128xf32, #tpu.memory_space<hbm>>
    tpu.enqueue_dma source(%dma_start3A_1472 : memref<48x128xf32, #tpu.memory_space<hbm>>) target(%dma_start3A_1470 : memref<48x128xf32, #tpu.memory_space<vmem>>) target_semaphore(%dma_start3A_1466 : memref<!tpu.dma_semaphore, #tpu.memory_space<semaphore_mem>>)
    %dma_wait3A_1473 = arith.constant 1 : i32
    %dma_wait3A_1474 = arith.constant 1 : i32
    %dma_wait3A_1475 = arith.constant 0 : i32
    %dma_wait3A_1476 = arith.constant 0 : i32
    %dma_wait3A_1477 = tpu.memref_slice %arg5[%dma_wait3A_1473, %dma_wait3A_1475, %dma_wait3A_1476] : memref<4x48x128xf32, #tpu.memory_space<vmem>> -> memref<1x48x128xf32, #tpu.memory_space<vmem>>
    %dma_wait3A_1478 = tpu.memref_squeeze %dma_wait3A_1477 : memref<1x48x128xf32, #tpu.memory_space<vmem>> -> memref<48x128xf32, #tpu.memory_space<vmem>>
    %dma_wait3A_1479 = arith.constant 0 : i32
    %dma_wait3A_1480 = tpu.memref_slice %arg3[%add3A_88, %dma_wait3A_1479] : memref<196608x128xf32, #tpu.memory_space<hbm>> -> memref<48x128xf32, #tpu.memory_space<hbm>>
    %dma_wait3A_1481 = tpu.memref_slice %arg6[%dma_wait3A_1474] : memref<4x!tpu.dma_semaphore, #tpu.memory_space<semaphore_mem>> -> memref<1x!tpu.dma_semaphore, #tpu.memory_space<semaphore_mem>>
    %dma_wait3A_1482 = tpu.memref_squeeze %dma_wait3A_1481 : memref<1x!tpu.dma_semaphore, #tpu.memory_space<semaphore_mem>> -> memref<!tpu.dma_semaphore, #tpu.memory_space<semaphore_mem>>
    %dma_wait3A_1483 = arith.constant 0 : i32
    %dma_wait3A_1484 = arith.constant 0 : i32
    %dma_wait3A_1485 = tpu.memref_slice %arg5[%dma_wait3A_1473, %dma_wait3A_1483, %dma_wait3A_1484] : memref<4x48x128xf32, #tpu.memory_space<vmem>> -> memref<1x48x128xf32, #tpu.memory_space<vmem>>
    %dma_wait3A_1486 = tpu.memref_squeeze %dma_wait3A_1485 : memref<1x48x128xf32, #tpu.memory_space<vmem>> -> memref<48x128xf32, #tpu.memory_space<vmem>>
    %dma_wait3A_1487 = arith.constant 0 : i32
    %dma_wait3A_1488 = tpu.memref_slice %arg3[%add3A_88, %dma_wait3A_1487] : memref<196608x128xf32, #tpu.memory_space<hbm>> -> memref<48x128xf32, #tpu.memory_space<hbm>>
    tpu.wait_dma2 semaphore(%dma_wait3A_1482 : memref<!tpu.dma_semaphore, #tpu.memory_space<semaphore_mem>>) src(%dma_wait3A_1488 : memref<48x128xf32, #tpu.memory_space<hbm>>) dst(%dma_wait3A_1486 : memref<48x128xf32, #tpu.memory_space<vmem>>)
    %dma_start3A_1489 = arith.constant 1 : i32
    %dma_start3A_1490 = arith.constant 1 : i32
    %dma_start3A_1491 = arith.constant 0 : i32
    %dma_start3A_1492 = arith.constant 0 : i32
    %dma_start3A_1493 = tpu.memref_slice %arg5[%dma_start3A_1489, %dma_start3A_1491, %dma_start3A_1492] : memref<4x48x128xf32, #tpu.memory_space<vmem>> -> memref<1x48x128xf32, #tpu.memory_space<vmem>>
    %dma_start3A_1494 = tpu.memref_squeeze %dma_start3A_1493 : memref<1x48x128xf32, #tpu.memory_space<vmem>> -> memref<48x128xf32, #tpu.memory_space<vmem>>
    %dma_start3A_1495 = arith.constant 0 : i32
    %dma_start3A_1496 = tpu.memref_slice %arg4[%add3A_90, %dma_start3A_1495] : memref<49152x128xf32, #tpu.memory_space<hbm>> -> memref<48x128xf32, #tpu.memory_space<hbm>>
    %dma_start3A_1497 = tpu.memref_slice %arg7[%dma_start3A_1490] : memref<4x!tpu.dma_semaphore, #tpu.memory_space<semaphore_mem>> -> memref<1x!tpu.dma_semaphore, #tpu.memory_space<semaphore_mem>>
    %dma_start3A_1498 = tpu.memref_squeeze %dma_start3A_1497 : memref<1x!tpu.dma_semaphore, #tpu.memory_space<semaphore_mem>> -> memref<!tpu.dma_semaphore, #tpu.memory_space<semaphore_mem>>
    %dma_start3A_1499 = arith.constant 0 : i32
    %dma_start3A_1500 = tpu.memref_slice %arg4[%add3A_90, %dma_start3A_1499] : memref<49152x128xf32, #tpu.memory_space<hbm>> -> memref<48x128xf32, #tpu.memory_space<hbm>>
    %dma_start3A_1501 = arith.constant 0 : i32
    %dma_start3A_1502 = arith.constant 0 : i32
    %dma_start3A_1503 = tpu.memref_slice %arg5[%dma_start3A_1489, %dma_start3A_1501, %dma_start3A_1502] : memref<4x48x128xf32, #tpu.memory_space<vmem>> -> memref<1x48x128xf32, #tpu.memory_space<vmem>>
    %dma_start3A_1504 = tpu.memref_squeeze %dma_start3A_1503 : memref<1x48x128xf32, #tpu.memory_space<vmem>> -> memref<48x128xf32, #tpu.memory_space<vmem>>
    tpu.enqueue_dma source(%dma_start3A_1504 : memref<48x128xf32, #tpu.memory_space<vmem>>) target(%dma_start3A_1500 : memref<48x128xf32, #tpu.memory_space<hbm>>) target_semaphore(%dma_start3A_1498 : memref<!tpu.dma_semaphore, #tpu.memory_space<semaphore_mem>>)
    %dma_wait3A_1505 = arith.constant 3 : i32
    %dma_wait3A_1506 = arith.constant 3 : i32
    %dma_wait3A_1507 = arith.constant 0 : i32
    %dma_wait3A_1508 = arith.constant 0 : i32
    %dma_wait3A_1509 = tpu.memref_slice %arg5[%dma_wait3A_1505, %dma_wait3A_1507, %dma_wait3A_1508] : memref<4x48x128xf32, #tpu.memory_space<vmem>> -> memref<1x48x128xf32, #tpu.memory_space<vmem>>
    %dma_wait3A_1510 = tpu.memref_squeeze %dma_wait3A_1509 : memref<1x48x128xf32, #tpu.memory_space<vmem>> -> memref<48x128xf32, #tpu.memory_space<vmem>>
    %dma_wait3A_1511 = arith.constant 0 : i32
    %dma_wait3A_1512 = tpu.memref_slice %arg4[%add3A_82, %dma_wait3A_1511] : memref<49152x128xf32, #tpu.memory_space<hbm>> -> memref<48x128xf32, #tpu.memory_space<hbm>>
    %dma_wait3A_1513 = tpu.memref_slice %arg7[%dma_wait3A_1506] : memref<4x!tpu.dma_semaphore, #tpu.memory_space<semaphore_mem>> -> memref<1x!tpu.dma_semaphore, #tpu.memory_space<semaphore_mem>>
    %dma_wait3A_1514 = tpu.memref_squeeze %dma_wait3A_1513 : memref<1x!tpu.dma_semaphore, #tpu.memory_space<semaphore_mem>> -> memref<!tpu.dma_semaphore, #tpu.memory_space<semaphore_mem>>
    %dma_wait3A_1515 = arith.constant 0 : i32
    %dma_wait3A_1516 = tpu.memref_slice %arg4[%add3A_82, %dma_wait3A_1515] : memref<49152x128xf32, #tpu.memory_space<hbm>> -> memref<48x128xf32, #tpu.memory_space<hbm>>
    %dma_wait3A_1517 = arith.constant 0 : i32
    %dma_wait3A_1518 = arith.constant 0 : i32
    %dma_wait3A_1519 = tpu.memref_slice %arg5[%dma_wait3A_1505, %dma_wait3A_1517, %dma_wait3A_1518] : memref<4x48x128xf32, #tpu.memory_space<vmem>> -> memref<1x48x128xf32, #tpu.memory_space<vmem>>
    %dma_wait3A_1520 = tpu.memref_squeeze %dma_wait3A_1519 : memref<1x48x128xf32, #tpu.memory_space<vmem>> -> memref<48x128xf32, #tpu.memory_space<vmem>>
    tpu.wait_dma2 semaphore(%dma_wait3A_1514 : memref<!tpu.dma_semaphore, #tpu.memory_space<semaphore_mem>>) src(%dma_wait3A_1520 : memref<48x128xf32, #tpu.memory_space<vmem>>) dst(%dma_wait3A_1516 : memref<48x128xf32, #tpu.memory_space<hbm>>)
    %dma_start3A_1521 = arith.constant 3 : i32
    %dma_start3A_1522 = arith.constant 3 : i32
    %dma_start3A_1523 = arith.constant 0 : i32
    %dma_start3A_1524 = arith.constant 0 : i32
    %dma_start3A_1525 = tpu.memref_slice %arg5[%dma_start3A_1521, %dma_start3A_1523, %dma_start3A_1524] : memref<4x48x128xf32, #tpu.memory_space<vmem>> -> memref<1x48x128xf32, #tpu.memory_space<vmem>>
    %dma_start3A_1526 = tpu.memref_squeeze %dma_start3A_1525 : memref<1x48x128xf32, #tpu.memory_space<vmem>> -> memref<48x128xf32, #tpu.memory_space<vmem>>
    %dma_start3A_1527 = arith.constant 0 : i32
    %dma_start3A_1528 = tpu.memref_slice %arg3[%add3A_96, %dma_start3A_1527] : memref<196608x128xf32, #tpu.memory_space<hbm>> -> memref<48x128xf32, #tpu.memory_space<hbm>>
    %dma_start3A_1529 = tpu.memref_slice %arg6[%dma_start3A_1522] : memref<4x!tpu.dma_semaphore, #tpu.memory_space<semaphore_mem>> -> memref<1x!tpu.dma_semaphore, #tpu.memory_space<semaphore_mem>>
    %dma_start3A_1530 = tpu.memref_squeeze %dma_start3A_1529 : memref<1x!tpu.dma_semaphore, #tpu.memory_space<semaphore_mem>> -> memref<!tpu.dma_semaphore, #tpu.memory_space<semaphore_mem>>
    %dma_start3A_1531 = arith.constant 0 : i32
    %dma_start3A_1532 = arith.constant 0 : i32
    %dma_start3A_1533 = tpu.memref_slice %arg5[%dma_start3A_1521, %dma_start3A_1531, %dma_start3A_1532] : memref<4x48x128xf32, #tpu.memory_space<vmem>> -> memref<1x48x128xf32, #tpu.memory_space<vmem>>
    %dma_start3A_1534 = tpu.memref_squeeze %dma_start3A_1533 : memref<1x48x128xf32, #tpu.memory_space<vmem>> -> memref<48x128xf32, #tpu.memory_space<vmem>>
    %dma_start3A_1535 = arith.constant 0 : i32
    %dma_start3A_1536 = tpu.memref_slice %arg3[%add3A_96, %dma_start3A_1535] : memref<196608x128xf32, #tpu.memory_space<hbm>> -> memref<48x128xf32, #tpu.memory_space<hbm>>
    tpu.enqueue_dma source(%dma_start3A_1536 : memref<48x128xf32, #tpu.memory_space<hbm>>) target(%dma_start3A_1534 : memref<48x128xf32, #tpu.memory_space<vmem>>) target_semaphore(%dma_start3A_1530 : memref<!tpu.dma_semaphore, #tpu.memory_space<semaphore_mem>>)
    %dma_wait3A_1537 = arith.constant 2 : i32
    %dma_wait3A_1538 = arith.constant 2 : i32
    %dma_wait3A_1539 = arith.constant 0 : i32
    %dma_wait3A_1540 = arith.constant 0 : i32
    %dma_wait3A_1541 = tpu.memref_slice %arg5[%dma_wait3A_1537, %dma_wait3A_1539, %dma_wait3A_1540] : memref<4x48x128xf32, #tpu.memory_space<vmem>> -> memref<1x48x128xf32, #tpu.memory_space<vmem>>
    %dma_wait3A_1542 = tpu.memref_squeeze %dma_wait3A_1541 : memref<1x48x128xf32, #tpu.memory_space<vmem>> -> memref<48x128xf32, #tpu.memory_space<vmem>>
    %dma_wait3A_1543 = arith.constant 0 : i32
    %dma_wait3A_1544 = tpu.memref_slice %arg2[%add3A_92, %dma_wait3A_1543] : memref<49152x128xf32, #tpu.memory_space<hbm>> -> memref<48x128xf32, #tpu.memory_space<hbm>>
    %dma_wait3A_1545 = tpu.memref_slice %arg6[%dma_wait3A_1538] : memref<4x!tpu.dma_semaphore, #tpu.memory_space<semaphore_mem>> -> memref<1x!tpu.dma_semaphore, #tpu.memory_space<semaphore_mem>>
    %dma_wait3A_1546 = tpu.memref_squeeze %dma_wait3A_1545 : memref<1x!tpu.dma_semaphore, #tpu.memory_space<semaphore_mem>> -> memref<!tpu.dma_semaphore, #tpu.memory_space<semaphore_mem>>
    %dma_wait3A_1547 = arith.constant 0 : i32
    %dma_wait3A_1548 = arith.constant 0 : i32
    %dma_wait3A_1549 = tpu.memref_slice %arg5[%dma_wait3A_1537, %dma_wait3A_1547, %dma_wait3A_1548] : memref<4x48x128xf32, #tpu.memory_space<vmem>> -> memref<1x48x128xf32, #tpu.memory_space<vmem>>
    %dma_wait3A_1550 = tpu.memref_squeeze %dma_wait3A_1549 : memref<1x48x128xf32, #tpu.memory_space<vmem>> -> memref<48x128xf32, #tpu.memory_space<vmem>>
    %dma_wait3A_1551 = arith.constant 0 : i32
    %dma_wait3A_1552 = tpu.memref_slice %arg2[%add3A_92, %dma_wait3A_1551] : memref<49152x128xf32, #tpu.memory_space<hbm>> -> memref<48x128xf32, #tpu.memory_space<hbm>>
    tpu.wait_dma2 semaphore(%dma_wait3A_1546 : memref<!tpu.dma_semaphore, #tpu.memory_space<semaphore_mem>>) src(%dma_wait3A_1552 : memref<48x128xf32, #tpu.memory_space<hbm>>) dst(%dma_wait3A_1550 : memref<48x128xf32, #tpu.memory_space<vmem>>)
    %dma_start3A_1553 = arith.constant 2 : i32
    %dma_start3A_1554 = arith.constant 2 : i32
    %dma_start3A_1555 = arith.constant 0 : i32
    %dma_start3A_1556 = arith.constant 0 : i32
    %dma_start3A_1557 = tpu.memref_slice %arg5[%dma_start3A_1553, %dma_start3A_1555, %dma_start3A_1556] : memref<4x48x128xf32, #tpu.memory_space<vmem>> -> memref<1x48x128xf32, #tpu.memory_space<vmem>>
    %dma_start3A_1558 = tpu.memref_squeeze %dma_start3A_1557 : memref<1x48x128xf32, #tpu.memory_space<vmem>> -> memref<48x128xf32, #tpu.memory_space<vmem>>
    %dma_start3A_1559 = arith.constant 0 : i32
    %dma_start3A_1560 = tpu.memref_slice %arg4[%add3A_94, %dma_start3A_1559] : memref<49152x128xf32, #tpu.memory_space<hbm>> -> memref<48x128xf32, #tpu.memory_space<hbm>>
    %dma_start3A_1561 = tpu.memref_slice %arg7[%dma_start3A_1554] : memref<4x!tpu.dma_semaphore, #tpu.memory_space<semaphore_mem>> -> memref<1x!tpu.dma_semaphore, #tpu.memory_space<semaphore_mem>>
    %dma_start3A_1562 = tpu.memref_squeeze %dma_start3A_1561 : memref<1x!tpu.dma_semaphore, #tpu.memory_space<semaphore_mem>> -> memref<!tpu.dma_semaphore, #tpu.memory_space<semaphore_mem>>
    %dma_start3A_1563 = arith.constant 0 : i32
    %dma_start3A_1564 = tpu.memref_slice %arg4[%add3A_94, %dma_start3A_1563] : memref<49152x128xf32, #tpu.memory_space<hbm>> -> memref<48x128xf32, #tpu.memory_space<hbm>>
    %dma_start3A_1565 = arith.constant 0 : i32
    %dma_start3A_1566 = arith.constant 0 : i32
    %dma_start3A_1567 = tpu.memref_slice %arg5[%dma_start3A_1553, %dma_start3A_1565, %dma_start3A_1566] : memref<4x48x128xf32, #tpu.memory_space<vmem>> -> memref<1x48x128xf32, #tpu.memory_space<vmem>>
    %dma_start3A_1568 = tpu.memref_squeeze %dma_start3A_1567 : memref<1x48x128xf32, #tpu.memory_space<vmem>> -> memref<48x128xf32, #tpu.memory_space<vmem>>
    tpu.enqueue_dma source(%dma_start3A_1568 : memref<48x128xf32, #tpu.memory_space<vmem>>) target(%dma_start3A_1564 : memref<48x128xf32, #tpu.memory_space<hbm>>) target_semaphore(%dma_start3A_1562 : memref<!tpu.dma_semaphore, #tpu.memory_space<semaphore_mem>>)
    %dma_wait3A_1569 = arith.constant 0 : i32
    %dma_wait3A_1570 = arith.constant 0 : i32
    %dma_wait3A_1571 = arith.constant 0 : i32
    %dma_wait3A_1572 = arith.constant 0 : i32
    %dma_wait3A_1573 = tpu.memref_slice %arg5[%dma_wait3A_1569, %dma_wait3A_1571, %dma_wait3A_1572] : memref<4x48x128xf32, #tpu.memory_space<vmem>> -> memref<1x48x128xf32, #tpu.memory_space<vmem>>
    %dma_wait3A_1574 = tpu.memref_squeeze %dma_wait3A_1573 : memref<1x48x128xf32, #tpu.memory_space<vmem>> -> memref<48x128xf32, #tpu.memory_space<vmem>>
    %dma_wait3A_1575 = arith.constant 0 : i32
    %dma_wait3A_1576 = tpu.memref_slice %arg4[%add3A_86, %dma_wait3A_1575] : memref<49152x128xf32, #tpu.memory_space<hbm>> -> memref<48x128xf32, #tpu.memory_space<hbm>>
    %dma_wait3A_1577 = tpu.memref_slice %arg7[%dma_wait3A_1570] : memref<4x!tpu.dma_semaphore, #tpu.memory_space<semaphore_mem>> -> memref<1x!tpu.dma_semaphore, #tpu.memory_space<semaphore_mem>>
    %dma_wait3A_1578 = tpu.memref_squeeze %dma_wait3A_1577 : memref<1x!tpu.dma_semaphore, #tpu.memory_space<semaphore_mem>> -> memref<!tpu.dma_semaphore, #tpu.memory_space<semaphore_mem>>
    %dma_wait3A_1579 = arith.constant 0 : i32
    %dma_wait3A_1580 = tpu.memref_slice %arg4[%add3A_86, %dma_wait3A_1579] : memref<49152x128xf32, #tpu.memory_space<hbm>> -> memref<48x128xf32, #tpu.memory_space<hbm>>
    %dma_wait3A_1581 = arith.constant 0 : i32
    %dma_wait3A_1582 = arith.constant 0 : i32
    %dma_wait3A_1583 = tpu.memref_slice %arg5[%dma_wait3A_1569, %dma_wait3A_1581, %dma_wait3A_1582] : memref<4x48x128xf32, #tpu.memory_space<vmem>> -> memref<1x48x128xf32, #tpu.memory_space<vmem>>
    %dma_wait3A_1584 = tpu.memref_squeeze %dma_wait3A_1583 : memref<1x48x128xf32, #tpu.memory_space<vmem>> -> memref<48x128xf32, #tpu.memory_space<vmem>>
    tpu.wait_dma2 semaphore(%dma_wait3A_1578 : memref<!tpu.dma_semaphore, #tpu.memory_space<semaphore_mem>>) src(%dma_wait3A_1584 : memref<48x128xf32, #tpu.memory_space<vmem>>) dst(%dma_wait3A_1580 : memref<48x128xf32, #tpu.memory_space<hbm>>)
    %dma_start3A_1585 = arith.constant 0 : i32
    %dma_start3A_1586 = arith.constant 0 : i32
    %dma_start3A_1587 = arith.constant 0 : i32
    %dma_start3A_1588 = arith.constant 0 : i32
    %dma_start3A_1589 = tpu.memref_slice %arg5[%dma_start3A_1585, %dma_start3A_1587, %dma_start3A_1588] : memref<4x48x128xf32, #tpu.memory_space<vmem>> -> memref<1x48x128xf32, #tpu.memory_space<vmem>>
    %dma_start3A_1590 = tpu.memref_squeeze %dma_start3A_1589 : memref<1x48x128xf32, #tpu.memory_space<vmem>> -> memref<48x128xf32, #tpu.memory_space<vmem>>
    %dma_start3A_1591 = arith.constant 0 : i32
    %dma_start3A_1592 = tpu.memref_slice %arg3[%add3A_100, %dma_start3A_1591] : memref<196608x128xf32, #tpu.memory_space<hbm>> -> memref<48x128xf32, #tpu.memory_space<hbm>>
    %dma_start3A_1593 = tpu.memref_slice %arg6[%dma_start3A_1586] : memref<4x!tpu.dma_semaphore, #tpu.memory_space<semaphore_mem>> -> memref<1x!tpu.dma_semaphore, #tpu.memory_space<semaphore_mem>>
    %dma_start3A_1594 = tpu.memref_squeeze %dma_start3A_1593 : memref<1x!tpu.dma_semaphore, #tpu.memory_space<semaphore_mem>> -> memref<!tpu.dma_semaphore, #tpu.memory_space<semaphore_mem>>
    %dma_start3A_1595 = arith.constant 0 : i32
    %dma_start3A_1596 = arith.constant 0 : i32
    %dma_start3A_1597 = tpu.memref_slice %arg5[%dma_start3A_1585, %dma_start3A_1595, %dma_start3A_1596] : memref<4x48x128xf32, #tpu.memory_space<vmem>> -> memref<1x48x128xf32, #tpu.memory_space<vmem>>
    %dma_start3A_1598 = tpu.memref_squeeze %dma_start3A_1597 : memref<1x48x128xf32, #tpu.memory_space<vmem>> -> memref<48x128xf32, #tpu.memory_space<vmem>>
    %dma_start3A_1599 = arith.constant 0 : i32
    %dma_start3A_1600 = tpu.memref_slice %arg3[%add3A_100, %dma_start3A_1599] : memref<196608x128xf32, #tpu.memory_space<hbm>> -> memref<48x128xf32, #tpu.memory_space<hbm>>
    tpu.enqueue_dma source(%dma_start3A_1600 : memref<48x128xf32, #tpu.memory_space<hbm>>) target(%dma_start3A_1598 : memref<48x128xf32, #tpu.memory_space<vmem>>) target_semaphore(%dma_start3A_1594 : memref<!tpu.dma_semaphore, #tpu.memory_space<semaphore_mem>>)
    %dma_wait3A_1601 = arith.constant 3 : i32
    %dma_wait3A_1602 = arith.constant 3 : i32
    %dma_wait3A_1603 = arith.constant 0 : i32
    %dma_wait3A_1604 = arith.constant 0 : i32
    %dma_wait3A_1605 = tpu.memref_slice %arg5[%dma_wait3A_1601, %dma_wait3A_1603, %dma_wait3A_1604] : memref<4x48x128xf32, #tpu.memory_space<vmem>> -> memref<1x48x128xf32, #tpu.memory_space<vmem>>
    %dma_wait3A_1606 = tpu.memref_squeeze %dma_wait3A_1605 : memref<1x48x128xf32, #tpu.memory_space<vmem>> -> memref<48x128xf32, #tpu.memory_space<vmem>>
    %dma_wait3A_1607 = arith.constant 0 : i32
    %dma_wait3A_1608 = tpu.memref_slice %arg3[%add3A_96, %dma_wait3A_1607] : memref<196608x128xf32, #tpu.memory_space<hbm>> -> memref<48x128xf32, #tpu.memory_space<hbm>>
    %dma_wait3A_1609 = tpu.memref_slice %arg6[%dma_wait3A_1602] : memref<4x!tpu.dma_semaphore, #tpu.memory_space<semaphore_mem>> -> memref<1x!tpu.dma_semaphore, #tpu.memory_space<semaphore_mem>>
    %dma_wait3A_1610 = tpu.memref_squeeze %dma_wait3A_1609 : memref<1x!tpu.dma_semaphore, #tpu.memory_space<semaphore_mem>> -> memref<!tpu.dma_semaphore, #tpu.memory_space<semaphore_mem>>
    %dma_wait3A_1611 = arith.constant 0 : i32
    %dma_wait3A_1612 = arith.constant 0 : i32
    %dma_wait3A_1613 = tpu.memref_slice %arg5[%dma_wait3A_1601, %dma_wait3A_1611, %dma_wait3A_1612] : memref<4x48x128xf32, #tpu.memory_space<vmem>> -> memref<1x48x128xf32, #tpu.memory_space<vmem>>
    %dma_wait3A_1614 = tpu.memref_squeeze %dma_wait3A_1613 : memref<1x48x128xf32, #tpu.memory_space<vmem>> -> memref<48x128xf32, #tpu.memory_space<vmem>>
    %dma_wait3A_1615 = arith.constant 0 : i32
    %dma_wait3A_1616 = tpu.memref_slice %arg3[%add3A_96, %dma_wait3A_1615] : memref<196608x128xf32, #tpu.memory_space<hbm>> -> memref<48x128xf32, #tpu.memory_space<hbm>>
    tpu.wait_dma2 semaphore(%dma_wait3A_1610 : memref<!tpu.dma_semaphore, #tpu.memory_space<semaphore_mem>>) src(%dma_wait3A_1616 : memref<48x128xf32, #tpu.memory_space<hbm>>) dst(%dma_wait3A_1614 : memref<48x128xf32, #tpu.memory_space<vmem>>)
    %dma_start3A_1617 = arith.constant 3 : i32
    %dma_start3A_1618 = arith.constant 3 : i32
    %dma_start3A_1619 = arith.constant 0 : i32
    %dma_start3A_1620 = arith.constant 0 : i32
    %dma_start3A_1621 = tpu.memref_slice %arg5[%dma_start3A_1617, %dma_start3A_1619, %dma_start3A_1620] : memref<4x48x128xf32, #tpu.memory_space<vmem>> -> memref<1x48x128xf32, #tpu.memory_space<vmem>>
    %dma_start3A_1622 = tpu.memref_squeeze %dma_start3A_1621 : memref<1x48x128xf32, #tpu.memory_space<vmem>> -> memref<48x128xf32, #tpu.memory_space<vmem>>
    %dma_start3A_1623 = arith.constant 0 : i32
    %dma_start3A_1624 = tpu.memref_slice %arg4[%add3A_98, %dma_start3A_1623] : memref<49152x128xf32, #tpu.memory_space<hbm>> -> memref<48x128xf32, #tpu.memory_space<hbm>>
    %dma_start3A_1625 = tpu.memref_slice %arg7[%dma_start3A_1618] : memref<4x!tpu.dma_semaphore, #tpu.memory_space<semaphore_mem>> -> memref<1x!tpu.dma_semaphore, #tpu.memory_space<semaphore_mem>>
    %dma_start3A_1626 = tpu.memref_squeeze %dma_start3A_1625 : memref<1x!tpu.dma_semaphore, #tpu.memory_space<semaphore_mem>> -> memref<!tpu.dma_semaphore, #tpu.memory_space<semaphore_mem>>
    %dma_start3A_1627 = arith.constant 0 : i32
    %dma_start3A_1628 = tpu.memref_slice %arg4[%add3A_98, %dma_start3A_1627] : memref<49152x128xf32, #tpu.memory_space<hbm>> -> memref<48x128xf32, #tpu.memory_space<hbm>>
    %dma_start3A_1629 = arith.constant 0 : i32
    %dma_start3A_1630 = arith.constant 0 : i32
    %dma_start3A_1631 = tpu.memref_slice %arg5[%dma_start3A_1617, %dma_start3A_1629, %dma_start3A_1630] : memref<4x48x128xf32, #tpu.memory_space<vmem>> -> memref<1x48x128xf32, #tpu.memory_space<vmem>>
    %dma_start3A_1632 = tpu.memref_squeeze %dma_start3A_1631 : memref<1x48x128xf32, #tpu.memory_space<vmem>> -> memref<48x128xf32, #tpu.memory_space<vmem>>
    tpu.enqueue_dma source(%dma_start3A_1632 : memref<48x128xf32, #tpu.memory_space<vmem>>) target(%dma_start3A_1628 : memref<48x128xf32, #tpu.memory_space<hbm>>) target_semaphore(%dma_start3A_1626 : memref<!tpu.dma_semaphore, #tpu.memory_space<semaphore_mem>>)
    %dma_wait3A_1633 = arith.constant 1 : i32
    %dma_wait3A_1634 = arith.constant 1 : i32
    %dma_wait3A_1635 = arith.constant 0 : i32
    %dma_wait3A_1636 = arith.constant 0 : i32
    %dma_wait3A_1637 = tpu.memref_slice %arg5[%dma_wait3A_1633, %dma_wait3A_1635, %dma_wait3A_1636] : memref<4x48x128xf32, #tpu.memory_space<vmem>> -> memref<1x48x128xf32, #tpu.memory_space<vmem>>
    %dma_wait3A_1638 = tpu.memref_squeeze %dma_wait3A_1637 : memref<1x48x128xf32, #tpu.memory_space<vmem>> -> memref<48x128xf32, #tpu.memory_space<vmem>>
    %dma_wait3A_1639 = arith.constant 0 : i32
    %dma_wait3A_1640 = tpu.memref_slice %arg4[%add3A_90, %dma_wait3A_1639] : memref<49152x128xf32, #tpu.memory_space<hbm>> -> memref<48x128xf32, #tpu.memory_space<hbm>>
    %dma_wait3A_1641 = tpu.memref_slice %arg7[%dma_wait3A_1634] : memref<4x!tpu.dma_semaphore, #tpu.memory_space<semaphore_mem>> -> memref<1x!tpu.dma_semaphore, #tpu.memory_space<semaphore_mem>>
    %dma_wait3A_1642 = tpu.memref_squeeze %dma_wait3A_1641 : memref<1x!tpu.dma_semaphore, #tpu.memory_space<semaphore_mem>> -> memref<!tpu.dma_semaphore, #tpu.memory_space<semaphore_mem>>
    %dma_wait3A_1643 = arith.constant 0 : i32
    %dma_wait3A_1644 = tpu.memref_slice %arg4[%add3A_90, %dma_wait3A_1643] : memref<49152x128xf32, #tpu.memory_space<hbm>> -> memref<48x128xf32, #tpu.memory_space<hbm>>
    %dma_wait3A_1645 = arith.constant 0 : i32
    %dma_wait3A_1646 = arith.constant 0 : i32
    %dma_wait3A_1647 = tpu.memref_slice %arg5[%dma_wait3A_1633, %dma_wait3A_1645, %dma_wait3A_1646] : memref<4x48x128xf32, #tpu.memory_space<vmem>> -> memref<1x48x128xf32, #tpu.memory_space<vmem>>
    %dma_wait3A_1648 = tpu.memref_squeeze %dma_wait3A_1647 : memref<1x48x128xf32, #tpu.memory_space<vmem>> -> memref<48x128xf32, #tpu.memory_space<vmem>>
    tpu.wait_dma2 semaphore(%dma_wait3A_1642 : memref<!tpu.dma_semaphore, #tpu.memory_space<semaphore_mem>>) src(%dma_wait3A_1648 : memref<48x128xf32, #tpu.memory_space<vmem>>) dst(%dma_wait3A_1644 : memref<48x128xf32, #tpu.memory_space<hbm>>)
    %dma_start3A_1649 = arith.constant 1 : i32
    %dma_start3A_1650 = arith.constant 1 : i32
    %dma_start3A_1651 = arith.constant 0 : i32
    %dma_start3A_1652 = arith.constant 0 : i32
    %dma_start3A_1653 = tpu.memref_slice %arg5[%dma_start3A_1649, %dma_start3A_1651, %dma_start3A_1652] : memref<4x48x128xf32, #tpu.memory_space<vmem>> -> memref<1x48x128xf32, #tpu.memory_space<vmem>>
    %dma_start3A_1654 = tpu.memref_squeeze %dma_start3A_1653 : memref<1x48x128xf32, #tpu.memory_space<vmem>> -> memref<48x128xf32, #tpu.memory_space<vmem>>
    %dma_start3A_1655 = arith.constant 0 : i32
    %dma_start3A_1656 = tpu.memref_slice %arg3[%add3A_104, %dma_start3A_1655] : memref<196608x128xf32, #tpu.memory_space<hbm>> -> memref<48x128xf32, #tpu.memory_space<hbm>>
    %dma_start3A_1657 = tpu.memref_slice %arg6[%dma_start3A_1650] : memref<4x!tpu.dma_semaphore, #tpu.memory_space<semaphore_mem>> -> memref<1x!tpu.dma_semaphore, #tpu.memory_space<semaphore_mem>>
    %dma_start3A_1658 = tpu.memref_squeeze %dma_start3A_1657 : memref<1x!tpu.dma_semaphore, #tpu.memory_space<semaphore_mem>> -> memref<!tpu.dma_semaphore, #tpu.memory_space<semaphore_mem>>
    %dma_start3A_1659 = arith.constant 0 : i32
    %dma_start3A_1660 = arith.constant 0 : i32
    %dma_start3A_1661 = tpu.memref_slice %arg5[%dma_start3A_1649, %dma_start3A_1659, %dma_start3A_1660] : memref<4x48x128xf32, #tpu.memory_space<vmem>> -> memref<1x48x128xf32, #tpu.memory_space<vmem>>
    %dma_start3A_1662 = tpu.memref_squeeze %dma_start3A_1661 : memref<1x48x128xf32, #tpu.memory_space<vmem>> -> memref<48x128xf32, #tpu.memory_space<vmem>>
    %dma_start3A_1663 = arith.constant 0 : i32
    %dma_start3A_1664 = tpu.memref_slice %arg3[%add3A_104, %dma_start3A_1663] : memref<196608x128xf32, #tpu.memory_space<hbm>> -> memref<48x128xf32, #tpu.memory_space<hbm>>
    tpu.enqueue_dma source(%dma_start3A_1664 : memref<48x128xf32, #tpu.memory_space<hbm>>) target(%dma_start3A_1662 : memref<48x128xf32, #tpu.memory_space<vmem>>) target_semaphore(%dma_start3A_1658 : memref<!tpu.dma_semaphore, #tpu.memory_space<semaphore_mem>>)
    %dma_wait3A_1665 = arith.constant 0 : i32
    %dma_wait3A_1666 = arith.constant 0 : i32
    %dma_wait3A_1667 = arith.constant 0 : i32
    %dma_wait3A_1668 = arith.constant 0 : i32
    %dma_wait3A_1669 = tpu.memref_slice %arg5[%dma_wait3A_1665, %dma_wait3A_1667, %dma_wait3A_1668] : memref<4x48x128xf32, #tpu.memory_space<vmem>> -> memref<1x48x128xf32, #tpu.memory_space<vmem>>
    %dma_wait3A_1670 = tpu.memref_squeeze %dma_wait3A_1669 : memref<1x48x128xf32, #tpu.memory_space<vmem>> -> memref<48x128xf32, #tpu.memory_space<vmem>>
    %dma_wait3A_1671 = arith.constant 0 : i32
    %dma_wait3A_1672 = tpu.memref_slice %arg3[%add3A_100, %dma_wait3A_1671] : memref<196608x128xf32, #tpu.memory_space<hbm>> -> memref<48x128xf32, #tpu.memory_space<hbm>>
    %dma_wait3A_1673 = tpu.memref_slice %arg6[%dma_wait3A_1666] : memref<4x!tpu.dma_semaphore, #tpu.memory_space<semaphore_mem>> -> memref<1x!tpu.dma_semaphore, #tpu.memory_space<semaphore_mem>>
    %dma_wait3A_1674 = tpu.memref_squeeze %dma_wait3A_1673 : memref<1x!tpu.dma_semaphore, #tpu.memory_space<semaphore_mem>> -> memref<!tpu.dma_semaphore, #tpu.memory_space<semaphore_mem>>
    %dma_wait3A_1675 = arith.constant 0 : i32
    %dma_wait3A_1676 = arith.constant 0 : i32
    %dma_wait3A_1677 = tpu.memref_slice %arg5[%dma_wait3A_1665, %dma_wait3A_1675, %dma_wait3A_1676] : memref<4x48x128xf32, #tpu.memory_space<vmem>> -> memref<1x48x128xf32, #tpu.memory_space<vmem>>
    %dma_wait3A_1678 = tpu.memref_squeeze %dma_wait3A_1677 : memref<1x48x128xf32, #tpu.memory_space<vmem>> -> memref<48x128xf32, #tpu.memory_space<vmem>>
    %dma_wait3A_1679 = arith.constant 0 : i32
    %dma_wait3A_1680 = tpu.memref_slice %arg3[%add3A_100, %dma_wait3A_1679] : memref<196608x128xf32, #tpu.memory_space<hbm>> -> memref<48x128xf32, #tpu.memory_space<hbm>>
    tpu.wait_dma2 semaphore(%dma_wait3A_1674 : memref<!tpu.dma_semaphore, #tpu.memory_space<semaphore_mem>>) src(%dma_wait3A_1680 : memref<48x128xf32, #tpu.memory_space<hbm>>) dst(%dma_wait3A_1678 : memref<48x128xf32, #tpu.memory_space<vmem>>)
    %dma_start3A_1681 = arith.constant 0 : i32
    %dma_start3A_1682 = arith.constant 0 : i32
    %dma_start3A_1683 = arith.constant 0 : i32
    %dma_start3A_1684 = arith.constant 0 : i32
    %dma_start3A_1685 = tpu.memref_slice %arg5[%dma_start3A_1681, %dma_start3A_1683, %dma_start3A_1684] : memref<4x48x128xf32, #tpu.memory_space<vmem>> -> memref<1x48x128xf32, #tpu.memory_space<vmem>>
    %dma_start3A_1686 = tpu.memref_squeeze %dma_start3A_1685 : memref<1x48x128xf32, #tpu.memory_space<vmem>> -> memref<48x128xf32, #tpu.memory_space<vmem>>
    %dma_start3A_1687 = arith.constant 0 : i32
    %dma_start3A_1688 = tpu.memref_slice %arg4[%add3A_102, %dma_start3A_1687] : memref<49152x128xf32, #tpu.memory_space<hbm>> -> memref<48x128xf32, #tpu.memory_space<hbm>>
    %dma_start3A_1689 = tpu.memref_slice %arg7[%dma_start3A_1682] : memref<4x!tpu.dma_semaphore, #tpu.memory_space<semaphore_mem>> -> memref<1x!tpu.dma_semaphore, #tpu.memory_space<semaphore_mem>>
    %dma_start3A_1690 = tpu.memref_squeeze %dma_start3A_1689 : memref<1x!tpu.dma_semaphore, #tpu.memory_space<semaphore_mem>> -> memref<!tpu.dma_semaphore, #tpu.memory_space<semaphore_mem>>
    %dma_start3A_1691 = arith.constant 0 : i32
    %dma_start3A_1692 = tpu.memref_slice %arg4[%add3A_102, %dma_start3A_1691] : memref<49152x128xf32, #tpu.memory_space<hbm>> -> memref<48x128xf32, #tpu.memory_space<hbm>>
    %dma_start3A_1693 = arith.constant 0 : i32
    %dma_start3A_1694 = arith.constant 0 : i32
    %dma_start3A_1695 = tpu.memref_slice %arg5[%dma_start3A_1681, %dma_start3A_1693, %dma_start3A_1694] : memref<4x48x128xf32, #tpu.memory_space<vmem>> -> memref<1x48x128xf32, #tpu.memory_space<vmem>>
    %dma_start3A_1696 = tpu.memref_squeeze %dma_start3A_1695 : memref<1x48x128xf32, #tpu.memory_space<vmem>> -> memref<48x128xf32, #tpu.memory_space<vmem>>
    tpu.enqueue_dma source(%dma_start3A_1696 : memref<48x128xf32, #tpu.memory_space<vmem>>) target(%dma_start3A_1692 : memref<48x128xf32, #tpu.memory_space<hbm>>) target_semaphore(%dma_start3A_1690 : memref<!tpu.dma_semaphore, #tpu.memory_space<semaphore_mem>>)
    %dma_wait3A_1697 = arith.constant 2 : i32
    %dma_wait3A_1698 = arith.constant 2 : i32
    %dma_wait3A_1699 = arith.constant 0 : i32
    %dma_wait3A_1700 = arith.constant 0 : i32
    %dma_wait3A_1701 = tpu.memref_slice %arg5[%dma_wait3A_1697, %dma_wait3A_1699, %dma_wait3A_1700] : memref<4x48x128xf32, #tpu.memory_space<vmem>> -> memref<1x48x128xf32, #tpu.memory_space<vmem>>
    %dma_wait3A_1702 = tpu.memref_squeeze %dma_wait3A_1701 : memref<1x48x128xf32, #tpu.memory_space<vmem>> -> memref<48x128xf32, #tpu.memory_space<vmem>>
    %dma_wait3A_1703 = arith.constant 0 : i32
    %dma_wait3A_1704 = tpu.memref_slice %arg4[%add3A_94, %dma_wait3A_1703] : memref<49152x128xf32, #tpu.memory_space<hbm>> -> memref<48x128xf32, #tpu.memory_space<hbm>>
    %dma_wait3A_1705 = tpu.memref_slice %arg7[%dma_wait3A_1698] : memref<4x!tpu.dma_semaphore, #tpu.memory_space<semaphore_mem>> -> memref<1x!tpu.dma_semaphore, #tpu.memory_space<semaphore_mem>>
    %dma_wait3A_1706 = tpu.memref_squeeze %dma_wait3A_1705 : memref<1x!tpu.dma_semaphore, #tpu.memory_space<semaphore_mem>> -> memref<!tpu.dma_semaphore, #tpu.memory_space<semaphore_mem>>
    %dma_wait3A_1707 = arith.constant 0 : i32
    %dma_wait3A_1708 = tpu.memref_slice %arg4[%add3A_94, %dma_wait3A_1707] : memref<49152x128xf32, #tpu.memory_space<hbm>> -> memref<48x128xf32, #tpu.memory_space<hbm>>
    %dma_wait3A_1709 = arith.constant 0 : i32
    %dma_wait3A_1710 = arith.constant 0 : i32
    %dma_wait3A_1711 = tpu.memref_slice %arg5[%dma_wait3A_1697, %dma_wait3A_1709, %dma_wait3A_1710] : memref<4x48x128xf32, #tpu.memory_space<vmem>> -> memref<1x48x128xf32, #tpu.memory_space<vmem>>
    %dma_wait3A_1712 = tpu.memref_squeeze %dma_wait3A_1711 : memref<1x48x128xf32, #tpu.memory_space<vmem>> -> memref<48x128xf32, #tpu.memory_space<vmem>>
    tpu.wait_dma2 semaphore(%dma_wait3A_1706 : memref<!tpu.dma_semaphore, #tpu.memory_space<semaphore_mem>>) src(%dma_wait3A_1712 : memref<48x128xf32, #tpu.memory_space<vmem>>) dst(%dma_wait3A_1708 : memref<48x128xf32, #tpu.memory_space<hbm>>)
    %dma_start3A_1713 = arith.constant 2 : i32
    %dma_start3A_1714 = arith.constant 2 : i32
    %dma_start3A_1715 = arith.constant 0 : i32
    %dma_start3A_1716 = arith.constant 0 : i32
    %dma_start3A_1717 = tpu.memref_slice %arg5[%dma_start3A_1713, %dma_start3A_1715, %dma_start3A_1716] : memref<4x48x128xf32, #tpu.memory_space<vmem>> -> memref<1x48x128xf32, #tpu.memory_space<vmem>>
    %dma_start3A_1718 = tpu.memref_squeeze %dma_start3A_1717 : memref<1x48x128xf32, #tpu.memory_space<vmem>> -> memref<48x128xf32, #tpu.memory_space<vmem>>
    %dma_start3A_1719 = arith.constant 0 : i32
    %dma_start3A_1720 = tpu.memref_slice %arg3[%add3A_108, %dma_start3A_1719] : memref<196608x128xf32, #tpu.memory_space<hbm>> -> memref<48x128xf32, #tpu.memory_space<hbm>>
    %dma_start3A_1721 = tpu.memref_slice %arg6[%dma_start3A_1714] : memref<4x!tpu.dma_semaphore, #tpu.memory_space<semaphore_mem>> -> memref<1x!tpu.dma_semaphore, #tpu.memory_space<semaphore_mem>>
    %dma_start3A_1722 = tpu.memref_squeeze %dma_start3A_1721 : memref<1x!tpu.dma_semaphore, #tpu.memory_space<semaphore_mem>> -> memref<!tpu.dma_semaphore, #tpu.memory_space<semaphore_mem>>
    %dma_start3A_1723 = arith.constant 0 : i32
    %dma_start3A_1724 = arith.constant 0 : i32
    %dma_start3A_1725 = tpu.memref_slice %arg5[%dma_start3A_1713, %dma_start3A_1723, %dma_start3A_1724] : memref<4x48x128xf32, #tpu.memory_space<vmem>> -> memref<1x48x128xf32, #tpu.memory_space<vmem>>
    %dma_start3A_1726 = tpu.memref_squeeze %dma_start3A_1725 : memref<1x48x128xf32, #tpu.memory_space<vmem>> -> memref<48x128xf32, #tpu.memory_space<vmem>>
    %dma_start3A_1727 = arith.constant 0 : i32
    %dma_start3A_1728 = tpu.memref_slice %arg3[%add3A_108, %dma_start3A_1727] : memref<196608x128xf32, #tpu.memory_space<hbm>> -> memref<48x128xf32, #tpu.memory_space<hbm>>
    tpu.enqueue_dma source(%dma_start3A_1728 : memref<48x128xf32, #tpu.memory_space<hbm>>) target(%dma_start3A_1726 : memref<48x128xf32, #tpu.memory_space<vmem>>) target_semaphore(%dma_start3A_1722 : memref<!tpu.dma_semaphore, #tpu.memory_space<semaphore_mem>>)
    %dma_wait3A_1729 = arith.constant 1 : i32
    %dma_wait3A_1730 = arith.constant 1 : i32
    %dma_wait3A_1731 = arith.constant 0 : i32
    %dma_wait3A_1732 = arith.constant 0 : i32
    %dma_wait3A_1733 = tpu.memref_slice %arg5[%dma_wait3A_1729, %dma_wait3A_1731, %dma_wait3A_1732] : memref<4x48x128xf32, #tpu.memory_space<vmem>> -> memref<1x48x128xf32, #tpu.memory_space<vmem>>
    %dma_wait3A_1734 = tpu.memref_squeeze %dma_wait3A_1733 : memref<1x48x128xf32, #tpu.memory_space<vmem>> -> memref<48x128xf32, #tpu.memory_space<vmem>>
    %dma_wait3A_1735 = arith.constant 0 : i32
    %dma_wait3A_1736 = tpu.memref_slice %arg3[%add3A_104, %dma_wait3A_1735] : memref<196608x128xf32, #tpu.memory_space<hbm>> -> memref<48x128xf32, #tpu.memory_space<hbm>>
    %dma_wait3A_1737 = tpu.memref_slice %arg6[%dma_wait3A_1730] : memref<4x!tpu.dma_semaphore, #tpu.memory_space<semaphore_mem>> -> memref<1x!tpu.dma_semaphore, #tpu.memory_space<semaphore_mem>>
    %dma_wait3A_1738 = tpu.memref_squeeze %dma_wait3A_1737 : memref<1x!tpu.dma_semaphore, #tpu.memory_space<semaphore_mem>> -> memref<!tpu.dma_semaphore, #tpu.memory_space<semaphore_mem>>
    %dma_wait3A_1739 = arith.constant 0 : i32
    %dma_wait3A_1740 = arith.constant 0 : i32
    %dma_wait3A_1741 = tpu.memref_slice %arg5[%dma_wait3A_1729, %dma_wait3A_1739, %dma_wait3A_1740] : memref<4x48x128xf32, #tpu.memory_space<vmem>> -> memref<1x48x128xf32, #tpu.memory_space<vmem>>
    %dma_wait3A_1742 = tpu.memref_squeeze %dma_wait3A_1741 : memref<1x48x128xf32, #tpu.memory_space<vmem>> -> memref<48x128xf32, #tpu.memory_space<vmem>>
    %dma_wait3A_1743 = arith.constant 0 : i32
    %dma_wait3A_1744 = tpu.memref_slice %arg3[%add3A_104, %dma_wait3A_1743] : memref<196608x128xf32, #tpu.memory_space<hbm>> -> memref<48x128xf32, #tpu.memory_space<hbm>>
    tpu.wait_dma2 semaphore(%dma_wait3A_1738 : memref<!tpu.dma_semaphore, #tpu.memory_space<semaphore_mem>>) src(%dma_wait3A_1744 : memref<48x128xf32, #tpu.memory_space<hbm>>) dst(%dma_wait3A_1742 : memref<48x128xf32, #tpu.memory_space<vmem>>)
    %dma_start3A_1745 = arith.constant 1 : i32
    %dma_start3A_1746 = arith.constant 1 : i32
    %dma_start3A_1747 = arith.constant 0 : i32
    %dma_start3A_1748 = arith.constant 0 : i32
    %dma_start3A_1749 = tpu.memref_slice %arg5[%dma_start3A_1745, %dma_start3A_1747, %dma_start3A_1748] : memref<4x48x128xf32, #tpu.memory_space<vmem>> -> memref<1x48x128xf32, #tpu.memory_space<vmem>>
    %dma_start3A_1750 = tpu.memref_squeeze %dma_start3A_1749 : memref<1x48x128xf32, #tpu.memory_space<vmem>> -> memref<48x128xf32, #tpu.memory_space<vmem>>
    %dma_start3A_1751 = arith.constant 0 : i32
    %dma_start3A_1752 = tpu.memref_slice %arg4[%add3A_106, %dma_start3A_1751] : memref<49152x128xf32, #tpu.memory_space<hbm>> -> memref<48x128xf32, #tpu.memory_space<hbm>>
    %dma_start3A_1753 = tpu.memref_slice %arg7[%dma_start3A_1746] : memref<4x!tpu.dma_semaphore, #tpu.memory_space<semaphore_mem>> -> memref<1x!tpu.dma_semaphore, #tpu.memory_space<semaphore_mem>>
    %dma_start3A_1754 = tpu.memref_squeeze %dma_start3A_1753 : memref<1x!tpu.dma_semaphore, #tpu.memory_space<semaphore_mem>> -> memref<!tpu.dma_semaphore, #tpu.memory_space<semaphore_mem>>
    %dma_start3A_1755 = arith.constant 0 : i32
    %dma_start3A_1756 = tpu.memref_slice %arg4[%add3A_106, %dma_start3A_1755] : memref<49152x128xf32, #tpu.memory_space<hbm>> -> memref<48x128xf32, #tpu.memory_space<hbm>>
    %dma_start3A_1757 = arith.constant 0 : i32
    %dma_start3A_1758 = arith.constant 0 : i32
    %dma_start3A_1759 = tpu.memref_slice %arg5[%dma_start3A_1745, %dma_start3A_1757, %dma_start3A_1758] : memref<4x48x128xf32, #tpu.memory_space<vmem>> -> memref<1x48x128xf32, #tpu.memory_space<vmem>>
    %dma_start3A_1760 = tpu.memref_squeeze %dma_start3A_1759 : memref<1x48x128xf32, #tpu.memory_space<vmem>> -> memref<48x128xf32, #tpu.memory_space<vmem>>
    tpu.enqueue_dma source(%dma_start3A_1760 : memref<48x128xf32, #tpu.memory_space<vmem>>) target(%dma_start3A_1756 : memref<48x128xf32, #tpu.memory_space<hbm>>) target_semaphore(%dma_start3A_1754 : memref<!tpu.dma_semaphore, #tpu.memory_space<semaphore_mem>>)
    %dma_wait3A_1761 = arith.constant 3 : i32
    %dma_wait3A_1762 = arith.constant 3 : i32
    %dma_wait3A_1763 = arith.constant 0 : i32
    %dma_wait3A_1764 = arith.constant 0 : i32
    %dma_wait3A_1765 = tpu.memref_slice %arg5[%dma_wait3A_1761, %dma_wait3A_1763, %dma_wait3A_1764] : memref<4x48x128xf32, #tpu.memory_space<vmem>> -> memref<1x48x128xf32, #tpu.memory_space<vmem>>
    %dma_wait3A_1766 = tpu.memref_squeeze %dma_wait3A_1765 : memref<1x48x128xf32, #tpu.memory_space<vmem>> -> memref<48x128xf32, #tpu.memory_space<vmem>>
    %dma_wait3A_1767 = arith.constant 0 : i32
    %dma_wait3A_1768 = tpu.memref_slice %arg4[%add3A_98, %dma_wait3A_1767] : memref<49152x128xf32, #tpu.memory_space<hbm>> -> memref<48x128xf32, #tpu.memory_space<hbm>>
    %dma_wait3A_1769 = tpu.memref_slice %arg7[%dma_wait3A_1762] : memref<4x!tpu.dma_semaphore, #tpu.memory_space<semaphore_mem>> -> memref<1x!tpu.dma_semaphore, #tpu.memory_space<semaphore_mem>>
    %dma_wait3A_1770 = tpu.memref_squeeze %dma_wait3A_1769 : memref<1x!tpu.dma_semaphore, #tpu.memory_space<semaphore_mem>> -> memref<!tpu.dma_semaphore, #tpu.memory_space<semaphore_mem>>
    %dma_wait3A_1771 = arith.constant 0 : i32
    %dma_wait3A_1772 = tpu.memref_slice %arg4[%add3A_98, %dma_wait3A_1771] : memref<49152x128xf32, #tpu.memory_space<hbm>> -> memref<48x128xf32, #tpu.memory_space<hbm>>
    %dma_wait3A_1773 = arith.constant 0 : i32
    %dma_wait3A_1774 = arith.constant 0 : i32
    %dma_wait3A_1775 = tpu.memref_slice %arg5[%dma_wait3A_1761, %dma_wait3A_1773, %dma_wait3A_1774] : memref<4x48x128xf32, #tpu.memory_space<vmem>> -> memref<1x48x128xf32, #tpu.memory_space<vmem>>
    %dma_wait3A_1776 = tpu.memref_squeeze %dma_wait3A_1775 : memref<1x48x128xf32, #tpu.memory_space<vmem>> -> memref<48x128xf32, #tpu.memory_space<vmem>>
    tpu.wait_dma2 semaphore(%dma_wait3A_1770 : memref<!tpu.dma_semaphore, #tpu.memory_space<semaphore_mem>>) src(%dma_wait3A_1776 : memref<48x128xf32, #tpu.memory_space<vmem>>) dst(%dma_wait3A_1772 : memref<48x128xf32, #tpu.memory_space<hbm>>)
    %dma_start3A_1777 = arith.constant 3 : i32
    %dma_start3A_1778 = arith.constant 3 : i32
    %dma_start3A_1779 = arith.constant 0 : i32
    %dma_start3A_1780 = arith.constant 0 : i32
    %dma_start3A_1781 = tpu.memref_slice %arg5[%dma_start3A_1777, %dma_start3A_1779, %dma_start3A_1780] : memref<4x48x128xf32, #tpu.memory_space<vmem>> -> memref<1x48x128xf32, #tpu.memory_space<vmem>>
    %dma_start3A_1782 = tpu.memref_squeeze %dma_start3A_1781 : memref<1x48x128xf32, #tpu.memory_space<vmem>> -> memref<48x128xf32, #tpu.memory_space<vmem>>
    %dma_start3A_1783 = arith.constant 0 : i32
    %dma_start3A_1784 = tpu.memref_slice %arg3[%add3A_112, %dma_start3A_1783] : memref<196608x128xf32, #tpu.memory_space<hbm>> -> memref<48x128xf32, #tpu.memory_space<hbm>>
    %dma_start3A_1785 = tpu.memref_slice %arg6[%dma_start3A_1778] : memref<4x!tpu.dma_semaphore, #tpu.memory_space<semaphore_mem>> -> memref<1x!tpu.dma_semaphore, #tpu.memory_space<semaphore_mem>>
    %dma_start3A_1786 = tpu.memref_squeeze %dma_start3A_1785 : memref<1x!tpu.dma_semaphore, #tpu.memory_space<semaphore_mem>> -> memref<!tpu.dma_semaphore, #tpu.memory_space<semaphore_mem>>
    %dma_start3A_1787 = arith.constant 0 : i32
    %dma_start3A_1788 = arith.constant 0 : i32
    %dma_start3A_1789 = tpu.memref_slice %arg5[%dma_start3A_1777, %dma_start3A_1787, %dma_start3A_1788] : memref<4x48x128xf32, #tpu.memory_space<vmem>> -> memref<1x48x128xf32, #tpu.memory_space<vmem>>
    %dma_start3A_1790 = tpu.memref_squeeze %dma_start3A_1789 : memref<1x48x128xf32, #tpu.memory_space<vmem>> -> memref<48x128xf32, #tpu.memory_space<vmem>>
    %dma_start3A_1791 = arith.constant 0 : i32
    %dma_start3A_1792 = tpu.memref_slice %arg3[%add3A_112, %dma_start3A_1791] : memref<196608x128xf32, #tpu.memory_space<hbm>> -> memref<48x128xf32, #tpu.memory_space<hbm>>
    tpu.enqueue_dma source(%dma_start3A_1792 : memref<48x128xf32, #tpu.memory_space<hbm>>) target(%dma_start3A_1790 : memref<48x128xf32, #tpu.memory_space<vmem>>) target_semaphore(%dma_start3A_1786 : memref<!tpu.dma_semaphore, #tpu.memory_space<semaphore_mem>>)
    %dma_wait3A_1793 = arith.constant 2 : i32
    %dma_wait3A_1794 = arith.constant 2 : i32
    %dma_wait3A_1795 = arith.constant 0 : i32
    %dma_wait3A_1796 = arith.constant 0 : i32
    %dma_wait3A_1797 = tpu.memref_slice %arg5[%dma_wait3A_1793, %dma_wait3A_1795, %dma_wait3A_1796] : memref<4x48x128xf32, #tpu.memory_space<vmem>> -> memref<1x48x128xf32, #tpu.memory_space<vmem>>
    %dma_wait3A_1798 = tpu.memref_squeeze %dma_wait3A_1797 : memref<1x48x128xf32, #tpu.memory_space<vmem>> -> memref<48x128xf32, #tpu.memory_space<vmem>>
    %dma_wait3A_1799 = arith.constant 0 : i32
    %dma_wait3A_1800 = tpu.memref_slice %arg3[%add3A_108, %dma_wait3A_1799] : memref<196608x128xf32, #tpu.memory_space<hbm>> -> memref<48x128xf32, #tpu.memory_space<hbm>>
    %dma_wait3A_1801 = tpu.memref_slice %arg6[%dma_wait3A_1794] : memref<4x!tpu.dma_semaphore, #tpu.memory_space<semaphore_mem>> -> memref<1x!tpu.dma_semaphore, #tpu.memory_space<semaphore_mem>>
    %dma_wait3A_1802 = tpu.memref_squeeze %dma_wait3A_1801 : memref<1x!tpu.dma_semaphore, #tpu.memory_space<semaphore_mem>> -> memref<!tpu.dma_semaphore, #tpu.memory_space<semaphore_mem>>
    %dma_wait3A_1803 = arith.constant 0 : i32
    %dma_wait3A_1804 = arith.constant 0 : i32
    %dma_wait3A_1805 = tpu.memref_slice %arg5[%dma_wait3A_1793, %dma_wait3A_1803, %dma_wait3A_1804] : memref<4x48x128xf32, #tpu.memory_space<vmem>> -> memref<1x48x128xf32, #tpu.memory_space<vmem>>
    %dma_wait3A_1806 = tpu.memref_squeeze %dma_wait3A_1805 : memref<1x48x128xf32, #tpu.memory_space<vmem>> -> memref<48x128xf32, #tpu.memory_space<vmem>>
    %dma_wait3A_1807 = arith.constant 0 : i32
    %dma_wait3A_1808 = tpu.memref_slice %arg3[%add3A_108, %dma_wait3A_1807] : memref<196608x128xf32, #tpu.memory_space<hbm>> -> memref<48x128xf32, #tpu.memory_space<hbm>>
    tpu.wait_dma2 semaphore(%dma_wait3A_1802 : memref<!tpu.dma_semaphore, #tpu.memory_space<semaphore_mem>>) src(%dma_wait3A_1808 : memref<48x128xf32, #tpu.memory_space<hbm>>) dst(%dma_wait3A_1806 : memref<48x128xf32, #tpu.memory_space<vmem>>)
    %dma_start3A_1809 = arith.constant 2 : i32
    %dma_start3A_1810 = arith.constant 2 : i32
    %dma_start3A_1811 = arith.constant 0 : i32
    %dma_start3A_1812 = arith.constant 0 : i32
    %dma_start3A_1813 = tpu.memref_slice %arg5[%dma_start3A_1809, %dma_start3A_1811, %dma_start3A_1812] : memref<4x48x128xf32, #tpu.memory_space<vmem>> -> memref<1x48x128xf32, #tpu.memory_space<vmem>>
    %dma_start3A_1814 = tpu.memref_squeeze %dma_start3A_1813 : memref<1x48x128xf32, #tpu.memory_space<vmem>> -> memref<48x128xf32, #tpu.memory_space<vmem>>
    %dma_start3A_1815 = arith.constant 0 : i32
    %dma_start3A_1816 = tpu.memref_slice %arg4[%add3A_110, %dma_start3A_1815] : memref<49152x128xf32, #tpu.memory_space<hbm>> -> memref<48x128xf32, #tpu.memory_space<hbm>>
    %dma_start3A_1817 = tpu.memref_slice %arg7[%dma_start3A_1810] : memref<4x!tpu.dma_semaphore, #tpu.memory_space<semaphore_mem>> -> memref<1x!tpu.dma_semaphore, #tpu.memory_space<semaphore_mem>>
    %dma_start3A_1818 = tpu.memref_squeeze %dma_start3A_1817 : memref<1x!tpu.dma_semaphore, #tpu.memory_space<semaphore_mem>> -> memref<!tpu.dma_semaphore, #tpu.memory_space<semaphore_mem>>
    %dma_start3A_1819 = arith.constant 0 : i32
    %dma_start3A_1820 = tpu.memref_slice %arg4[%add3A_110, %dma_start3A_1819] : memref<49152x128xf32, #tpu.memory_space<hbm>> -> memref<48x128xf32, #tpu.memory_space<hbm>>
    %dma_start3A_1821 = arith.constant 0 : i32
    %dma_start3A_1822 = arith.constant 0 : i32
    %dma_start3A_1823 = tpu.memref_slice %arg5[%dma_start3A_1809, %dma_start3A_1821, %dma_start3A_1822] : memref<4x48x128xf32, #tpu.memory_space<vmem>> -> memref<1x48x128xf32, #tpu.memory_space<vmem>>
    %dma_start3A_1824 = tpu.memref_squeeze %dma_start3A_1823 : memref<1x48x128xf32, #tpu.memory_space<vmem>> -> memref<48x128xf32, #tpu.memory_space<vmem>>
    tpu.enqueue_dma source(%dma_start3A_1824 : memref<48x128xf32, #tpu.memory_space<vmem>>) target(%dma_start3A_1820 : memref<48x128xf32, #tpu.memory_space<hbm>>) target_semaphore(%dma_start3A_1818 : memref<!tpu.dma_semaphore, #tpu.memory_space<semaphore_mem>>)
    %dma_wait3A_1825 = arith.constant 0 : i32
    %dma_wait3A_1826 = arith.constant 0 : i32
    %dma_wait3A_1827 = arith.constant 0 : i32
    %dma_wait3A_1828 = arith.constant 0 : i32
    %dma_wait3A_1829 = tpu.memref_slice %arg5[%dma_wait3A_1825, %dma_wait3A_1827, %dma_wait3A_1828] : memref<4x48x128xf32, #tpu.memory_space<vmem>> -> memref<1x48x128xf32, #tpu.memory_space<vmem>>
    %dma_wait3A_1830 = tpu.memref_squeeze %dma_wait3A_1829 : memref<1x48x128xf32, #tpu.memory_space<vmem>> -> memref<48x128xf32, #tpu.memory_space<vmem>>
    %dma_wait3A_1831 = arith.constant 0 : i32
    %dma_wait3A_1832 = tpu.memref_slice %arg4[%add3A_102, %dma_wait3A_1831] : memref<49152x128xf32, #tpu.memory_space<hbm>> -> memref<48x128xf32, #tpu.memory_space<hbm>>
    %dma_wait3A_1833 = tpu.memref_slice %arg7[%dma_wait3A_1826] : memref<4x!tpu.dma_semaphore, #tpu.memory_space<semaphore_mem>> -> memref<1x!tpu.dma_semaphore, #tpu.memory_space<semaphore_mem>>
    %dma_wait3A_1834 = tpu.memref_squeeze %dma_wait3A_1833 : memref<1x!tpu.dma_semaphore, #tpu.memory_space<semaphore_mem>> -> memref<!tpu.dma_semaphore, #tpu.memory_space<semaphore_mem>>
    %dma_wait3A_1835 = arith.constant 0 : i32
    %dma_wait3A_1836 = tpu.memref_slice %arg4[%add3A_102, %dma_wait3A_1835] : memref<49152x128xf32, #tpu.memory_space<hbm>> -> memref<48x128xf32, #tpu.memory_space<hbm>>
    %dma_wait3A_1837 = arith.constant 0 : i32
    %dma_wait3A_1838 = arith.constant 0 : i32
    %dma_wait3A_1839 = tpu.memref_slice %arg5[%dma_wait3A_1825, %dma_wait3A_1837, %dma_wait3A_1838] : memref<4x48x128xf32, #tpu.memory_space<vmem>> -> memref<1x48x128xf32, #tpu.memory_space<vmem>>
    %dma_wait3A_1840 = tpu.memref_squeeze %dma_wait3A_1839 : memref<1x48x128xf32, #tpu.memory_space<vmem>> -> memref<48x128xf32, #tpu.memory_space<vmem>>
    tpu.wait_dma2 semaphore(%dma_wait3A_1834 : memref<!tpu.dma_semaphore, #tpu.memory_space<semaphore_mem>>) src(%dma_wait3A_1840 : memref<48x128xf32, #tpu.memory_space<vmem>>) dst(%dma_wait3A_1836 : memref<48x128xf32, #tpu.memory_space<hbm>>)
    %dma_start3A_1841 = arith.constant 0 : i32
    %dma_start3A_1842 = arith.constant 0 : i32
    %dma_start3A_1843 = arith.constant 0 : i32
    %dma_start3A_1844 = arith.constant 0 : i32
    %dma_start3A_1845 = tpu.memref_slice %arg5[%dma_start3A_1841, %dma_start3A_1843, %dma_start3A_1844] : memref<4x48x128xf32, #tpu.memory_space<vmem>> -> memref<1x48x128xf32, #tpu.memory_space<vmem>>
    %dma_start3A_1846 = tpu.memref_squeeze %dma_start3A_1845 : memref<1x48x128xf32, #tpu.memory_space<vmem>> -> memref<48x128xf32, #tpu.memory_space<vmem>>
    %dma_start3A_1847 = arith.constant 0 : i32
    %dma_start3A_1848 = tpu.memref_slice %arg3[%add3A_116, %dma_start3A_1847] : memref<196608x128xf32, #tpu.memory_space<hbm>> -> memref<48x128xf32, #tpu.memory_space<hbm>>
    %dma_start3A_1849 = tpu.memref_slice %arg6[%dma_start3A_1842] : memref<4x!tpu.dma_semaphore, #tpu.memory_space<semaphore_mem>> -> memref<1x!tpu.dma_semaphore, #tpu.memory_space<semaphore_mem>>
    %dma_start3A_1850 = tpu.memref_squeeze %dma_start3A_1849 : memref<1x!tpu.dma_semaphore, #tpu.memory_space<semaphore_mem>> -> memref<!tpu.dma_semaphore, #tpu.memory_space<semaphore_mem>>
    %dma_start3A_1851 = arith.constant 0 : i32
    %dma_start3A_1852 = arith.constant 0 : i32
    %dma_start3A_1853 = tpu.memref_slice %arg5[%dma_start3A_1841, %dma_start3A_1851, %dma_start3A_1852] : memref<4x48x128xf32, #tpu.memory_space<vmem>> -> memref<1x48x128xf32, #tpu.memory_space<vmem>>
    %dma_start3A_1854 = tpu.memref_squeeze %dma_start3A_1853 : memref<1x48x128xf32, #tpu.memory_space<vmem>> -> memref<48x128xf32, #tpu.memory_space<vmem>>
    %dma_start3A_1855 = arith.constant 0 : i32
    %dma_start3A_1856 = tpu.memref_slice %arg3[%add3A_116, %dma_start3A_1855] : memref<196608x128xf32, #tpu.memory_space<hbm>> -> memref<48x128xf32, #tpu.memory_space<hbm>>
    tpu.enqueue_dma source(%dma_start3A_1856 : memref<48x128xf32, #tpu.memory_space<hbm>>) target(%dma_start3A_1854 : memref<48x128xf32, #tpu.memory_space<vmem>>) target_semaphore(%dma_start3A_1850 : memref<!tpu.dma_semaphore, #tpu.memory_space<semaphore_mem>>)
    %dma_wait3A_1857 = arith.constant 3 : i32
    %dma_wait3A_1858 = arith.constant 3 : i32
    %dma_wait3A_1859 = arith.constant 0 : i32
    %dma_wait3A_1860 = arith.constant 0 : i32
    %dma_wait3A_1861 = tpu.memref_slice %arg5[%dma_wait3A_1857, %dma_wait3A_1859, %dma_wait3A_1860] : memref<4x48x128xf32, #tpu.memory_space<vmem>> -> memref<1x48x128xf32, #tpu.memory_space<vmem>>
    %dma_wait3A_1862 = tpu.memref_squeeze %dma_wait3A_1861 : memref<1x48x128xf32, #tpu.memory_space<vmem>> -> memref<48x128xf32, #tpu.memory_space<vmem>>
    %dma_wait3A_1863 = arith.constant 0 : i32
    %dma_wait3A_1864 = tpu.memref_slice %arg3[%add3A_112, %dma_wait3A_1863] : memref<196608x128xf32, #tpu.memory_space<hbm>> -> memref<48x128xf32, #tpu.memory_space<hbm>>
    %dma_wait3A_1865 = tpu.memref_slice %arg6[%dma_wait3A_1858] : memref<4x!tpu.dma_semaphore, #tpu.memory_space<semaphore_mem>> -> memref<1x!tpu.dma_semaphore, #tpu.memory_space<semaphore_mem>>
    %dma_wait3A_1866 = tpu.memref_squeeze %dma_wait3A_1865 : memref<1x!tpu.dma_semaphore, #tpu.memory_space<semaphore_mem>> -> memref<!tpu.dma_semaphore, #tpu.memory_space<semaphore_mem>>
    %dma_wait3A_1867 = arith.constant 0 : i32
    %dma_wait3A_1868 = arith.constant 0 : i32
    %dma_wait3A_1869 = tpu.memref_slice %arg5[%dma_wait3A_1857, %dma_wait3A_1867, %dma_wait3A_1868] : memref<4x48x128xf32, #tpu.memory_space<vmem>> -> memref<1x48x128xf32, #tpu.memory_space<vmem>>
    %dma_wait3A_1870 = tpu.memref_squeeze %dma_wait3A_1869 : memref<1x48x128xf32, #tpu.memory_space<vmem>> -> memref<48x128xf32, #tpu.memory_space<vmem>>
    %dma_wait3A_1871 = arith.constant 0 : i32
    %dma_wait3A_1872 = tpu.memref_slice %arg3[%add3A_112, %dma_wait3A_1871] : memref<196608x128xf32, #tpu.memory_space<hbm>> -> memref<48x128xf32, #tpu.memory_space<hbm>>
    tpu.wait_dma2 semaphore(%dma_wait3A_1866 : memref<!tpu.dma_semaphore, #tpu.memory_space<semaphore_mem>>) src(%dma_wait3A_1872 : memref<48x128xf32, #tpu.memory_space<hbm>>) dst(%dma_wait3A_1870 : memref<48x128xf32, #tpu.memory_space<vmem>>)
    %dma_start3A_1873 = arith.constant 3 : i32
    %dma_start3A_1874 = arith.constant 3 : i32
    %dma_start3A_1875 = arith.constant 0 : i32
    %dma_start3A_1876 = arith.constant 0 : i32
    %dma_start3A_1877 = tpu.memref_slice %arg5[%dma_start3A_1873, %dma_start3A_1875, %dma_start3A_1876] : memref<4x48x128xf32, #tpu.memory_space<vmem>> -> memref<1x48x128xf32, #tpu.memory_space<vmem>>
    %dma_start3A_1878 = tpu.memref_squeeze %dma_start3A_1877 : memref<1x48x128xf32, #tpu.memory_space<vmem>> -> memref<48x128xf32, #tpu.memory_space<vmem>>
    %dma_start3A_1879 = arith.constant 0 : i32
    %dma_start3A_1880 = tpu.memref_slice %arg4[%add3A_114, %dma_start3A_1879] : memref<49152x128xf32, #tpu.memory_space<hbm>> -> memref<48x128xf32, #tpu.memory_space<hbm>>
    %dma_start3A_1881 = tpu.memref_slice %arg7[%dma_start3A_1874] : memref<4x!tpu.dma_semaphore, #tpu.memory_space<semaphore_mem>> -> memref<1x!tpu.dma_semaphore, #tpu.memory_space<semaphore_mem>>
    %dma_start3A_1882 = tpu.memref_squeeze %dma_start3A_1881 : memref<1x!tpu.dma_semaphore, #tpu.memory_space<semaphore_mem>> -> memref<!tpu.dma_semaphore, #tpu.memory_space<semaphore_mem>>
    %dma_start3A_1883 = arith.constant 0 : i32
    %dma_start3A_1884 = tpu.memref_slice %arg4[%add3A_114, %dma_start3A_1883] : memref<49152x128xf32, #tpu.memory_space<hbm>> -> memref<48x128xf32, #tpu.memory_space<hbm>>
    %dma_start3A_1885 = arith.constant 0 : i32
    %dma_start3A_1886 = arith.constant 0 : i32
    %dma_start3A_1887 = tpu.memref_slice %arg5[%dma_start3A_1873, %dma_start3A_1885, %dma_start3A_1886] : memref<4x48x128xf32, #tpu.memory_space<vmem>> -> memref<1x48x128xf32, #tpu.memory_space<vmem>>
    %dma_start3A_1888 = tpu.memref_squeeze %dma_start3A_1887 : memref<1x48x128xf32, #tpu.memory_space<vmem>> -> memref<48x128xf32, #tpu.memory_space<vmem>>
    tpu.enqueue_dma source(%dma_start3A_1888 : memref<48x128xf32, #tpu.memory_space<vmem>>) target(%dma_start3A_1884 : memref<48x128xf32, #tpu.memory_space<hbm>>) target_semaphore(%dma_start3A_1882 : memref<!tpu.dma_semaphore, #tpu.memory_space<semaphore_mem>>)
    %dma_wait3A_1889 = arith.constant 1 : i32
    %dma_wait3A_1890 = arith.constant 1 : i32
    %dma_wait3A_1891 = arith.constant 0 : i32
    %dma_wait3A_1892 = arith.constant 0 : i32
    %dma_wait3A_1893 = tpu.memref_slice %arg5[%dma_wait3A_1889, %dma_wait3A_1891, %dma_wait3A_1892] : memref<4x48x128xf32, #tpu.memory_space<vmem>> -> memref<1x48x128xf32, #tpu.memory_space<vmem>>
    %dma_wait3A_1894 = tpu.memref_squeeze %dma_wait3A_1893 : memref<1x48x128xf32, #tpu.memory_space<vmem>> -> memref<48x128xf32, #tpu.memory_space<vmem>>
    %dma_wait3A_1895 = arith.constant 0 : i32
    %dma_wait3A_1896 = tpu.memref_slice %arg4[%add3A_106, %dma_wait3A_1895] : memref<49152x128xf32, #tpu.memory_space<hbm>> -> memref<48x128xf32, #tpu.memory_space<hbm>>
    %dma_wait3A_1897 = tpu.memref_slice %arg7[%dma_wait3A_1890] : memref<4x!tpu.dma_semaphore, #tpu.memory_space<semaphore_mem>> -> memref<1x!tpu.dma_semaphore, #tpu.memory_space<semaphore_mem>>
    %dma_wait3A_1898 = tpu.memref_squeeze %dma_wait3A_1897 : memref<1x!tpu.dma_semaphore, #tpu.memory_space<semaphore_mem>> -> memref<!tpu.dma_semaphore, #tpu.memory_space<semaphore_mem>>
    %dma_wait3A_1899 = arith.constant 0 : i32
    %dma_wait3A_1900 = tpu.memref_slice %arg4[%add3A_106, %dma_wait3A_1899] : memref<49152x128xf32, #tpu.memory_space<hbm>> -> memref<48x128xf32, #tpu.memory_space<hbm>>
    %dma_wait3A_1901 = arith.constant 0 : i32
    %dma_wait3A_1902 = arith.constant 0 : i32
    %dma_wait3A_1903 = tpu.memref_slice %arg5[%dma_wait3A_1889, %dma_wait3A_1901, %dma_wait3A_1902] : memref<4x48x128xf32, #tpu.memory_space<vmem>> -> memref<1x48x128xf32, #tpu.memory_space<vmem>>
    %dma_wait3A_1904 = tpu.memref_squeeze %dma_wait3A_1903 : memref<1x48x128xf32, #tpu.memory_space<vmem>> -> memref<48x128xf32, #tpu.memory_space<vmem>>
    tpu.wait_dma2 semaphore(%dma_wait3A_1898 : memref<!tpu.dma_semaphore, #tpu.memory_space<semaphore_mem>>) src(%dma_wait3A_1904 : memref<48x128xf32, #tpu.memory_space<vmem>>) dst(%dma_wait3A_1900 : memref<48x128xf32, #tpu.memory_space<hbm>>)
    %dma_start3A_1905 = arith.constant 1 : i32
    %dma_start3A_1906 = arith.constant 1 : i32
    %dma_start3A_1907 = arith.constant 0 : i32
    %dma_start3A_1908 = arith.constant 0 : i32
    %dma_start3A_1909 = tpu.memref_slice %arg5[%dma_start3A_1905, %dma_start3A_1907, %dma_start3A_1908] : memref<4x48x128xf32, #tpu.memory_space<vmem>> -> memref<1x48x128xf32, #tpu.memory_space<vmem>>
    %dma_start3A_1910 = tpu.memref_squeeze %dma_start3A_1909 : memref<1x48x128xf32, #tpu.memory_space<vmem>> -> memref<48x128xf32, #tpu.memory_space<vmem>>
    %dma_start3A_1911 = arith.constant 0 : i32
    %dma_start3A_1912 = tpu.memref_slice %arg2[%add3A_120, %dma_start3A_1911] : memref<49152x128xf32, #tpu.memory_space<hbm>> -> memref<48x128xf32, #tpu.memory_space<hbm>>
    %dma_start3A_1913 = tpu.memref_slice %arg6[%dma_start3A_1906] : memref<4x!tpu.dma_semaphore, #tpu.memory_space<semaphore_mem>> -> memref<1x!tpu.dma_semaphore, #tpu.memory_space<semaphore_mem>>
    %dma_start3A_1914 = tpu.memref_squeeze %dma_start3A_1913 : memref<1x!tpu.dma_semaphore, #tpu.memory_space<semaphore_mem>> -> memref<!tpu.dma_semaphore, #tpu.memory_space<semaphore_mem>>
    %dma_start3A_1915 = arith.constant 0 : i32
    %dma_start3A_1916 = arith.constant 0 : i32
    %dma_start3A_1917 = tpu.memref_slice %arg5[%dma_start3A_1905, %dma_start3A_1915, %dma_start3A_1916] : memref<4x48x128xf32, #tpu.memory_space<vmem>> -> memref<1x48x128xf32, #tpu.memory_space<vmem>>
    %dma_start3A_1918 = tpu.memref_squeeze %dma_start3A_1917 : memref<1x48x128xf32, #tpu.memory_space<vmem>> -> memref<48x128xf32, #tpu.memory_space<vmem>>
    %dma_start3A_1919 = arith.constant 0 : i32
    %dma_start3A_1920 = tpu.memref_slice %arg2[%add3A_120, %dma_start3A_1919] : memref<49152x128xf32, #tpu.memory_space<hbm>> -> memref<48x128xf32, #tpu.memory_space<hbm>>
    tpu.enqueue_dma source(%dma_start3A_1920 : memref<48x128xf32, #tpu.memory_space<hbm>>) target(%dma_start3A_1918 : memref<48x128xf32, #tpu.memory_space<vmem>>) target_semaphore(%dma_start3A_1914 : memref<!tpu.dma_semaphore, #tpu.memory_space<semaphore_mem>>)
    %dma_wait3A_1921 = arith.constant 0 : i32
    %dma_wait3A_1922 = arith.constant 0 : i32
    %dma_wait3A_1923 = arith.constant 0 : i32
    %dma_wait3A_1924 = arith.constant 0 : i32
    %dma_wait3A_1925 = tpu.memref_slice %arg5[%dma_wait3A_1921, %dma_wait3A_1923, %dma_wait3A_1924] : memref<4x48x128xf32, #tpu.memory_space<vmem>> -> memref<1x48x128xf32, #tpu.memory_space<vmem>>
    %dma_wait3A_1926 = tpu.memref_squeeze %dma_wait3A_1925 : memref<1x48x128xf32, #tpu.memory_space<vmem>> -> memref<48x128xf32, #tpu.memory_space<vmem>>
    %dma_wait3A_1927 = arith.constant 0 : i32
    %dma_wait3A_1928 = tpu.memref_slice %arg3[%add3A_116, %dma_wait3A_1927] : memref<196608x128xf32, #tpu.memory_space<hbm>> -> memref<48x128xf32, #tpu.memory_space<hbm>>
    %dma_wait3A_1929 = tpu.memref_slice %arg6[%dma_wait3A_1922] : memref<4x!tpu.dma_semaphore, #tpu.memory_space<semaphore_mem>> -> memref<1x!tpu.dma_semaphore, #tpu.memory_space<semaphore_mem>>
    %dma_wait3A_1930 = tpu.memref_squeeze %dma_wait3A_1929 : memref<1x!tpu.dma_semaphore, #tpu.memory_space<semaphore_mem>> -> memref<!tpu.dma_semaphore, #tpu.memory_space<semaphore_mem>>
    %dma_wait3A_1931 = arith.constant 0 : i32
    %dma_wait3A_1932 = arith.constant 0 : i32
    %dma_wait3A_1933 = tpu.memref_slice %arg5[%dma_wait3A_1921, %dma_wait3A_1931, %dma_wait3A_1932] : memref<4x48x128xf32, #tpu.memory_space<vmem>> -> memref<1x48x128xf32, #tpu.memory_space<vmem>>
    %dma_wait3A_1934 = tpu.memref_squeeze %dma_wait3A_1933 : memref<1x48x128xf32, #tpu.memory_space<vmem>> -> memref<48x128xf32, #tpu.memory_space<vmem>>
    %dma_wait3A_1935 = arith.constant 0 : i32
    %dma_wait3A_1936 = tpu.memref_slice %arg3[%add3A_116, %dma_wait3A_1935] : memref<196608x128xf32, #tpu.memory_space<hbm>> -> memref<48x128xf32, #tpu.memory_space<hbm>>
    tpu.wait_dma2 semaphore(%dma_wait3A_1930 : memref<!tpu.dma_semaphore, #tpu.memory_space<semaphore_mem>>) src(%dma_wait3A_1936 : memref<48x128xf32, #tpu.memory_space<hbm>>) dst(%dma_wait3A_1934 : memref<48x128xf32, #tpu.memory_space<vmem>>)
    %dma_start3A_1937 = arith.constant 0 : i32
    %dma_start3A_1938 = arith.constant 0 : i32
    %dma_start3A_1939 = arith.constant 0 : i32
    %dma_start3A_1940 = arith.constant 0 : i32
    %dma_start3A_1941 = tpu.memref_slice %arg5[%dma_start3A_1937, %dma_start3A_1939, %dma_start3A_1940] : memref<4x48x128xf32, #tpu.memory_space<vmem>> -> memref<1x48x128xf32, #tpu.memory_space<vmem>>
    %dma_start3A_1942 = tpu.memref_squeeze %dma_start3A_1941 : memref<1x48x128xf32, #tpu.memory_space<vmem>> -> memref<48x128xf32, #tpu.memory_space<vmem>>
    %dma_start3A_1943 = arith.constant 0 : i32
    %dma_start3A_1944 = tpu.memref_slice %arg4[%add3A_118, %dma_start3A_1943] : memref<49152x128xf32, #tpu.memory_space<hbm>> -> memref<48x128xf32, #tpu.memory_space<hbm>>
    %dma_start3A_1945 = tpu.memref_slice %arg7[%dma_start3A_1938] : memref<4x!tpu.dma_semaphore, #tpu.memory_space<semaphore_mem>> -> memref<1x!tpu.dma_semaphore, #tpu.memory_space<semaphore_mem>>
    %dma_start3A_1946 = tpu.memref_squeeze %dma_start3A_1945 : memref<1x!tpu.dma_semaphore, #tpu.memory_space<semaphore_mem>> -> memref<!tpu.dma_semaphore, #tpu.memory_space<semaphore_mem>>
    %dma_start3A_1947 = arith.constant 0 : i32
    %dma_start3A_1948 = tpu.memref_slice %arg4[%add3A_118, %dma_start3A_1947] : memref<49152x128xf32, #tpu.memory_space<hbm>> -> memref<48x128xf32, #tpu.memory_space<hbm>>
    %dma_start3A_1949 = arith.constant 0 : i32
    %dma_start3A_1950 = arith.constant 0 : i32
    %dma_start3A_1951 = tpu.memref_slice %arg5[%dma_start3A_1937, %dma_start3A_1949, %dma_start3A_1950] : memref<4x48x128xf32, #tpu.memory_space<vmem>> -> memref<1x48x128xf32, #tpu.memory_space<vmem>>
    %dma_start3A_1952 = tpu.memref_squeeze %dma_start3A_1951 : memref<1x48x128xf32, #tpu.memory_space<vmem>> -> memref<48x128xf32, #tpu.memory_space<vmem>>
    tpu.enqueue_dma source(%dma_start3A_1952 : memref<48x128xf32, #tpu.memory_space<vmem>>) target(%dma_start3A_1948 : memref<48x128xf32, #tpu.memory_space<hbm>>) target_semaphore(%dma_start3A_1946 : memref<!tpu.dma_semaphore, #tpu.memory_space<semaphore_mem>>)
    %dma_wait3A_1953 = arith.constant 2 : i32
    %dma_wait3A_1954 = arith.constant 2 : i32
    %dma_wait3A_1955 = arith.constant 0 : i32
    %dma_wait3A_1956 = arith.constant 0 : i32
    %dma_wait3A_1957 = tpu.memref_slice %arg5[%dma_wait3A_1953, %dma_wait3A_1955, %dma_wait3A_1956] : memref<4x48x128xf32, #tpu.memory_space<vmem>> -> memref<1x48x128xf32, #tpu.memory_space<vmem>>
    %dma_wait3A_1958 = tpu.memref_squeeze %dma_wait3A_1957 : memref<1x48x128xf32, #tpu.memory_space<vmem>> -> memref<48x128xf32, #tpu.memory_space<vmem>>
    %dma_wait3A_1959 = arith.constant 0 : i32
    %dma_wait3A_1960 = tpu.memref_slice %arg4[%add3A_110, %dma_wait3A_1959] : memref<49152x128xf32, #tpu.memory_space<hbm>> -> memref<48x128xf32, #tpu.memory_space<hbm>>
    %dma_wait3A_1961 = tpu.memref_slice %arg7[%dma_wait3A_1954] : memref<4x!tpu.dma_semaphore, #tpu.memory_space<semaphore_mem>> -> memref<1x!tpu.dma_semaphore, #tpu.memory_space<semaphore_mem>>
    %dma_wait3A_1962 = tpu.memref_squeeze %dma_wait3A_1961 : memref<1x!tpu.dma_semaphore, #tpu.memory_space<semaphore_mem>> -> memref<!tpu.dma_semaphore, #tpu.memory_space<semaphore_mem>>
    %dma_wait3A_1963 = arith.constant 0 : i32
    %dma_wait3A_1964 = tpu.memref_slice %arg4[%add3A_110, %dma_wait3A_1963] : memref<49152x128xf32, #tpu.memory_space<hbm>> -> memref<48x128xf32, #tpu.memory_space<hbm>>
    %dma_wait3A_1965 = arith.constant 0 : i32
    %dma_wait3A_1966 = arith.constant 0 : i32
    %dma_wait3A_1967 = tpu.memref_slice %arg5[%dma_wait3A_1953, %dma_wait3A_1965, %dma_wait3A_1966] : memref<4x48x128xf32, #tpu.memory_space<vmem>> -> memref<1x48x128xf32, #tpu.memory_space<vmem>>
    %dma_wait3A_1968 = tpu.memref_squeeze %dma_wait3A_1967 : memref<1x48x128xf32, #tpu.memory_space<vmem>> -> memref<48x128xf32, #tpu.memory_space<vmem>>
    tpu.wait_dma2 semaphore(%dma_wait3A_1962 : memref<!tpu.dma_semaphore, #tpu.memory_space<semaphore_mem>>) src(%dma_wait3A_1968 : memref<48x128xf32, #tpu.memory_space<vmem>>) dst(%dma_wait3A_1964 : memref<48x128xf32, #tpu.memory_space<hbm>>)
    %dma_start3A_1969 = arith.constant 2 : i32
    %dma_start3A_1970 = arith.constant 2 : i32
    %dma_start3A_1971 = arith.constant 0 : i32
    %dma_start3A_1972 = arith.constant 0 : i32
    %dma_start3A_1973 = tpu.memref_slice %arg5[%dma_start3A_1969, %dma_start3A_1971, %dma_start3A_1972] : memref<4x48x128xf32, #tpu.memory_space<vmem>> -> memref<1x48x128xf32, #tpu.memory_space<vmem>>
    %dma_start3A_1974 = tpu.memref_squeeze %dma_start3A_1973 : memref<1x48x128xf32, #tpu.memory_space<vmem>> -> memref<48x128xf32, #tpu.memory_space<vmem>>
    %dma_start3A_1975 = arith.constant 0 : i32
    %dma_start3A_1976 = tpu.memref_slice %arg3[%add3A_124, %dma_start3A_1975] : memref<196608x128xf32, #tpu.memory_space<hbm>> -> memref<48x128xf32, #tpu.memory_space<hbm>>
    %dma_start3A_1977 = tpu.memref_slice %arg6[%dma_start3A_1970] : memref<4x!tpu.dma_semaphore, #tpu.memory_space<semaphore_mem>> -> memref<1x!tpu.dma_semaphore, #tpu.memory_space<semaphore_mem>>
    %dma_start3A_1978 = tpu.memref_squeeze %dma_start3A_1977 : memref<1x!tpu.dma_semaphore, #tpu.memory_space<semaphore_mem>> -> memref<!tpu.dma_semaphore, #tpu.memory_space<semaphore_mem>>
    %dma_start3A_1979 = arith.constant 0 : i32
    %dma_start3A_1980 = arith.constant 0 : i32
    %dma_start3A_1981 = tpu.memref_slice %arg5[%dma_start3A_1969, %dma_start3A_1979, %dma_start3A_1980] : memref<4x48x128xf32, #tpu.memory_space<vmem>> -> memref<1x48x128xf32, #tpu.memory_space<vmem>>
    %dma_start3A_1982 = tpu.memref_squeeze %dma_start3A_1981 : memref<1x48x128xf32, #tpu.memory_space<vmem>> -> memref<48x128xf32, #tpu.memory_space<vmem>>
    %dma_start3A_1983 = arith.constant 0 : i32
    %dma_start3A_1984 = tpu.memref_slice %arg3[%add3A_124, %dma_start3A_1983] : memref<196608x128xf32, #tpu.memory_space<hbm>> -> memref<48x128xf32, #tpu.memory_space<hbm>>
    tpu.enqueue_dma source(%dma_start3A_1984 : memref<48x128xf32, #tpu.memory_space<hbm>>) target(%dma_start3A_1982 : memref<48x128xf32, #tpu.memory_space<vmem>>) target_semaphore(%dma_start3A_1978 : memref<!tpu.dma_semaphore, #tpu.memory_space<semaphore_mem>>)
    %dma_wait3A_1985 = arith.constant 1 : i32
    %dma_wait3A_1986 = arith.constant 1 : i32
    %dma_wait3A_1987 = arith.constant 0 : i32
    %dma_wait3A_1988 = arith.constant 0 : i32
    %dma_wait3A_1989 = tpu.memref_slice %arg5[%dma_wait3A_1985, %dma_wait3A_1987, %dma_wait3A_1988] : memref<4x48x128xf32, #tpu.memory_space<vmem>> -> memref<1x48x128xf32, #tpu.memory_space<vmem>>
    %dma_wait3A_1990 = tpu.memref_squeeze %dma_wait3A_1989 : memref<1x48x128xf32, #tpu.memory_space<vmem>> -> memref<48x128xf32, #tpu.memory_space<vmem>>
    %dma_wait3A_1991 = arith.constant 0 : i32
    %dma_wait3A_1992 = tpu.memref_slice %arg2[%add3A_120, %dma_wait3A_1991] : memref<49152x128xf32, #tpu.memory_space<hbm>> -> memref<48x128xf32, #tpu.memory_space<hbm>>
    %dma_wait3A_1993 = tpu.memref_slice %arg6[%dma_wait3A_1986] : memref<4x!tpu.dma_semaphore, #tpu.memory_space<semaphore_mem>> -> memref<1x!tpu.dma_semaphore, #tpu.memory_space<semaphore_mem>>
    %dma_wait3A_1994 = tpu.memref_squeeze %dma_wait3A_1993 : memref<1x!tpu.dma_semaphore, #tpu.memory_space<semaphore_mem>> -> memref<!tpu.dma_semaphore, #tpu.memory_space<semaphore_mem>>
    %dma_wait3A_1995 = arith.constant 0 : i32
    %dma_wait3A_1996 = arith.constant 0 : i32
    %dma_wait3A_1997 = tpu.memref_slice %arg5[%dma_wait3A_1985, %dma_wait3A_1995, %dma_wait3A_1996] : memref<4x48x128xf32, #tpu.memory_space<vmem>> -> memref<1x48x128xf32, #tpu.memory_space<vmem>>
    %dma_wait3A_1998 = tpu.memref_squeeze %dma_wait3A_1997 : memref<1x48x128xf32, #tpu.memory_space<vmem>> -> memref<48x128xf32, #tpu.memory_space<vmem>>
    %dma_wait3A_1999 = arith.constant 0 : i32
    %dma_wait3A_2000 = tpu.memref_slice %arg2[%add3A_120, %dma_wait3A_1999] : memref<49152x128xf32, #tpu.memory_space<hbm>> -> memref<48x128xf32, #tpu.memory_space<hbm>>
    tpu.wait_dma2 semaphore(%dma_wait3A_1994 : memref<!tpu.dma_semaphore, #tpu.memory_space<semaphore_mem>>) src(%dma_wait3A_2000 : memref<48x128xf32, #tpu.memory_space<hbm>>) dst(%dma_wait3A_1998 : memref<48x128xf32, #tpu.memory_space<vmem>>)
    %dma_start3A_2001 = arith.constant 1 : i32
    %dma_start3A_2002 = arith.constant 1 : i32
    %dma_start3A_2003 = arith.constant 0 : i32
    %dma_start3A_2004 = arith.constant 0 : i32
    %dma_start3A_2005 = tpu.memref_slice %arg5[%dma_start3A_2001, %dma_start3A_2003, %dma_start3A_2004] : memref<4x48x128xf32, #tpu.memory_space<vmem>> -> memref<1x48x128xf32, #tpu.memory_space<vmem>>
    %dma_start3A_2006 = tpu.memref_squeeze %dma_start3A_2005 : memref<1x48x128xf32, #tpu.memory_space<vmem>> -> memref<48x128xf32, #tpu.memory_space<vmem>>
    %dma_start3A_2007 = arith.constant 0 : i32
    %dma_start3A_2008 = tpu.memref_slice %arg4[%add3A_122, %dma_start3A_2007] : memref<49152x128xf32, #tpu.memory_space<hbm>> -> memref<48x128xf32, #tpu.memory_space<hbm>>
    %dma_start3A_2009 = tpu.memref_slice %arg7[%dma_start3A_2002] : memref<4x!tpu.dma_semaphore, #tpu.memory_space<semaphore_mem>> -> memref<1x!tpu.dma_semaphore, #tpu.memory_space<semaphore_mem>>
    %dma_start3A_2010 = tpu.memref_squeeze %dma_start3A_2009 : memref<1x!tpu.dma_semaphore, #tpu.memory_space<semaphore_mem>> -> memref<!tpu.dma_semaphore, #tpu.memory_space<semaphore_mem>>
    %dma_start3A_2011 = arith.constant 0 : i32
    %dma_start3A_2012 = tpu.memref_slice %arg4[%add3A_122, %dma_start3A_2011] : memref<49152x128xf32, #tpu.memory_space<hbm>> -> memref<48x128xf32, #tpu.memory_space<hbm>>
    %dma_start3A_2013 = arith.constant 0 : i32
    %dma_start3A_2014 = arith.constant 0 : i32
    %dma_start3A_2015 = tpu.memref_slice %arg5[%dma_start3A_2001, %dma_start3A_2013, %dma_start3A_2014] : memref<4x48x128xf32, #tpu.memory_space<vmem>> -> memref<1x48x128xf32, #tpu.memory_space<vmem>>
    %dma_start3A_2016 = tpu.memref_squeeze %dma_start3A_2015 : memref<1x48x128xf32, #tpu.memory_space<vmem>> -> memref<48x128xf32, #tpu.memory_space<vmem>>
    tpu.enqueue_dma source(%dma_start3A_2016 : memref<48x128xf32, #tpu.memory_space<vmem>>) target(%dma_start3A_2012 : memref<48x128xf32, #tpu.memory_space<hbm>>) target_semaphore(%dma_start3A_2010 : memref<!tpu.dma_semaphore, #tpu.memory_space<semaphore_mem>>)
    %dma_wait3A_2017 = arith.constant 3 : i32
    %dma_wait3A_2018 = arith.constant 3 : i32
    %dma_wait3A_2019 = arith.constant 0 : i32
    %dma_wait3A_2020 = arith.constant 0 : i32
    %dma_wait3A_2021 = tpu.memref_slice %arg5[%dma_wait3A_2017, %dma_wait3A_2019, %dma_wait3A_2020] : memref<4x48x128xf32, #tpu.memory_space<vmem>> -> memref<1x48x128xf32, #tpu.memory_space<vmem>>
    %dma_wait3A_2022 = tpu.memref_squeeze %dma_wait3A_2021 : memref<1x48x128xf32, #tpu.memory_space<vmem>> -> memref<48x128xf32, #tpu.memory_space<vmem>>
    %dma_wait3A_2023 = arith.constant 0 : i32
    %dma_wait3A_2024 = tpu.memref_slice %arg4[%add3A_114, %dma_wait3A_2023] : memref<49152x128xf32, #tpu.memory_space<hbm>> -> memref<48x128xf32, #tpu.memory_space<hbm>>
    %dma_wait3A_2025 = tpu.memref_slice %arg7[%dma_wait3A_2018] : memref<4x!tpu.dma_semaphore, #tpu.memory_space<semaphore_mem>> -> memref<1x!tpu.dma_semaphore, #tpu.memory_space<semaphore_mem>>
    %dma_wait3A_2026 = tpu.memref_squeeze %dma_wait3A_2025 : memref<1x!tpu.dma_semaphore, #tpu.memory_space<semaphore_mem>> -> memref<!tpu.dma_semaphore, #tpu.memory_space<semaphore_mem>>
    %dma_wait3A_2027 = arith.constant 0 : i32
    %dma_wait3A_2028 = tpu.memref_slice %arg4[%add3A_114, %dma_wait3A_2027] : memref<49152x128xf32, #tpu.memory_space<hbm>> -> memref<48x128xf32, #tpu.memory_space<hbm>>
    %dma_wait3A_2029 = arith.constant 0 : i32
    %dma_wait3A_2030 = arith.constant 0 : i32
    %dma_wait3A_2031 = tpu.memref_slice %arg5[%dma_wait3A_2017, %dma_wait3A_2029, %dma_wait3A_2030] : memref<4x48x128xf32, #tpu.memory_space<vmem>> -> memref<1x48x128xf32, #tpu.memory_space<vmem>>
    %dma_wait3A_2032 = tpu.memref_squeeze %dma_wait3A_2031 : memref<1x48x128xf32, #tpu.memory_space<vmem>> -> memref<48x128xf32, #tpu.memory_space<vmem>>
    tpu.wait_dma2 semaphore(%dma_wait3A_2026 : memref<!tpu.dma_semaphore, #tpu.memory_space<semaphore_mem>>) src(%dma_wait3A_2032 : memref<48x128xf32, #tpu.memory_space<vmem>>) dst(%dma_wait3A_2028 : memref<48x128xf32, #tpu.memory_space<hbm>>)
    %dma_start3A_2033 = arith.constant 3 : i32
    %dma_start3A_2034 = arith.constant 3 : i32
    %dma_start3A_2035 = arith.constant 0 : i32
    %dma_start3A_2036 = arith.constant 0 : i32
    %dma_start3A_2037 = tpu.memref_slice %arg5[%dma_start3A_2033, %dma_start3A_2035, %dma_start3A_2036] : memref<4x48x128xf32, #tpu.memory_space<vmem>> -> memref<1x48x128xf32, #tpu.memory_space<vmem>>
    %dma_start3A_2038 = tpu.memref_squeeze %dma_start3A_2037 : memref<1x48x128xf32, #tpu.memory_space<vmem>> -> memref<48x128xf32, #tpu.memory_space<vmem>>
    %dma_start3A_2039 = arith.constant 0 : i32
    %dma_start3A_2040 = tpu.memref_slice %arg2[%add3A_128, %dma_start3A_2039] : memref<49152x128xf32, #tpu.memory_space<hbm>> -> memref<48x128xf32, #tpu.memory_space<hbm>>
    %dma_start3A_2041 = tpu.memref_slice %arg6[%dma_start3A_2034] : memref<4x!tpu.dma_semaphore, #tpu.memory_space<semaphore_mem>> -> memref<1x!tpu.dma_semaphore, #tpu.memory_space<semaphore_mem>>
    %dma_start3A_2042 = tpu.memref_squeeze %dma_start3A_2041 : memref<1x!tpu.dma_semaphore, #tpu.memory_space<semaphore_mem>> -> memref<!tpu.dma_semaphore, #tpu.memory_space<semaphore_mem>>
    %dma_start3A_2043 = arith.constant 0 : i32
    %dma_start3A_2044 = arith.constant 0 : i32
    %dma_start3A_2045 = tpu.memref_slice %arg5[%dma_start3A_2033, %dma_start3A_2043, %dma_start3A_2044] : memref<4x48x128xf32, #tpu.memory_space<vmem>> -> memref<1x48x128xf32, #tpu.memory_space<vmem>>
    %dma_start3A_2046 = tpu.memref_squeeze %dma_start3A_2045 : memref<1x48x128xf32, #tpu.memory_space<vmem>> -> memref<48x128xf32, #tpu.memory_space<vmem>>
    %dma_start3A_2047 = arith.constant 0 : i32
    %dma_start3A_2048 = tpu.memref_slice %arg2[%add3A_128, %dma_start3A_2047] : memref<49152x128xf32, #tpu.memory_space<hbm>> -> memref<48x128xf32, #tpu.memory_space<hbm>>
    tpu.enqueue_dma source(%dma_start3A_2048 : memref<48x128xf32, #tpu.memory_space<hbm>>) target(%dma_start3A_2046 : memref<48x128xf32, #tpu.memory_space<vmem>>) target_semaphore(%dma_start3A_2042 : memref<!tpu.dma_semaphore, #tpu.memory_space<semaphore_mem>>)
    %dma_wait3A_2049 = arith.constant 2 : i32
    %dma_wait3A_2050 = arith.constant 2 : i32
    %dma_wait3A_2051 = arith.constant 0 : i32
    %dma_wait3A_2052 = arith.constant 0 : i32
    %dma_wait3A_2053 = tpu.memref_slice %arg5[%dma_wait3A_2049, %dma_wait3A_2051, %dma_wait3A_2052] : memref<4x48x128xf32, #tpu.memory_space<vmem>> -> memref<1x48x128xf32, #tpu.memory_space<vmem>>
    %dma_wait3A_2054 = tpu.memref_squeeze %dma_wait3A_2053 : memref<1x48x128xf32, #tpu.memory_space<vmem>> -> memref<48x128xf32, #tpu.memory_space<vmem>>
    %dma_wait3A_2055 = arith.constant 0 : i32
    %dma_wait3A_2056 = tpu.memref_slice %arg3[%add3A_124, %dma_wait3A_2055] : memref<196608x128xf32, #tpu.memory_space<hbm>> -> memref<48x128xf32, #tpu.memory_space<hbm>>
    %dma_wait3A_2057 = tpu.memref_slice %arg6[%dma_wait3A_2050] : memref<4x!tpu.dma_semaphore, #tpu.memory_space<semaphore_mem>> -> memref<1x!tpu.dma_semaphore, #tpu.memory_space<semaphore_mem>>
    %dma_wait3A_2058 = tpu.memref_squeeze %dma_wait3A_2057 : memref<1x!tpu.dma_semaphore, #tpu.memory_space<semaphore_mem>> -> memref<!tpu.dma_semaphore, #tpu.memory_space<semaphore_mem>>
    %dma_wait3A_2059 = arith.constant 0 : i32
    %dma_wait3A_2060 = arith.constant 0 : i32
    %dma_wait3A_2061 = tpu.memref_slice %arg5[%dma_wait3A_2049, %dma_wait3A_2059, %dma_wait3A_2060] : memref<4x48x128xf32, #tpu.memory_space<vmem>> -> memref<1x48x128xf32, #tpu.memory_space<vmem>>
    %dma_wait3A_2062 = tpu.memref_squeeze %dma_wait3A_2061 : memref<1x48x128xf32, #tpu.memory_space<vmem>> -> memref<48x128xf32, #tpu.memory_space<vmem>>
    %dma_wait3A_2063 = arith.constant 0 : i32
    %dma_wait3A_2064 = tpu.memref_slice %arg3[%add3A_124, %dma_wait3A_2063] : memref<196608x128xf32, #tpu.memory_space<hbm>> -> memref<48x128xf32, #tpu.memory_space<hbm>>
    tpu.wait_dma2 semaphore(%dma_wait3A_2058 : memref<!tpu.dma_semaphore, #tpu.memory_space<semaphore_mem>>) src(%dma_wait3A_2064 : memref<48x128xf32, #tpu.memory_space<hbm>>) dst(%dma_wait3A_2062 : memref<48x128xf32, #tpu.memory_space<vmem>>)
    %dma_start3A_2065 = arith.constant 2 : i32
    %dma_start3A_2066 = arith.constant 2 : i32
    %dma_start3A_2067 = arith.constant 0 : i32
    %dma_start3A_2068 = arith.constant 0 : i32
    %dma_start3A_2069 = tpu.memref_slice %arg5[%dma_start3A_2065, %dma_start3A_2067, %dma_start3A_2068] : memref<4x48x128xf32, #tpu.memory_space<vmem>> -> memref<1x48x128xf32, #tpu.memory_space<vmem>>
    %dma_start3A_2070 = tpu.memref_squeeze %dma_start3A_2069 : memref<1x48x128xf32, #tpu.memory_space<vmem>> -> memref<48x128xf32, #tpu.memory_space<vmem>>
    %dma_start3A_2071 = arith.constant 0 : i32
    %dma_start3A_2072 = tpu.memref_slice %arg4[%add3A_126, %dma_start3A_2071] : memref<49152x128xf32, #tpu.memory_space<hbm>> -> memref<48x128xf32, #tpu.memory_space<hbm>>
    %dma_start3A_2073 = tpu.memref_slice %arg7[%dma_start3A_2066] : memref<4x!tpu.dma_semaphore, #tpu.memory_space<semaphore_mem>> -> memref<1x!tpu.dma_semaphore, #tpu.memory_space<semaphore_mem>>
    %dma_start3A_2074 = tpu.memref_squeeze %dma_start3A_2073 : memref<1x!tpu.dma_semaphore, #tpu.memory_space<semaphore_mem>> -> memref<!tpu.dma_semaphore, #tpu.memory_space<semaphore_mem>>
    %dma_start3A_2075 = arith.constant 0 : i32
    %dma_start3A_2076 = tpu.memref_slice %arg4[%add3A_126, %dma_start3A_2075] : memref<49152x128xf32, #tpu.memory_space<hbm>> -> memref<48x128xf32, #tpu.memory_space<hbm>>
    %dma_start3A_2077 = arith.constant 0 : i32
    %dma_start3A_2078 = arith.constant 0 : i32
    %dma_start3A_2079 = tpu.memref_slice %arg5[%dma_start3A_2065, %dma_start3A_2077, %dma_start3A_2078] : memref<4x48x128xf32, #tpu.memory_space<vmem>> -> memref<1x48x128xf32, #tpu.memory_space<vmem>>
    %dma_start3A_2080 = tpu.memref_squeeze %dma_start3A_2079 : memref<1x48x128xf32, #tpu.memory_space<vmem>> -> memref<48x128xf32, #tpu.memory_space<vmem>>
    tpu.enqueue_dma source(%dma_start3A_2080 : memref<48x128xf32, #tpu.memory_space<vmem>>) target(%dma_start3A_2076 : memref<48x128xf32, #tpu.memory_space<hbm>>) target_semaphore(%dma_start3A_2074 : memref<!tpu.dma_semaphore, #tpu.memory_space<semaphore_mem>>)
    %dma_wait3A_2081 = arith.constant 3 : i32
    %dma_wait3A_2082 = arith.constant 3 : i32
    %dma_wait3A_2083 = arith.constant 0 : i32
    %dma_wait3A_2084 = arith.constant 0 : i32
    %dma_wait3A_2085 = tpu.memref_slice %arg5[%dma_wait3A_2081, %dma_wait3A_2083, %dma_wait3A_2084] : memref<4x48x128xf32, #tpu.memory_space<vmem>> -> memref<1x48x128xf32, #tpu.memory_space<vmem>>
    %dma_wait3A_2086 = tpu.memref_squeeze %dma_wait3A_2085 : memref<1x48x128xf32, #tpu.memory_space<vmem>> -> memref<48x128xf32, #tpu.memory_space<vmem>>
    %dma_wait3A_2087 = arith.constant 0 : i32
    %dma_wait3A_2088 = tpu.memref_slice %arg2[%add3A_128, %dma_wait3A_2087] : memref<49152x128xf32, #tpu.memory_space<hbm>> -> memref<48x128xf32, #tpu.memory_space<hbm>>
    %dma_wait3A_2089 = tpu.memref_slice %arg6[%dma_wait3A_2082] : memref<4x!tpu.dma_semaphore, #tpu.memory_space<semaphore_mem>> -> memref<1x!tpu.dma_semaphore, #tpu.memory_space<semaphore_mem>>
    %dma_wait3A_2090 = tpu.memref_squeeze %dma_wait3A_2089 : memref<1x!tpu.dma_semaphore, #tpu.memory_space<semaphore_mem>> -> memref<!tpu.dma_semaphore, #tpu.memory_space<semaphore_mem>>
    %dma_wait3A_2091 = arith.constant 0 : i32
    %dma_wait3A_2092 = arith.constant 0 : i32
    %dma_wait3A_2093 = tpu.memref_slice %arg5[%dma_wait3A_2081, %dma_wait3A_2091, %dma_wait3A_2092] : memref<4x48x128xf32, #tpu.memory_space<vmem>> -> memref<1x48x128xf32, #tpu.memory_space<vmem>>
    %dma_wait3A_2094 = tpu.memref_squeeze %dma_wait3A_2093 : memref<1x48x128xf32, #tpu.memory_space<vmem>> -> memref<48x128xf32, #tpu.memory_space<vmem>>
    %dma_wait3A_2095 = arith.constant 0 : i32
    %dma_wait3A_2096 = tpu.memref_slice %arg2[%add3A_128, %dma_wait3A_2095] : memref<49152x128xf32, #tpu.memory_space<hbm>> -> memref<48x128xf32, #tpu.memory_space<hbm>>
    tpu.wait_dma2 semaphore(%dma_wait3A_2090 : memref<!tpu.dma_semaphore, #tpu.memory_space<semaphore_mem>>) src(%dma_wait3A_2096 : memref<48x128xf32, #tpu.memory_space<hbm>>) dst(%dma_wait3A_2094 : memref<48x128xf32, #tpu.memory_space<vmem>>)
    %dma_start3A_2097 = arith.constant 3 : i32
    %dma_start3A_2098 = arith.constant 3 : i32
    %dma_start3A_2099 = arith.constant 0 : i32
    %dma_start3A_2100 = arith.constant 0 : i32
    %dma_start3A_2101 = tpu.memref_slice %arg5[%dma_start3A_2097, %dma_start3A_2099, %dma_start3A_2100] : memref<4x48x128xf32, #tpu.memory_space<vmem>> -> memref<1x48x128xf32, #tpu.memory_space<vmem>>
    %dma_start3A_2102 = tpu.memref_squeeze %dma_start3A_2101 : memref<1x48x128xf32, #tpu.memory_space<vmem>> -> memref<48x128xf32, #tpu.memory_space<vmem>>
    %dma_start3A_2103 = arith.constant 0 : i32
    %dma_start3A_2104 = tpu.memref_slice %arg4[%add3A_130, %dma_start3A_2103] : memref<49152x128xf32, #tpu.memory_space<hbm>> -> memref<48x128xf32, #tpu.memory_space<hbm>>
    %dma_start3A_2105 = tpu.memref_slice %arg7[%dma_start3A_2098] : memref<4x!tpu.dma_semaphore, #tpu.memory_space<semaphore_mem>> -> memref<1x!tpu.dma_semaphore, #tpu.memory_space<semaphore_mem>>
    %dma_start3A_2106 = tpu.memref_squeeze %dma_start3A_2105 : memref<1x!tpu.dma_semaphore, #tpu.memory_space<semaphore_mem>> -> memref<!tpu.dma_semaphore, #tpu.memory_space<semaphore_mem>>
    %dma_start3A_2107 = arith.constant 0 : i32
    %dma_start3A_2108 = tpu.memref_slice %arg4[%add3A_130, %dma_start3A_2107] : memref<49152x128xf32, #tpu.memory_space<hbm>> -> memref<48x128xf32, #tpu.memory_space<hbm>>
    %dma_start3A_2109 = arith.constant 0 : i32
    %dma_start3A_2110 = arith.constant 0 : i32
    %dma_start3A_2111 = tpu.memref_slice %arg5[%dma_start3A_2097, %dma_start3A_2109, %dma_start3A_2110] : memref<4x48x128xf32, #tpu.memory_space<vmem>> -> memref<1x48x128xf32, #tpu.memory_space<vmem>>
    %dma_start3A_2112 = tpu.memref_squeeze %dma_start3A_2111 : memref<1x48x128xf32, #tpu.memory_space<vmem>> -> memref<48x128xf32, #tpu.memory_space<vmem>>
    tpu.enqueue_dma source(%dma_start3A_2112 : memref<48x128xf32, #tpu.memory_space<vmem>>) target(%dma_start3A_2108 : memref<48x128xf32, #tpu.memory_space<hbm>>) target_semaphore(%dma_start3A_2106 : memref<!tpu.dma_semaphore, #tpu.memory_space<semaphore_mem>>)
    %dma_wait3A_2113 = arith.constant 0 : i32
    %dma_wait3A_2114 = arith.constant 0 : i32
    %dma_wait3A_2115 = arith.constant 0 : i32
    %dma_wait3A_2116 = arith.constant 0 : i32
    %dma_wait3A_2117 = tpu.memref_slice %arg5[%dma_wait3A_2113, %dma_wait3A_2115, %dma_wait3A_2116] : memref<4x48x128xf32, #tpu.memory_space<vmem>> -> memref<1x48x128xf32, #tpu.memory_space<vmem>>
    %dma_wait3A_2118 = tpu.memref_squeeze %dma_wait3A_2117 : memref<1x48x128xf32, #tpu.memory_space<vmem>> -> memref<48x128xf32, #tpu.memory_space<vmem>>
    %dma_wait3A_2119 = arith.constant 0 : i32
    %dma_wait3A_2120 = tpu.memref_slice %arg4[%add3A_118, %dma_wait3A_2119] : memref<49152x128xf32, #tpu.memory_space<hbm>> -> memref<48x128xf32, #tpu.memory_space<hbm>>
    %dma_wait3A_2121 = tpu.memref_slice %arg7[%dma_wait3A_2114] : memref<4x!tpu.dma_semaphore, #tpu.memory_space<semaphore_mem>> -> memref<1x!tpu.dma_semaphore, #tpu.memory_space<semaphore_mem>>
    %dma_wait3A_2122 = tpu.memref_squeeze %dma_wait3A_2121 : memref<1x!tpu.dma_semaphore, #tpu.memory_space<semaphore_mem>> -> memref<!tpu.dma_semaphore, #tpu.memory_space<semaphore_mem>>
    %dma_wait3A_2123 = arith.constant 0 : i32
    %dma_wait3A_2124 = tpu.memref_slice %arg4[%add3A_118, %dma_wait3A_2123] : memref<49152x128xf32, #tpu.memory_space<hbm>> -> memref<48x128xf32, #tpu.memory_space<hbm>>
    %dma_wait3A_2125 = arith.constant 0 : i32
    %dma_wait3A_2126 = arith.constant 0 : i32
    %dma_wait3A_2127 = tpu.memref_slice %arg5[%dma_wait3A_2113, %dma_wait3A_2125, %dma_wait3A_2126] : memref<4x48x128xf32, #tpu.memory_space<vmem>> -> memref<1x48x128xf32, #tpu.memory_space<vmem>>
    %dma_wait3A_2128 = tpu.memref_squeeze %dma_wait3A_2127 : memref<1x48x128xf32, #tpu.memory_space<vmem>> -> memref<48x128xf32, #tpu.memory_space<vmem>>
    tpu.wait_dma2 semaphore(%dma_wait3A_2122 : memref<!tpu.dma_semaphore, #tpu.memory_space<semaphore_mem>>) src(%dma_wait3A_2128 : memref<48x128xf32, #tpu.memory_space<vmem>>) dst(%dma_wait3A_2124 : memref<48x128xf32, #tpu.memory_space<hbm>>)
    %dma_wait3A_2129 = arith.constant 1 : i32
    %dma_wait3A_2130 = arith.constant 1 : i32
    %dma_wait3A_2131 = arith.constant 0 : i32
    %dma_wait3A_2132 = arith.constant 0 : i32
    %dma_wait3A_2133 = tpu.memref_slice %arg5[%dma_wait3A_2129, %dma_wait3A_2131, %dma_wait3A_2132] : memref<4x48x128xf32, #tpu.memory_space<vmem>> -> memref<1x48x128xf32, #tpu.memory_space<vmem>>
    %dma_wait3A_2134 = tpu.memref_squeeze %dma_wait3A_2133 : memref<1x48x128xf32, #tpu.memory_space<vmem>> -> memref<48x128xf32, #tpu.memory_space<vmem>>
    %dma_wait3A_2135 = arith.constant 0 : i32
    %dma_wait3A_2136 = tpu.memref_slice %arg4[%add3A_122, %dma_wait3A_2135] : memref<49152x128xf32, #tpu.memory_space<hbm>> -> memref<48x128xf32, #tpu.memory_space<hbm>>
    %dma_wait3A_2137 = tpu.memref_slice %arg7[%dma_wait3A_2130] : memref<4x!tpu.dma_semaphore, #tpu.memory_space<semaphore_mem>> -> memref<1x!tpu.dma_semaphore, #tpu.memory_space<semaphore_mem>>
    %dma_wait3A_2138 = tpu.memref_squeeze %dma_wait3A_2137 : memref<1x!tpu.dma_semaphore, #tpu.memory_space<semaphore_mem>> -> memref<!tpu.dma_semaphore, #tpu.memory_space<semaphore_mem>>
    %dma_wait3A_2139 = arith.constant 0 : i32
    %dma_wait3A_2140 = tpu.memref_slice %arg4[%add3A_122, %dma_wait3A_2139] : memref<49152x128xf32, #tpu.memory_space<hbm>> -> memref<48x128xf32, #tpu.memory_space<hbm>>
    %dma_wait3A_2141 = arith.constant 0 : i32
    %dma_wait3A_2142 = arith.constant 0 : i32
    %dma_wait3A_2143 = tpu.memref_slice %arg5[%dma_wait3A_2129, %dma_wait3A_2141, %dma_wait3A_2142] : memref<4x48x128xf32, #tpu.memory_space<vmem>> -> memref<1x48x128xf32, #tpu.memory_space<vmem>>
    %dma_wait3A_2144 = tpu.memref_squeeze %dma_wait3A_2143 : memref<1x48x128xf32, #tpu.memory_space<vmem>> -> memref<48x128xf32, #tpu.memory_space<vmem>>
    tpu.wait_dma2 semaphore(%dma_wait3A_2138 : memref<!tpu.dma_semaphore, #tpu.memory_space<semaphore_mem>>) src(%dma_wait3A_2144 : memref<48x128xf32, #tpu.memory_space<vmem>>) dst(%dma_wait3A_2140 : memref<48x128xf32, #tpu.memory_space<hbm>>)
    %dma_wait3A_2145 = arith.constant 2 : i32
    %dma_wait3A_2146 = arith.constant 2 : i32
    %dma_wait3A_2147 = arith.constant 0 : i32
    %dma_wait3A_2148 = arith.constant 0 : i32
    %dma_wait3A_2149 = tpu.memref_slice %arg5[%dma_wait3A_2145, %dma_wait3A_2147, %dma_wait3A_2148] : memref<4x48x128xf32, #tpu.memory_space<vmem>> -> memref<1x48x128xf32, #tpu.memory_space<vmem>>
    %dma_wait3A_2150 = tpu.memref_squeeze %dma_wait3A_2149 : memref<1x48x128xf32, #tpu.memory_space<vmem>> -> memref<48x128xf32, #tpu.memory_space<vmem>>
    %dma_wait3A_2151 = arith.constant 0 : i32
    %dma_wait3A_2152 = tpu.memref_slice %arg4[%add3A_126, %dma_wait3A_2151] : memref<49152x128xf32, #tpu.memory_space<hbm>> -> memref<48x128xf32, #tpu.memory_space<hbm>>
    %dma_wait3A_2153 = tpu.memref_slice %arg7[%dma_wait3A_2146] : memref<4x!tpu.dma_semaphore, #tpu.memory_space<semaphore_mem>> -> memref<1x!tpu.dma_semaphore, #tpu.memory_space<semaphore_mem>>
    %dma_wait3A_2154 = tpu.memref_squeeze %dma_wait3A_2153 : memref<1x!tpu.dma_semaphore, #tpu.memory_space<semaphore_mem>> -> memref<!tpu.dma_semaphore, #tpu.memory_space<semaphore_mem>>
    %dma_wait3A_2155 = arith.constant 0 : i32
    %dma_wait3A_2156 = tpu.memref_slice %arg4[%add3A_126, %dma_wait3A_2155] : memref<49152x128xf32, #tpu.memory_space<hbm>> -> memref<48x128xf32, #tpu.memory_space<hbm>>
    %dma_wait3A_2157 = arith.constant 0 : i32
    %dma_wait3A_2158 = arith.constant 0 : i32
    %dma_wait3A_2159 = tpu.memref_slice %arg5[%dma_wait3A_2145, %dma_wait3A_2157, %dma_wait3A_2158] : memref<4x48x128xf32, #tpu.memory_space<vmem>> -> memref<1x48x128xf32, #tpu.memory_space<vmem>>
    %dma_wait3A_2160 = tpu.memref_squeeze %dma_wait3A_2159 : memref<1x48x128xf32, #tpu.memory_space<vmem>> -> memref<48x128xf32, #tpu.memory_space<vmem>>
    tpu.wait_dma2 semaphore(%dma_wait3A_2154 : memref<!tpu.dma_semaphore, #tpu.memory_space<semaphore_mem>>) src(%dma_wait3A_2160 : memref<48x128xf32, #tpu.memory_space<vmem>>) dst(%dma_wait3A_2156 : memref<48x128xf32, #tpu.memory_space<hbm>>)
    %dma_wait3A_2161 = arith.constant 3 : i32
    %dma_wait3A_2162 = arith.constant 3 : i32
    %dma_wait3A_2163 = arith.constant 0 : i32
    %dma_wait3A_2164 = arith.constant 0 : i32
    %dma_wait3A_2165 = tpu.memref_slice %arg5[%dma_wait3A_2161, %dma_wait3A_2163, %dma_wait3A_2164] : memref<4x48x128xf32, #tpu.memory_space<vmem>> -> memref<1x48x128xf32, #tpu.memory_space<vmem>>
    %dma_wait3A_2166 = tpu.memref_squeeze %dma_wait3A_2165 : memref<1x48x128xf32, #tpu.memory_space<vmem>> -> memref<48x128xf32, #tpu.memory_space<vmem>>
    %dma_wait3A_2167 = arith.constant 0 : i32
    %dma_wait3A_2168 = tpu.memref_slice %arg4[%add3A_130, %dma_wait3A_2167] : memref<49152x128xf32, #tpu.memory_space<hbm>> -> memref<48x128xf32, #tpu.memory_space<hbm>>
    %dma_wait3A_2169 = tpu.memref_slice %arg7[%dma_wait3A_2162] : memref<4x!tpu.dma_semaphore, #tpu.memory_space<semaphore_mem>> -> memref<1x!tpu.dma_semaphore, #tpu.memory_space<semaphore_mem>>
    %dma_wait3A_2170 = tpu.memref_squeeze %dma_wait3A_2169 : memref<1x!tpu.dma_semaphore, #tpu.memory_space<semaphore_mem>> -> memref<!tpu.dma_semaphore, #tpu.memory_space<semaphore_mem>>
    %dma_wait3A_2171 = arith.constant 0 : i32
    %dma_wait3A_2172 = tpu.memref_slice %arg4[%add3A_130, %dma_wait3A_2171] : memref<49152x128xf32, #tpu.memory_space<hbm>> -> memref<48x128xf32, #tpu.memory_space<hbm>>
    %dma_wait3A_2173 = arith.constant 0 : i32
    %dma_wait3A_2174 = arith.constant 0 : i32
    %dma_wait3A_2175 = tpu.memref_slice %arg5[%dma_wait3A_2161, %dma_wait3A_2173, %dma_wait3A_2174] : memref<4x48x128xf32, #tpu.memory_space<vmem>> -> memref<1x48x128xf32, #tpu.memory_space<vmem>>
    %dma_wait3A_2176 = tpu.memref_squeeze %dma_wait3A_2175 : memref<1x48x128xf32, #tpu.memory_space<vmem>> -> memref<48x128xf32, #tpu.memory_space<vmem>>
    tpu.wait_dma2 semaphore(%dma_wait3A_2170 : memref<!tpu.dma_semaphore, #tpu.memory_space<semaphore_mem>>) src(%dma_wait3A_2176 : memref<48x128xf32, #tpu.memory_space<vmem>>) dst(%dma_wait3A_2172 : memref<48x128xf32, #tpu.memory_space<hbm>>)
    return
  }
}

module attributes {stable_mosaic.version = 14 : i64} {
  func.func @_tc_scatter_body(%arg0: memref<49152x128xf32, #tpu.memory_space<any>>, %arg1: memref<196608x128xf32, #tpu.memory_space<any>>, %arg2: memref<196608x128xf32, #tpu.memory_space<any>>, %arg3: memref<8x1536x128xf32, #tpu.memory_space<vmem>>, %arg4: memref<8x!tpu.dma_semaphore, #tpu.memory_space<semaphore_mem>>, %arg5: memref<8x!tpu.dma_semaphore, #tpu.memory_space<semaphore_mem>>) attributes {dimension_semantics = [], scalar_prefetch = 0 : i64, scratch_operands = 3 : i64, tpu.core_type = #tpu.core_type<tc>} {
    %dma_start3A = arith.constant 0 : i32
    %dma_start3A_0 = arith.constant 0 : i32
    %dma_start3A_1 = tpu.memref_slice %arg4[%dma_start3A_0] : memref<8x!tpu.dma_semaphore, #tpu.memory_space<semaphore_mem>> -> memref<1x!tpu.dma_semaphore, #tpu.memory_space<semaphore_mem>>
    %dma_start3A_2 = tpu.memref_squeeze %dma_start3A_1 : memref<1x!tpu.dma_semaphore, #tpu.memory_space<semaphore_mem>> -> memref<!tpu.dma_semaphore, #tpu.memory_space<semaphore_mem>>
    %dma_start3A_3 = arith.constant 0 : i32
    %dma_start3A_4 = arith.constant 0 : i32
    %dma_start3A_5 = tpu.memref_slice %arg3[%dma_start3A, %dma_start3A_3, %dma_start3A_4] : memref<8x1536x128xf32, #tpu.memory_space<vmem>> -> memref<1x1536x128xf32, #tpu.memory_space<vmem>>
    %dma_start3A_6 = tpu.memref_squeeze %dma_start3A_5 : memref<1x1536x128xf32, #tpu.memory_space<vmem>> -> memref<1536x128xf32, #tpu.memory_space<vmem>>
    %dma_start3A_7 = arith.constant 0 : i32
    %dma_start3A_8 = arith.constant 0 : i32
    %dma_start3A_9 = tpu.memref_slice %arg0[%dma_start3A_7, %dma_start3A_8] : memref<49152x128xf32, #tpu.memory_space<any>> -> memref<1536x128xf32, #tpu.memory_space<any>>
    tpu.enqueue_dma source(%dma_start3A_9 : memref<1536x128xf32, #tpu.memory_space<any>>) target(%dma_start3A_6 : memref<1536x128xf32, #tpu.memory_space<vmem>>) target_semaphore(%dma_start3A_2 : memref<!tpu.dma_semaphore, #tpu.memory_space<semaphore_mem>>)
    %dma_start3A_10 = arith.constant 1 : i32
    %dma_start3A_11 = arith.constant 1 : i32
    %dma_start3A_12 = tpu.memref_slice %arg4[%dma_start3A_11] : memref<8x!tpu.dma_semaphore, #tpu.memory_space<semaphore_mem>> -> memref<1x!tpu.dma_semaphore, #tpu.memory_space<semaphore_mem>>
    %dma_start3A_13 = tpu.memref_squeeze %dma_start3A_12 : memref<1x!tpu.dma_semaphore, #tpu.memory_space<semaphore_mem>> -> memref<!tpu.dma_semaphore, #tpu.memory_space<semaphore_mem>>
    %dma_start3A_14 = arith.constant 0 : i32
    %dma_start3A_15 = arith.constant 0 : i32
    %dma_start3A_16 = tpu.memref_slice %arg3[%dma_start3A_10, %dma_start3A_14, %dma_start3A_15] : memref<8x1536x128xf32, #tpu.memory_space<vmem>> -> memref<1x1536x128xf32, #tpu.memory_space<vmem>>
    %dma_start3A_17 = tpu.memref_squeeze %dma_start3A_16 : memref<1x1536x128xf32, #tpu.memory_space<vmem>> -> memref<1536x128xf32, #tpu.memory_space<vmem>>
    %dma_start3A_18 = arith.constant 3072 : i32
    %dma_start3A_19 = arith.constant 0 : i32
    %dma_start3A_20 = tpu.memref_slice %arg0[%dma_start3A_18, %dma_start3A_19] : memref<49152x128xf32, #tpu.memory_space<any>> -> memref<1536x128xf32, #tpu.memory_space<any>>
    tpu.enqueue_dma source(%dma_start3A_20 : memref<1536x128xf32, #tpu.memory_space<any>>) target(%dma_start3A_17 : memref<1536x128xf32, #tpu.memory_space<vmem>>) target_semaphore(%dma_start3A_13 : memref<!tpu.dma_semaphore, #tpu.memory_space<semaphore_mem>>)
    %dma_start3A_21 = arith.constant 2 : i32
    %dma_start3A_22 = arith.constant 2 : i32
    %dma_start3A_23 = tpu.memref_slice %arg4[%dma_start3A_22] : memref<8x!tpu.dma_semaphore, #tpu.memory_space<semaphore_mem>> -> memref<1x!tpu.dma_semaphore, #tpu.memory_space<semaphore_mem>>
    %dma_start3A_24 = tpu.memref_squeeze %dma_start3A_23 : memref<1x!tpu.dma_semaphore, #tpu.memory_space<semaphore_mem>> -> memref<!tpu.dma_semaphore, #tpu.memory_space<semaphore_mem>>
    %dma_start3A_25 = arith.constant 0 : i32
    %dma_start3A_26 = arith.constant 0 : i32
    %dma_start3A_27 = tpu.memref_slice %arg3[%dma_start3A_21, %dma_start3A_25, %dma_start3A_26] : memref<8x1536x128xf32, #tpu.memory_space<vmem>> -> memref<1x1536x128xf32, #tpu.memory_space<vmem>>
    %dma_start3A_28 = tpu.memref_squeeze %dma_start3A_27 : memref<1x1536x128xf32, #tpu.memory_space<vmem>> -> memref<1536x128xf32, #tpu.memory_space<vmem>>
    %dma_start3A_29 = arith.constant 4608 : i32
    %dma_start3A_30 = arith.constant 0 : i32
    %dma_start3A_31 = tpu.memref_slice %arg0[%dma_start3A_29, %dma_start3A_30] : memref<49152x128xf32, #tpu.memory_space<any>> -> memref<1536x128xf32, #tpu.memory_space<any>>
    tpu.enqueue_dma source(%dma_start3A_31 : memref<1536x128xf32, #tpu.memory_space<any>>) target(%dma_start3A_28 : memref<1536x128xf32, #tpu.memory_space<vmem>>) target_semaphore(%dma_start3A_24 : memref<!tpu.dma_semaphore, #tpu.memory_space<semaphore_mem>>)
    %dma_start3A_32 = arith.constant 3 : i32
    %dma_start3A_33 = arith.constant 3 : i32
    %dma_start3A_34 = tpu.memref_slice %arg4[%dma_start3A_33] : memref<8x!tpu.dma_semaphore, #tpu.memory_space<semaphore_mem>> -> memref<1x!tpu.dma_semaphore, #tpu.memory_space<semaphore_mem>>
    %dma_start3A_35 = tpu.memref_squeeze %dma_start3A_34 : memref<1x!tpu.dma_semaphore, #tpu.memory_space<semaphore_mem>> -> memref<!tpu.dma_semaphore, #tpu.memory_space<semaphore_mem>>
    %dma_start3A_36 = arith.constant 0 : i32
    %dma_start3A_37 = arith.constant 0 : i32
    %dma_start3A_38 = tpu.memref_slice %arg3[%dma_start3A_32, %dma_start3A_36, %dma_start3A_37] : memref<8x1536x128xf32, #tpu.memory_space<vmem>> -> memref<1x1536x128xf32, #tpu.memory_space<vmem>>
    %dma_start3A_39 = tpu.memref_squeeze %dma_start3A_38 : memref<1x1536x128xf32, #tpu.memory_space<vmem>> -> memref<1536x128xf32, #tpu.memory_space<vmem>>
    %dma_start3A_40 = arith.constant 6144 : i32
    %dma_start3A_41 = arith.constant 0 : i32
    %dma_start3A_42 = tpu.memref_slice %arg0[%dma_start3A_40, %dma_start3A_41] : memref<49152x128xf32, #tpu.memory_space<any>> -> memref<1536x128xf32, #tpu.memory_space<any>>
    tpu.enqueue_dma source(%dma_start3A_42 : memref<1536x128xf32, #tpu.memory_space<any>>) target(%dma_start3A_39 : memref<1536x128xf32, #tpu.memory_space<vmem>>) target_semaphore(%dma_start3A_35 : memref<!tpu.dma_semaphore, #tpu.memory_space<semaphore_mem>>)
    %dma_wait3A = arith.constant 0 : i32
    %dma_wait3A_43 = arith.constant 0 : i32
    %dma_wait3A_44 = tpu.memref_slice %arg4[%dma_wait3A_43] : memref<8x!tpu.dma_semaphore, #tpu.memory_space<semaphore_mem>> -> memref<1x!tpu.dma_semaphore, #tpu.memory_space<semaphore_mem>>
    %dma_wait3A_45 = tpu.memref_squeeze %dma_wait3A_44 : memref<1x!tpu.dma_semaphore, #tpu.memory_space<semaphore_mem>> -> memref<!tpu.dma_semaphore, #tpu.memory_space<semaphore_mem>>
    %dma_wait3A_46 = arith.constant 0 : i32
    %dma_wait3A_47 = arith.constant 0 : i32
    %dma_wait3A_48 = tpu.memref_slice %arg3[%dma_wait3A, %dma_wait3A_46, %dma_wait3A_47] : memref<8x1536x128xf32, #tpu.memory_space<vmem>> -> memref<1x1536x128xf32, #tpu.memory_space<vmem>>
    %dma_wait3A_49 = tpu.memref_squeeze %dma_wait3A_48 : memref<1x1536x128xf32, #tpu.memory_space<vmem>> -> memref<1536x128xf32, #tpu.memory_space<vmem>>
    %dma_wait3A_50 = arith.constant 0 : i32
    %dma_wait3A_51 = arith.constant 0 : i32
    %dma_wait3A_52 = tpu.memref_slice %arg0[%dma_wait3A_50, %dma_wait3A_51] : memref<49152x128xf32, #tpu.memory_space<any>> -> memref<1536x128xf32, #tpu.memory_space<any>>
    tpu.wait_dma2 semaphore(%dma_wait3A_45 : memref<!tpu.dma_semaphore, #tpu.memory_space<semaphore_mem>>) src(%dma_wait3A_52 : memref<1536x128xf32, #tpu.memory_space<any>>) dst(%dma_wait3A_49 : memref<1536x128xf32, #tpu.memory_space<vmem>>)
    %dma_start3A_53 = arith.constant 0 : i32
    %dma_start3A_54 = arith.constant 0 : i32
    %dma_start3A_55 = tpu.memref_slice %arg5[%dma_start3A_54] : memref<8x!tpu.dma_semaphore, #tpu.memory_space<semaphore_mem>> -> memref<1x!tpu.dma_semaphore, #tpu.memory_space<semaphore_mem>>
    %dma_start3A_56 = tpu.memref_squeeze %dma_start3A_55 : memref<1x!tpu.dma_semaphore, #tpu.memory_space<semaphore_mem>> -> memref<!tpu.dma_semaphore, #tpu.memory_space<semaphore_mem>>
    %dma_start3A_57 = arith.constant 127488 : i32
    %dma_start3A_58 = arith.constant 0 : i32
    %dma_start3A_59 = tpu.memref_slice %arg2[%dma_start3A_57, %dma_start3A_58] : memref<196608x128xf32, #tpu.memory_space<any>> -> memref<1536x128xf32, #tpu.memory_space<any>>
    %dma_start3A_60 = arith.constant 0 : i32
    %dma_start3A_61 = arith.constant 0 : i32
    %dma_start3A_62 = tpu.memref_slice %arg3[%dma_start3A_53, %dma_start3A_60, %dma_start3A_61] : memref<8x1536x128xf32, #tpu.memory_space<vmem>> -> memref<1x1536x128xf32, #tpu.memory_space<vmem>>
    %dma_start3A_63 = tpu.memref_squeeze %dma_start3A_62 : memref<1x1536x128xf32, #tpu.memory_space<vmem>> -> memref<1536x128xf32, #tpu.memory_space<vmem>>
    tpu.enqueue_dma source(%dma_start3A_63 : memref<1536x128xf32, #tpu.memory_space<vmem>>) target(%dma_start3A_59 : memref<1536x128xf32, #tpu.memory_space<any>>) target_semaphore(%dma_start3A_56 : memref<!tpu.dma_semaphore, #tpu.memory_space<semaphore_mem>>)
    %dma_start3A_64 = arith.constant 4 : i32
    %dma_start3A_65 = arith.constant 4 : i32
    %dma_start3A_66 = tpu.memref_slice %arg4[%dma_start3A_65] : memref<8x!tpu.dma_semaphore, #tpu.memory_space<semaphore_mem>> -> memref<1x!tpu.dma_semaphore, #tpu.memory_space<semaphore_mem>>
    %dma_start3A_67 = tpu.memref_squeeze %dma_start3A_66 : memref<1x!tpu.dma_semaphore, #tpu.memory_space<semaphore_mem>> -> memref<!tpu.dma_semaphore, #tpu.memory_space<semaphore_mem>>
    %dma_start3A_68 = arith.constant 0 : i32
    %dma_start3A_69 = arith.constant 0 : i32
    %dma_start3A_70 = tpu.memref_slice %arg3[%dma_start3A_64, %dma_start3A_68, %dma_start3A_69] : memref<8x1536x128xf32, #tpu.memory_space<vmem>> -> memref<1x1536x128xf32, #tpu.memory_space<vmem>>
    %dma_start3A_71 = tpu.memref_squeeze %dma_start3A_70 : memref<1x1536x128xf32, #tpu.memory_space<vmem>> -> memref<1536x128xf32, #tpu.memory_space<vmem>>
    %dma_start3A_72 = arith.constant 7680 : i32
    %dma_start3A_73 = arith.constant 0 : i32
    %dma_start3A_74 = tpu.memref_slice %arg0[%dma_start3A_72, %dma_start3A_73] : memref<49152x128xf32, #tpu.memory_space<any>> -> memref<1536x128xf32, #tpu.memory_space<any>>
    tpu.enqueue_dma source(%dma_start3A_74 : memref<1536x128xf32, #tpu.memory_space<any>>) target(%dma_start3A_71 : memref<1536x128xf32, #tpu.memory_space<vmem>>) target_semaphore(%dma_start3A_67 : memref<!tpu.dma_semaphore, #tpu.memory_space<semaphore_mem>>)
    %dma_wait3A_75 = arith.constant 1 : i32
    %dma_wait3A_76 = arith.constant 1 : i32
    %dma_wait3A_77 = tpu.memref_slice %arg4[%dma_wait3A_76] : memref<8x!tpu.dma_semaphore, #tpu.memory_space<semaphore_mem>> -> memref<1x!tpu.dma_semaphore, #tpu.memory_space<semaphore_mem>>
    %dma_wait3A_78 = tpu.memref_squeeze %dma_wait3A_77 : memref<1x!tpu.dma_semaphore, #tpu.memory_space<semaphore_mem>> -> memref<!tpu.dma_semaphore, #tpu.memory_space<semaphore_mem>>
    %dma_wait3A_79 = arith.constant 0 : i32
    %dma_wait3A_80 = arith.constant 0 : i32
    %dma_wait3A_81 = tpu.memref_slice %arg3[%dma_wait3A_75, %dma_wait3A_79, %dma_wait3A_80] : memref<8x1536x128xf32, #tpu.memory_space<vmem>> -> memref<1x1536x128xf32, #tpu.memory_space<vmem>>
    %dma_wait3A_82 = tpu.memref_squeeze %dma_wait3A_81 : memref<1x1536x128xf32, #tpu.memory_space<vmem>> -> memref<1536x128xf32, #tpu.memory_space<vmem>>
    %dma_wait3A_83 = arith.constant 3072 : i32
    %dma_wait3A_84 = arith.constant 0 : i32
    %dma_wait3A_85 = tpu.memref_slice %arg0[%dma_wait3A_83, %dma_wait3A_84] : memref<49152x128xf32, #tpu.memory_space<any>> -> memref<1536x128xf32, #tpu.memory_space<any>>
    tpu.wait_dma2 semaphore(%dma_wait3A_78 : memref<!tpu.dma_semaphore, #tpu.memory_space<semaphore_mem>>) src(%dma_wait3A_85 : memref<1536x128xf32, #tpu.memory_space<any>>) dst(%dma_wait3A_82 : memref<1536x128xf32, #tpu.memory_space<vmem>>)
    %dma_start3A_86 = arith.constant 1 : i32
    %dma_start3A_87 = arith.constant 1 : i32
    %dma_start3A_88 = tpu.memref_slice %arg5[%dma_start3A_87] : memref<8x!tpu.dma_semaphore, #tpu.memory_space<semaphore_mem>> -> memref<1x!tpu.dma_semaphore, #tpu.memory_space<semaphore_mem>>
    %dma_start3A_89 = tpu.memref_squeeze %dma_start3A_88 : memref<1x!tpu.dma_semaphore, #tpu.memory_space<semaphore_mem>> -> memref<!tpu.dma_semaphore, #tpu.memory_space<semaphore_mem>>
    %dma_start3A_90 = arith.constant 99840 : i32
    %dma_start3A_91 = arith.constant 0 : i32
    %dma_start3A_92 = tpu.memref_slice %arg2[%dma_start3A_90, %dma_start3A_91] : memref<196608x128xf32, #tpu.memory_space<any>> -> memref<1536x128xf32, #tpu.memory_space<any>>
    %dma_start3A_93 = arith.constant 0 : i32
    %dma_start3A_94 = arith.constant 0 : i32
    %dma_start3A_95 = tpu.memref_slice %arg3[%dma_start3A_86, %dma_start3A_93, %dma_start3A_94] : memref<8x1536x128xf32, #tpu.memory_space<vmem>> -> memref<1x1536x128xf32, #tpu.memory_space<vmem>>
    %dma_start3A_96 = tpu.memref_squeeze %dma_start3A_95 : memref<1x1536x128xf32, #tpu.memory_space<vmem>> -> memref<1536x128xf32, #tpu.memory_space<vmem>>
    tpu.enqueue_dma source(%dma_start3A_96 : memref<1536x128xf32, #tpu.memory_space<vmem>>) target(%dma_start3A_92 : memref<1536x128xf32, #tpu.memory_space<any>>) target_semaphore(%dma_start3A_89 : memref<!tpu.dma_semaphore, #tpu.memory_space<semaphore_mem>>)
    %dma_start3A_97 = arith.constant 5 : i32
    %dma_start3A_98 = arith.constant 5 : i32
    %dma_start3A_99 = tpu.memref_slice %arg4[%dma_start3A_98] : memref<8x!tpu.dma_semaphore, #tpu.memory_space<semaphore_mem>> -> memref<1x!tpu.dma_semaphore, #tpu.memory_space<semaphore_mem>>
    %dma_start3A_100 = tpu.memref_squeeze %dma_start3A_99 : memref<1x!tpu.dma_semaphore, #tpu.memory_space<semaphore_mem>> -> memref<!tpu.dma_semaphore, #tpu.memory_space<semaphore_mem>>
    %dma_start3A_101 = arith.constant 0 : i32
    %dma_start3A_102 = arith.constant 0 : i32
    %dma_start3A_103 = tpu.memref_slice %arg3[%dma_start3A_97, %dma_start3A_101, %dma_start3A_102] : memref<8x1536x128xf32, #tpu.memory_space<vmem>> -> memref<1x1536x128xf32, #tpu.memory_space<vmem>>
    %dma_start3A_104 = tpu.memref_squeeze %dma_start3A_103 : memref<1x1536x128xf32, #tpu.memory_space<vmem>> -> memref<1536x128xf32, #tpu.memory_space<vmem>>
    %dma_start3A_105 = arith.constant 9216 : i32
    %dma_start3A_106 = arith.constant 0 : i32
    %dma_start3A_107 = tpu.memref_slice %arg0[%dma_start3A_105, %dma_start3A_106] : memref<49152x128xf32, #tpu.memory_space<any>> -> memref<1536x128xf32, #tpu.memory_space<any>>
    tpu.enqueue_dma source(%dma_start3A_107 : memref<1536x128xf32, #tpu.memory_space<any>>) target(%dma_start3A_104 : memref<1536x128xf32, #tpu.memory_space<vmem>>) target_semaphore(%dma_start3A_100 : memref<!tpu.dma_semaphore, #tpu.memory_space<semaphore_mem>>)
    %dma_wait3A_108 = arith.constant 2 : i32
    %dma_wait3A_109 = arith.constant 2 : i32
    %dma_wait3A_110 = tpu.memref_slice %arg4[%dma_wait3A_109] : memref<8x!tpu.dma_semaphore, #tpu.memory_space<semaphore_mem>> -> memref<1x!tpu.dma_semaphore, #tpu.memory_space<semaphore_mem>>
    %dma_wait3A_111 = tpu.memref_squeeze %dma_wait3A_110 : memref<1x!tpu.dma_semaphore, #tpu.memory_space<semaphore_mem>> -> memref<!tpu.dma_semaphore, #tpu.memory_space<semaphore_mem>>
    %dma_wait3A_112 = arith.constant 0 : i32
    %dma_wait3A_113 = arith.constant 0 : i32
    %dma_wait3A_114 = tpu.memref_slice %arg3[%dma_wait3A_108, %dma_wait3A_112, %dma_wait3A_113] : memref<8x1536x128xf32, #tpu.memory_space<vmem>> -> memref<1x1536x128xf32, #tpu.memory_space<vmem>>
    %dma_wait3A_115 = tpu.memref_squeeze %dma_wait3A_114 : memref<1x1536x128xf32, #tpu.memory_space<vmem>> -> memref<1536x128xf32, #tpu.memory_space<vmem>>
    %dma_wait3A_116 = arith.constant 4608 : i32
    %dma_wait3A_117 = arith.constant 0 : i32
    %dma_wait3A_118 = tpu.memref_slice %arg0[%dma_wait3A_116, %dma_wait3A_117] : memref<49152x128xf32, #tpu.memory_space<any>> -> memref<1536x128xf32, #tpu.memory_space<any>>
    tpu.wait_dma2 semaphore(%dma_wait3A_111 : memref<!tpu.dma_semaphore, #tpu.memory_space<semaphore_mem>>) src(%dma_wait3A_118 : memref<1536x128xf32, #tpu.memory_space<any>>) dst(%dma_wait3A_115 : memref<1536x128xf32, #tpu.memory_space<vmem>>)
    %dma_start3A_119 = arith.constant 2 : i32
    %dma_start3A_120 = arith.constant 2 : i32
    %dma_start3A_121 = tpu.memref_slice %arg5[%dma_start3A_120] : memref<8x!tpu.dma_semaphore, #tpu.memory_space<semaphore_mem>> -> memref<1x!tpu.dma_semaphore, #tpu.memory_space<semaphore_mem>>
    %dma_start3A_122 = tpu.memref_squeeze %dma_start3A_121 : memref<1x!tpu.dma_semaphore, #tpu.memory_space<semaphore_mem>> -> memref<!tpu.dma_semaphore, #tpu.memory_space<semaphore_mem>>
    %dma_start3A_123 = arith.constant 112128 : i32
    %dma_start3A_124 = arith.constant 0 : i32
    %dma_start3A_125 = tpu.memref_slice %arg2[%dma_start3A_123, %dma_start3A_124] : memref<196608x128xf32, #tpu.memory_space<any>> -> memref<1536x128xf32, #tpu.memory_space<any>>
    %dma_start3A_126 = arith.constant 0 : i32
    %dma_start3A_127 = arith.constant 0 : i32
    %dma_start3A_128 = tpu.memref_slice %arg3[%dma_start3A_119, %dma_start3A_126, %dma_start3A_127] : memref<8x1536x128xf32, #tpu.memory_space<vmem>> -> memref<1x1536x128xf32, #tpu.memory_space<vmem>>
    %dma_start3A_129 = tpu.memref_squeeze %dma_start3A_128 : memref<1x1536x128xf32, #tpu.memory_space<vmem>> -> memref<1536x128xf32, #tpu.memory_space<vmem>>
    tpu.enqueue_dma source(%dma_start3A_129 : memref<1536x128xf32, #tpu.memory_space<vmem>>) target(%dma_start3A_125 : memref<1536x128xf32, #tpu.memory_space<any>>) target_semaphore(%dma_start3A_122 : memref<!tpu.dma_semaphore, #tpu.memory_space<semaphore_mem>>)
    %dma_start3A_130 = arith.constant 6 : i32
    %dma_start3A_131 = arith.constant 6 : i32
    %dma_start3A_132 = tpu.memref_slice %arg4[%dma_start3A_131] : memref<8x!tpu.dma_semaphore, #tpu.memory_space<semaphore_mem>> -> memref<1x!tpu.dma_semaphore, #tpu.memory_space<semaphore_mem>>
    %dma_start3A_133 = tpu.memref_squeeze %dma_start3A_132 : memref<1x!tpu.dma_semaphore, #tpu.memory_space<semaphore_mem>> -> memref<!tpu.dma_semaphore, #tpu.memory_space<semaphore_mem>>
    %dma_start3A_134 = arith.constant 0 : i32
    %dma_start3A_135 = arith.constant 0 : i32
    %dma_start3A_136 = tpu.memref_slice %arg3[%dma_start3A_130, %dma_start3A_134, %dma_start3A_135] : memref<8x1536x128xf32, #tpu.memory_space<vmem>> -> memref<1x1536x128xf32, #tpu.memory_space<vmem>>
    %dma_start3A_137 = tpu.memref_squeeze %dma_start3A_136 : memref<1x1536x128xf32, #tpu.memory_space<vmem>> -> memref<1536x128xf32, #tpu.memory_space<vmem>>
    %dma_start3A_138 = arith.constant 13824 : i32
    %dma_start3A_139 = arith.constant 0 : i32
    %dma_start3A_140 = tpu.memref_slice %arg0[%dma_start3A_138, %dma_start3A_139] : memref<49152x128xf32, #tpu.memory_space<any>> -> memref<1536x128xf32, #tpu.memory_space<any>>
    tpu.enqueue_dma source(%dma_start3A_140 : memref<1536x128xf32, #tpu.memory_space<any>>) target(%dma_start3A_137 : memref<1536x128xf32, #tpu.memory_space<vmem>>) target_semaphore(%dma_start3A_133 : memref<!tpu.dma_semaphore, #tpu.memory_space<semaphore_mem>>)
    %dma_wait3A_141 = arith.constant 3 : i32
    %dma_wait3A_142 = arith.constant 3 : i32
    %dma_wait3A_143 = tpu.memref_slice %arg4[%dma_wait3A_142] : memref<8x!tpu.dma_semaphore, #tpu.memory_space<semaphore_mem>> -> memref<1x!tpu.dma_semaphore, #tpu.memory_space<semaphore_mem>>
    %dma_wait3A_144 = tpu.memref_squeeze %dma_wait3A_143 : memref<1x!tpu.dma_semaphore, #tpu.memory_space<semaphore_mem>> -> memref<!tpu.dma_semaphore, #tpu.memory_space<semaphore_mem>>
    %dma_wait3A_145 = arith.constant 0 : i32
    %dma_wait3A_146 = arith.constant 0 : i32
    %dma_wait3A_147 = tpu.memref_slice %arg3[%dma_wait3A_141, %dma_wait3A_145, %dma_wait3A_146] : memref<8x1536x128xf32, #tpu.memory_space<vmem>> -> memref<1x1536x128xf32, #tpu.memory_space<vmem>>
    %dma_wait3A_148 = tpu.memref_squeeze %dma_wait3A_147 : memref<1x1536x128xf32, #tpu.memory_space<vmem>> -> memref<1536x128xf32, #tpu.memory_space<vmem>>
    %dma_wait3A_149 = arith.constant 6144 : i32
    %dma_wait3A_150 = arith.constant 0 : i32
    %dma_wait3A_151 = tpu.memref_slice %arg0[%dma_wait3A_149, %dma_wait3A_150] : memref<49152x128xf32, #tpu.memory_space<any>> -> memref<1536x128xf32, #tpu.memory_space<any>>
    tpu.wait_dma2 semaphore(%dma_wait3A_144 : memref<!tpu.dma_semaphore, #tpu.memory_space<semaphore_mem>>) src(%dma_wait3A_151 : memref<1536x128xf32, #tpu.memory_space<any>>) dst(%dma_wait3A_148 : memref<1536x128xf32, #tpu.memory_space<vmem>>)
    %dma_start3A_152 = arith.constant 3 : i32
    %dma_start3A_153 = arith.constant 3 : i32
    %dma_start3A_154 = tpu.memref_slice %arg5[%dma_start3A_153] : memref<8x!tpu.dma_semaphore, #tpu.memory_space<semaphore_mem>> -> memref<1x!tpu.dma_semaphore, #tpu.memory_space<semaphore_mem>>
    %dma_start3A_155 = tpu.memref_squeeze %dma_start3A_154 : memref<1x!tpu.dma_semaphore, #tpu.memory_space<semaphore_mem>> -> memref<!tpu.dma_semaphore, #tpu.memory_space<semaphore_mem>>
    %dma_start3A_156 = arith.constant 119808 : i32
    %dma_start3A_157 = arith.constant 0 : i32
    %dma_start3A_158 = tpu.memref_slice %arg2[%dma_start3A_156, %dma_start3A_157] : memref<196608x128xf32, #tpu.memory_space<any>> -> memref<1536x128xf32, #tpu.memory_space<any>>
    %dma_start3A_159 = arith.constant 0 : i32
    %dma_start3A_160 = arith.constant 0 : i32
    %dma_start3A_161 = tpu.memref_slice %arg3[%dma_start3A_152, %dma_start3A_159, %dma_start3A_160] : memref<8x1536x128xf32, #tpu.memory_space<vmem>> -> memref<1x1536x128xf32, #tpu.memory_space<vmem>>
    %dma_start3A_162 = tpu.memref_squeeze %dma_start3A_161 : memref<1x1536x128xf32, #tpu.memory_space<vmem>> -> memref<1536x128xf32, #tpu.memory_space<vmem>>
    tpu.enqueue_dma source(%dma_start3A_162 : memref<1536x128xf32, #tpu.memory_space<vmem>>) target(%dma_start3A_158 : memref<1536x128xf32, #tpu.memory_space<any>>) target_semaphore(%dma_start3A_155 : memref<!tpu.dma_semaphore, #tpu.memory_space<semaphore_mem>>)
    %dma_start3A_163 = arith.constant 7 : i32
    %dma_start3A_164 = arith.constant 7 : i32
    %dma_start3A_165 = tpu.memref_slice %arg4[%dma_start3A_164] : memref<8x!tpu.dma_semaphore, #tpu.memory_space<semaphore_mem>> -> memref<1x!tpu.dma_semaphore, #tpu.memory_space<semaphore_mem>>
    %dma_start3A_166 = tpu.memref_squeeze %dma_start3A_165 : memref<1x!tpu.dma_semaphore, #tpu.memory_space<semaphore_mem>> -> memref<!tpu.dma_semaphore, #tpu.memory_space<semaphore_mem>>
    %dma_start3A_167 = arith.constant 0 : i32
    %dma_start3A_168 = arith.constant 0 : i32
    %dma_start3A_169 = tpu.memref_slice %arg3[%dma_start3A_163, %dma_start3A_167, %dma_start3A_168] : memref<8x1536x128xf32, #tpu.memory_space<vmem>> -> memref<1x1536x128xf32, #tpu.memory_space<vmem>>
    %dma_start3A_170 = tpu.memref_squeeze %dma_start3A_169 : memref<1x1536x128xf32, #tpu.memory_space<vmem>> -> memref<1536x128xf32, #tpu.memory_space<vmem>>
    %dma_start3A_171 = arith.constant 15360 : i32
    %dma_start3A_172 = arith.constant 0 : i32
    %dma_start3A_173 = tpu.memref_slice %arg0[%dma_start3A_171, %dma_start3A_172] : memref<49152x128xf32, #tpu.memory_space<any>> -> memref<1536x128xf32, #tpu.memory_space<any>>
    tpu.enqueue_dma source(%dma_start3A_173 : memref<1536x128xf32, #tpu.memory_space<any>>) target(%dma_start3A_170 : memref<1536x128xf32, #tpu.memory_space<vmem>>) target_semaphore(%dma_start3A_166 : memref<!tpu.dma_semaphore, #tpu.memory_space<semaphore_mem>>)
    %dma_wait3A_174 = arith.constant 4 : i32
    %dma_wait3A_175 = arith.constant 4 : i32
    %dma_wait3A_176 = tpu.memref_slice %arg4[%dma_wait3A_175] : memref<8x!tpu.dma_semaphore, #tpu.memory_space<semaphore_mem>> -> memref<1x!tpu.dma_semaphore, #tpu.memory_space<semaphore_mem>>
    %dma_wait3A_177 = tpu.memref_squeeze %dma_wait3A_176 : memref<1x!tpu.dma_semaphore, #tpu.memory_space<semaphore_mem>> -> memref<!tpu.dma_semaphore, #tpu.memory_space<semaphore_mem>>
    %dma_wait3A_178 = arith.constant 0 : i32
    %dma_wait3A_179 = arith.constant 0 : i32
    %dma_wait3A_180 = tpu.memref_slice %arg3[%dma_wait3A_174, %dma_wait3A_178, %dma_wait3A_179] : memref<8x1536x128xf32, #tpu.memory_space<vmem>> -> memref<1x1536x128xf32, #tpu.memory_space<vmem>>
    %dma_wait3A_181 = tpu.memref_squeeze %dma_wait3A_180 : memref<1x1536x128xf32, #tpu.memory_space<vmem>> -> memref<1536x128xf32, #tpu.memory_space<vmem>>
    %dma_wait3A_182 = arith.constant 7680 : i32
    %dma_wait3A_183 = arith.constant 0 : i32
    %dma_wait3A_184 = tpu.memref_slice %arg0[%dma_wait3A_182, %dma_wait3A_183] : memref<49152x128xf32, #tpu.memory_space<any>> -> memref<1536x128xf32, #tpu.memory_space<any>>
    tpu.wait_dma2 semaphore(%dma_wait3A_177 : memref<!tpu.dma_semaphore, #tpu.memory_space<semaphore_mem>>) src(%dma_wait3A_184 : memref<1536x128xf32, #tpu.memory_space<any>>) dst(%dma_wait3A_181 : memref<1536x128xf32, #tpu.memory_space<vmem>>)
    %dma_start3A_185 = arith.constant 4 : i32
    %dma_start3A_186 = arith.constant 4 : i32
    %dma_start3A_187 = tpu.memref_slice %arg5[%dma_start3A_186] : memref<8x!tpu.dma_semaphore, #tpu.memory_space<semaphore_mem>> -> memref<1x!tpu.dma_semaphore, #tpu.memory_space<semaphore_mem>>
    %dma_start3A_188 = tpu.memref_squeeze %dma_start3A_187 : memref<1x!tpu.dma_semaphore, #tpu.memory_space<semaphore_mem>> -> memref<!tpu.dma_semaphore, #tpu.memory_space<semaphore_mem>>
    %dma_start3A_189 = arith.constant 49152 : i32
    %dma_start3A_190 = arith.constant 0 : i32
    %dma_start3A_191 = tpu.memref_slice %arg2[%dma_start3A_189, %dma_start3A_190] : memref<196608x128xf32, #tpu.memory_space<any>> -> memref<1536x128xf32, #tpu.memory_space<any>>
    %dma_start3A_192 = arith.constant 0 : i32
    %dma_start3A_193 = arith.constant 0 : i32
    %dma_start3A_194 = tpu.memref_slice %arg3[%dma_start3A_185, %dma_start3A_192, %dma_start3A_193] : memref<8x1536x128xf32, #tpu.memory_space<vmem>> -> memref<1x1536x128xf32, #tpu.memory_space<vmem>>
    %dma_start3A_195 = tpu.memref_squeeze %dma_start3A_194 : memref<1x1536x128xf32, #tpu.memory_space<vmem>> -> memref<1536x128xf32, #tpu.memory_space<vmem>>
    tpu.enqueue_dma source(%dma_start3A_195 : memref<1536x128xf32, #tpu.memory_space<vmem>>) target(%dma_start3A_191 : memref<1536x128xf32, #tpu.memory_space<any>>) target_semaphore(%dma_start3A_188 : memref<!tpu.dma_semaphore, #tpu.memory_space<semaphore_mem>>)
    %dma_wait3A_196 = arith.constant 0 : i32
    %dma_wait3A_197 = arith.constant 0 : i32
    %dma_wait3A_198 = tpu.memref_slice %arg5[%dma_wait3A_197] : memref<8x!tpu.dma_semaphore, #tpu.memory_space<semaphore_mem>> -> memref<1x!tpu.dma_semaphore, #tpu.memory_space<semaphore_mem>>
    %dma_wait3A_199 = tpu.memref_squeeze %dma_wait3A_198 : memref<1x!tpu.dma_semaphore, #tpu.memory_space<semaphore_mem>> -> memref<!tpu.dma_semaphore, #tpu.memory_space<semaphore_mem>>
    %dma_wait3A_200 = arith.constant 127488 : i32
    %dma_wait3A_201 = arith.constant 0 : i32
    %dma_wait3A_202 = tpu.memref_slice %arg2[%dma_wait3A_200, %dma_wait3A_201] : memref<196608x128xf32, #tpu.memory_space<any>> -> memref<1536x128xf32, #tpu.memory_space<any>>
    %dma_wait3A_203 = arith.constant 0 : i32
    %dma_wait3A_204 = arith.constant 0 : i32
    %dma_wait3A_205 = tpu.memref_slice %arg3[%dma_wait3A_196, %dma_wait3A_203, %dma_wait3A_204] : memref<8x1536x128xf32, #tpu.memory_space<vmem>> -> memref<1x1536x128xf32, #tpu.memory_space<vmem>>
    %dma_wait3A_206 = tpu.memref_squeeze %dma_wait3A_205 : memref<1x1536x128xf32, #tpu.memory_space<vmem>> -> memref<1536x128xf32, #tpu.memory_space<vmem>>
    tpu.wait_dma2 semaphore(%dma_wait3A_199 : memref<!tpu.dma_semaphore, #tpu.memory_space<semaphore_mem>>) src(%dma_wait3A_206 : memref<1536x128xf32, #tpu.memory_space<vmem>>) dst(%dma_wait3A_202 : memref<1536x128xf32, #tpu.memory_space<any>>)
    %dma_start3A_207 = arith.constant 0 : i32
    %dma_start3A_208 = arith.constant 0 : i32
    %dma_start3A_209 = tpu.memref_slice %arg4[%dma_start3A_208] : memref<8x!tpu.dma_semaphore, #tpu.memory_space<semaphore_mem>> -> memref<1x!tpu.dma_semaphore, #tpu.memory_space<semaphore_mem>>
    %dma_start3A_210 = tpu.memref_squeeze %dma_start3A_209 : memref<1x!tpu.dma_semaphore, #tpu.memory_space<semaphore_mem>> -> memref<!tpu.dma_semaphore, #tpu.memory_space<semaphore_mem>>
    %dma_start3A_211 = arith.constant 0 : i32
    %dma_start3A_212 = arith.constant 0 : i32
    %dma_start3A_213 = tpu.memref_slice %arg3[%dma_start3A_207, %dma_start3A_211, %dma_start3A_212] : memref<8x1536x128xf32, #tpu.memory_space<vmem>> -> memref<1x1536x128xf32, #tpu.memory_space<vmem>>
    %dma_start3A_214 = tpu.memref_squeeze %dma_start3A_213 : memref<1x1536x128xf32, #tpu.memory_space<vmem>> -> memref<1536x128xf32, #tpu.memory_space<vmem>>
    %dma_start3A_215 = arith.constant 16896 : i32
    %dma_start3A_216 = arith.constant 0 : i32
    %dma_start3A_217 = tpu.memref_slice %arg0[%dma_start3A_215, %dma_start3A_216] : memref<49152x128xf32, #tpu.memory_space<any>> -> memref<1536x128xf32, #tpu.memory_space<any>>
    tpu.enqueue_dma source(%dma_start3A_217 : memref<1536x128xf32, #tpu.memory_space<any>>) target(%dma_start3A_214 : memref<1536x128xf32, #tpu.memory_space<vmem>>) target_semaphore(%dma_start3A_210 : memref<!tpu.dma_semaphore, #tpu.memory_space<semaphore_mem>>)
    %dma_wait3A_218 = arith.constant 5 : i32
    %dma_wait3A_219 = arith.constant 5 : i32
    %dma_wait3A_220 = tpu.memref_slice %arg4[%dma_wait3A_219] : memref<8x!tpu.dma_semaphore, #tpu.memory_space<semaphore_mem>> -> memref<1x!tpu.dma_semaphore, #tpu.memory_space<semaphore_mem>>
    %dma_wait3A_221 = tpu.memref_squeeze %dma_wait3A_220 : memref<1x!tpu.dma_semaphore, #tpu.memory_space<semaphore_mem>> -> memref<!tpu.dma_semaphore, #tpu.memory_space<semaphore_mem>>
    %dma_wait3A_222 = arith.constant 0 : i32
    %dma_wait3A_223 = arith.constant 0 : i32
    %dma_wait3A_224 = tpu.memref_slice %arg3[%dma_wait3A_218, %dma_wait3A_222, %dma_wait3A_223] : memref<8x1536x128xf32, #tpu.memory_space<vmem>> -> memref<1x1536x128xf32, #tpu.memory_space<vmem>>
    %dma_wait3A_225 = tpu.memref_squeeze %dma_wait3A_224 : memref<1x1536x128xf32, #tpu.memory_space<vmem>> -> memref<1536x128xf32, #tpu.memory_space<vmem>>
    %dma_wait3A_226 = arith.constant 9216 : i32
    %dma_wait3A_227 = arith.constant 0 : i32
    %dma_wait3A_228 = tpu.memref_slice %arg0[%dma_wait3A_226, %dma_wait3A_227] : memref<49152x128xf32, #tpu.memory_space<any>> -> memref<1536x128xf32, #tpu.memory_space<any>>
    tpu.wait_dma2 semaphore(%dma_wait3A_221 : memref<!tpu.dma_semaphore, #tpu.memory_space<semaphore_mem>>) src(%dma_wait3A_228 : memref<1536x128xf32, #tpu.memory_space<any>>) dst(%dma_wait3A_225 : memref<1536x128xf32, #tpu.memory_space<vmem>>)
    %dma_start3A_229 = arith.constant 5 : i32
    %dma_start3A_230 = arith.constant 5 : i32
    %dma_start3A_231 = tpu.memref_slice %arg5[%dma_start3A_230] : memref<8x!tpu.dma_semaphore, #tpu.memory_space<semaphore_mem>> -> memref<1x!tpu.dma_semaphore, #tpu.memory_space<semaphore_mem>>
    %dma_start3A_232 = tpu.memref_squeeze %dma_start3A_231 : memref<1x!tpu.dma_semaphore, #tpu.memory_space<semaphore_mem>> -> memref<!tpu.dma_semaphore, #tpu.memory_space<semaphore_mem>>
    %dma_start3A_233 = arith.constant 23040 : i32
    %dma_start3A_234 = arith.constant 0 : i32
    %dma_start3A_235 = tpu.memref_slice %arg2[%dma_start3A_233, %dma_start3A_234] : memref<196608x128xf32, #tpu.memory_space<any>> -> memref<1536x128xf32, #tpu.memory_space<any>>
    %dma_start3A_236 = arith.constant 0 : i32
    %dma_start3A_237 = arith.constant 0 : i32
    %dma_start3A_238 = tpu.memref_slice %arg3[%dma_start3A_229, %dma_start3A_236, %dma_start3A_237] : memref<8x1536x128xf32, #tpu.memory_space<vmem>> -> memref<1x1536x128xf32, #tpu.memory_space<vmem>>
    %dma_start3A_239 = tpu.memref_squeeze %dma_start3A_238 : memref<1x1536x128xf32, #tpu.memory_space<vmem>> -> memref<1536x128xf32, #tpu.memory_space<vmem>>
    tpu.enqueue_dma source(%dma_start3A_239 : memref<1536x128xf32, #tpu.memory_space<vmem>>) target(%dma_start3A_235 : memref<1536x128xf32, #tpu.memory_space<any>>) target_semaphore(%dma_start3A_232 : memref<!tpu.dma_semaphore, #tpu.memory_space<semaphore_mem>>)
    %dma_wait3A_240 = arith.constant 1 : i32
    %dma_wait3A_241 = arith.constant 1 : i32
    %dma_wait3A_242 = tpu.memref_slice %arg5[%dma_wait3A_241] : memref<8x!tpu.dma_semaphore, #tpu.memory_space<semaphore_mem>> -> memref<1x!tpu.dma_semaphore, #tpu.memory_space<semaphore_mem>>
    %dma_wait3A_243 = tpu.memref_squeeze %dma_wait3A_242 : memref<1x!tpu.dma_semaphore, #tpu.memory_space<semaphore_mem>> -> memref<!tpu.dma_semaphore, #tpu.memory_space<semaphore_mem>>
    %dma_wait3A_244 = arith.constant 99840 : i32
    %dma_wait3A_245 = arith.constant 0 : i32
    %dma_wait3A_246 = tpu.memref_slice %arg2[%dma_wait3A_244, %dma_wait3A_245] : memref<196608x128xf32, #tpu.memory_space<any>> -> memref<1536x128xf32, #tpu.memory_space<any>>
    %dma_wait3A_247 = arith.constant 0 : i32
    %dma_wait3A_248 = arith.constant 0 : i32
    %dma_wait3A_249 = tpu.memref_slice %arg3[%dma_wait3A_240, %dma_wait3A_247, %dma_wait3A_248] : memref<8x1536x128xf32, #tpu.memory_space<vmem>> -> memref<1x1536x128xf32, #tpu.memory_space<vmem>>
    %dma_wait3A_250 = tpu.memref_squeeze %dma_wait3A_249 : memref<1x1536x128xf32, #tpu.memory_space<vmem>> -> memref<1536x128xf32, #tpu.memory_space<vmem>>
    tpu.wait_dma2 semaphore(%dma_wait3A_243 : memref<!tpu.dma_semaphore, #tpu.memory_space<semaphore_mem>>) src(%dma_wait3A_250 : memref<1536x128xf32, #tpu.memory_space<vmem>>) dst(%dma_wait3A_246 : memref<1536x128xf32, #tpu.memory_space<any>>)
    %dma_start3A_251 = arith.constant 1 : i32
    %dma_start3A_252 = arith.constant 1 : i32
    %dma_start3A_253 = tpu.memref_slice %arg4[%dma_start3A_252] : memref<8x!tpu.dma_semaphore, #tpu.memory_space<semaphore_mem>> -> memref<1x!tpu.dma_semaphore, #tpu.memory_space<semaphore_mem>>
    %dma_start3A_254 = tpu.memref_squeeze %dma_start3A_253 : memref<1x!tpu.dma_semaphore, #tpu.memory_space<semaphore_mem>> -> memref<!tpu.dma_semaphore, #tpu.memory_space<semaphore_mem>>
    %dma_start3A_255 = arith.constant 0 : i32
    %dma_start3A_256 = arith.constant 0 : i32
    %dma_start3A_257 = tpu.memref_slice %arg3[%dma_start3A_251, %dma_start3A_255, %dma_start3A_256] : memref<8x1536x128xf32, #tpu.memory_space<vmem>> -> memref<1x1536x128xf32, #tpu.memory_space<vmem>>
    %dma_start3A_258 = tpu.memref_squeeze %dma_start3A_257 : memref<1x1536x128xf32, #tpu.memory_space<vmem>> -> memref<1536x128xf32, #tpu.memory_space<vmem>>
    %dma_start3A_259 = arith.constant 18432 : i32
    %dma_start3A_260 = arith.constant 0 : i32
    %dma_start3A_261 = tpu.memref_slice %arg0[%dma_start3A_259, %dma_start3A_260] : memref<49152x128xf32, #tpu.memory_space<any>> -> memref<1536x128xf32, #tpu.memory_space<any>>
    tpu.enqueue_dma source(%dma_start3A_261 : memref<1536x128xf32, #tpu.memory_space<any>>) target(%dma_start3A_258 : memref<1536x128xf32, #tpu.memory_space<vmem>>) target_semaphore(%dma_start3A_254 : memref<!tpu.dma_semaphore, #tpu.memory_space<semaphore_mem>>)
    %dma_wait3A_262 = arith.constant 6 : i32
    %dma_wait3A_263 = arith.constant 6 : i32
    %dma_wait3A_264 = tpu.memref_slice %arg4[%dma_wait3A_263] : memref<8x!tpu.dma_semaphore, #tpu.memory_space<semaphore_mem>> -> memref<1x!tpu.dma_semaphore, #tpu.memory_space<semaphore_mem>>
    %dma_wait3A_265 = tpu.memref_squeeze %dma_wait3A_264 : memref<1x!tpu.dma_semaphore, #tpu.memory_space<semaphore_mem>> -> memref<!tpu.dma_semaphore, #tpu.memory_space<semaphore_mem>>
    %dma_wait3A_266 = arith.constant 0 : i32
    %dma_wait3A_267 = arith.constant 0 : i32
    %dma_wait3A_268 = tpu.memref_slice %arg3[%dma_wait3A_262, %dma_wait3A_266, %dma_wait3A_267] : memref<8x1536x128xf32, #tpu.memory_space<vmem>> -> memref<1x1536x128xf32, #tpu.memory_space<vmem>>
    %dma_wait3A_269 = tpu.memref_squeeze %dma_wait3A_268 : memref<1x1536x128xf32, #tpu.memory_space<vmem>> -> memref<1536x128xf32, #tpu.memory_space<vmem>>
    %dma_wait3A_270 = arith.constant 13824 : i32
    %dma_wait3A_271 = arith.constant 0 : i32
    %dma_wait3A_272 = tpu.memref_slice %arg0[%dma_wait3A_270, %dma_wait3A_271] : memref<49152x128xf32, #tpu.memory_space<any>> -> memref<1536x128xf32, #tpu.memory_space<any>>
    tpu.wait_dma2 semaphore(%dma_wait3A_265 : memref<!tpu.dma_semaphore, #tpu.memory_space<semaphore_mem>>) src(%dma_wait3A_272 : memref<1536x128xf32, #tpu.memory_space<any>>) dst(%dma_wait3A_269 : memref<1536x128xf32, #tpu.memory_space<vmem>>)
    %dma_start3A_273 = arith.constant 6 : i32
    %dma_start3A_274 = arith.constant 6 : i32
    %dma_start3A_275 = tpu.memref_slice %arg5[%dma_start3A_274] : memref<8x!tpu.dma_semaphore, #tpu.memory_space<semaphore_mem>> -> memref<1x!tpu.dma_semaphore, #tpu.memory_space<semaphore_mem>>
    %dma_start3A_276 = tpu.memref_squeeze %dma_start3A_275 : memref<1x!tpu.dma_semaphore, #tpu.memory_space<semaphore_mem>> -> memref<!tpu.dma_semaphore, #tpu.memory_space<semaphore_mem>>
    %dma_start3A_277 = arith.constant 73728 : i32
    %dma_start3A_278 = arith.constant 0 : i32
    %dma_start3A_279 = tpu.memref_slice %arg2[%dma_start3A_277, %dma_start3A_278] : memref<196608x128xf32, #tpu.memory_space<any>> -> memref<1536x128xf32, #tpu.memory_space<any>>
    %dma_start3A_280 = arith.constant 0 : i32
    %dma_start3A_281 = arith.constant 0 : i32
    %dma_start3A_282 = tpu.memref_slice %arg3[%dma_start3A_273, %dma_start3A_280, %dma_start3A_281] : memref<8x1536x128xf32, #tpu.memory_space<vmem>> -> memref<1x1536x128xf32, #tpu.memory_space<vmem>>
    %dma_start3A_283 = tpu.memref_squeeze %dma_start3A_282 : memref<1x1536x128xf32, #tpu.memory_space<vmem>> -> memref<1536x128xf32, #tpu.memory_space<vmem>>
    tpu.enqueue_dma source(%dma_start3A_283 : memref<1536x128xf32, #tpu.memory_space<vmem>>) target(%dma_start3A_279 : memref<1536x128xf32, #tpu.memory_space<any>>) target_semaphore(%dma_start3A_276 : memref<!tpu.dma_semaphore, #tpu.memory_space<semaphore_mem>>)
    %dma_wait3A_284 = arith.constant 2 : i32
    %dma_wait3A_285 = arith.constant 2 : i32
    %dma_wait3A_286 = tpu.memref_slice %arg5[%dma_wait3A_285] : memref<8x!tpu.dma_semaphore, #tpu.memory_space<semaphore_mem>> -> memref<1x!tpu.dma_semaphore, #tpu.memory_space<semaphore_mem>>
    %dma_wait3A_287 = tpu.memref_squeeze %dma_wait3A_286 : memref<1x!tpu.dma_semaphore, #tpu.memory_space<semaphore_mem>> -> memref<!tpu.dma_semaphore, #tpu.memory_space<semaphore_mem>>
    %dma_wait3A_288 = arith.constant 112128 : i32
    %dma_wait3A_289 = arith.constant 0 : i32
    %dma_wait3A_290 = tpu.memref_slice %arg2[%dma_wait3A_288, %dma_wait3A_289] : memref<196608x128xf32, #tpu.memory_space<any>> -> memref<1536x128xf32, #tpu.memory_space<any>>
    %dma_wait3A_291 = arith.constant 0 : i32
    %dma_wait3A_292 = arith.constant 0 : i32
    %dma_wait3A_293 = tpu.memref_slice %arg3[%dma_wait3A_284, %dma_wait3A_291, %dma_wait3A_292] : memref<8x1536x128xf32, #tpu.memory_space<vmem>> -> memref<1x1536x128xf32, #tpu.memory_space<vmem>>
    %dma_wait3A_294 = tpu.memref_squeeze %dma_wait3A_293 : memref<1x1536x128xf32, #tpu.memory_space<vmem>> -> memref<1536x128xf32, #tpu.memory_space<vmem>>
    tpu.wait_dma2 semaphore(%dma_wait3A_287 : memref<!tpu.dma_semaphore, #tpu.memory_space<semaphore_mem>>) src(%dma_wait3A_294 : memref<1536x128xf32, #tpu.memory_space<vmem>>) dst(%dma_wait3A_290 : memref<1536x128xf32, #tpu.memory_space<any>>)
    %dma_start3A_295 = arith.constant 2 : i32
    %dma_start3A_296 = arith.constant 2 : i32
    %dma_start3A_297 = tpu.memref_slice %arg4[%dma_start3A_296] : memref<8x!tpu.dma_semaphore, #tpu.memory_space<semaphore_mem>> -> memref<1x!tpu.dma_semaphore, #tpu.memory_space<semaphore_mem>>
    %dma_start3A_298 = tpu.memref_squeeze %dma_start3A_297 : memref<1x!tpu.dma_semaphore, #tpu.memory_space<semaphore_mem>> -> memref<!tpu.dma_semaphore, #tpu.memory_space<semaphore_mem>>
    %dma_start3A_299 = arith.constant 0 : i32
    %dma_start3A_300 = arith.constant 0 : i32
    %dma_start3A_301 = tpu.memref_slice %arg3[%dma_start3A_295, %dma_start3A_299, %dma_start3A_300] : memref<8x1536x128xf32, #tpu.memory_space<vmem>> -> memref<1x1536x128xf32, #tpu.memory_space<vmem>>
    %dma_start3A_302 = tpu.memref_squeeze %dma_start3A_301 : memref<1x1536x128xf32, #tpu.memory_space<vmem>> -> memref<1536x128xf32, #tpu.memory_space<vmem>>
    %dma_start3A_303 = arith.constant 19968 : i32
    %dma_start3A_304 = arith.constant 0 : i32
    %dma_start3A_305 = tpu.memref_slice %arg0[%dma_start3A_303, %dma_start3A_304] : memref<49152x128xf32, #tpu.memory_space<any>> -> memref<1536x128xf32, #tpu.memory_space<any>>
    tpu.enqueue_dma source(%dma_start3A_305 : memref<1536x128xf32, #tpu.memory_space<any>>) target(%dma_start3A_302 : memref<1536x128xf32, #tpu.memory_space<vmem>>) target_semaphore(%dma_start3A_298 : memref<!tpu.dma_semaphore, #tpu.memory_space<semaphore_mem>>)
    %dma_wait3A_306 = arith.constant 7 : i32
    %dma_wait3A_307 = arith.constant 7 : i32
    %dma_wait3A_308 = tpu.memref_slice %arg4[%dma_wait3A_307] : memref<8x!tpu.dma_semaphore, #tpu.memory_space<semaphore_mem>> -> memref<1x!tpu.dma_semaphore, #tpu.memory_space<semaphore_mem>>
    %dma_wait3A_309 = tpu.memref_squeeze %dma_wait3A_308 : memref<1x!tpu.dma_semaphore, #tpu.memory_space<semaphore_mem>> -> memref<!tpu.dma_semaphore, #tpu.memory_space<semaphore_mem>>
    %dma_wait3A_310 = arith.constant 0 : i32
    %dma_wait3A_311 = arith.constant 0 : i32
    %dma_wait3A_312 = tpu.memref_slice %arg3[%dma_wait3A_306, %dma_wait3A_310, %dma_wait3A_311] : memref<8x1536x128xf32, #tpu.memory_space<vmem>> -> memref<1x1536x128xf32, #tpu.memory_space<vmem>>
    %dma_wait3A_313 = tpu.memref_squeeze %dma_wait3A_312 : memref<1x1536x128xf32, #tpu.memory_space<vmem>> -> memref<1536x128xf32, #tpu.memory_space<vmem>>
    %dma_wait3A_314 = arith.constant 15360 : i32
    %dma_wait3A_315 = arith.constant 0 : i32
    %dma_wait3A_316 = tpu.memref_slice %arg0[%dma_wait3A_314, %dma_wait3A_315] : memref<49152x128xf32, #tpu.memory_space<any>> -> memref<1536x128xf32, #tpu.memory_space<any>>
    tpu.wait_dma2 semaphore(%dma_wait3A_309 : memref<!tpu.dma_semaphore, #tpu.memory_space<semaphore_mem>>) src(%dma_wait3A_316 : memref<1536x128xf32, #tpu.memory_space<any>>) dst(%dma_wait3A_313 : memref<1536x128xf32, #tpu.memory_space<vmem>>)
    %dma_start3A_317 = arith.constant 7 : i32
    %dma_start3A_318 = arith.constant 7 : i32
    %dma_start3A_319 = tpu.memref_slice %arg5[%dma_start3A_318] : memref<8x!tpu.dma_semaphore, #tpu.memory_space<semaphore_mem>> -> memref<1x!tpu.dma_semaphore, #tpu.memory_space<semaphore_mem>>
    %dma_start3A_320 = tpu.memref_squeeze %dma_start3A_319 : memref<1x!tpu.dma_semaphore, #tpu.memory_space<semaphore_mem>> -> memref<!tpu.dma_semaphore, #tpu.memory_space<semaphore_mem>>
    %dma_start3A_321 = arith.constant 130560 : i32
    %dma_start3A_322 = arith.constant 0 : i32
    %dma_start3A_323 = tpu.memref_slice %arg2[%dma_start3A_321, %dma_start3A_322] : memref<196608x128xf32, #tpu.memory_space<any>> -> memref<1536x128xf32, #tpu.memory_space<any>>
    %dma_start3A_324 = arith.constant 0 : i32
    %dma_start3A_325 = arith.constant 0 : i32
    %dma_start3A_326 = tpu.memref_slice %arg3[%dma_start3A_317, %dma_start3A_324, %dma_start3A_325] : memref<8x1536x128xf32, #tpu.memory_space<vmem>> -> memref<1x1536x128xf32, #tpu.memory_space<vmem>>
    %dma_start3A_327 = tpu.memref_squeeze %dma_start3A_326 : memref<1x1536x128xf32, #tpu.memory_space<vmem>> -> memref<1536x128xf32, #tpu.memory_space<vmem>>
    tpu.enqueue_dma source(%dma_start3A_327 : memref<1536x128xf32, #tpu.memory_space<vmem>>) target(%dma_start3A_323 : memref<1536x128xf32, #tpu.memory_space<any>>) target_semaphore(%dma_start3A_320 : memref<!tpu.dma_semaphore, #tpu.memory_space<semaphore_mem>>)
    %dma_wait3A_328 = arith.constant 3 : i32
    %dma_wait3A_329 = arith.constant 3 : i32
    %dma_wait3A_330 = tpu.memref_slice %arg5[%dma_wait3A_329] : memref<8x!tpu.dma_semaphore, #tpu.memory_space<semaphore_mem>> -> memref<1x!tpu.dma_semaphore, #tpu.memory_space<semaphore_mem>>
    %dma_wait3A_331 = tpu.memref_squeeze %dma_wait3A_330 : memref<1x!tpu.dma_semaphore, #tpu.memory_space<semaphore_mem>> -> memref<!tpu.dma_semaphore, #tpu.memory_space<semaphore_mem>>
    %dma_wait3A_332 = arith.constant 119808 : i32
    %dma_wait3A_333 = arith.constant 0 : i32
    %dma_wait3A_334 = tpu.memref_slice %arg2[%dma_wait3A_332, %dma_wait3A_333] : memref<196608x128xf32, #tpu.memory_space<any>> -> memref<1536x128xf32, #tpu.memory_space<any>>
    %dma_wait3A_335 = arith.constant 0 : i32
    %dma_wait3A_336 = arith.constant 0 : i32
    %dma_wait3A_337 = tpu.memref_slice %arg3[%dma_wait3A_328, %dma_wait3A_335, %dma_wait3A_336] : memref<8x1536x128xf32, #tpu.memory_space<vmem>> -> memref<1x1536x128xf32, #tpu.memory_space<vmem>>
    %dma_wait3A_338 = tpu.memref_squeeze %dma_wait3A_337 : memref<1x1536x128xf32, #tpu.memory_space<vmem>> -> memref<1536x128xf32, #tpu.memory_space<vmem>>
    tpu.wait_dma2 semaphore(%dma_wait3A_331 : memref<!tpu.dma_semaphore, #tpu.memory_space<semaphore_mem>>) src(%dma_wait3A_338 : memref<1536x128xf32, #tpu.memory_space<vmem>>) dst(%dma_wait3A_334 : memref<1536x128xf32, #tpu.memory_space<any>>)
    %dma_start3A_339 = arith.constant 3 : i32
    %dma_start3A_340 = arith.constant 3 : i32
    %dma_start3A_341 = tpu.memref_slice %arg4[%dma_start3A_340] : memref<8x!tpu.dma_semaphore, #tpu.memory_space<semaphore_mem>> -> memref<1x!tpu.dma_semaphore, #tpu.memory_space<semaphore_mem>>
    %dma_start3A_342 = tpu.memref_squeeze %dma_start3A_341 : memref<1x!tpu.dma_semaphore, #tpu.memory_space<semaphore_mem>> -> memref<!tpu.dma_semaphore, #tpu.memory_space<semaphore_mem>>
    %dma_start3A_343 = arith.constant 0 : i32
    %dma_start3A_344 = arith.constant 0 : i32
    %dma_start3A_345 = tpu.memref_slice %arg3[%dma_start3A_339, %dma_start3A_343, %dma_start3A_344] : memref<8x1536x128xf32, #tpu.memory_space<vmem>> -> memref<1x1536x128xf32, #tpu.memory_space<vmem>>
    %dma_start3A_346 = tpu.memref_squeeze %dma_start3A_345 : memref<1x1536x128xf32, #tpu.memory_space<vmem>> -> memref<1536x128xf32, #tpu.memory_space<vmem>>
    %dma_start3A_347 = arith.constant 24576 : i32
    %dma_start3A_348 = arith.constant 0 : i32
    %dma_start3A_349 = tpu.memref_slice %arg0[%dma_start3A_347, %dma_start3A_348] : memref<49152x128xf32, #tpu.memory_space<any>> -> memref<1536x128xf32, #tpu.memory_space<any>>
    tpu.enqueue_dma source(%dma_start3A_349 : memref<1536x128xf32, #tpu.memory_space<any>>) target(%dma_start3A_346 : memref<1536x128xf32, #tpu.memory_space<vmem>>) target_semaphore(%dma_start3A_342 : memref<!tpu.dma_semaphore, #tpu.memory_space<semaphore_mem>>)
    %dma_wait3A_350 = arith.constant 0 : i32
    %dma_wait3A_351 = arith.constant 0 : i32
    %dma_wait3A_352 = tpu.memref_slice %arg4[%dma_wait3A_351] : memref<8x!tpu.dma_semaphore, #tpu.memory_space<semaphore_mem>> -> memref<1x!tpu.dma_semaphore, #tpu.memory_space<semaphore_mem>>
    %dma_wait3A_353 = tpu.memref_squeeze %dma_wait3A_352 : memref<1x!tpu.dma_semaphore, #tpu.memory_space<semaphore_mem>> -> memref<!tpu.dma_semaphore, #tpu.memory_space<semaphore_mem>>
    %dma_wait3A_354 = arith.constant 0 : i32
    %dma_wait3A_355 = arith.constant 0 : i32
    %dma_wait3A_356 = tpu.memref_slice %arg3[%dma_wait3A_350, %dma_wait3A_354, %dma_wait3A_355] : memref<8x1536x128xf32, #tpu.memory_space<vmem>> -> memref<1x1536x128xf32, #tpu.memory_space<vmem>>
    %dma_wait3A_357 = tpu.memref_squeeze %dma_wait3A_356 : memref<1x1536x128xf32, #tpu.memory_space<vmem>> -> memref<1536x128xf32, #tpu.memory_space<vmem>>
    %dma_wait3A_358 = arith.constant 16896 : i32
    %dma_wait3A_359 = arith.constant 0 : i32
    %dma_wait3A_360 = tpu.memref_slice %arg0[%dma_wait3A_358, %dma_wait3A_359] : memref<49152x128xf32, #tpu.memory_space<any>> -> memref<1536x128xf32, #tpu.memory_space<any>>
    tpu.wait_dma2 semaphore(%dma_wait3A_353 : memref<!tpu.dma_semaphore, #tpu.memory_space<semaphore_mem>>) src(%dma_wait3A_360 : memref<1536x128xf32, #tpu.memory_space<any>>) dst(%dma_wait3A_357 : memref<1536x128xf32, #tpu.memory_space<vmem>>)
    %dma_start3A_361 = arith.constant 0 : i32
    %dma_start3A_362 = arith.constant 0 : i32
    %dma_start3A_363 = tpu.memref_slice %arg5[%dma_start3A_362] : memref<8x!tpu.dma_semaphore, #tpu.memory_space<semaphore_mem>> -> memref<1x!tpu.dma_semaphore, #tpu.memory_space<semaphore_mem>>
    %dma_start3A_364 = tpu.memref_squeeze %dma_start3A_363 : memref<1x!tpu.dma_semaphore, #tpu.memory_space<semaphore_mem>> -> memref<!tpu.dma_semaphore, #tpu.memory_space<semaphore_mem>>
    %dma_start3A_365 = arith.constant 38400 : i32
    %dma_start3A_366 = arith.constant 0 : i32
    %dma_start3A_367 = tpu.memref_slice %arg2[%dma_start3A_365, %dma_start3A_366] : memref<196608x128xf32, #tpu.memory_space<any>> -> memref<1536x128xf32, #tpu.memory_space<any>>
    %dma_start3A_368 = arith.constant 0 : i32
    %dma_start3A_369 = arith.constant 0 : i32
    %dma_start3A_370 = tpu.memref_slice %arg3[%dma_start3A_361, %dma_start3A_368, %dma_start3A_369] : memref<8x1536x128xf32, #tpu.memory_space<vmem>> -> memref<1x1536x128xf32, #tpu.memory_space<vmem>>
    %dma_start3A_371 = tpu.memref_squeeze %dma_start3A_370 : memref<1x1536x128xf32, #tpu.memory_space<vmem>> -> memref<1536x128xf32, #tpu.memory_space<vmem>>
    tpu.enqueue_dma source(%dma_start3A_371 : memref<1536x128xf32, #tpu.memory_space<vmem>>) target(%dma_start3A_367 : memref<1536x128xf32, #tpu.memory_space<any>>) target_semaphore(%dma_start3A_364 : memref<!tpu.dma_semaphore, #tpu.memory_space<semaphore_mem>>)
    %dma_wait3A_372 = arith.constant 4 : i32
    %dma_wait3A_373 = arith.constant 4 : i32
    %dma_wait3A_374 = tpu.memref_slice %arg5[%dma_wait3A_373] : memref<8x!tpu.dma_semaphore, #tpu.memory_space<semaphore_mem>> -> memref<1x!tpu.dma_semaphore, #tpu.memory_space<semaphore_mem>>
    %dma_wait3A_375 = tpu.memref_squeeze %dma_wait3A_374 : memref<1x!tpu.dma_semaphore, #tpu.memory_space<semaphore_mem>> -> memref<!tpu.dma_semaphore, #tpu.memory_space<semaphore_mem>>
    %dma_wait3A_376 = arith.constant 49152 : i32
    %dma_wait3A_377 = arith.constant 0 : i32
    %dma_wait3A_378 = tpu.memref_slice %arg2[%dma_wait3A_376, %dma_wait3A_377] : memref<196608x128xf32, #tpu.memory_space<any>> -> memref<1536x128xf32, #tpu.memory_space<any>>
    %dma_wait3A_379 = arith.constant 0 : i32
    %dma_wait3A_380 = arith.constant 0 : i32
    %dma_wait3A_381 = tpu.memref_slice %arg3[%dma_wait3A_372, %dma_wait3A_379, %dma_wait3A_380] : memref<8x1536x128xf32, #tpu.memory_space<vmem>> -> memref<1x1536x128xf32, #tpu.memory_space<vmem>>
    %dma_wait3A_382 = tpu.memref_squeeze %dma_wait3A_381 : memref<1x1536x128xf32, #tpu.memory_space<vmem>> -> memref<1536x128xf32, #tpu.memory_space<vmem>>
    tpu.wait_dma2 semaphore(%dma_wait3A_375 : memref<!tpu.dma_semaphore, #tpu.memory_space<semaphore_mem>>) src(%dma_wait3A_382 : memref<1536x128xf32, #tpu.memory_space<vmem>>) dst(%dma_wait3A_378 : memref<1536x128xf32, #tpu.memory_space<any>>)
    %dma_start3A_383 = arith.constant 4 : i32
    %dma_start3A_384 = arith.constant 4 : i32
    %dma_start3A_385 = tpu.memref_slice %arg4[%dma_start3A_384] : memref<8x!tpu.dma_semaphore, #tpu.memory_space<semaphore_mem>> -> memref<1x!tpu.dma_semaphore, #tpu.memory_space<semaphore_mem>>
    %dma_start3A_386 = tpu.memref_squeeze %dma_start3A_385 : memref<1x!tpu.dma_semaphore, #tpu.memory_space<semaphore_mem>> -> memref<!tpu.dma_semaphore, #tpu.memory_space<semaphore_mem>>
    %dma_start3A_387 = arith.constant 0 : i32
    %dma_start3A_388 = arith.constant 0 : i32
    %dma_start3A_389 = tpu.memref_slice %arg3[%dma_start3A_383, %dma_start3A_387, %dma_start3A_388] : memref<8x1536x128xf32, #tpu.memory_space<vmem>> -> memref<1x1536x128xf32, #tpu.memory_space<vmem>>
    %dma_start3A_390 = tpu.memref_squeeze %dma_start3A_389 : memref<1x1536x128xf32, #tpu.memory_space<vmem>> -> memref<1536x128xf32, #tpu.memory_space<vmem>>
    %dma_start3A_391 = arith.constant 26112 : i32
    %dma_start3A_392 = arith.constant 0 : i32
    %dma_start3A_393 = tpu.memref_slice %arg0[%dma_start3A_391, %dma_start3A_392] : memref<49152x128xf32, #tpu.memory_space<any>> -> memref<1536x128xf32, #tpu.memory_space<any>>
    tpu.enqueue_dma source(%dma_start3A_393 : memref<1536x128xf32, #tpu.memory_space<any>>) target(%dma_start3A_390 : memref<1536x128xf32, #tpu.memory_space<vmem>>) target_semaphore(%dma_start3A_386 : memref<!tpu.dma_semaphore, #tpu.memory_space<semaphore_mem>>)
    %dma_wait3A_394 = arith.constant 1 : i32
    %dma_wait3A_395 = arith.constant 1 : i32
    %dma_wait3A_396 = tpu.memref_slice %arg4[%dma_wait3A_395] : memref<8x!tpu.dma_semaphore, #tpu.memory_space<semaphore_mem>> -> memref<1x!tpu.dma_semaphore, #tpu.memory_space<semaphore_mem>>
    %dma_wait3A_397 = tpu.memref_squeeze %dma_wait3A_396 : memref<1x!tpu.dma_semaphore, #tpu.memory_space<semaphore_mem>> -> memref<!tpu.dma_semaphore, #tpu.memory_space<semaphore_mem>>
    %dma_wait3A_398 = arith.constant 0 : i32
    %dma_wait3A_399 = arith.constant 0 : i32
    %dma_wait3A_400 = tpu.memref_slice %arg3[%dma_wait3A_394, %dma_wait3A_398, %dma_wait3A_399] : memref<8x1536x128xf32, #tpu.memory_space<vmem>> -> memref<1x1536x128xf32, #tpu.memory_space<vmem>>
    %dma_wait3A_401 = tpu.memref_squeeze %dma_wait3A_400 : memref<1x1536x128xf32, #tpu.memory_space<vmem>> -> memref<1536x128xf32, #tpu.memory_space<vmem>>
    %dma_wait3A_402 = arith.constant 18432 : i32
    %dma_wait3A_403 = arith.constant 0 : i32
    %dma_wait3A_404 = tpu.memref_slice %arg0[%dma_wait3A_402, %dma_wait3A_403] : memref<49152x128xf32, #tpu.memory_space<any>> -> memref<1536x128xf32, #tpu.memory_space<any>>
    tpu.wait_dma2 semaphore(%dma_wait3A_397 : memref<!tpu.dma_semaphore, #tpu.memory_space<semaphore_mem>>) src(%dma_wait3A_404 : memref<1536x128xf32, #tpu.memory_space<any>>) dst(%dma_wait3A_401 : memref<1536x128xf32, #tpu.memory_space<vmem>>)
    %dma_start3A_405 = arith.constant 1 : i32
    %dma_start3A_406 = arith.constant 1 : i32
    %dma_start3A_407 = tpu.memref_slice %arg5[%dma_start3A_406] : memref<8x!tpu.dma_semaphore, #tpu.memory_space<semaphore_mem>> -> memref<1x!tpu.dma_semaphore, #tpu.memory_space<semaphore_mem>>
    %dma_start3A_408 = tpu.memref_squeeze %dma_start3A_407 : memref<1x!tpu.dma_semaphore, #tpu.memory_space<semaphore_mem>> -> memref<!tpu.dma_semaphore, #tpu.memory_space<semaphore_mem>>
    %dma_start3A_409 = arith.constant 178176 : i32
    %dma_start3A_410 = arith.constant 0 : i32
    %dma_start3A_411 = tpu.memref_slice %arg2[%dma_start3A_409, %dma_start3A_410] : memref<196608x128xf32, #tpu.memory_space<any>> -> memref<1536x128xf32, #tpu.memory_space<any>>
    %dma_start3A_412 = arith.constant 0 : i32
    %dma_start3A_413 = arith.constant 0 : i32
    %dma_start3A_414 = tpu.memref_slice %arg3[%dma_start3A_405, %dma_start3A_412, %dma_start3A_413] : memref<8x1536x128xf32, #tpu.memory_space<vmem>> -> memref<1x1536x128xf32, #tpu.memory_space<vmem>>
    %dma_start3A_415 = tpu.memref_squeeze %dma_start3A_414 : memref<1x1536x128xf32, #tpu.memory_space<vmem>> -> memref<1536x128xf32, #tpu.memory_space<vmem>>
    tpu.enqueue_dma source(%dma_start3A_415 : memref<1536x128xf32, #tpu.memory_space<vmem>>) target(%dma_start3A_411 : memref<1536x128xf32, #tpu.memory_space<any>>) target_semaphore(%dma_start3A_408 : memref<!tpu.dma_semaphore, #tpu.memory_space<semaphore_mem>>)
    %dma_wait3A_416 = arith.constant 5 : i32
    %dma_wait3A_417 = arith.constant 5 : i32
    %dma_wait3A_418 = tpu.memref_slice %arg5[%dma_wait3A_417] : memref<8x!tpu.dma_semaphore, #tpu.memory_space<semaphore_mem>> -> memref<1x!tpu.dma_semaphore, #tpu.memory_space<semaphore_mem>>
    %dma_wait3A_419 = tpu.memref_squeeze %dma_wait3A_418 : memref<1x!tpu.dma_semaphore, #tpu.memory_space<semaphore_mem>> -> memref<!tpu.dma_semaphore, #tpu.memory_space<semaphore_mem>>
    %dma_wait3A_420 = arith.constant 23040 : i32
    %dma_wait3A_421 = arith.constant 0 : i32
    %dma_wait3A_422 = tpu.memref_slice %arg2[%dma_wait3A_420, %dma_wait3A_421] : memref<196608x128xf32, #tpu.memory_space<any>> -> memref<1536x128xf32, #tpu.memory_space<any>>
    %dma_wait3A_423 = arith.constant 0 : i32
    %dma_wait3A_424 = arith.constant 0 : i32
    %dma_wait3A_425 = tpu.memref_slice %arg3[%dma_wait3A_416, %dma_wait3A_423, %dma_wait3A_424] : memref<8x1536x128xf32, #tpu.memory_space<vmem>> -> memref<1x1536x128xf32, #tpu.memory_space<vmem>>
    %dma_wait3A_426 = tpu.memref_squeeze %dma_wait3A_425 : memref<1x1536x128xf32, #tpu.memory_space<vmem>> -> memref<1536x128xf32, #tpu.memory_space<vmem>>
    tpu.wait_dma2 semaphore(%dma_wait3A_419 : memref<!tpu.dma_semaphore, #tpu.memory_space<semaphore_mem>>) src(%dma_wait3A_426 : memref<1536x128xf32, #tpu.memory_space<vmem>>) dst(%dma_wait3A_422 : memref<1536x128xf32, #tpu.memory_space<any>>)
    %dma_start3A_427 = arith.constant 5 : i32
    %dma_start3A_428 = arith.constant 5 : i32
    %dma_start3A_429 = tpu.memref_slice %arg4[%dma_start3A_428] : memref<8x!tpu.dma_semaphore, #tpu.memory_space<semaphore_mem>> -> memref<1x!tpu.dma_semaphore, #tpu.memory_space<semaphore_mem>>
    %dma_start3A_430 = tpu.memref_squeeze %dma_start3A_429 : memref<1x!tpu.dma_semaphore, #tpu.memory_space<semaphore_mem>> -> memref<!tpu.dma_semaphore, #tpu.memory_space<semaphore_mem>>
    %dma_start3A_431 = arith.constant 0 : i32
    %dma_start3A_432 = arith.constant 0 : i32
    %dma_start3A_433 = tpu.memref_slice %arg3[%dma_start3A_427, %dma_start3A_431, %dma_start3A_432] : memref<8x1536x128xf32, #tpu.memory_space<vmem>> -> memref<1x1536x128xf32, #tpu.memory_space<vmem>>
    %dma_start3A_434 = tpu.memref_squeeze %dma_start3A_433 : memref<1x1536x128xf32, #tpu.memory_space<vmem>> -> memref<1536x128xf32, #tpu.memory_space<vmem>>
    %dma_start3A_435 = arith.constant 29184 : i32
    %dma_start3A_436 = arith.constant 0 : i32
    %dma_start3A_437 = tpu.memref_slice %arg0[%dma_start3A_435, %dma_start3A_436] : memref<49152x128xf32, #tpu.memory_space<any>> -> memref<1536x128xf32, #tpu.memory_space<any>>
    tpu.enqueue_dma source(%dma_start3A_437 : memref<1536x128xf32, #tpu.memory_space<any>>) target(%dma_start3A_434 : memref<1536x128xf32, #tpu.memory_space<vmem>>) target_semaphore(%dma_start3A_430 : memref<!tpu.dma_semaphore, #tpu.memory_space<semaphore_mem>>)
    %dma_wait3A_438 = arith.constant 2 : i32
    %dma_wait3A_439 = arith.constant 2 : i32
    %dma_wait3A_440 = tpu.memref_slice %arg4[%dma_wait3A_439] : memref<8x!tpu.dma_semaphore, #tpu.memory_space<semaphore_mem>> -> memref<1x!tpu.dma_semaphore, #tpu.memory_space<semaphore_mem>>
    %dma_wait3A_441 = tpu.memref_squeeze %dma_wait3A_440 : memref<1x!tpu.dma_semaphore, #tpu.memory_space<semaphore_mem>> -> memref<!tpu.dma_semaphore, #tpu.memory_space<semaphore_mem>>
    %dma_wait3A_442 = arith.constant 0 : i32
    %dma_wait3A_443 = arith.constant 0 : i32
    %dma_wait3A_444 = tpu.memref_slice %arg3[%dma_wait3A_438, %dma_wait3A_442, %dma_wait3A_443] : memref<8x1536x128xf32, #tpu.memory_space<vmem>> -> memref<1x1536x128xf32, #tpu.memory_space<vmem>>
    %dma_wait3A_445 = tpu.memref_squeeze %dma_wait3A_444 : memref<1x1536x128xf32, #tpu.memory_space<vmem>> -> memref<1536x128xf32, #tpu.memory_space<vmem>>
    %dma_wait3A_446 = arith.constant 19968 : i32
    %dma_wait3A_447 = arith.constant 0 : i32
    %dma_wait3A_448 = tpu.memref_slice %arg0[%dma_wait3A_446, %dma_wait3A_447] : memref<49152x128xf32, #tpu.memory_space<any>> -> memref<1536x128xf32, #tpu.memory_space<any>>
    tpu.wait_dma2 semaphore(%dma_wait3A_441 : memref<!tpu.dma_semaphore, #tpu.memory_space<semaphore_mem>>) src(%dma_wait3A_448 : memref<1536x128xf32, #tpu.memory_space<any>>) dst(%dma_wait3A_445 : memref<1536x128xf32, #tpu.memory_space<vmem>>)
    %dma_start3A_449 = arith.constant 2 : i32
    %dma_start3A_450 = arith.constant 2 : i32
    %dma_start3A_451 = tpu.memref_slice %arg5[%dma_start3A_450] : memref<8x!tpu.dma_semaphore, #tpu.memory_space<semaphore_mem>> -> memref<1x!tpu.dma_semaphore, #tpu.memory_space<semaphore_mem>>
    %dma_start3A_452 = tpu.memref_squeeze %dma_start3A_451 : memref<1x!tpu.dma_semaphore, #tpu.memory_space<semaphore_mem>> -> memref<!tpu.dma_semaphore, #tpu.memory_space<semaphore_mem>>
    %dma_start3A_453 = arith.constant 167424 : i32
    %dma_start3A_454 = arith.constant 0 : i32
    %dma_start3A_455 = tpu.memref_slice %arg2[%dma_start3A_453, %dma_start3A_454] : memref<196608x128xf32, #tpu.memory_space<any>> -> memref<1536x128xf32, #tpu.memory_space<any>>
    %dma_start3A_456 = arith.constant 0 : i32
    %dma_start3A_457 = arith.constant 0 : i32
    %dma_start3A_458 = tpu.memref_slice %arg3[%dma_start3A_449, %dma_start3A_456, %dma_start3A_457] : memref<8x1536x128xf32, #tpu.memory_space<vmem>> -> memref<1x1536x128xf32, #tpu.memory_space<vmem>>
    %dma_start3A_459 = tpu.memref_squeeze %dma_start3A_458 : memref<1x1536x128xf32, #tpu.memory_space<vmem>> -> memref<1536x128xf32, #tpu.memory_space<vmem>>
    tpu.enqueue_dma source(%dma_start3A_459 : memref<1536x128xf32, #tpu.memory_space<vmem>>) target(%dma_start3A_455 : memref<1536x128xf32, #tpu.memory_space<any>>) target_semaphore(%dma_start3A_452 : memref<!tpu.dma_semaphore, #tpu.memory_space<semaphore_mem>>)
    %dma_wait3A_460 = arith.constant 6 : i32
    %dma_wait3A_461 = arith.constant 6 : i32
    %dma_wait3A_462 = tpu.memref_slice %arg5[%dma_wait3A_461] : memref<8x!tpu.dma_semaphore, #tpu.memory_space<semaphore_mem>> -> memref<1x!tpu.dma_semaphore, #tpu.memory_space<semaphore_mem>>
    %dma_wait3A_463 = tpu.memref_squeeze %dma_wait3A_462 : memref<1x!tpu.dma_semaphore, #tpu.memory_space<semaphore_mem>> -> memref<!tpu.dma_semaphore, #tpu.memory_space<semaphore_mem>>
    %dma_wait3A_464 = arith.constant 73728 : i32
    %dma_wait3A_465 = arith.constant 0 : i32
    %dma_wait3A_466 = tpu.memref_slice %arg2[%dma_wait3A_464, %dma_wait3A_465] : memref<196608x128xf32, #tpu.memory_space<any>> -> memref<1536x128xf32, #tpu.memory_space<any>>
    %dma_wait3A_467 = arith.constant 0 : i32
    %dma_wait3A_468 = arith.constant 0 : i32
    %dma_wait3A_469 = tpu.memref_slice %arg3[%dma_wait3A_460, %dma_wait3A_467, %dma_wait3A_468] : memref<8x1536x128xf32, #tpu.memory_space<vmem>> -> memref<1x1536x128xf32, #tpu.memory_space<vmem>>
    %dma_wait3A_470 = tpu.memref_squeeze %dma_wait3A_469 : memref<1x1536x128xf32, #tpu.memory_space<vmem>> -> memref<1536x128xf32, #tpu.memory_space<vmem>>
    tpu.wait_dma2 semaphore(%dma_wait3A_463 : memref<!tpu.dma_semaphore, #tpu.memory_space<semaphore_mem>>) src(%dma_wait3A_470 : memref<1536x128xf32, #tpu.memory_space<vmem>>) dst(%dma_wait3A_466 : memref<1536x128xf32, #tpu.memory_space<any>>)
    %dma_start3A_471 = arith.constant 6 : i32
    %dma_start3A_472 = arith.constant 6 : i32
    %dma_start3A_473 = tpu.memref_slice %arg4[%dma_start3A_472] : memref<8x!tpu.dma_semaphore, #tpu.memory_space<semaphore_mem>> -> memref<1x!tpu.dma_semaphore, #tpu.memory_space<semaphore_mem>>
    %dma_start3A_474 = tpu.memref_squeeze %dma_start3A_473 : memref<1x!tpu.dma_semaphore, #tpu.memory_space<semaphore_mem>> -> memref<!tpu.dma_semaphore, #tpu.memory_space<semaphore_mem>>
    %dma_start3A_475 = arith.constant 0 : i32
    %dma_start3A_476 = arith.constant 0 : i32
    %dma_start3A_477 = tpu.memref_slice %arg3[%dma_start3A_471, %dma_start3A_475, %dma_start3A_476] : memref<8x1536x128xf32, #tpu.memory_space<vmem>> -> memref<1x1536x128xf32, #tpu.memory_space<vmem>>
    %dma_start3A_478 = tpu.memref_squeeze %dma_start3A_477 : memref<1x1536x128xf32, #tpu.memory_space<vmem>> -> memref<1536x128xf32, #tpu.memory_space<vmem>>
    %dma_start3A_479 = arith.constant 32256 : i32
    %dma_start3A_480 = arith.constant 0 : i32
    %dma_start3A_481 = tpu.memref_slice %arg0[%dma_start3A_479, %dma_start3A_480] : memref<49152x128xf32, #tpu.memory_space<any>> -> memref<1536x128xf32, #tpu.memory_space<any>>
    tpu.enqueue_dma source(%dma_start3A_481 : memref<1536x128xf32, #tpu.memory_space<any>>) target(%dma_start3A_478 : memref<1536x128xf32, #tpu.memory_space<vmem>>) target_semaphore(%dma_start3A_474 : memref<!tpu.dma_semaphore, #tpu.memory_space<semaphore_mem>>)
    %dma_wait3A_482 = arith.constant 3 : i32
    %dma_wait3A_483 = arith.constant 3 : i32
    %dma_wait3A_484 = tpu.memref_slice %arg4[%dma_wait3A_483] : memref<8x!tpu.dma_semaphore, #tpu.memory_space<semaphore_mem>> -> memref<1x!tpu.dma_semaphore, #tpu.memory_space<semaphore_mem>>
    %dma_wait3A_485 = tpu.memref_squeeze %dma_wait3A_484 : memref<1x!tpu.dma_semaphore, #tpu.memory_space<semaphore_mem>> -> memref<!tpu.dma_semaphore, #tpu.memory_space<semaphore_mem>>
    %dma_wait3A_486 = arith.constant 0 : i32
    %dma_wait3A_487 = arith.constant 0 : i32
    %dma_wait3A_488 = tpu.memref_slice %arg3[%dma_wait3A_482, %dma_wait3A_486, %dma_wait3A_487] : memref<8x1536x128xf32, #tpu.memory_space<vmem>> -> memref<1x1536x128xf32, #tpu.memory_space<vmem>>
    %dma_wait3A_489 = tpu.memref_squeeze %dma_wait3A_488 : memref<1x1536x128xf32, #tpu.memory_space<vmem>> -> memref<1536x128xf32, #tpu.memory_space<vmem>>
    %dma_wait3A_490 = arith.constant 24576 : i32
    %dma_wait3A_491 = arith.constant 0 : i32
    %dma_wait3A_492 = tpu.memref_slice %arg0[%dma_wait3A_490, %dma_wait3A_491] : memref<49152x128xf32, #tpu.memory_space<any>> -> memref<1536x128xf32, #tpu.memory_space<any>>
    tpu.wait_dma2 semaphore(%dma_wait3A_485 : memref<!tpu.dma_semaphore, #tpu.memory_space<semaphore_mem>>) src(%dma_wait3A_492 : memref<1536x128xf32, #tpu.memory_space<any>>) dst(%dma_wait3A_489 : memref<1536x128xf32, #tpu.memory_space<vmem>>)
    %dma_start3A_493 = arith.constant 3 : i32
    %dma_start3A_494 = arith.constant 3 : i32
    %dma_start3A_495 = tpu.memref_slice %arg5[%dma_start3A_494] : memref<8x!tpu.dma_semaphore, #tpu.memory_space<semaphore_mem>> -> memref<1x!tpu.dma_semaphore, #tpu.memory_space<semaphore_mem>>
    %dma_start3A_496 = tpu.memref_squeeze %dma_start3A_495 : memref<1x!tpu.dma_semaphore, #tpu.memory_space<semaphore_mem>> -> memref<!tpu.dma_semaphore, #tpu.memory_space<semaphore_mem>>
    %dma_start3A_497 = arith.constant 118272 : i32
    %dma_start3A_498 = arith.constant 0 : i32
    %dma_start3A_499 = tpu.memref_slice %arg2[%dma_start3A_497, %dma_start3A_498] : memref<196608x128xf32, #tpu.memory_space<any>> -> memref<1536x128xf32, #tpu.memory_space<any>>
    %dma_start3A_500 = arith.constant 0 : i32
    %dma_start3A_501 = arith.constant 0 : i32
    %dma_start3A_502 = tpu.memref_slice %arg3[%dma_start3A_493, %dma_start3A_500, %dma_start3A_501] : memref<8x1536x128xf32, #tpu.memory_space<vmem>> -> memref<1x1536x128xf32, #tpu.memory_space<vmem>>
    %dma_start3A_503 = tpu.memref_squeeze %dma_start3A_502 : memref<1x1536x128xf32, #tpu.memory_space<vmem>> -> memref<1536x128xf32, #tpu.memory_space<vmem>>
    tpu.enqueue_dma source(%dma_start3A_503 : memref<1536x128xf32, #tpu.memory_space<vmem>>) target(%dma_start3A_499 : memref<1536x128xf32, #tpu.memory_space<any>>) target_semaphore(%dma_start3A_496 : memref<!tpu.dma_semaphore, #tpu.memory_space<semaphore_mem>>)
    %dma_wait3A_504 = arith.constant 7 : i32
    %dma_wait3A_505 = arith.constant 7 : i32
    %dma_wait3A_506 = tpu.memref_slice %arg5[%dma_wait3A_505] : memref<8x!tpu.dma_semaphore, #tpu.memory_space<semaphore_mem>> -> memref<1x!tpu.dma_semaphore, #tpu.memory_space<semaphore_mem>>
    %dma_wait3A_507 = tpu.memref_squeeze %dma_wait3A_506 : memref<1x!tpu.dma_semaphore, #tpu.memory_space<semaphore_mem>> -> memref<!tpu.dma_semaphore, #tpu.memory_space<semaphore_mem>>
    %dma_wait3A_508 = arith.constant 130560 : i32
    %dma_wait3A_509 = arith.constant 0 : i32
    %dma_wait3A_510 = tpu.memref_slice %arg2[%dma_wait3A_508, %dma_wait3A_509] : memref<196608x128xf32, #tpu.memory_space<any>> -> memref<1536x128xf32, #tpu.memory_space<any>>
    %dma_wait3A_511 = arith.constant 0 : i32
    %dma_wait3A_512 = arith.constant 0 : i32
    %dma_wait3A_513 = tpu.memref_slice %arg3[%dma_wait3A_504, %dma_wait3A_511, %dma_wait3A_512] : memref<8x1536x128xf32, #tpu.memory_space<vmem>> -> memref<1x1536x128xf32, #tpu.memory_space<vmem>>
    %dma_wait3A_514 = tpu.memref_squeeze %dma_wait3A_513 : memref<1x1536x128xf32, #tpu.memory_space<vmem>> -> memref<1536x128xf32, #tpu.memory_space<vmem>>
    tpu.wait_dma2 semaphore(%dma_wait3A_507 : memref<!tpu.dma_semaphore, #tpu.memory_space<semaphore_mem>>) src(%dma_wait3A_514 : memref<1536x128xf32, #tpu.memory_space<vmem>>) dst(%dma_wait3A_510 : memref<1536x128xf32, #tpu.memory_space<any>>)
    %dma_start3A_515 = arith.constant 7 : i32
    %dma_start3A_516 = arith.constant 7 : i32
    %dma_start3A_517 = tpu.memref_slice %arg4[%dma_start3A_516] : memref<8x!tpu.dma_semaphore, #tpu.memory_space<semaphore_mem>> -> memref<1x!tpu.dma_semaphore, #tpu.memory_space<semaphore_mem>>
    %dma_start3A_518 = tpu.memref_squeeze %dma_start3A_517 : memref<1x!tpu.dma_semaphore, #tpu.memory_space<semaphore_mem>> -> memref<!tpu.dma_semaphore, #tpu.memory_space<semaphore_mem>>
    %dma_start3A_519 = arith.constant 0 : i32
    %dma_start3A_520 = arith.constant 0 : i32
    %dma_start3A_521 = tpu.memref_slice %arg3[%dma_start3A_515, %dma_start3A_519, %dma_start3A_520] : memref<8x1536x128xf32, #tpu.memory_space<vmem>> -> memref<1x1536x128xf32, #tpu.memory_space<vmem>>
    %dma_start3A_522 = tpu.memref_squeeze %dma_start3A_521 : memref<1x1536x128xf32, #tpu.memory_space<vmem>> -> memref<1536x128xf32, #tpu.memory_space<vmem>>
    %dma_start3A_523 = arith.constant 35328 : i32
    %dma_start3A_524 = arith.constant 0 : i32
    %dma_start3A_525 = tpu.memref_slice %arg0[%dma_start3A_523, %dma_start3A_524] : memref<49152x128xf32, #tpu.memory_space<any>> -> memref<1536x128xf32, #tpu.memory_space<any>>
    tpu.enqueue_dma source(%dma_start3A_525 : memref<1536x128xf32, #tpu.memory_space<any>>) target(%dma_start3A_522 : memref<1536x128xf32, #tpu.memory_space<vmem>>) target_semaphore(%dma_start3A_518 : memref<!tpu.dma_semaphore, #tpu.memory_space<semaphore_mem>>)
    %dma_wait3A_526 = arith.constant 4 : i32
    %dma_wait3A_527 = arith.constant 4 : i32
    %dma_wait3A_528 = tpu.memref_slice %arg4[%dma_wait3A_527] : memref<8x!tpu.dma_semaphore, #tpu.memory_space<semaphore_mem>> -> memref<1x!tpu.dma_semaphore, #tpu.memory_space<semaphore_mem>>
    %dma_wait3A_529 = tpu.memref_squeeze %dma_wait3A_528 : memref<1x!tpu.dma_semaphore, #tpu.memory_space<semaphore_mem>> -> memref<!tpu.dma_semaphore, #tpu.memory_space<semaphore_mem>>
    %dma_wait3A_530 = arith.constant 0 : i32
    %dma_wait3A_531 = arith.constant 0 : i32
    %dma_wait3A_532 = tpu.memref_slice %arg3[%dma_wait3A_526, %dma_wait3A_530, %dma_wait3A_531] : memref<8x1536x128xf32, #tpu.memory_space<vmem>> -> memref<1x1536x128xf32, #tpu.memory_space<vmem>>
    %dma_wait3A_533 = tpu.memref_squeeze %dma_wait3A_532 : memref<1x1536x128xf32, #tpu.memory_space<vmem>> -> memref<1536x128xf32, #tpu.memory_space<vmem>>
    %dma_wait3A_534 = arith.constant 26112 : i32
    %dma_wait3A_535 = arith.constant 0 : i32
    %dma_wait3A_536 = tpu.memref_slice %arg0[%dma_wait3A_534, %dma_wait3A_535] : memref<49152x128xf32, #tpu.memory_space<any>> -> memref<1536x128xf32, #tpu.memory_space<any>>
    tpu.wait_dma2 semaphore(%dma_wait3A_529 : memref<!tpu.dma_semaphore, #tpu.memory_space<semaphore_mem>>) src(%dma_wait3A_536 : memref<1536x128xf32, #tpu.memory_space<any>>) dst(%dma_wait3A_533 : memref<1536x128xf32, #tpu.memory_space<vmem>>)
    %dma_start3A_537 = arith.constant 4 : i32
    %dma_start3A_538 = arith.constant 4 : i32
    %dma_start3A_539 = tpu.memref_slice %arg5[%dma_start3A_538] : memref<8x!tpu.dma_semaphore, #tpu.memory_space<semaphore_mem>> -> memref<1x!tpu.dma_semaphore, #tpu.memory_space<semaphore_mem>>
    %dma_start3A_540 = tpu.memref_squeeze %dma_start3A_539 : memref<1x!tpu.dma_semaphore, #tpu.memory_space<semaphore_mem>> -> memref<!tpu.dma_semaphore, #tpu.memory_space<semaphore_mem>>
    %dma_start3A_541 = arith.constant 43008 : i32
    %dma_start3A_542 = arith.constant 0 : i32
    %dma_start3A_543 = tpu.memref_slice %arg2[%dma_start3A_541, %dma_start3A_542] : memref<196608x128xf32, #tpu.memory_space<any>> -> memref<1536x128xf32, #tpu.memory_space<any>>
    %dma_start3A_544 = arith.constant 0 : i32
    %dma_start3A_545 = arith.constant 0 : i32
    %dma_start3A_546 = tpu.memref_slice %arg3[%dma_start3A_537, %dma_start3A_544, %dma_start3A_545] : memref<8x1536x128xf32, #tpu.memory_space<vmem>> -> memref<1x1536x128xf32, #tpu.memory_space<vmem>>
    %dma_start3A_547 = tpu.memref_squeeze %dma_start3A_546 : memref<1x1536x128xf32, #tpu.memory_space<vmem>> -> memref<1536x128xf32, #tpu.memory_space<vmem>>
    tpu.enqueue_dma source(%dma_start3A_547 : memref<1536x128xf32, #tpu.memory_space<vmem>>) target(%dma_start3A_543 : memref<1536x128xf32, #tpu.memory_space<any>>) target_semaphore(%dma_start3A_540 : memref<!tpu.dma_semaphore, #tpu.memory_space<semaphore_mem>>)
    %dma_wait3A_548 = arith.constant 0 : i32
    %dma_wait3A_549 = arith.constant 0 : i32
    %dma_wait3A_550 = tpu.memref_slice %arg5[%dma_wait3A_549] : memref<8x!tpu.dma_semaphore, #tpu.memory_space<semaphore_mem>> -> memref<1x!tpu.dma_semaphore, #tpu.memory_space<semaphore_mem>>
    %dma_wait3A_551 = tpu.memref_squeeze %dma_wait3A_550 : memref<1x!tpu.dma_semaphore, #tpu.memory_space<semaphore_mem>> -> memref<!tpu.dma_semaphore, #tpu.memory_space<semaphore_mem>>
    %dma_wait3A_552 = arith.constant 38400 : i32
    %dma_wait3A_553 = arith.constant 0 : i32
    %dma_wait3A_554 = tpu.memref_slice %arg2[%dma_wait3A_552, %dma_wait3A_553] : memref<196608x128xf32, #tpu.memory_space<any>> -> memref<1536x128xf32, #tpu.memory_space<any>>
    %dma_wait3A_555 = arith.constant 0 : i32
    %dma_wait3A_556 = arith.constant 0 : i32
    %dma_wait3A_557 = tpu.memref_slice %arg3[%dma_wait3A_548, %dma_wait3A_555, %dma_wait3A_556] : memref<8x1536x128xf32, #tpu.memory_space<vmem>> -> memref<1x1536x128xf32, #tpu.memory_space<vmem>>
    %dma_wait3A_558 = tpu.memref_squeeze %dma_wait3A_557 : memref<1x1536x128xf32, #tpu.memory_space<vmem>> -> memref<1536x128xf32, #tpu.memory_space<vmem>>
    tpu.wait_dma2 semaphore(%dma_wait3A_551 : memref<!tpu.dma_semaphore, #tpu.memory_space<semaphore_mem>>) src(%dma_wait3A_558 : memref<1536x128xf32, #tpu.memory_space<vmem>>) dst(%dma_wait3A_554 : memref<1536x128xf32, #tpu.memory_space<any>>)
    %dma_start3A_559 = arith.constant 0 : i32
    %dma_start3A_560 = arith.constant 0 : i32
    %dma_start3A_561 = tpu.memref_slice %arg4[%dma_start3A_560] : memref<8x!tpu.dma_semaphore, #tpu.memory_space<semaphore_mem>> -> memref<1x!tpu.dma_semaphore, #tpu.memory_space<semaphore_mem>>
    %dma_start3A_562 = tpu.memref_squeeze %dma_start3A_561 : memref<1x!tpu.dma_semaphore, #tpu.memory_space<semaphore_mem>> -> memref<!tpu.dma_semaphore, #tpu.memory_space<semaphore_mem>>
    %dma_start3A_563 = arith.constant 0 : i32
    %dma_start3A_564 = arith.constant 0 : i32
    %dma_start3A_565 = tpu.memref_slice %arg3[%dma_start3A_559, %dma_start3A_563, %dma_start3A_564] : memref<8x1536x128xf32, #tpu.memory_space<vmem>> -> memref<1x1536x128xf32, #tpu.memory_space<vmem>>
    %dma_start3A_566 = tpu.memref_squeeze %dma_start3A_565 : memref<1x1536x128xf32, #tpu.memory_space<vmem>> -> memref<1536x128xf32, #tpu.memory_space<vmem>>
    %dma_start3A_567 = arith.constant 36864 : i32
    %dma_start3A_568 = arith.constant 0 : i32
    %dma_start3A_569 = tpu.memref_slice %arg0[%dma_start3A_567, %dma_start3A_568] : memref<49152x128xf32, #tpu.memory_space<any>> -> memref<1536x128xf32, #tpu.memory_space<any>>
    tpu.enqueue_dma source(%dma_start3A_569 : memref<1536x128xf32, #tpu.memory_space<any>>) target(%dma_start3A_566 : memref<1536x128xf32, #tpu.memory_space<vmem>>) target_semaphore(%dma_start3A_562 : memref<!tpu.dma_semaphore, #tpu.memory_space<semaphore_mem>>)
    %dma_wait3A_570 = arith.constant 5 : i32
    %dma_wait3A_571 = arith.constant 5 : i32
    %dma_wait3A_572 = tpu.memref_slice %arg4[%dma_wait3A_571] : memref<8x!tpu.dma_semaphore, #tpu.memory_space<semaphore_mem>> -> memref<1x!tpu.dma_semaphore, #tpu.memory_space<semaphore_mem>>
    %dma_wait3A_573 = tpu.memref_squeeze %dma_wait3A_572 : memref<1x!tpu.dma_semaphore, #tpu.memory_space<semaphore_mem>> -> memref<!tpu.dma_semaphore, #tpu.memory_space<semaphore_mem>>
    %dma_wait3A_574 = arith.constant 0 : i32
    %dma_wait3A_575 = arith.constant 0 : i32
    %dma_wait3A_576 = tpu.memref_slice %arg3[%dma_wait3A_570, %dma_wait3A_574, %dma_wait3A_575] : memref<8x1536x128xf32, #tpu.memory_space<vmem>> -> memref<1x1536x128xf32, #tpu.memory_space<vmem>>
    %dma_wait3A_577 = tpu.memref_squeeze %dma_wait3A_576 : memref<1x1536x128xf32, #tpu.memory_space<vmem>> -> memref<1536x128xf32, #tpu.memory_space<vmem>>
    %dma_wait3A_578 = arith.constant 29184 : i32
    %dma_wait3A_579 = arith.constant 0 : i32
    %dma_wait3A_580 = tpu.memref_slice %arg0[%dma_wait3A_578, %dma_wait3A_579] : memref<49152x128xf32, #tpu.memory_space<any>> -> memref<1536x128xf32, #tpu.memory_space<any>>
    tpu.wait_dma2 semaphore(%dma_wait3A_573 : memref<!tpu.dma_semaphore, #tpu.memory_space<semaphore_mem>>) src(%dma_wait3A_580 : memref<1536x128xf32, #tpu.memory_space<any>>) dst(%dma_wait3A_577 : memref<1536x128xf32, #tpu.memory_space<vmem>>)
    %dma_start3A_581 = arith.constant 5 : i32
    %dma_start3A_582 = arith.constant 5 : i32
    %dma_start3A_583 = tpu.memref_slice %arg5[%dma_start3A_582] : memref<8x!tpu.dma_semaphore, #tpu.memory_space<semaphore_mem>> -> memref<1x!tpu.dma_semaphore, #tpu.memory_space<semaphore_mem>>
    %dma_start3A_584 = tpu.memref_squeeze %dma_start3A_583 : memref<1x!tpu.dma_semaphore, #tpu.memory_space<semaphore_mem>> -> memref<!tpu.dma_semaphore, #tpu.memory_space<semaphore_mem>>
    %dma_start3A_585 = arith.constant 142848 : i32
    %dma_start3A_586 = arith.constant 0 : i32
    %dma_start3A_587 = tpu.memref_slice %arg2[%dma_start3A_585, %dma_start3A_586] : memref<196608x128xf32, #tpu.memory_space<any>> -> memref<1536x128xf32, #tpu.memory_space<any>>
    %dma_start3A_588 = arith.constant 0 : i32
    %dma_start3A_589 = arith.constant 0 : i32
    %dma_start3A_590 = tpu.memref_slice %arg3[%dma_start3A_581, %dma_start3A_588, %dma_start3A_589] : memref<8x1536x128xf32, #tpu.memory_space<vmem>> -> memref<1x1536x128xf32, #tpu.memory_space<vmem>>
    %dma_start3A_591 = tpu.memref_squeeze %dma_start3A_590 : memref<1x1536x128xf32, #tpu.memory_space<vmem>> -> memref<1536x128xf32, #tpu.memory_space<vmem>>
    tpu.enqueue_dma source(%dma_start3A_591 : memref<1536x128xf32, #tpu.memory_space<vmem>>) target(%dma_start3A_587 : memref<1536x128xf32, #tpu.memory_space<any>>) target_semaphore(%dma_start3A_584 : memref<!tpu.dma_semaphore, #tpu.memory_space<semaphore_mem>>)
    %dma_wait3A_592 = arith.constant 1 : i32
    %dma_wait3A_593 = arith.constant 1 : i32
    %dma_wait3A_594 = tpu.memref_slice %arg5[%dma_wait3A_593] : memref<8x!tpu.dma_semaphore, #tpu.memory_space<semaphore_mem>> -> memref<1x!tpu.dma_semaphore, #tpu.memory_space<semaphore_mem>>
    %dma_wait3A_595 = tpu.memref_squeeze %dma_wait3A_594 : memref<1x!tpu.dma_semaphore, #tpu.memory_space<semaphore_mem>> -> memref<!tpu.dma_semaphore, #tpu.memory_space<semaphore_mem>>
    %dma_wait3A_596 = arith.constant 178176 : i32
    %dma_wait3A_597 = arith.constant 0 : i32
    %dma_wait3A_598 = tpu.memref_slice %arg2[%dma_wait3A_596, %dma_wait3A_597] : memref<196608x128xf32, #tpu.memory_space<any>> -> memref<1536x128xf32, #tpu.memory_space<any>>
    %dma_wait3A_599 = arith.constant 0 : i32
    %dma_wait3A_600 = arith.constant 0 : i32
    %dma_wait3A_601 = tpu.memref_slice %arg3[%dma_wait3A_592, %dma_wait3A_599, %dma_wait3A_600] : memref<8x1536x128xf32, #tpu.memory_space<vmem>> -> memref<1x1536x128xf32, #tpu.memory_space<vmem>>
    %dma_wait3A_602 = tpu.memref_squeeze %dma_wait3A_601 : memref<1x1536x128xf32, #tpu.memory_space<vmem>> -> memref<1536x128xf32, #tpu.memory_space<vmem>>
    tpu.wait_dma2 semaphore(%dma_wait3A_595 : memref<!tpu.dma_semaphore, #tpu.memory_space<semaphore_mem>>) src(%dma_wait3A_602 : memref<1536x128xf32, #tpu.memory_space<vmem>>) dst(%dma_wait3A_598 : memref<1536x128xf32, #tpu.memory_space<any>>)
    %dma_start3A_603 = arith.constant 1 : i32
    %dma_start3A_604 = arith.constant 1 : i32
    %dma_start3A_605 = tpu.memref_slice %arg4[%dma_start3A_604] : memref<8x!tpu.dma_semaphore, #tpu.memory_space<semaphore_mem>> -> memref<1x!tpu.dma_semaphore, #tpu.memory_space<semaphore_mem>>
    %dma_start3A_606 = tpu.memref_squeeze %dma_start3A_605 : memref<1x!tpu.dma_semaphore, #tpu.memory_space<semaphore_mem>> -> memref<!tpu.dma_semaphore, #tpu.memory_space<semaphore_mem>>
    %dma_start3A_607 = arith.constant 0 : i32
    %dma_start3A_608 = arith.constant 0 : i32
    %dma_start3A_609 = tpu.memref_slice %arg3[%dma_start3A_603, %dma_start3A_607, %dma_start3A_608] : memref<8x1536x128xf32, #tpu.memory_space<vmem>> -> memref<1x1536x128xf32, #tpu.memory_space<vmem>>
    %dma_start3A_610 = tpu.memref_squeeze %dma_start3A_609 : memref<1x1536x128xf32, #tpu.memory_space<vmem>> -> memref<1536x128xf32, #tpu.memory_space<vmem>>
    %dma_start3A_611 = arith.constant 38400 : i32
    %dma_start3A_612 = arith.constant 0 : i32
    %dma_start3A_613 = tpu.memref_slice %arg0[%dma_start3A_611, %dma_start3A_612] : memref<49152x128xf32, #tpu.memory_space<any>> -> memref<1536x128xf32, #tpu.memory_space<any>>
    tpu.enqueue_dma source(%dma_start3A_613 : memref<1536x128xf32, #tpu.memory_space<any>>) target(%dma_start3A_610 : memref<1536x128xf32, #tpu.memory_space<vmem>>) target_semaphore(%dma_start3A_606 : memref<!tpu.dma_semaphore, #tpu.memory_space<semaphore_mem>>)
    %dma_wait3A_614 = arith.constant 6 : i32
    %dma_wait3A_615 = arith.constant 6 : i32
    %dma_wait3A_616 = tpu.memref_slice %arg4[%dma_wait3A_615] : memref<8x!tpu.dma_semaphore, #tpu.memory_space<semaphore_mem>> -> memref<1x!tpu.dma_semaphore, #tpu.memory_space<semaphore_mem>>
    %dma_wait3A_617 = tpu.memref_squeeze %dma_wait3A_616 : memref<1x!tpu.dma_semaphore, #tpu.memory_space<semaphore_mem>> -> memref<!tpu.dma_semaphore, #tpu.memory_space<semaphore_mem>>
    %dma_wait3A_618 = arith.constant 0 : i32
    %dma_wait3A_619 = arith.constant 0 : i32
    %dma_wait3A_620 = tpu.memref_slice %arg3[%dma_wait3A_614, %dma_wait3A_618, %dma_wait3A_619] : memref<8x1536x128xf32, #tpu.memory_space<vmem>> -> memref<1x1536x128xf32, #tpu.memory_space<vmem>>
    %dma_wait3A_621 = tpu.memref_squeeze %dma_wait3A_620 : memref<1x1536x128xf32, #tpu.memory_space<vmem>> -> memref<1536x128xf32, #tpu.memory_space<vmem>>
    %dma_wait3A_622 = arith.constant 32256 : i32
    %dma_wait3A_623 = arith.constant 0 : i32
    %dma_wait3A_624 = tpu.memref_slice %arg0[%dma_wait3A_622, %dma_wait3A_623] : memref<49152x128xf32, #tpu.memory_space<any>> -> memref<1536x128xf32, #tpu.memory_space<any>>
    tpu.wait_dma2 semaphore(%dma_wait3A_617 : memref<!tpu.dma_semaphore, #tpu.memory_space<semaphore_mem>>) src(%dma_wait3A_624 : memref<1536x128xf32, #tpu.memory_space<any>>) dst(%dma_wait3A_621 : memref<1536x128xf32, #tpu.memory_space<vmem>>)
    %dma_start3A_625 = arith.constant 6 : i32
    %dma_start3A_626 = arith.constant 6 : i32
    %dma_start3A_627 = tpu.memref_slice %arg5[%dma_start3A_626] : memref<8x!tpu.dma_semaphore, #tpu.memory_space<semaphore_mem>> -> memref<1x!tpu.dma_semaphore, #tpu.memory_space<semaphore_mem>>
    %dma_start3A_628 = tpu.memref_squeeze %dma_start3A_627 : memref<1x!tpu.dma_semaphore, #tpu.memory_space<semaphore_mem>> -> memref<!tpu.dma_semaphore, #tpu.memory_space<semaphore_mem>>
    %dma_start3A_629 = arith.constant 0 : i32
    %dma_start3A_630 = arith.constant 0 : i32
    %dma_start3A_631 = tpu.memref_slice %arg2[%dma_start3A_629, %dma_start3A_630] : memref<196608x128xf32, #tpu.memory_space<any>> -> memref<1536x128xf32, #tpu.memory_space<any>>
    %dma_start3A_632 = arith.constant 0 : i32
    %dma_start3A_633 = arith.constant 0 : i32
    %dma_start3A_634 = tpu.memref_slice %arg3[%dma_start3A_625, %dma_start3A_632, %dma_start3A_633] : memref<8x1536x128xf32, #tpu.memory_space<vmem>> -> memref<1x1536x128xf32, #tpu.memory_space<vmem>>
    %dma_start3A_635 = tpu.memref_squeeze %dma_start3A_634 : memref<1x1536x128xf32, #tpu.memory_space<vmem>> -> memref<1536x128xf32, #tpu.memory_space<vmem>>
    tpu.enqueue_dma source(%dma_start3A_635 : memref<1536x128xf32, #tpu.memory_space<vmem>>) target(%dma_start3A_631 : memref<1536x128xf32, #tpu.memory_space<any>>) target_semaphore(%dma_start3A_628 : memref<!tpu.dma_semaphore, #tpu.memory_space<semaphore_mem>>)
    %dma_wait3A_636 = arith.constant 2 : i32
    %dma_wait3A_637 = arith.constant 2 : i32
    %dma_wait3A_638 = tpu.memref_slice %arg5[%dma_wait3A_637] : memref<8x!tpu.dma_semaphore, #tpu.memory_space<semaphore_mem>> -> memref<1x!tpu.dma_semaphore, #tpu.memory_space<semaphore_mem>>
    %dma_wait3A_639 = tpu.memref_squeeze %dma_wait3A_638 : memref<1x!tpu.dma_semaphore, #tpu.memory_space<semaphore_mem>> -> memref<!tpu.dma_semaphore, #tpu.memory_space<semaphore_mem>>
    %dma_wait3A_640 = arith.constant 167424 : i32
    %dma_wait3A_641 = arith.constant 0 : i32
    %dma_wait3A_642 = tpu.memref_slice %arg2[%dma_wait3A_640, %dma_wait3A_641] : memref<196608x128xf32, #tpu.memory_space<any>> -> memref<1536x128xf32, #tpu.memory_space<any>>
    %dma_wait3A_643 = arith.constant 0 : i32
    %dma_wait3A_644 = arith.constant 0 : i32
    %dma_wait3A_645 = tpu.memref_slice %arg3[%dma_wait3A_636, %dma_wait3A_643, %dma_wait3A_644] : memref<8x1536x128xf32, #tpu.memory_space<vmem>> -> memref<1x1536x128xf32, #tpu.memory_space<vmem>>
    %dma_wait3A_646 = tpu.memref_squeeze %dma_wait3A_645 : memref<1x1536x128xf32, #tpu.memory_space<vmem>> -> memref<1536x128xf32, #tpu.memory_space<vmem>>
    tpu.wait_dma2 semaphore(%dma_wait3A_639 : memref<!tpu.dma_semaphore, #tpu.memory_space<semaphore_mem>>) src(%dma_wait3A_646 : memref<1536x128xf32, #tpu.memory_space<vmem>>) dst(%dma_wait3A_642 : memref<1536x128xf32, #tpu.memory_space<any>>)
    %dma_start3A_647 = arith.constant 2 : i32
    %dma_start3A_648 = arith.constant 2 : i32
    %dma_start3A_649 = tpu.memref_slice %arg4[%dma_start3A_648] : memref<8x!tpu.dma_semaphore, #tpu.memory_space<semaphore_mem>> -> memref<1x!tpu.dma_semaphore, #tpu.memory_space<semaphore_mem>>
    %dma_start3A_650 = tpu.memref_squeeze %dma_start3A_649 : memref<1x!tpu.dma_semaphore, #tpu.memory_space<semaphore_mem>> -> memref<!tpu.dma_semaphore, #tpu.memory_space<semaphore_mem>>
    %dma_start3A_651 = arith.constant 0 : i32
    %dma_start3A_652 = arith.constant 0 : i32
    %dma_start3A_653 = tpu.memref_slice %arg3[%dma_start3A_647, %dma_start3A_651, %dma_start3A_652] : memref<8x1536x128xf32, #tpu.memory_space<vmem>> -> memref<1x1536x128xf32, #tpu.memory_space<vmem>>
    %dma_start3A_654 = tpu.memref_squeeze %dma_start3A_653 : memref<1x1536x128xf32, #tpu.memory_space<vmem>> -> memref<1536x128xf32, #tpu.memory_space<vmem>>
    %dma_start3A_655 = arith.constant 39936 : i32
    %dma_start3A_656 = arith.constant 0 : i32
    %dma_start3A_657 = tpu.memref_slice %arg0[%dma_start3A_655, %dma_start3A_656] : memref<49152x128xf32, #tpu.memory_space<any>> -> memref<1536x128xf32, #tpu.memory_space<any>>
    tpu.enqueue_dma source(%dma_start3A_657 : memref<1536x128xf32, #tpu.memory_space<any>>) target(%dma_start3A_654 : memref<1536x128xf32, #tpu.memory_space<vmem>>) target_semaphore(%dma_start3A_650 : memref<!tpu.dma_semaphore, #tpu.memory_space<semaphore_mem>>)
    %dma_wait3A_658 = arith.constant 7 : i32
    %dma_wait3A_659 = arith.constant 7 : i32
    %dma_wait3A_660 = tpu.memref_slice %arg4[%dma_wait3A_659] : memref<8x!tpu.dma_semaphore, #tpu.memory_space<semaphore_mem>> -> memref<1x!tpu.dma_semaphore, #tpu.memory_space<semaphore_mem>>
    %dma_wait3A_661 = tpu.memref_squeeze %dma_wait3A_660 : memref<1x!tpu.dma_semaphore, #tpu.memory_space<semaphore_mem>> -> memref<!tpu.dma_semaphore, #tpu.memory_space<semaphore_mem>>
    %dma_wait3A_662 = arith.constant 0 : i32
    %dma_wait3A_663 = arith.constant 0 : i32
    %dma_wait3A_664 = tpu.memref_slice %arg3[%dma_wait3A_658, %dma_wait3A_662, %dma_wait3A_663] : memref<8x1536x128xf32, #tpu.memory_space<vmem>> -> memref<1x1536x128xf32, #tpu.memory_space<vmem>>
    %dma_wait3A_665 = tpu.memref_squeeze %dma_wait3A_664 : memref<1x1536x128xf32, #tpu.memory_space<vmem>> -> memref<1536x128xf32, #tpu.memory_space<vmem>>
    %dma_wait3A_666 = arith.constant 35328 : i32
    %dma_wait3A_667 = arith.constant 0 : i32
    %dma_wait3A_668 = tpu.memref_slice %arg0[%dma_wait3A_666, %dma_wait3A_667] : memref<49152x128xf32, #tpu.memory_space<any>> -> memref<1536x128xf32, #tpu.memory_space<any>>
    tpu.wait_dma2 semaphore(%dma_wait3A_661 : memref<!tpu.dma_semaphore, #tpu.memory_space<semaphore_mem>>) src(%dma_wait3A_668 : memref<1536x128xf32, #tpu.memory_space<any>>) dst(%dma_wait3A_665 : memref<1536x128xf32, #tpu.memory_space<vmem>>)
    %dma_start3A_669 = arith.constant 7 : i32
    %dma_start3A_670 = arith.constant 7 : i32
    %dma_start3A_671 = tpu.memref_slice %arg5[%dma_start3A_670] : memref<8x!tpu.dma_semaphore, #tpu.memory_space<semaphore_mem>> -> memref<1x!tpu.dma_semaphore, #tpu.memory_space<semaphore_mem>>
    %dma_start3A_672 = tpu.memref_squeeze %dma_start3A_671 : memref<1x!tpu.dma_semaphore, #tpu.memory_space<semaphore_mem>> -> memref<!tpu.dma_semaphore, #tpu.memory_space<semaphore_mem>>
    %dma_start3A_673 = arith.constant 75264 : i32
    %dma_start3A_674 = arith.constant 0 : i32
    %dma_start3A_675 = tpu.memref_slice %arg2[%dma_start3A_673, %dma_start3A_674] : memref<196608x128xf32, #tpu.memory_space<any>> -> memref<1536x128xf32, #tpu.memory_space<any>>
    %dma_start3A_676 = arith.constant 0 : i32
    %dma_start3A_677 = arith.constant 0 : i32
    %dma_start3A_678 = tpu.memref_slice %arg3[%dma_start3A_669, %dma_start3A_676, %dma_start3A_677] : memref<8x1536x128xf32, #tpu.memory_space<vmem>> -> memref<1x1536x128xf32, #tpu.memory_space<vmem>>
    %dma_start3A_679 = tpu.memref_squeeze %dma_start3A_678 : memref<1x1536x128xf32, #tpu.memory_space<vmem>> -> memref<1536x128xf32, #tpu.memory_space<vmem>>
    tpu.enqueue_dma source(%dma_start3A_679 : memref<1536x128xf32, #tpu.memory_space<vmem>>) target(%dma_start3A_675 : memref<1536x128xf32, #tpu.memory_space<any>>) target_semaphore(%dma_start3A_672 : memref<!tpu.dma_semaphore, #tpu.memory_space<semaphore_mem>>)
    %dma_wait3A_680 = arith.constant 3 : i32
    %dma_wait3A_681 = arith.constant 3 : i32
    %dma_wait3A_682 = tpu.memref_slice %arg5[%dma_wait3A_681] : memref<8x!tpu.dma_semaphore, #tpu.memory_space<semaphore_mem>> -> memref<1x!tpu.dma_semaphore, #tpu.memory_space<semaphore_mem>>
    %dma_wait3A_683 = tpu.memref_squeeze %dma_wait3A_682 : memref<1x!tpu.dma_semaphore, #tpu.memory_space<semaphore_mem>> -> memref<!tpu.dma_semaphore, #tpu.memory_space<semaphore_mem>>
    %dma_wait3A_684 = arith.constant 118272 : i32
    %dma_wait3A_685 = arith.constant 0 : i32
    %dma_wait3A_686 = tpu.memref_slice %arg2[%dma_wait3A_684, %dma_wait3A_685] : memref<196608x128xf32, #tpu.memory_space<any>> -> memref<1536x128xf32, #tpu.memory_space<any>>
    %dma_wait3A_687 = arith.constant 0 : i32
    %dma_wait3A_688 = arith.constant 0 : i32
    %dma_wait3A_689 = tpu.memref_slice %arg3[%dma_wait3A_680, %dma_wait3A_687, %dma_wait3A_688] : memref<8x1536x128xf32, #tpu.memory_space<vmem>> -> memref<1x1536x128xf32, #tpu.memory_space<vmem>>
    %dma_wait3A_690 = tpu.memref_squeeze %dma_wait3A_689 : memref<1x1536x128xf32, #tpu.memory_space<vmem>> -> memref<1536x128xf32, #tpu.memory_space<vmem>>
    tpu.wait_dma2 semaphore(%dma_wait3A_683 : memref<!tpu.dma_semaphore, #tpu.memory_space<semaphore_mem>>) src(%dma_wait3A_690 : memref<1536x128xf32, #tpu.memory_space<vmem>>) dst(%dma_wait3A_686 : memref<1536x128xf32, #tpu.memory_space<any>>)
    %dma_start3A_691 = arith.constant 3 : i32
    %dma_start3A_692 = arith.constant 3 : i32
    %dma_start3A_693 = tpu.memref_slice %arg4[%dma_start3A_692] : memref<8x!tpu.dma_semaphore, #tpu.memory_space<semaphore_mem>> -> memref<1x!tpu.dma_semaphore, #tpu.memory_space<semaphore_mem>>
    %dma_start3A_694 = tpu.memref_squeeze %dma_start3A_693 : memref<1x!tpu.dma_semaphore, #tpu.memory_space<semaphore_mem>> -> memref<!tpu.dma_semaphore, #tpu.memory_space<semaphore_mem>>
    %dma_start3A_695 = arith.constant 0 : i32
    %dma_start3A_696 = arith.constant 0 : i32
    %dma_start3A_697 = tpu.memref_slice %arg3[%dma_start3A_691, %dma_start3A_695, %dma_start3A_696] : memref<8x1536x128xf32, #tpu.memory_space<vmem>> -> memref<1x1536x128xf32, #tpu.memory_space<vmem>>
    %dma_start3A_698 = tpu.memref_squeeze %dma_start3A_697 : memref<1x1536x128xf32, #tpu.memory_space<vmem>> -> memref<1536x128xf32, #tpu.memory_space<vmem>>
    %dma_start3A_699 = arith.constant 41472 : i32
    %dma_start3A_700 = arith.constant 0 : i32
    %dma_start3A_701 = tpu.memref_slice %arg0[%dma_start3A_699, %dma_start3A_700] : memref<49152x128xf32, #tpu.memory_space<any>> -> memref<1536x128xf32, #tpu.memory_space<any>>
    tpu.enqueue_dma source(%dma_start3A_701 : memref<1536x128xf32, #tpu.memory_space<any>>) target(%dma_start3A_698 : memref<1536x128xf32, #tpu.memory_space<vmem>>) target_semaphore(%dma_start3A_694 : memref<!tpu.dma_semaphore, #tpu.memory_space<semaphore_mem>>)
    %dma_wait3A_702 = arith.constant 0 : i32
    %dma_wait3A_703 = arith.constant 0 : i32
    %dma_wait3A_704 = tpu.memref_slice %arg4[%dma_wait3A_703] : memref<8x!tpu.dma_semaphore, #tpu.memory_space<semaphore_mem>> -> memref<1x!tpu.dma_semaphore, #tpu.memory_space<semaphore_mem>>
    %dma_wait3A_705 = tpu.memref_squeeze %dma_wait3A_704 : memref<1x!tpu.dma_semaphore, #tpu.memory_space<semaphore_mem>> -> memref<!tpu.dma_semaphore, #tpu.memory_space<semaphore_mem>>
    %dma_wait3A_706 = arith.constant 0 : i32
    %dma_wait3A_707 = arith.constant 0 : i32
    %dma_wait3A_708 = tpu.memref_slice %arg3[%dma_wait3A_702, %dma_wait3A_706, %dma_wait3A_707] : memref<8x1536x128xf32, #tpu.memory_space<vmem>> -> memref<1x1536x128xf32, #tpu.memory_space<vmem>>
    %dma_wait3A_709 = tpu.memref_squeeze %dma_wait3A_708 : memref<1x1536x128xf32, #tpu.memory_space<vmem>> -> memref<1536x128xf32, #tpu.memory_space<vmem>>
    %dma_wait3A_710 = arith.constant 36864 : i32
    %dma_wait3A_711 = arith.constant 0 : i32
    %dma_wait3A_712 = tpu.memref_slice %arg0[%dma_wait3A_710, %dma_wait3A_711] : memref<49152x128xf32, #tpu.memory_space<any>> -> memref<1536x128xf32, #tpu.memory_space<any>>
    tpu.wait_dma2 semaphore(%dma_wait3A_705 : memref<!tpu.dma_semaphore, #tpu.memory_space<semaphore_mem>>) src(%dma_wait3A_712 : memref<1536x128xf32, #tpu.memory_space<any>>) dst(%dma_wait3A_709 : memref<1536x128xf32, #tpu.memory_space<vmem>>)
    %dma_start3A_713 = arith.constant 0 : i32
    %dma_start3A_714 = arith.constant 0 : i32
    %dma_start3A_715 = tpu.memref_slice %arg5[%dma_start3A_714] : memref<8x!tpu.dma_semaphore, #tpu.memory_space<semaphore_mem>> -> memref<1x!tpu.dma_semaphore, #tpu.memory_space<semaphore_mem>>
    %dma_start3A_716 = tpu.memref_squeeze %dma_start3A_715 : memref<1x!tpu.dma_semaphore, #tpu.memory_space<semaphore_mem>> -> memref<!tpu.dma_semaphore, #tpu.memory_space<semaphore_mem>>
    %dma_start3A_717 = arith.constant 105984 : i32
    %dma_start3A_718 = arith.constant 0 : i32
    %dma_start3A_719 = tpu.memref_slice %arg2[%dma_start3A_717, %dma_start3A_718] : memref<196608x128xf32, #tpu.memory_space<any>> -> memref<1536x128xf32, #tpu.memory_space<any>>
    %dma_start3A_720 = arith.constant 0 : i32
    %dma_start3A_721 = arith.constant 0 : i32
    %dma_start3A_722 = tpu.memref_slice %arg3[%dma_start3A_713, %dma_start3A_720, %dma_start3A_721] : memref<8x1536x128xf32, #tpu.memory_space<vmem>> -> memref<1x1536x128xf32, #tpu.memory_space<vmem>>
    %dma_start3A_723 = tpu.memref_squeeze %dma_start3A_722 : memref<1x1536x128xf32, #tpu.memory_space<vmem>> -> memref<1536x128xf32, #tpu.memory_space<vmem>>
    tpu.enqueue_dma source(%dma_start3A_723 : memref<1536x128xf32, #tpu.memory_space<vmem>>) target(%dma_start3A_719 : memref<1536x128xf32, #tpu.memory_space<any>>) target_semaphore(%dma_start3A_716 : memref<!tpu.dma_semaphore, #tpu.memory_space<semaphore_mem>>)
    %dma_wait3A_724 = arith.constant 4 : i32
    %dma_wait3A_725 = arith.constant 4 : i32
    %dma_wait3A_726 = tpu.memref_slice %arg5[%dma_wait3A_725] : memref<8x!tpu.dma_semaphore, #tpu.memory_space<semaphore_mem>> -> memref<1x!tpu.dma_semaphore, #tpu.memory_space<semaphore_mem>>
    %dma_wait3A_727 = tpu.memref_squeeze %dma_wait3A_726 : memref<1x!tpu.dma_semaphore, #tpu.memory_space<semaphore_mem>> -> memref<!tpu.dma_semaphore, #tpu.memory_space<semaphore_mem>>
    %dma_wait3A_728 = arith.constant 43008 : i32
    %dma_wait3A_729 = arith.constant 0 : i32
    %dma_wait3A_730 = tpu.memref_slice %arg2[%dma_wait3A_728, %dma_wait3A_729] : memref<196608x128xf32, #tpu.memory_space<any>> -> memref<1536x128xf32, #tpu.memory_space<any>>
    %dma_wait3A_731 = arith.constant 0 : i32
    %dma_wait3A_732 = arith.constant 0 : i32
    %dma_wait3A_733 = tpu.memref_slice %arg3[%dma_wait3A_724, %dma_wait3A_731, %dma_wait3A_732] : memref<8x1536x128xf32, #tpu.memory_space<vmem>> -> memref<1x1536x128xf32, #tpu.memory_space<vmem>>
    %dma_wait3A_734 = tpu.memref_squeeze %dma_wait3A_733 : memref<1x1536x128xf32, #tpu.memory_space<vmem>> -> memref<1536x128xf32, #tpu.memory_space<vmem>>
    tpu.wait_dma2 semaphore(%dma_wait3A_727 : memref<!tpu.dma_semaphore, #tpu.memory_space<semaphore_mem>>) src(%dma_wait3A_734 : memref<1536x128xf32, #tpu.memory_space<vmem>>) dst(%dma_wait3A_730 : memref<1536x128xf32, #tpu.memory_space<any>>)
    %dma_start3A_735 = arith.constant 4 : i32
    %dma_start3A_736 = arith.constant 4 : i32
    %dma_start3A_737 = tpu.memref_slice %arg4[%dma_start3A_736] : memref<8x!tpu.dma_semaphore, #tpu.memory_space<semaphore_mem>> -> memref<1x!tpu.dma_semaphore, #tpu.memory_space<semaphore_mem>>
    %dma_start3A_738 = tpu.memref_squeeze %dma_start3A_737 : memref<1x!tpu.dma_semaphore, #tpu.memory_space<semaphore_mem>> -> memref<!tpu.dma_semaphore, #tpu.memory_space<semaphore_mem>>
    %dma_start3A_739 = arith.constant 0 : i32
    %dma_start3A_740 = arith.constant 0 : i32
    %dma_start3A_741 = tpu.memref_slice %arg3[%dma_start3A_735, %dma_start3A_739, %dma_start3A_740] : memref<8x1536x128xf32, #tpu.memory_space<vmem>> -> memref<1x1536x128xf32, #tpu.memory_space<vmem>>
    %dma_start3A_742 = tpu.memref_squeeze %dma_start3A_741 : memref<1x1536x128xf32, #tpu.memory_space<vmem>> -> memref<1536x128xf32, #tpu.memory_space<vmem>>
    %dma_start3A_743 = arith.constant 43008 : i32
    %dma_start3A_744 = arith.constant 0 : i32
    %dma_start3A_745 = tpu.memref_slice %arg0[%dma_start3A_743, %dma_start3A_744] : memref<49152x128xf32, #tpu.memory_space<any>> -> memref<1536x128xf32, #tpu.memory_space<any>>
    tpu.enqueue_dma source(%dma_start3A_745 : memref<1536x128xf32, #tpu.memory_space<any>>) target(%dma_start3A_742 : memref<1536x128xf32, #tpu.memory_space<vmem>>) target_semaphore(%dma_start3A_738 : memref<!tpu.dma_semaphore, #tpu.memory_space<semaphore_mem>>)
    %dma_wait3A_746 = arith.constant 1 : i32
    %dma_wait3A_747 = arith.constant 1 : i32
    %dma_wait3A_748 = tpu.memref_slice %arg4[%dma_wait3A_747] : memref<8x!tpu.dma_semaphore, #tpu.memory_space<semaphore_mem>> -> memref<1x!tpu.dma_semaphore, #tpu.memory_space<semaphore_mem>>
    %dma_wait3A_749 = tpu.memref_squeeze %dma_wait3A_748 : memref<1x!tpu.dma_semaphore, #tpu.memory_space<semaphore_mem>> -> memref<!tpu.dma_semaphore, #tpu.memory_space<semaphore_mem>>
    %dma_wait3A_750 = arith.constant 0 : i32
    %dma_wait3A_751 = arith.constant 0 : i32
    %dma_wait3A_752 = tpu.memref_slice %arg3[%dma_wait3A_746, %dma_wait3A_750, %dma_wait3A_751] : memref<8x1536x128xf32, #tpu.memory_space<vmem>> -> memref<1x1536x128xf32, #tpu.memory_space<vmem>>
    %dma_wait3A_753 = tpu.memref_squeeze %dma_wait3A_752 : memref<1x1536x128xf32, #tpu.memory_space<vmem>> -> memref<1536x128xf32, #tpu.memory_space<vmem>>
    %dma_wait3A_754 = arith.constant 38400 : i32
    %dma_wait3A_755 = arith.constant 0 : i32
    %dma_wait3A_756 = tpu.memref_slice %arg0[%dma_wait3A_754, %dma_wait3A_755] : memref<49152x128xf32, #tpu.memory_space<any>> -> memref<1536x128xf32, #tpu.memory_space<any>>
    tpu.wait_dma2 semaphore(%dma_wait3A_749 : memref<!tpu.dma_semaphore, #tpu.memory_space<semaphore_mem>>) src(%dma_wait3A_756 : memref<1536x128xf32, #tpu.memory_space<any>>) dst(%dma_wait3A_753 : memref<1536x128xf32, #tpu.memory_space<vmem>>)
    %dma_start3A_757 = arith.constant 1 : i32
    %dma_start3A_758 = arith.constant 1 : i32
    %dma_start3A_759 = tpu.memref_slice %arg5[%dma_start3A_758] : memref<8x!tpu.dma_semaphore, #tpu.memory_space<semaphore_mem>> -> memref<1x!tpu.dma_semaphore, #tpu.memory_space<semaphore_mem>>
    %dma_start3A_760 = tpu.memref_squeeze %dma_start3A_759 : memref<1x!tpu.dma_semaphore, #tpu.memory_space<semaphore_mem>> -> memref<!tpu.dma_semaphore, #tpu.memory_space<semaphore_mem>>
    %dma_start3A_761 = arith.constant 133632 : i32
    %dma_start3A_762 = arith.constant 0 : i32
    %dma_start3A_763 = tpu.memref_slice %arg2[%dma_start3A_761, %dma_start3A_762] : memref<196608x128xf32, #tpu.memory_space<any>> -> memref<1536x128xf32, #tpu.memory_space<any>>
    %dma_start3A_764 = arith.constant 0 : i32
    %dma_start3A_765 = arith.constant 0 : i32
    %dma_start3A_766 = tpu.memref_slice %arg3[%dma_start3A_757, %dma_start3A_764, %dma_start3A_765] : memref<8x1536x128xf32, #tpu.memory_space<vmem>> -> memref<1x1536x128xf32, #tpu.memory_space<vmem>>
    %dma_start3A_767 = tpu.memref_squeeze %dma_start3A_766 : memref<1x1536x128xf32, #tpu.memory_space<vmem>> -> memref<1536x128xf32, #tpu.memory_space<vmem>>
    tpu.enqueue_dma source(%dma_start3A_767 : memref<1536x128xf32, #tpu.memory_space<vmem>>) target(%dma_start3A_763 : memref<1536x128xf32, #tpu.memory_space<any>>) target_semaphore(%dma_start3A_760 : memref<!tpu.dma_semaphore, #tpu.memory_space<semaphore_mem>>)
    %dma_wait3A_768 = arith.constant 5 : i32
    %dma_wait3A_769 = arith.constant 5 : i32
    %dma_wait3A_770 = tpu.memref_slice %arg5[%dma_wait3A_769] : memref<8x!tpu.dma_semaphore, #tpu.memory_space<semaphore_mem>> -> memref<1x!tpu.dma_semaphore, #tpu.memory_space<semaphore_mem>>
    %dma_wait3A_771 = tpu.memref_squeeze %dma_wait3A_770 : memref<1x!tpu.dma_semaphore, #tpu.memory_space<semaphore_mem>> -> memref<!tpu.dma_semaphore, #tpu.memory_space<semaphore_mem>>
    %dma_wait3A_772 = arith.constant 142848 : i32
    %dma_wait3A_773 = arith.constant 0 : i32
    %dma_wait3A_774 = tpu.memref_slice %arg2[%dma_wait3A_772, %dma_wait3A_773] : memref<196608x128xf32, #tpu.memory_space<any>> -> memref<1536x128xf32, #tpu.memory_space<any>>
    %dma_wait3A_775 = arith.constant 0 : i32
    %dma_wait3A_776 = arith.constant 0 : i32
    %dma_wait3A_777 = tpu.memref_slice %arg3[%dma_wait3A_768, %dma_wait3A_775, %dma_wait3A_776] : memref<8x1536x128xf32, #tpu.memory_space<vmem>> -> memref<1x1536x128xf32, #tpu.memory_space<vmem>>
    %dma_wait3A_778 = tpu.memref_squeeze %dma_wait3A_777 : memref<1x1536x128xf32, #tpu.memory_space<vmem>> -> memref<1536x128xf32, #tpu.memory_space<vmem>>
    tpu.wait_dma2 semaphore(%dma_wait3A_771 : memref<!tpu.dma_semaphore, #tpu.memory_space<semaphore_mem>>) src(%dma_wait3A_778 : memref<1536x128xf32, #tpu.memory_space<vmem>>) dst(%dma_wait3A_774 : memref<1536x128xf32, #tpu.memory_space<any>>)
    %dma_start3A_779 = arith.constant 5 : i32
    %dma_start3A_780 = arith.constant 5 : i32
    %dma_start3A_781 = tpu.memref_slice %arg4[%dma_start3A_780] : memref<8x!tpu.dma_semaphore, #tpu.memory_space<semaphore_mem>> -> memref<1x!tpu.dma_semaphore, #tpu.memory_space<semaphore_mem>>
    %dma_start3A_782 = tpu.memref_squeeze %dma_start3A_781 : memref<1x!tpu.dma_semaphore, #tpu.memory_space<semaphore_mem>> -> memref<!tpu.dma_semaphore, #tpu.memory_space<semaphore_mem>>
    %dma_start3A_783 = arith.constant 0 : i32
    %dma_start3A_784 = arith.constant 0 : i32
    %dma_start3A_785 = tpu.memref_slice %arg3[%dma_start3A_779, %dma_start3A_783, %dma_start3A_784] : memref<8x1536x128xf32, #tpu.memory_space<vmem>> -> memref<1x1536x128xf32, #tpu.memory_space<vmem>>
    %dma_start3A_786 = tpu.memref_squeeze %dma_start3A_785 : memref<1x1536x128xf32, #tpu.memory_space<vmem>> -> memref<1536x128xf32, #tpu.memory_space<vmem>>
    %dma_start3A_787 = arith.constant 46080 : i32
    %dma_start3A_788 = arith.constant 0 : i32
    %dma_start3A_789 = tpu.memref_slice %arg0[%dma_start3A_787, %dma_start3A_788] : memref<49152x128xf32, #tpu.memory_space<any>> -> memref<1536x128xf32, #tpu.memory_space<any>>
    tpu.enqueue_dma source(%dma_start3A_789 : memref<1536x128xf32, #tpu.memory_space<any>>) target(%dma_start3A_786 : memref<1536x128xf32, #tpu.memory_space<vmem>>) target_semaphore(%dma_start3A_782 : memref<!tpu.dma_semaphore, #tpu.memory_space<semaphore_mem>>)
    %dma_wait3A_790 = arith.constant 2 : i32
    %dma_wait3A_791 = arith.constant 2 : i32
    %dma_wait3A_792 = tpu.memref_slice %arg4[%dma_wait3A_791] : memref<8x!tpu.dma_semaphore, #tpu.memory_space<semaphore_mem>> -> memref<1x!tpu.dma_semaphore, #tpu.memory_space<semaphore_mem>>
    %dma_wait3A_793 = tpu.memref_squeeze %dma_wait3A_792 : memref<1x!tpu.dma_semaphore, #tpu.memory_space<semaphore_mem>> -> memref<!tpu.dma_semaphore, #tpu.memory_space<semaphore_mem>>
    %dma_wait3A_794 = arith.constant 0 : i32
    %dma_wait3A_795 = arith.constant 0 : i32
    %dma_wait3A_796 = tpu.memref_slice %arg3[%dma_wait3A_790, %dma_wait3A_794, %dma_wait3A_795] : memref<8x1536x128xf32, #tpu.memory_space<vmem>> -> memref<1x1536x128xf32, #tpu.memory_space<vmem>>
    %dma_wait3A_797 = tpu.memref_squeeze %dma_wait3A_796 : memref<1x1536x128xf32, #tpu.memory_space<vmem>> -> memref<1536x128xf32, #tpu.memory_space<vmem>>
    %dma_wait3A_798 = arith.constant 39936 : i32
    %dma_wait3A_799 = arith.constant 0 : i32
    %dma_wait3A_800 = tpu.memref_slice %arg0[%dma_wait3A_798, %dma_wait3A_799] : memref<49152x128xf32, #tpu.memory_space<any>> -> memref<1536x128xf32, #tpu.memory_space<any>>
    tpu.wait_dma2 semaphore(%dma_wait3A_793 : memref<!tpu.dma_semaphore, #tpu.memory_space<semaphore_mem>>) src(%dma_wait3A_800 : memref<1536x128xf32, #tpu.memory_space<any>>) dst(%dma_wait3A_797 : memref<1536x128xf32, #tpu.memory_space<vmem>>)
    %dma_start3A_801 = arith.constant 2 : i32
    %dma_start3A_802 = arith.constant 2 : i32
    %dma_start3A_803 = tpu.memref_slice %arg5[%dma_start3A_802] : memref<8x!tpu.dma_semaphore, #tpu.memory_space<semaphore_mem>> -> memref<1x!tpu.dma_semaphore, #tpu.memory_space<semaphore_mem>>
    %dma_start3A_804 = tpu.memref_squeeze %dma_start3A_803 : memref<1x!tpu.dma_semaphore, #tpu.memory_space<semaphore_mem>> -> memref<!tpu.dma_semaphore, #tpu.memory_space<semaphore_mem>>
    %dma_start3A_805 = arith.constant 136704 : i32
    %dma_start3A_806 = arith.constant 0 : i32
    %dma_start3A_807 = tpu.memref_slice %arg2[%dma_start3A_805, %dma_start3A_806] : memref<196608x128xf32, #tpu.memory_space<any>> -> memref<1536x128xf32, #tpu.memory_space<any>>
    %dma_start3A_808 = arith.constant 0 : i32
    %dma_start3A_809 = arith.constant 0 : i32
    %dma_start3A_810 = tpu.memref_slice %arg3[%dma_start3A_801, %dma_start3A_808, %dma_start3A_809] : memref<8x1536x128xf32, #tpu.memory_space<vmem>> -> memref<1x1536x128xf32, #tpu.memory_space<vmem>>
    %dma_start3A_811 = tpu.memref_squeeze %dma_start3A_810 : memref<1x1536x128xf32, #tpu.memory_space<vmem>> -> memref<1536x128xf32, #tpu.memory_space<vmem>>
    tpu.enqueue_dma source(%dma_start3A_811 : memref<1536x128xf32, #tpu.memory_space<vmem>>) target(%dma_start3A_807 : memref<1536x128xf32, #tpu.memory_space<any>>) target_semaphore(%dma_start3A_804 : memref<!tpu.dma_semaphore, #tpu.memory_space<semaphore_mem>>)
    %dma_wait3A_812 = arith.constant 3 : i32
    %dma_wait3A_813 = arith.constant 3 : i32
    %dma_wait3A_814 = tpu.memref_slice %arg4[%dma_wait3A_813] : memref<8x!tpu.dma_semaphore, #tpu.memory_space<semaphore_mem>> -> memref<1x!tpu.dma_semaphore, #tpu.memory_space<semaphore_mem>>
    %dma_wait3A_815 = tpu.memref_squeeze %dma_wait3A_814 : memref<1x!tpu.dma_semaphore, #tpu.memory_space<semaphore_mem>> -> memref<!tpu.dma_semaphore, #tpu.memory_space<semaphore_mem>>
    %dma_wait3A_816 = arith.constant 0 : i32
    %dma_wait3A_817 = arith.constant 0 : i32
    %dma_wait3A_818 = tpu.memref_slice %arg3[%dma_wait3A_812, %dma_wait3A_816, %dma_wait3A_817] : memref<8x1536x128xf32, #tpu.memory_space<vmem>> -> memref<1x1536x128xf32, #tpu.memory_space<vmem>>
    %dma_wait3A_819 = tpu.memref_squeeze %dma_wait3A_818 : memref<1x1536x128xf32, #tpu.memory_space<vmem>> -> memref<1536x128xf32, #tpu.memory_space<vmem>>
    %dma_wait3A_820 = arith.constant 41472 : i32
    %dma_wait3A_821 = arith.constant 0 : i32
    %dma_wait3A_822 = tpu.memref_slice %arg0[%dma_wait3A_820, %dma_wait3A_821] : memref<49152x128xf32, #tpu.memory_space<any>> -> memref<1536x128xf32, #tpu.memory_space<any>>
    tpu.wait_dma2 semaphore(%dma_wait3A_815 : memref<!tpu.dma_semaphore, #tpu.memory_space<semaphore_mem>>) src(%dma_wait3A_822 : memref<1536x128xf32, #tpu.memory_space<any>>) dst(%dma_wait3A_819 : memref<1536x128xf32, #tpu.memory_space<vmem>>)
    %dma_start3A_823 = arith.constant 3 : i32
    %dma_start3A_824 = arith.constant 3 : i32
    %dma_start3A_825 = tpu.memref_slice %arg5[%dma_start3A_824] : memref<8x!tpu.dma_semaphore, #tpu.memory_space<semaphore_mem>> -> memref<1x!tpu.dma_semaphore, #tpu.memory_space<semaphore_mem>>
    %dma_start3A_826 = tpu.memref_squeeze %dma_start3A_825 : memref<1x!tpu.dma_semaphore, #tpu.memory_space<semaphore_mem>> -> memref<!tpu.dma_semaphore, #tpu.memory_space<semaphore_mem>>
    %dma_start3A_827 = arith.constant 159744 : i32
    %dma_start3A_828 = arith.constant 0 : i32
    %dma_start3A_829 = tpu.memref_slice %arg2[%dma_start3A_827, %dma_start3A_828] : memref<196608x128xf32, #tpu.memory_space<any>> -> memref<1536x128xf32, #tpu.memory_space<any>>
    %dma_start3A_830 = arith.constant 0 : i32
    %dma_start3A_831 = arith.constant 0 : i32
    %dma_start3A_832 = tpu.memref_slice %arg3[%dma_start3A_823, %dma_start3A_830, %dma_start3A_831] : memref<8x1536x128xf32, #tpu.memory_space<vmem>> -> memref<1x1536x128xf32, #tpu.memory_space<vmem>>
    %dma_start3A_833 = tpu.memref_squeeze %dma_start3A_832 : memref<1x1536x128xf32, #tpu.memory_space<vmem>> -> memref<1536x128xf32, #tpu.memory_space<vmem>>
    tpu.enqueue_dma source(%dma_start3A_833 : memref<1536x128xf32, #tpu.memory_space<vmem>>) target(%dma_start3A_829 : memref<1536x128xf32, #tpu.memory_space<any>>) target_semaphore(%dma_start3A_826 : memref<!tpu.dma_semaphore, #tpu.memory_space<semaphore_mem>>)
    %dma_wait3A_834 = arith.constant 4 : i32
    %dma_wait3A_835 = arith.constant 4 : i32
    %dma_wait3A_836 = tpu.memref_slice %arg4[%dma_wait3A_835] : memref<8x!tpu.dma_semaphore, #tpu.memory_space<semaphore_mem>> -> memref<1x!tpu.dma_semaphore, #tpu.memory_space<semaphore_mem>>
    %dma_wait3A_837 = tpu.memref_squeeze %dma_wait3A_836 : memref<1x!tpu.dma_semaphore, #tpu.memory_space<semaphore_mem>> -> memref<!tpu.dma_semaphore, #tpu.memory_space<semaphore_mem>>
    %dma_wait3A_838 = arith.constant 0 : i32
    %dma_wait3A_839 = arith.constant 0 : i32
    %dma_wait3A_840 = tpu.memref_slice %arg3[%dma_wait3A_834, %dma_wait3A_838, %dma_wait3A_839] : memref<8x1536x128xf32, #tpu.memory_space<vmem>> -> memref<1x1536x128xf32, #tpu.memory_space<vmem>>
    %dma_wait3A_841 = tpu.memref_squeeze %dma_wait3A_840 : memref<1x1536x128xf32, #tpu.memory_space<vmem>> -> memref<1536x128xf32, #tpu.memory_space<vmem>>
    %dma_wait3A_842 = arith.constant 43008 : i32
    %dma_wait3A_843 = arith.constant 0 : i32
    %dma_wait3A_844 = tpu.memref_slice %arg0[%dma_wait3A_842, %dma_wait3A_843] : memref<49152x128xf32, #tpu.memory_space<any>> -> memref<1536x128xf32, #tpu.memory_space<any>>
    tpu.wait_dma2 semaphore(%dma_wait3A_837 : memref<!tpu.dma_semaphore, #tpu.memory_space<semaphore_mem>>) src(%dma_wait3A_844 : memref<1536x128xf32, #tpu.memory_space<any>>) dst(%dma_wait3A_841 : memref<1536x128xf32, #tpu.memory_space<vmem>>)
    %dma_start3A_845 = arith.constant 4 : i32
    %dma_start3A_846 = arith.constant 4 : i32
    %dma_start3A_847 = tpu.memref_slice %arg5[%dma_start3A_846] : memref<8x!tpu.dma_semaphore, #tpu.memory_space<semaphore_mem>> -> memref<1x!tpu.dma_semaphore, #tpu.memory_space<semaphore_mem>>
    %dma_start3A_848 = tpu.memref_squeeze %dma_start3A_847 : memref<1x!tpu.dma_semaphore, #tpu.memory_space<semaphore_mem>> -> memref<!tpu.dma_semaphore, #tpu.memory_space<semaphore_mem>>
    %dma_start3A_849 = arith.constant 115200 : i32
    %dma_start3A_850 = arith.constant 0 : i32
    %dma_start3A_851 = tpu.memref_slice %arg2[%dma_start3A_849, %dma_start3A_850] : memref<196608x128xf32, #tpu.memory_space<any>> -> memref<1536x128xf32, #tpu.memory_space<any>>
    %dma_start3A_852 = arith.constant 0 : i32
    %dma_start3A_853 = arith.constant 0 : i32
    %dma_start3A_854 = tpu.memref_slice %arg3[%dma_start3A_845, %dma_start3A_852, %dma_start3A_853] : memref<8x1536x128xf32, #tpu.memory_space<vmem>> -> memref<1x1536x128xf32, #tpu.memory_space<vmem>>
    %dma_start3A_855 = tpu.memref_squeeze %dma_start3A_854 : memref<1x1536x128xf32, #tpu.memory_space<vmem>> -> memref<1536x128xf32, #tpu.memory_space<vmem>>
    tpu.enqueue_dma source(%dma_start3A_855 : memref<1536x128xf32, #tpu.memory_space<vmem>>) target(%dma_start3A_851 : memref<1536x128xf32, #tpu.memory_space<any>>) target_semaphore(%dma_start3A_848 : memref<!tpu.dma_semaphore, #tpu.memory_space<semaphore_mem>>)
    %dma_wait3A_856 = arith.constant 5 : i32
    %dma_wait3A_857 = arith.constant 5 : i32
    %dma_wait3A_858 = tpu.memref_slice %arg4[%dma_wait3A_857] : memref<8x!tpu.dma_semaphore, #tpu.memory_space<semaphore_mem>> -> memref<1x!tpu.dma_semaphore, #tpu.memory_space<semaphore_mem>>
    %dma_wait3A_859 = tpu.memref_squeeze %dma_wait3A_858 : memref<1x!tpu.dma_semaphore, #tpu.memory_space<semaphore_mem>> -> memref<!tpu.dma_semaphore, #tpu.memory_space<semaphore_mem>>
    %dma_wait3A_860 = arith.constant 0 : i32
    %dma_wait3A_861 = arith.constant 0 : i32
    %dma_wait3A_862 = tpu.memref_slice %arg3[%dma_wait3A_856, %dma_wait3A_860, %dma_wait3A_861] : memref<8x1536x128xf32, #tpu.memory_space<vmem>> -> memref<1x1536x128xf32, #tpu.memory_space<vmem>>
    %dma_wait3A_863 = tpu.memref_squeeze %dma_wait3A_862 : memref<1x1536x128xf32, #tpu.memory_space<vmem>> -> memref<1536x128xf32, #tpu.memory_space<vmem>>
    %dma_wait3A_864 = arith.constant 46080 : i32
    %dma_wait3A_865 = arith.constant 0 : i32
    %dma_wait3A_866 = tpu.memref_slice %arg0[%dma_wait3A_864, %dma_wait3A_865] : memref<49152x128xf32, #tpu.memory_space<any>> -> memref<1536x128xf32, #tpu.memory_space<any>>
    tpu.wait_dma2 semaphore(%dma_wait3A_859 : memref<!tpu.dma_semaphore, #tpu.memory_space<semaphore_mem>>) src(%dma_wait3A_866 : memref<1536x128xf32, #tpu.memory_space<any>>) dst(%dma_wait3A_863 : memref<1536x128xf32, #tpu.memory_space<vmem>>)
    %dma_start3A_867 = arith.constant 5 : i32
    %dma_start3A_868 = arith.constant 5 : i32
    %dma_start3A_869 = tpu.memref_slice %arg5[%dma_start3A_868] : memref<8x!tpu.dma_semaphore, #tpu.memory_space<semaphore_mem>> -> memref<1x!tpu.dma_semaphore, #tpu.memory_space<semaphore_mem>>
    %dma_start3A_870 = tpu.memref_squeeze %dma_start3A_869 : memref<1x!tpu.dma_semaphore, #tpu.memory_space<semaphore_mem>> -> memref<!tpu.dma_semaphore, #tpu.memory_space<semaphore_mem>>
    %dma_start3A_871 = arith.constant 138240 : i32
    %dma_start3A_872 = arith.constant 0 : i32
    %dma_start3A_873 = tpu.memref_slice %arg2[%dma_start3A_871, %dma_start3A_872] : memref<196608x128xf32, #tpu.memory_space<any>> -> memref<1536x128xf32, #tpu.memory_space<any>>
    %dma_start3A_874 = arith.constant 0 : i32
    %dma_start3A_875 = arith.constant 0 : i32
    %dma_start3A_876 = tpu.memref_slice %arg3[%dma_start3A_867, %dma_start3A_874, %dma_start3A_875] : memref<8x1536x128xf32, #tpu.memory_space<vmem>> -> memref<1x1536x128xf32, #tpu.memory_space<vmem>>
    %dma_start3A_877 = tpu.memref_squeeze %dma_start3A_876 : memref<1x1536x128xf32, #tpu.memory_space<vmem>> -> memref<1536x128xf32, #tpu.memory_space<vmem>>
    tpu.enqueue_dma source(%dma_start3A_877 : memref<1536x128xf32, #tpu.memory_space<vmem>>) target(%dma_start3A_873 : memref<1536x128xf32, #tpu.memory_space<any>>) target_semaphore(%dma_start3A_870 : memref<!tpu.dma_semaphore, #tpu.memory_space<semaphore_mem>>)
    %dma_wait3A_878 = arith.constant 6 : i32
    %dma_wait3A_879 = arith.constant 6 : i32
    %dma_wait3A_880 = tpu.memref_slice %arg5[%dma_wait3A_879] : memref<8x!tpu.dma_semaphore, #tpu.memory_space<semaphore_mem>> -> memref<1x!tpu.dma_semaphore, #tpu.memory_space<semaphore_mem>>
    %dma_wait3A_881 = tpu.memref_squeeze %dma_wait3A_880 : memref<1x!tpu.dma_semaphore, #tpu.memory_space<semaphore_mem>> -> memref<!tpu.dma_semaphore, #tpu.memory_space<semaphore_mem>>
    %dma_wait3A_882 = arith.constant 0 : i32
    %dma_wait3A_883 = arith.constant 0 : i32
    %dma_wait3A_884 = tpu.memref_slice %arg2[%dma_wait3A_882, %dma_wait3A_883] : memref<196608x128xf32, #tpu.memory_space<any>> -> memref<1536x128xf32, #tpu.memory_space<any>>
    %dma_wait3A_885 = arith.constant 0 : i32
    %dma_wait3A_886 = arith.constant 0 : i32
    %dma_wait3A_887 = tpu.memref_slice %arg3[%dma_wait3A_878, %dma_wait3A_885, %dma_wait3A_886] : memref<8x1536x128xf32, #tpu.memory_space<vmem>> -> memref<1x1536x128xf32, #tpu.memory_space<vmem>>
    %dma_wait3A_888 = tpu.memref_squeeze %dma_wait3A_887 : memref<1x1536x128xf32, #tpu.memory_space<vmem>> -> memref<1536x128xf32, #tpu.memory_space<vmem>>
    tpu.wait_dma2 semaphore(%dma_wait3A_881 : memref<!tpu.dma_semaphore, #tpu.memory_space<semaphore_mem>>) src(%dma_wait3A_888 : memref<1536x128xf32, #tpu.memory_space<vmem>>) dst(%dma_wait3A_884 : memref<1536x128xf32, #tpu.memory_space<any>>)
    %dma_wait3A_889 = arith.constant 7 : i32
    %dma_wait3A_890 = arith.constant 7 : i32
    %dma_wait3A_891 = tpu.memref_slice %arg5[%dma_wait3A_890] : memref<8x!tpu.dma_semaphore, #tpu.memory_space<semaphore_mem>> -> memref<1x!tpu.dma_semaphore, #tpu.memory_space<semaphore_mem>>
    %dma_wait3A_892 = tpu.memref_squeeze %dma_wait3A_891 : memref<1x!tpu.dma_semaphore, #tpu.memory_space<semaphore_mem>> -> memref<!tpu.dma_semaphore, #tpu.memory_space<semaphore_mem>>
    %dma_wait3A_893 = arith.constant 75264 : i32
    %dma_wait3A_894 = arith.constant 0 : i32
    %dma_wait3A_895 = tpu.memref_slice %arg2[%dma_wait3A_893, %dma_wait3A_894] : memref<196608x128xf32, #tpu.memory_space<any>> -> memref<1536x128xf32, #tpu.memory_space<any>>
    %dma_wait3A_896 = arith.constant 0 : i32
    %dma_wait3A_897 = arith.constant 0 : i32
    %dma_wait3A_898 = tpu.memref_slice %arg3[%dma_wait3A_889, %dma_wait3A_896, %dma_wait3A_897] : memref<8x1536x128xf32, #tpu.memory_space<vmem>> -> memref<1x1536x128xf32, #tpu.memory_space<vmem>>
    %dma_wait3A_899 = tpu.memref_squeeze %dma_wait3A_898 : memref<1x1536x128xf32, #tpu.memory_space<vmem>> -> memref<1536x128xf32, #tpu.memory_space<vmem>>
    tpu.wait_dma2 semaphore(%dma_wait3A_892 : memref<!tpu.dma_semaphore, #tpu.memory_space<semaphore_mem>>) src(%dma_wait3A_899 : memref<1536x128xf32, #tpu.memory_space<vmem>>) dst(%dma_wait3A_895 : memref<1536x128xf32, #tpu.memory_space<any>>)
    %dma_wait3A_900 = arith.constant 0 : i32
    %dma_wait3A_901 = arith.constant 0 : i32
    %dma_wait3A_902 = tpu.memref_slice %arg5[%dma_wait3A_901] : memref<8x!tpu.dma_semaphore, #tpu.memory_space<semaphore_mem>> -> memref<1x!tpu.dma_semaphore, #tpu.memory_space<semaphore_mem>>
    %dma_wait3A_903 = tpu.memref_squeeze %dma_wait3A_902 : memref<1x!tpu.dma_semaphore, #tpu.memory_space<semaphore_mem>> -> memref<!tpu.dma_semaphore, #tpu.memory_space<semaphore_mem>>
    %dma_wait3A_904 = arith.constant 105984 : i32
    %dma_wait3A_905 = arith.constant 0 : i32
    %dma_wait3A_906 = tpu.memref_slice %arg2[%dma_wait3A_904, %dma_wait3A_905] : memref<196608x128xf32, #tpu.memory_space<any>> -> memref<1536x128xf32, #tpu.memory_space<any>>
    %dma_wait3A_907 = arith.constant 0 : i32
    %dma_wait3A_908 = arith.constant 0 : i32
    %dma_wait3A_909 = tpu.memref_slice %arg3[%dma_wait3A_900, %dma_wait3A_907, %dma_wait3A_908] : memref<8x1536x128xf32, #tpu.memory_space<vmem>> -> memref<1x1536x128xf32, #tpu.memory_space<vmem>>
    %dma_wait3A_910 = tpu.memref_squeeze %dma_wait3A_909 : memref<1x1536x128xf32, #tpu.memory_space<vmem>> -> memref<1536x128xf32, #tpu.memory_space<vmem>>
    tpu.wait_dma2 semaphore(%dma_wait3A_903 : memref<!tpu.dma_semaphore, #tpu.memory_space<semaphore_mem>>) src(%dma_wait3A_910 : memref<1536x128xf32, #tpu.memory_space<vmem>>) dst(%dma_wait3A_906 : memref<1536x128xf32, #tpu.memory_space<any>>)
    %dma_wait3A_911 = arith.constant 1 : i32
    %dma_wait3A_912 = arith.constant 1 : i32
    %dma_wait3A_913 = tpu.memref_slice %arg5[%dma_wait3A_912] : memref<8x!tpu.dma_semaphore, #tpu.memory_space<semaphore_mem>> -> memref<1x!tpu.dma_semaphore, #tpu.memory_space<semaphore_mem>>
    %dma_wait3A_914 = tpu.memref_squeeze %dma_wait3A_913 : memref<1x!tpu.dma_semaphore, #tpu.memory_space<semaphore_mem>> -> memref<!tpu.dma_semaphore, #tpu.memory_space<semaphore_mem>>
    %dma_wait3A_915 = arith.constant 133632 : i32
    %dma_wait3A_916 = arith.constant 0 : i32
    %dma_wait3A_917 = tpu.memref_slice %arg2[%dma_wait3A_915, %dma_wait3A_916] : memref<196608x128xf32, #tpu.memory_space<any>> -> memref<1536x128xf32, #tpu.memory_space<any>>
    %dma_wait3A_918 = arith.constant 0 : i32
    %dma_wait3A_919 = arith.constant 0 : i32
    %dma_wait3A_920 = tpu.memref_slice %arg3[%dma_wait3A_911, %dma_wait3A_918, %dma_wait3A_919] : memref<8x1536x128xf32, #tpu.memory_space<vmem>> -> memref<1x1536x128xf32, #tpu.memory_space<vmem>>
    %dma_wait3A_921 = tpu.memref_squeeze %dma_wait3A_920 : memref<1x1536x128xf32, #tpu.memory_space<vmem>> -> memref<1536x128xf32, #tpu.memory_space<vmem>>
    tpu.wait_dma2 semaphore(%dma_wait3A_914 : memref<!tpu.dma_semaphore, #tpu.memory_space<semaphore_mem>>) src(%dma_wait3A_921 : memref<1536x128xf32, #tpu.memory_space<vmem>>) dst(%dma_wait3A_917 : memref<1536x128xf32, #tpu.memory_space<any>>)
    %dma_wait3A_922 = arith.constant 2 : i32
    %dma_wait3A_923 = arith.constant 2 : i32
    %dma_wait3A_924 = tpu.memref_slice %arg5[%dma_wait3A_923] : memref<8x!tpu.dma_semaphore, #tpu.memory_space<semaphore_mem>> -> memref<1x!tpu.dma_semaphore, #tpu.memory_space<semaphore_mem>>
    %dma_wait3A_925 = tpu.memref_squeeze %dma_wait3A_924 : memref<1x!tpu.dma_semaphore, #tpu.memory_space<semaphore_mem>> -> memref<!tpu.dma_semaphore, #tpu.memory_space<semaphore_mem>>
    %dma_wait3A_926 = arith.constant 136704 : i32
    %dma_wait3A_927 = arith.constant 0 : i32
    %dma_wait3A_928 = tpu.memref_slice %arg2[%dma_wait3A_926, %dma_wait3A_927] : memref<196608x128xf32, #tpu.memory_space<any>> -> memref<1536x128xf32, #tpu.memory_space<any>>
    %dma_wait3A_929 = arith.constant 0 : i32
    %dma_wait3A_930 = arith.constant 0 : i32
    %dma_wait3A_931 = tpu.memref_slice %arg3[%dma_wait3A_922, %dma_wait3A_929, %dma_wait3A_930] : memref<8x1536x128xf32, #tpu.memory_space<vmem>> -> memref<1x1536x128xf32, #tpu.memory_space<vmem>>
    %dma_wait3A_932 = tpu.memref_squeeze %dma_wait3A_931 : memref<1x1536x128xf32, #tpu.memory_space<vmem>> -> memref<1536x128xf32, #tpu.memory_space<vmem>>
    tpu.wait_dma2 semaphore(%dma_wait3A_925 : memref<!tpu.dma_semaphore, #tpu.memory_space<semaphore_mem>>) src(%dma_wait3A_932 : memref<1536x128xf32, #tpu.memory_space<vmem>>) dst(%dma_wait3A_928 : memref<1536x128xf32, #tpu.memory_space<any>>)
    %dma_wait3A_933 = arith.constant 3 : i32
    %dma_wait3A_934 = arith.constant 3 : i32
    %dma_wait3A_935 = tpu.memref_slice %arg5[%dma_wait3A_934] : memref<8x!tpu.dma_semaphore, #tpu.memory_space<semaphore_mem>> -> memref<1x!tpu.dma_semaphore, #tpu.memory_space<semaphore_mem>>
    %dma_wait3A_936 = tpu.memref_squeeze %dma_wait3A_935 : memref<1x!tpu.dma_semaphore, #tpu.memory_space<semaphore_mem>> -> memref<!tpu.dma_semaphore, #tpu.memory_space<semaphore_mem>>
    %dma_wait3A_937 = arith.constant 159744 : i32
    %dma_wait3A_938 = arith.constant 0 : i32
    %dma_wait3A_939 = tpu.memref_slice %arg2[%dma_wait3A_937, %dma_wait3A_938] : memref<196608x128xf32, #tpu.memory_space<any>> -> memref<1536x128xf32, #tpu.memory_space<any>>
    %dma_wait3A_940 = arith.constant 0 : i32
    %dma_wait3A_941 = arith.constant 0 : i32
    %dma_wait3A_942 = tpu.memref_slice %arg3[%dma_wait3A_933, %dma_wait3A_940, %dma_wait3A_941] : memref<8x1536x128xf32, #tpu.memory_space<vmem>> -> memref<1x1536x128xf32, #tpu.memory_space<vmem>>
    %dma_wait3A_943 = tpu.memref_squeeze %dma_wait3A_942 : memref<1x1536x128xf32, #tpu.memory_space<vmem>> -> memref<1536x128xf32, #tpu.memory_space<vmem>>
    tpu.wait_dma2 semaphore(%dma_wait3A_936 : memref<!tpu.dma_semaphore, #tpu.memory_space<semaphore_mem>>) src(%dma_wait3A_943 : memref<1536x128xf32, #tpu.memory_space<vmem>>) dst(%dma_wait3A_939 : memref<1536x128xf32, #tpu.memory_space<any>>)
    %dma_wait3A_944 = arith.constant 4 : i32
    %dma_wait3A_945 = arith.constant 4 : i32
    %dma_wait3A_946 = tpu.memref_slice %arg5[%dma_wait3A_945] : memref<8x!tpu.dma_semaphore, #tpu.memory_space<semaphore_mem>> -> memref<1x!tpu.dma_semaphore, #tpu.memory_space<semaphore_mem>>
    %dma_wait3A_947 = tpu.memref_squeeze %dma_wait3A_946 : memref<1x!tpu.dma_semaphore, #tpu.memory_space<semaphore_mem>> -> memref<!tpu.dma_semaphore, #tpu.memory_space<semaphore_mem>>
    %dma_wait3A_948 = arith.constant 115200 : i32
    %dma_wait3A_949 = arith.constant 0 : i32
    %dma_wait3A_950 = tpu.memref_slice %arg2[%dma_wait3A_948, %dma_wait3A_949] : memref<196608x128xf32, #tpu.memory_space<any>> -> memref<1536x128xf32, #tpu.memory_space<any>>
    %dma_wait3A_951 = arith.constant 0 : i32
    %dma_wait3A_952 = arith.constant 0 : i32
    %dma_wait3A_953 = tpu.memref_slice %arg3[%dma_wait3A_944, %dma_wait3A_951, %dma_wait3A_952] : memref<8x1536x128xf32, #tpu.memory_space<vmem>> -> memref<1x1536x128xf32, #tpu.memory_space<vmem>>
    %dma_wait3A_954 = tpu.memref_squeeze %dma_wait3A_953 : memref<1x1536x128xf32, #tpu.memory_space<vmem>> -> memref<1536x128xf32, #tpu.memory_space<vmem>>
    tpu.wait_dma2 semaphore(%dma_wait3A_947 : memref<!tpu.dma_semaphore, #tpu.memory_space<semaphore_mem>>) src(%dma_wait3A_954 : memref<1536x128xf32, #tpu.memory_space<vmem>>) dst(%dma_wait3A_950 : memref<1536x128xf32, #tpu.memory_space<any>>)
    %dma_wait3A_955 = arith.constant 5 : i32
    %dma_wait3A_956 = arith.constant 5 : i32
    %dma_wait3A_957 = tpu.memref_slice %arg5[%dma_wait3A_956] : memref<8x!tpu.dma_semaphore, #tpu.memory_space<semaphore_mem>> -> memref<1x!tpu.dma_semaphore, #tpu.memory_space<semaphore_mem>>
    %dma_wait3A_958 = tpu.memref_squeeze %dma_wait3A_957 : memref<1x!tpu.dma_semaphore, #tpu.memory_space<semaphore_mem>> -> memref<!tpu.dma_semaphore, #tpu.memory_space<semaphore_mem>>
    %dma_wait3A_959 = arith.constant 138240 : i32
    %dma_wait3A_960 = arith.constant 0 : i32
    %dma_wait3A_961 = tpu.memref_slice %arg2[%dma_wait3A_959, %dma_wait3A_960] : memref<196608x128xf32, #tpu.memory_space<any>> -> memref<1536x128xf32, #tpu.memory_space<any>>
    %dma_wait3A_962 = arith.constant 0 : i32
    %dma_wait3A_963 = arith.constant 0 : i32
    %dma_wait3A_964 = tpu.memref_slice %arg3[%dma_wait3A_955, %dma_wait3A_962, %dma_wait3A_963] : memref<8x1536x128xf32, #tpu.memory_space<vmem>> -> memref<1x1536x128xf32, #tpu.memory_space<vmem>>
    %dma_wait3A_965 = tpu.memref_squeeze %dma_wait3A_964 : memref<1x1536x128xf32, #tpu.memory_space<vmem>> -> memref<1536x128xf32, #tpu.memory_space<vmem>>
    tpu.wait_dma2 semaphore(%dma_wait3A_958 : memref<!tpu.dma_semaphore, #tpu.memory_space<semaphore_mem>>) src(%dma_wait3A_965 : memref<1536x128xf32, #tpu.memory_space<vmem>>) dst(%dma_wait3A_961 : memref<1536x128xf32, #tpu.memory_space<any>>)
    return
  }
}

</mosaic_0001>

<sc_bundles>
// kernel: kernel.4.cloned.1.call-start
scs
__scs_entry_jumppad:
0x0: {  	(pc) =	sbr.rel $0x88, $3  }
0x1: {  	(tag) =	ssettag $0x0;
	lr =	simm.s32 $0x1  }
0x2: {  	[smem:$0x3F9F] =	sst lr;
	_ =	strace $0xD0000000  }
0x3: {  	_ = 	snop  }
0x4: {  	_ = 	snop  }
0x5: {  	_ = 	snop  }
0x6: {  	_ = 	snop  }
0x7: {  	_ = 	snop  }
__scs_overlays_trampoline_lowered:
0x8: {  	[smem:$0x3FAE] =	sst s0  }
0x9: {  	[smem:$0x3FAF] =	sst s1  }
0xa: {  	[smem:$0x3FB0] =	sst s2  }
0xb: {  	[smem:$0x3FB1] =	sst s3  }
0xc: {  	[smem:$0x3FB2] =	sst s4  }
0xd: {  	[smem:$0x3FB3] =	sst s5  }
0xe: {  	[smem:$0x3FB4] =	sst s6  }
0xf: {  	[smem:$0x3FB5] =	sst s7  }
0x10: {  	[smem:$0x3FB6] =	sst s8  }
0x11: {  	[smem:$0x3FB7] =	sst s9;
	s0 =	simm.s32 @!p0 $0x0  }
0x12: {  	s1 =	sld [smem:$0x3F9D];
	s0 =	simm.s32 @p0 $0x1  }
0x13: {  	[smem:$0x3FB8] =	sst s0;
	s0 =	simm.s32 @!p1 $0x0  }
0x14: {  	s2 =	sld [smem:$0x3F9C];
	s0 =	simm.s32 @p1 $0x1  }
0x15: {  	[smem:$0x3FB9] =	sst s0;
	s0 =	simm.s32 @!p2 $0x0  }
0x16: {  	s3 =	sld [smem:$0x3FDB];
	s0 =	simm.s32 @p2 $0x1  }
0x17: {  	s4 =	simm.s32 $0x1BF5;
	[smem:$0x3FBB] =	sst s0  }
0x18: {  	s0 =	sld [smem:$0x3F9E];
	_ =	swait.ge [sflag:s4], $0x0  }
0x19: {  	s7 =	sld [smem:$0x3F9F]  }
0x1a: {  	s8 =	sadd.s32 $0xFFFFE003, lr  }
0x1b: {  	s9 =	sadd.s32 $0xFFFFFEF7, lr;
	s5 =	simm.s32 $0xFFFFFFFF;
	p2 =	slt.u32 s8, $0xFFFFF086  }
0x1c: {  	p1 =	slt.u32 s9, $0xF7A;
	s5 =	simm.s32 @!p2 $0x0  }
0x1d: {  	s5 =	simm.s32 @p1 $0x1;
	p0 =	seq.s32 s7, s2  }
0x1e: {  	s7 =	smul.u32 @!p0 $0xF7A, s2;
	p2 =	seq.s32 @!p0 s5, $0x0  }
0x1f: {  	s9 =	smul.u32 $0xF7A, s1;
	s8 =	simm.s32 @!p0 $0x1BF5;
	p2 =	por !p2, p0  }
0x20: {  	[sflag:s8] =	ssyncset.s32 @!p0 $0xFFFFF086;
	s6 =	sadd.s32 @!p0 s3, s7;
	s7 =	simm.s32 @!p0 $0x108  }
0x21: {  	s3 =	sadd.s32 s3, s9;
	s6 =	sadd.s32 @!p0 $0x88, s6;
	s7 =	simm.s32 @p2 $0x1082  }
0x22: {  	[simem:s7], [sflag:s8] =	dma.local @!p0 [hbm:s6], $0xF7A  }
0x23: {  	s9 =	sor.u32 $0xD0000000, s2;
	s6 =	simm.s32 $0x108;
	_ =	swait.ge @!p0 [sflag:s8], $0x0  }
0x24: {  	s3 =	sadd.s32 $0x88, s3;
	s6 =	simm.s32 @!p1 $0x1082;
	[sflag:s4] =	ssyncset.s32 $0xFFFFF086  }
0x25: {  	[simem:s6], [sflag:s4] =	dma.local [hbm:s3], $0xF7A  }
0x26: {  	[smem:$0x3F9F] =	sst s1;
	(tag) =	ssettag s2;
	_ =	strace s9  }
0x27: {  	s1 =	sld [smem:$0x3FAF]  }
0x28: {  	s2 =	sld [smem:$0x3FB0]  }
0x29: {  	s4 =	sld [smem:$0x3FB2]  }
0x2a: {  	p0 =	seq.s32 s5, $0x0;
	s5 =	sld [smem:$0x3FB3]  }
0x2b: {  	s6 =	sld [smem:$0x3FB4]  }
0x2c: {  	s7 =	sld [smem:$0x3FB5]  }
0x2d: {  	s3 =	simm.s32 $0x108;
	s8 =	sld [smem:$0x3FB6]  }
0x2e: {  	s3 =	simm.s32 @!p0 $0x1082;
	s9 =	sld [smem:$0x3FB7]  }
0x2f: {  	lr =	sadd.s32 s0, s3;
	s0 =	sld [smem:$0x3FAE]  }
0x30: {  	s3 =	sld [smem:$0x3FB1]  }
0x31: {  	[smem:$0x3FBA] =	sst s10  }
0x32: {  	s10 =	sld [smem:$0x3FB8];
	_ =	sdelay $0x3  }
0x33: {  	p0 =	seq.s32 s10, $0x1;
	s10 =	sld [smem:$0x3FBA];
	_ =	sdelay $0x3  }
0x34: {  	[smem:$0x3FBA] =	sst s10  }
0x35: {  	s10 =	sld [smem:$0x3FB9];
	_ =	sdelay $0x3  }
0x36: {  	p1 =	seq.s32 s10, $0x1;
	s10 =	sld [smem:$0x3FBA];
	_ =	sdelay $0x3  }
0x37: {  	[smem:$0x3FBA] =	sst s10  }
0x38: {  	s10 =	sld [smem:$0x3FBB]  }
0x39: {  	_ = 	snop;
	(pc) =	sbr.ind lr, $3  }
0x3a: {  	_ = 	snop  }
0x3b: {  	_ = 	snop  }
0x3c: {  	p2 =	seq.s32 s10, $0x1;
	s10 =	sld [smem:$0x3FBA]  }
0x3d: {  	_ =	shalt  }
0x3e: {  	_ =	shalt  }
0x3f: {  	_ =	shalt  }
0x40: {  	_ =	shalt  }
0x41: {  	_ =	shalt  }
0x42: {  	_ =	shalt  }
0x43: {  	_ =	shalt  }
0x44: {  	_ =	shalt  }
0x45: {  	_ =	shalt  }
0x46: {  	_ =	shalt  }
0x47: {  	_ =	shalt  }
0x48: {  	_ =	shalt  }
0x49: {  	_ =	shalt  }
0x4a: {  	_ =	shalt  }
0x4b: {  	_ =	shalt  }
0x4c: {  	_ =	shalt  }
0x4d: {  	_ =	shalt  }
0x4e: {  	_ =	shalt  }
0x4f: {  	_ =	shalt  }
0x50: {  	_ =	shalt  }
0x51: {  	_ =	shalt  }
0x52: {  	_ =	shalt  }
0x53: {  	_ =	shalt  }
0x54: {  	_ =	shalt  }
0x55: {  	_ =	shalt  }
0x56: {  	_ =	shalt  }
0x57: {  	_ =	shalt  }
0x58: {  	_ =	shalt  }
0x59: {  	_ =	shalt  }
0x5a: {  	_ =	shalt  }
0x5b: {  	_ =	shalt  }
0x5c: {  	_ =	shalt  }
0x5d: {  	_ =	shalt  }
0x5e: {  	_ =	shalt  }
0x5f: {  	_ =	shalt  }
0x60: {  	_ =	shalt  }
0x61: {  	_ =	shalt  }
0x62: {  	_ =	shalt  }
0x63: {  	_ =	shalt  }
0x64: {  	_ =	shalt  }
0x65: {  	_ =	shalt  }
0x66: {  	_ =	shalt  }
0x67: {  	_ =	shalt  }
0x68: {  	_ =	shalt  }
0x69: {  	_ =	shalt  }
0x6a: {  	_ =	shalt  }
0x6b: {  	_ =	shalt  }
0x6c: {  	_ =	shalt  }
0x6d: {  	_ =	shalt  }
0x6e: {  	_ =	shalt  }
0x6f: {  	_ =	shalt  }
0x70: {  	_ =	shalt  }
0x71: {  	_ =	shalt  }
0x72: {  	_ =	shalt  }
0x73: {  	_ =	shalt  }
0x74: {  	_ =	shalt  }
0x75: {  	_ =	shalt  }
0x76: {  	_ =	shalt  }
0x77: {  	_ =	shalt  }
0x78: {  	_ =	shalt  }
0x79: {  	_ =	shalt  }
0x7a: {  	_ =	shalt  }
0x7b: {  	_ =	shalt  }
0x7c: {  	_ =	shalt  }
0x7d: {  	_ =	shalt  }
0x7e: {  	_ =	shalt  }
0x7f: {  	_ =	shalt  }
0x80: {  	_ =	shalt  }
0x81: {  	_ =	shalt  }
0x82: {  	_ =	shalt  }
0x83: {  	_ =	shalt  }
0x84: {  	_ =	shalt  }
0x85: {  	_ =	shalt  }
0x86: {  	_ =	shalt  }
0x87: {  	_ =	shalt  }
.Lfunc_end0:
.L_simem_size_0:
called_computation_lowered:
.L_overlay_start_0:
0x88: {  	s2 =	sld [smem:$0x3FD9]  }
0x89: {  	s3 =	sld [smem:$0x3FFE];
	_ =	sdelay $0x1  }
0x8a: {  	s1 =	srdreg.scid  }
0x8b: {  	s0 =	sand.u32 $0x1, s1  }
0x8c: {  	s14 =	sshll.u32 s0, $0xA;
	s2 =	sadd.s32 s3, s2  }
0x8d: {  	s2 =	sadd.s32 s2, s14  }
0x8e: {  	[smem:$0x3FC6] =	sst s2  }
0x8f: {  	_ = 	snop  }
0x90: {  	s2 =	sld [smem:$0x3FD0];
	_ =	sdelay $0x2  }
0x91: {  	s15 =	simm.s32 $0xA;
	s4 =	simm.s32 $0x10  }
0x92: {  	[smem:s4], [sflag:s15] =	dma.local [hbm:s2], $0x1  }
0x93: {  	_ =	swait.eq [sflag:s15], $0x1  }
0x94: {  	[sflag:s15] =	ssyncset.done $0x0  }
0x95: {  	[sflag:s15] =	ssyncadd.s32 $0xFFFFFFFF  }
0x96: {  	s16 =	sld [smem:$0x10];
	(tm) =	ssettm $0x1  }
0x97: {  	s17 =	sld [smem:$0x3FFB];
	_ =	sdelay $0x3  }
0x98: {  	_ =	strace s17  }
0x99: {  	s3 =	sld [smem:$0x3FFC];
	_ =	sdelay $0x3  }
0x9a: {  	_ =	strace s3  }
0x9b: {  	s3 =	sld [smem:$0x3FFD];
	_ =	sdelay $0x3  }
0x9c: {  	_ =	strace s3  }
0x9d: {  	_ =	strace $0x8FFFFFFF  }
0x9e: {  	s18 =	sld [smem:$0x3FDB];
	_ =	sdelay $0x1  }
0x9f: {  	s19 =	simm.s32 $_scs_section_size  }
0xa0: {  	s5 =	simm.s32 $_size__tile_overlayer_lowered;
	s6 =	simm.s32 $_tile_overlayer_lowered  }
0xa1: {  	s22 =	simm.s32 $0x1BFF;
	s21 =	sshll.u32 s6, $0x1;
	s3 =	sadd.s32 s19, s18  }
0xa2: {  	s7 =	simm.s32 $0x0;
	s20 =	sshll.u32 s5, $0x1;
	s5 =	sadd.s32 s21, s3  }
0xa3: {  	[timem:s7], [sflag:s22] =	dma.local [hbm:s5], s20  }
0xa4: {  	_ =	swait.ge [sflag:s22], s20  }
0xa5: {  	s4 =	ssub.s32 $0x0, s20;
	[sflag:s22] =	ssyncset.done $0x0  }
0xa6: {  	[sflag:s22] =	ssyncadd.s32 s4;
	_ =	sdelay $0x1  }
0xa7: {  	s23 =	simm.s32 $0x1B8B  }
0xa8: {  	_ =	swait.ge [sflag:s23], $0x1  }
0xa9: {  	[sflag:s23] =	ssyncset.done $0x0  }
0xaa: {  	s25 =	simm.s32 $0x1B8E;
	s24 =	sld [smem:$0x3FFE];
	[sflag:s23] =	ssyncadd.s32 $0xFFFFFFFF  }
0xab: {  	s26 =	simm.s32 $execute0_lowered;
	[smem:$0x3FD2] =	sst s25  }
0xac: {  	s5 =	sshll.u32 s26, $0x1;
	_ =	strace $0x80000046;
	[dreg:$0x1] =	wrdreg $0xFFFFFFFF  }
0xad: {  	s28 =	simm.s32 $_size_execute0_lowered;
	s3 =	sadd.s32 s3, s5;
	[dreg:$0x0] =	wrdreg $0x0  }
0xae: {  	s5 =	sshll.u32 s28, $0x1;
	[dreg:$0x2] =	wrdreg s3  }
0xaf: {  	[dreg:$0x3] =	wrdreg s5  }
0xb0: {  	[dreg:$0x4] =	wrdreg $0xC0  }
0xb1: {  	_ =	task [dreg:s7], $0x5FFFF  }
0xb2: {  	[dreg:$0x1] =	wrdreg $0xFFFFFFFF  }
0xb3: {  	[dreg:$0x0] =	wrdreg $0x60  }
0xb4: {  	[dreg:$0x2] =	wrdreg s16  }
0xb5: {  	[dreg:$0x3] =	wrdreg s24  }
0xb6: {  	[dreg:$0x4] =	wrdreg $0x9  }
0xb7: {  	_ =	task.clear_ibuf [dreg:s7], $0x5FFFF;
	_ =	strace $0x90000046  }
0xb8: {  	s29 =	simm.s32 $0x9;
	_ =	strace $0x80000048  }
0xb9: {  	_ =	swait.ge [sflag:s29], $0x1  }
0xba: {  	[sflag:s29] =	ssyncadd.s32 $0xFFFFFFFF  }
0xbb: {  	_ =	strace $0x90000048  }
0xbc: {  	_ =	sfence  }
0xbd: {  	s30 =	sld [smem:$0x0];
	_ =	sdelay $0x2  }
0xbe: {  	s31 =	sshll.u32 s1, $0xD;
	s1 =	sshrl.u32 s1, $0x2  }
0xbf: {  	s3 =	sand.u32 $0x4000, s31;
	s1 =	sadd.s32 s1, s30  }
0xc0: {  	s0 =	sor.u32 s3, s0;
	s1 =	sshll.u32 s1, $0x11  }
0xc1: {  	s0 =	sor.u32 s1, s0  }
0xc2: {  	s0 =	sadd.s32 $0x8F2B, s0  }
0xc3: {  	[sflag:s0] =	ssyncadd.remote.s32 $0x1  }
0xc4: {  	_ =	sfence.sel $0xFFFF  }
0xc5: {  	[dreg:$0x0] =	wrdreg $0xFFFFFFFF;
	(pc) =	sbr.abs _section_cstart, $3  }
0xc6: {  	[dreg:$0x1] =	wrdreg $0xFFFFFFFF  }
0xc7: {  	_ =	task.clear_ibuf [dreg:s7], $0x2FFFF;
	_ =	strace $0x9FFFFFFF  }
0xc8: {  	(tm) =	ssettm $0x7FFFFFFF  }
0xc9: {  	_ =	shalt  }
tec
execute0_lowered:
.L_overlay_start_1:
0x0: {  	(tag) =	ssettag $0x1  }
0x1: {  	s0 =	srdreg.scid  }
0x2: {  	s6 =	sand.u32 $0x1, s0  }
0x3: {  	s2 =	stileid.u32;
	s0 =	sshll.u32 s6, $0x4  }
0x4: {  	s0 =	sor.u32 s2, s0  }
0x5: {  	s5 =	rddreg [dreg:$0x1];
	s3 =	smul.u32 $0x1800, s0  }
0x6: {  	s1 =	rddreg [dreg:$0x0];
	s7 =	sadd.s32 $0x1C00, s5;
	s9 =	smul.u32 $0x300, s0  }
0x7: {  	s5 =	sadd.s32 $0x301C00, s5;
	s2 =	simm.s32 $0x0;
	s3 =	sshrl.u32 s3, $0x3  }
0x8: {  	[smem:$0x7FF] =	sst s2;
	s11 =	sadd.s32 s5, s9;
	s4 =	sadd.s32 s7, s3  }
0x9: {  	_ =	strace $0x80000047;
	[dreg:$0x5] =	wrdreg s11;
	s8 =	sadd.s32 $0x1F2000, s4  }
0xa: {  	s10 =	sadd.s32 $0x6000, s3;
	s12 =	sadd.s32 $0x186000, s4;
	[dreg:$0x3] =	wrdreg s8  }
0xb: {  	s13 =	sadd.s32 s5, s10;
	[dreg:$0x6] =	wrdreg s12  }
0xc: {  	s14 =	sadd.s32 $0x1B6000, s4;
	[dreg:$0x7] =	wrdreg s13  }
0xd: {  	s16 =	sadd.s32 $0x1D4000, s4;
	[dreg:$0x8] =	wrdreg s14  }
0xe: {  	s11 =	sadd.s32 $0x5A000, s3;
	s18 =	sadd.s32 $0xC0000, s4;
	[dreg:$0xa] =	wrdreg s16  }
0xf: {  	s22 =	sadd.s32 $0x2A000, s3;
	s20 =	sadd.s32 s7, s11;
	[dreg:$0xc] =	wrdreg s18  }
0x10: {  	s23 =	sadd.s32 s1, s22;
	[dreg:$0xe] =	wrdreg s20  }
0x11: {  	s26 =	sadd.s32 s5, s22;
	[dreg:$0x10] =	wrdreg s23  }
0x12: {  	s8 =	sadd.s32 s1, s10;
	[dreg:$0x13] =	wrdreg s26  }
0x13: {  	s10 =	sadd.s32 $0x120000, s4;
	[dreg:$0x4] =	wrdreg s8  }
0x14: {  	s14 =	sadd.s32 $0x1FE000, s4;
	[dreg:$0x14] =	wrdreg s10  }
0x15: {  	s18 =	sadd.s32 $0x2B8000, s4;
	[dreg:$0x16] =	wrdreg s14  }
0x16: {  	s22 =	sadd.s32 $0x54000, s3;
	s20 =	sadd.s32 $0x28E000, s4;
	[dreg:$0x1a] =	wrdreg s18  }
0x17: {  	s23 =	sadd.s32 s1, s22;
	[dreg:$0x1c] =	wrdreg s20  }
0x18: {  	s26 =	sadd.s32 s5, s22;
	[dreg:$0x1e] =	wrdreg s23  }
0x19: {  	s12 =	sor.u32 $0x30000, s3;
	[smem:$0x7ED] =	sst s26  }
0x1a: {  	s25 =	sadd.s32 s1, s12;
	s0 =	rddreg [dreg:$0x3]  }
0x1b: {  	s13 =	sadd.s32 s5, s12;
	[dreg:$0x12] =	wrdreg s25  }
0x1c: {  	s8 =	sadd.s32 s5, s3;
	s12 =	sadd.s32 $0x1CE000, s4;
	[dreg:$0x15] =	wrdreg s13  }
0x1d: {  	s15 =	sadd.s32 $0xC000, s8;
	[smem:$0x7EE] =	sst s12  }
0x1e: {  	s17 =	sadd.s32 $0x12000, s8;
	[dreg:$0x9] =	wrdreg s15  }
0x1f: {  	s19 =	sadd.s32 $0x18000, s8;
	[dreg:$0xb] =	wrdreg s17  }
0x20: {  	s21 =	sadd.s32 $0x1E000, s8;
	[dreg:$0xd] =	wrdreg s19  }
0x21: {  	s10 =	sadd.s32 $0x96000, s3;
	s24 =	sadd.s32 $0x24000, s8;
	[dreg:$0xf] =	wrdreg s21  }
0x22: {  	s16 =	sadd.s32 s7, s10;
	[dreg:$0x11] =	wrdreg s24  }
0x23: {  	s25 =	sadd.s32 s1, s11;
	[dreg:$0x18] =	wrdreg s16  }
0x24: {  	s13 =	sadd.s32 s5, s11;
	[smem:$0x7EC] =	sst s25  }
0x25: {  	p0 =	por $0x0, $0x0;
	s18 =	sadd.s32 $0x66000, s8;
	[smem:$0x7EF] =	sst s13  }
0x26: {  	s6 =	ssub.s32 $0x2, s6;
	s23 =	sadd.s32 $0x72000, s8;
	[smem:$0x7F3] =	sst s18  }
0x27: {  	s31 =	sadd.s32 $0x19E000, s4;
	s12 =	sadd.s32 $0x7E000, s8;
	[smem:$0x7F7] =	sst s23  }
0x28: {  	s29 =	sadd.s32 $0x20A000, s4;
	s15 =	sadd.s32 $0x36000, s8;
	[smem:$0x7FB] =	sst s12  }
0x29: {  	s26 =	sadd.s32 $0x84000, s3;
	s17 =	sadd.s32 $0x3C000, s8;
	[dreg:$0x17] =	wrdreg s15  }
0x2a: {  	s11 =	sor.u32 $0xA8000, s3;
	s19 =	sadd.s32 $0x42000, s8;
	[dreg:$0x19] =	wrdreg s17  }
0x2b: {  	s30 =	sadd.s32 $0x8A000, s8;
	s21 =	sadd.s32 $0x48000, s8;
	[dreg:$0x1b] =	wrdreg s19  }
0x2c: {  	s28 =	sadd.s32 $0x90000, s8;
	s24 =	sadd.s32 $0x4E000, s8;
	[dreg:$0x1d] =	wrdreg s21  }
0x2d: {  	s14 =	sadd.s32 s7, s11;
	s16 =	sadd.s32 $0x6C000, s3;
	[dreg:$0x1f] =	wrdreg s24  }
0x2e: {  	s13 =	sshrl.u32 s6, $0x1;
	[smem:$0x7F0] =	sst s14;
	s15 =	sadd.s32 $0x60000, s8  }
0x2f: {  	s23 =	sadd.s32 $0x9C000, s8;
	s17 =	sadd.s32 s1, s16;
	[smem:$0x7F1] =	sst s15  }
0x30: {  	s19 =	sadd.s32 $0x22E000, s4;
	s20 =	sadd.s32 s5, s16;
	[smem:$0x7F2] =	sst s17  }
0x31: {  	s21 =	sor.u32 $0x78000, s3;
	s24 =	sadd.s32 s7, s9;
	[smem:$0x7F4] =	sst s19  }
0x32: {  	s9 =	sadd.s32 s1, s26;
	s14 =	sadd.s32 $0x126000, s4;
	[smem:$0x7F5] =	sst s20  }
0x33: {  	s6 =	ssub.s32 s6, s13;
	s16 =	sadd.s32 $0xAE000, s3;
	[smem:$0x7F8] =	sst s24  }
0x34: {  	s3 =	sadd.s32 $0xBA000, s3;
	s13 =	sadd.s32 $0x21C000, s4;
	[smem:$0x7FA] =	sst s9  }
0x35: {  	s22 =	sadd.s32 s1, s21;
	s25 =	sadd.s32 s5, s21;
	[smem:$0x7FC] =	sst s14  }
0x36: {  	s15 =	sadd.s32 s5, s26;
	s26 =	sadd.s32 $0x216000, s4;
	s24 =	sadd.s32 $0x270000, s4  }
0x37: {  	s21 =	sadd.s32 $0x1C2000, s4;
	s20 =	sadd.s32 $0xA2000, s8;
	s18 =	sadd.s32 s1, s16  }
0x38: {  	s12 =	sadd.s32 s5, s16;
	s7 =	sadd.s32 s1, s3;
	s4 =	sadd.s32 $0xB4000, s8  }
0x39: {  	s3 =	sadd.s32 s5, s3;
	s17 =	smax.u32 s6, $0x1;
	s16 =	simm.s32 $0x1800  }
0x3a: {  	s19 =	simm.s32 $0x2;
	s8 =	simm.s32 $0x4800;
	p1 =	sne.s32 s17, $0x1  }
.Ltmp0:
0x3b: {  	s14 =	simm.s32 $0x4;
	[smem:$0x7F6] =	sst s22;
	(pc) =	sbr.rel @!p1 .LBB2_3-.Ltmp0, $4  }
0x3c: {  	s9 =	simm.s32 $0x6;
	s6 =	simm.s32 $0x7;
	[smem:$0x7F9] =	sst s25  }
0x3d: {  	[smem:$0x7FD] =	sst s15;
	s25 =	sadd.s32 s5, s10;
	s15 =	sadd.s32 s5, s11  }
0x3e: {  	s22 =	simm.s32 $0x1;
	s10 =	simm.s32 $0x3000;
	s1 =	sadd.s32 $0xFFFFFFFF, s17  }
0x3f: {  	s17 =	simm.s32 $0x3;
	s11 =	simm.s32 $0x5;
	s5 =	simm.s32 $0x8  }
0x40: {  	[smem:$0x7EB] =	sst s1  }
0x41: {  	[tilespmem:s2], [sflag:$0x1] =	stream.linear.gather [hbm4b:s0+s2], $0x1800, $0x38;
	[tilespmem:$0x6000] =	vst v63  }
0x42: {  	s1 =	rddreg [dreg:$0x4]  }
0x43: {  	[tilespmem:s16], [sflag:$0x2] =	stream.linear.gather [hbm4b:s1+s2], $0x1800, $0x38;
	[tilespmem:$0x6000] =	vst v63  }
0x44: {  	_ =	swait.ge [sflag:s22], $0x1800  }
0x45: {  	[sflag:s22] =	ssyncset.done $0x0  }
0x46: {  	s0 =	rddreg [dreg:$0x5];
	[sflag:s22] =	ssyncadd.s32 $0xFFFFE800  }
0x47: {  	[hbm4b:s0+s2] =	stream.linear.scatter [tilespmem:s2], [sflag:$0x5], $0x1800, $0x38;
	[tilespmem:$0x6000] =	vst v63  }
0x48: {  	s1 =	rddreg [dreg:$0x6]  }
0x49: {  	[tilespmem:s10], [sflag:$0x3] =	stream.linear.gather [hbm4b:s1+s2], $0x1800, $0x38;
	[tilespmem:$0x6000] =	vst v63  }
0x4a: {  	_ =	swait.ge [sflag:s19], $0x1800  }
0x4b: {  	[sflag:s19] =	ssyncset.done $0x0  }
0x4c: {  	s0 =	rddreg [dreg:$0x7];
	[sflag:s19] =	ssyncadd.s32 $0xFFFFE800  }
0x4d: {  	[hbm4b:s0+s2] =	stream.linear.scatter [tilespmem:s16], [sflag:$0x6], $0x1800, $0x38;
	[tilespmem:$0x6000] =	vst v63  }
0x4e: {  	s1 =	rddreg [dreg:$0x8]  }
0x4f: {  	[tilespmem:s8], [sflag:$0x4] =	stream.linear.gather [hbm4b:s1+s2], $0x1800, $0x38;
	[tilespmem:$0x6000] =	vst v63  }
0x50: {  	_ =	swait.ge [sflag:s17], $0x1800  }
0x51: {  	[sflag:s17] =	ssyncset.done $0x0  }
0x52: {  	s1 =	rddreg [dreg:$0x9];
	[sflag:s17] =	ssyncadd.s32 $0xFFFFE800  }
0x53: {  	[hbm4b:s1+s2] =	stream.linear.scatter [tilespmem:s10], [sflag:$0x7], $0x1800, $0x38;
	[tilespmem:$0x6000] =	vst v63  }
0x54: {  	_ =	swait.ge [sflag:s11], $0x1800  }
0x55: {  	[sflag:s11] =	ssyncset.done $0x0  }
0x56: {  	s1 =	rddreg [dreg:$0xa];
	[sflag:s11] =	ssyncadd.s32 $0xFFFFE800  }
0x57: {  	[tilespmem:s2], [sflag:$0x1] =	stream.linear.gather [hbm4b:s1+s2], $0x1800, $0x38;
	[tilespmem:$0x6000] =	vst v63  }
0x58: {  	_ =	swait.ge [sflag:s14], $0x1800  }
0x59: {  	[sflag:s14] =	ssyncset.done $0x0  }
0x5a: {  	s1 =	rddreg [dreg:$0xb];
	[sflag:s14] =	ssyncadd.s32 $0xFFFFE800  }
0x5b: {  	[hbm4b:s1+s2] =	stream.linear.scatter [tilespmem:s8], [sflag:$0x8], $0x1800, $0x38;
	[tilespmem:$0x6000] =	vst v63  }
0x5c: {  	_ =	swait.ge [sflag:s9], $0x1800  }
0x5d: {  	[sflag:s9] =	ssyncset.done $0x0  }
0x5e: {  	s1 =	rddreg [dreg:$0xc];
	[sflag:s9] =	ssyncadd.s32 $0xFFFFE800  }
0x5f: {  	[tilespmem:s16], [sflag:$0x2] =	stream.linear.gather [hbm4b:s1+s2], $0x1800, $0x38;
	[tilespmem:$0x6000] =	vst v63  }
0x60: {  	_ =	swait.ge [sflag:s22], $0x1800  }
0x61: {  	[sflag:s22] =	ssyncset.done $0x0  }
0x62: {  	s1 =	rddreg [dreg:$0xd];
	[sflag:s22] =	ssyncadd.s32 $0xFFFFE800  }
0x63: {  	[hbm4b:s1+s2] =	stream.linear.scatter [tilespmem:s2], [sflag:$0x5], $0x1800, $0x38;
	[tilespmem:$0x6000] =	vst v63  }
0x64: {  	_ =	swait.ge [sflag:s6], $0x1800  }
0x65: {  	[sflag:s6] =	ssyncset.done $0x0  }
0x66: {  	s1 =	rddreg [dreg:$0xe];
	[sflag:s6] =	ssyncadd.s32 $0xFFFFE800  }
0x67: {  	[tilespmem:s10], [sflag:$0x3] =	stream.linear.gather [hbm4b:s1+s2], $0x1800, $0x38;
	[tilespmem:$0x6000] =	vst v63  }
0x68: {  	_ =	swait.ge [sflag:s19], $0x1800  }
0x69: {  	[sflag:s19] =	ssyncset.done $0x0  }
0x6a: {  	s1 =	rddreg [dreg:$0xf];
	[sflag:s19] =	ssyncadd.s32 $0xFFFFE800  }
0x6b: {  	[hbm4b:s1+s2] =	stream.linear.scatter [tilespmem:s16], [sflag:$0x6], $0x1800, $0x38;
	[tilespmem:$0x6000] =	vst v63  }
0x6c: {  	_ =	swait.ge [sflag:s5], $0x1800  }
0x6d: {  	[sflag:s5] =	ssyncset.done $0x0  }
0x6e: {  	s1 =	rddreg [dreg:$0x10];
	[sflag:s5] =	ssyncadd.s32 $0xFFFFE800  }
0x6f: {  	[tilespmem:s8], [sflag:$0x4] =	stream.linear.gather [hbm4b:s1+s2], $0x1800, $0x38;
	[tilespmem:$0x6000] =	vst v63  }
0x70: {  	_ =	swait.ge [sflag:s17], $0x1800  }
0x71: {  	[sflag:s17] =	ssyncset.done $0x0  }
0x72: {  	s1 =	rddreg [dreg:$0x11];
	[sflag:s17] =	ssyncadd.s32 $0xFFFFE800  }
0x73: {  	[hbm4b:s1+s2] =	stream.linear.scatter [tilespmem:s10], [sflag:$0x7], $0x1800, $0x38;
	[tilespmem:$0x6000] =	vst v63  }
0x74: {  	_ =	swait.ge [sflag:s11], $0x1800  }
0x75: {  	[sflag:s11] =	ssyncset.done $0x0  }
0x76: {  	s1 =	rddreg [dreg:$0x12];
	[sflag:s11] =	ssyncadd.s32 $0xFFFFE800  }
0x77: {  	[tilespmem:s2], [sflag:$0x1] =	stream.linear.gather [hbm4b:s1+s2], $0x1800, $0x38;
	[tilespmem:$0x6000] =	vst v63  }
0x78: {  	_ =	swait.ge [sflag:s14], $0x1800  }
0x79: {  	[sflag:s14] =	ssyncset.done $0x0  }
0x7a: {  	s1 =	rddreg [dreg:$0x13];
	[sflag:s14] =	ssyncadd.s32 $0xFFFFE800  }
0x7b: {  	[hbm4b:s1+s2] =	stream.linear.scatter [tilespmem:s8], [sflag:$0x8], $0x1800, $0x38;
	[tilespmem:$0x6000] =	vst v63  }
0x7c: {  	_ =	swait.ge [sflag:s9], $0x1800  }
0x7d: {  	[sflag:s9] =	ssyncset.done $0x0  }
0x7e: {  	s1 =	rddreg [dreg:$0x14];
	[sflag:s9] =	ssyncadd.s32 $0xFFFFE800  }
0x7f: {  	[tilespmem:s16], [sflag:$0x2] =	stream.linear.gather [hbm4b:s1+s2], $0x1800, $0x38;
	[tilespmem:$0x6000] =	vst v63  }
0x80: {  	_ =	swait.ge [sflag:s22], $0x1800  }
0x81: {  	[sflag:s22] =	ssyncset.done $0x0  }
0x82: {  	s1 =	rddreg [dreg:$0x15];
	[sflag:s22] =	ssyncadd.s32 $0xFFFFE800  }
0x83: {  	[hbm4b:s1+s2] =	stream.linear.scatter [tilespmem:s2], [sflag:$0x5], $0x1800, $0x38;
	[tilespmem:$0x6000] =	vst v63  }
0x84: {  	_ =	swait.ge [sflag:s6], $0x1800  }
0x85: {  	[sflag:s6] =	ssyncset.done $0x0  }
0x86: {  	s1 =	rddreg [dreg:$0x16];
	[sflag:s6] =	ssyncadd.s32 $0xFFFFE800  }
0x87: {  	[tilespmem:s10], [sflag:$0x3] =	stream.linear.gather [hbm4b:s1+s2], $0x1800, $0x38;
	[tilespmem:$0x6000] =	vst v63  }
0x88: {  	_ =	swait.ge [sflag:s19], $0x1800  }
0x89: {  	[sflag:s19] =	ssyncset.done $0x0  }
0x8a: {  	s1 =	rddreg [dreg:$0x17];
	[sflag:s19] =	ssyncadd.s32 $0xFFFFE800  }
0x8b: {  	[hbm4b:s1+s2] =	stream.linear.scatter [tilespmem:s16], [sflag:$0x6], $0x1800, $0x38;
	[tilespmem:$0x6000] =	vst v63  }
0x8c: {  	_ =	swait.ge [sflag:s5], $0x1800  }
0x8d: {  	[sflag:s5] =	ssyncset.done $0x0  }
0x8e: {  	s1 =	rddreg [dreg:$0x18];
	[sflag:s5] =	ssyncadd.s32 $0xFFFFE800  }
0x8f: {  	[tilespmem:s8], [sflag:$0x4] =	stream.linear.gather [hbm4b:s1+s2], $0x1800, $0x38;
	[tilespmem:$0x6000] =	vst v63  }
0x90: {  	_ =	swait.ge [sflag:s17], $0x1800  }
0x91: {  	[sflag:s17] =	ssyncset.done $0x0  }
0x92: {  	s1 =	rddreg [dreg:$0x19];
	[sflag:s17] =	ssyncadd.s32 $0xFFFFE800  }
0x93: {  	[hbm4b:s1+s2] =	stream.linear.scatter [tilespmem:s10], [sflag:$0x7], $0x1800, $0x38;
	[tilespmem:$0x6000] =	vst v63  }
0x94: {  	_ =	swait.ge [sflag:s11], $0x1800  }
0x95: {  	[sflag:s11] =	ssyncset.done $0x0  }
0x96: {  	s1 =	rddreg [dreg:$0x1a];
	[sflag:s11] =	ssyncadd.s32 $0xFFFFE800  }
0x97: {  	[tilespmem:s2], [sflag:$0x1] =	stream.linear.gather [hbm4b:s1+s2], $0x1800, $0x38;
	[tilespmem:$0x6000] =	vst v63  }
0x98: {  	_ =	swait.ge [sflag:s14], $0x1800  }
0x99: {  	[sflag:s14] =	ssyncset.done $0x0  }
0x9a: {  	s1 =	rddreg [dreg:$0x1b];
	[sflag:s14] =	ssyncadd.s32 $0xFFFFE800  }
0x9b: {  	[hbm4b:s1+s2] =	stream.linear.scatter [tilespmem:s8], [sflag:$0x8], $0x1800, $0x38;
	[tilespmem:$0x6000] =	vst v63  }
0x9c: {  	_ =	swait.ge [sflag:s9], $0x1800  }
0x9d: {  	[sflag:s9] =	ssyncset.done $0x0  }
0x9e: {  	s1 =	rddreg [dreg:$0x1c];
	[sflag:s9] =	ssyncadd.s32 $0xFFFFE800  }
0x9f: {  	[tilespmem:s16], [sflag:$0x2] =	stream.linear.gather [hbm4b:s1+s2], $0x1800, $0x38;
	[tilespmem:$0x6000] =	vst v63  }
0xa0: {  	_ =	swait.ge [sflag:s22], $0x1800  }
0xa1: {  	[sflag:s22] =	ssyncset.done $0x0  }
0xa2: {  	s1 =	rddreg [dreg:$0x1d];
	[sflag:s22] =	ssyncadd.s32 $0xFFFFE800  }
0xa3: {  	[hbm4b:s1+s2] =	stream.linear.scatter [tilespmem:s2], [sflag:$0x5], $0x1800, $0x38;
	[tilespmem:$0x6000] =	vst v63  }
0xa4: {  	_ =	swait.ge [sflag:s6], $0x1800  }
0xa5: {  	[sflag:s6] =	ssyncset.done $0x0  }
0xa6: {  	s1 =	rddreg [dreg:$0x1e];
	[sflag:s6] =	ssyncadd.s32 $0xFFFFE800  }
0xa7: {  	[tilespmem:s10], [sflag:$0x3] =	stream.linear.gather [hbm4b:s1+s2], $0x1800, $0x38;
	[tilespmem:$0x6000] =	vst v63  }
0xa8: {  	_ =	swait.ge [sflag:s19], $0x1800  }
0xa9: {  	[sflag:s19] =	ssyncset.done $0x0  }
0xaa: {  	s1 =	rddreg [dreg:$0x1f];
	[sflag:s19] =	ssyncadd.s32 $0xFFFFE800  }
0xab: {  	[hbm4b:s1+s2] =	stream.linear.scatter [tilespmem:s16], [sflag:$0x6], $0x1800, $0x38;
	[tilespmem:$0x6000] =	vst v63  }
0xac: {  	_ =	swait.ge [sflag:s5], $0x1800  }
0xad: {  	s1 =	sld [smem:$0x7EC]  }
0xae: {  	[sflag:s5] =	ssyncset.done $0x0  }
0xaf: {  	[sflag:s5] =	ssyncadd.s32 $0xFFFFE800  }
0xb0: {  	[tilespmem:s8], [sflag:$0x4] =	stream.linear.gather [hbm4b:s1+s2], $0x1800, $0x38;
	[tilespmem:$0x6000] =	vst v63  }
0xb1: {  	_ =	swait.ge [sflag:s17], $0x1800  }
0xb2: {  	s1 =	sld [smem:$0x7ED]  }
0xb3: {  	[sflag:s17] =	ssyncset.done $0x0  }
0xb4: {  	[sflag:s17] =	ssyncadd.s32 $0xFFFFE800  }
0xb5: {  	[hbm4b:s1+s2] =	stream.linear.scatter [tilespmem:s10], [sflag:$0x7], $0x1800, $0x38;
	[tilespmem:$0x6000] =	vst v63  }
0xb6: {  	_ =	swait.ge [sflag:s11], $0x1800  }
0xb7: {  	s1 =	sld [smem:$0x7EE]  }
0xb8: {  	[sflag:s11] =	ssyncset.done $0x0  }
0xb9: {  	[sflag:s11] =	ssyncadd.s32 $0xFFFFE800  }
0xba: {  	[tilespmem:s2], [sflag:$0x1] =	stream.linear.gather [hbm4b:s1+s2], $0x1800, $0x38;
	[tilespmem:$0x6000] =	vst v63  }
0xbb: {  	_ =	swait.ge [sflag:s14], $0x1800  }
0xbc: {  	s1 =	sld [smem:$0x7EF]  }
0xbd: {  	[sflag:s14] =	ssyncset.done $0x0  }
0xbe: {  	[sflag:s14] =	ssyncadd.s32 $0xFFFFE800  }
0xbf: {  	[hbm4b:s1+s2] =	stream.linear.scatter [tilespmem:s8], [sflag:$0x8], $0x1800, $0x38;
	[tilespmem:$0x6000] =	vst v63  }
0xc0: {  	_ =	swait.ge [sflag:s9], $0x1800  }
0xc1: {  	s1 =	sld [smem:$0x7F0]  }
0xc2: {  	[sflag:s9] =	ssyncset.done $0x0  }
0xc3: {  	[sflag:s9] =	ssyncadd.s32 $0xFFFFE800  }
0xc4: {  	[tilespmem:s16], [sflag:$0x2] =	stream.linear.gather [hbm4b:s1+s2], $0x1800, $0x38;
	[tilespmem:$0x6000] =	vst v63  }
0xc5: {  	_ =	swait.ge [sflag:s22], $0x1800  }
0xc6: {  	s1 =	sld [smem:$0x7F1]  }
0xc7: {  	[sflag:s22] =	ssyncset.done $0x0  }
0xc8: {  	[sflag:s22] =	ssyncadd.s32 $0xFFFFE800  }
0xc9: {  	[hbm4b:s1+s2] =	stream.linear.scatter [tilespmem:s2], [sflag:$0x5], $0x1800, $0x38;
	[tilespmem:$0x6000] =	vst v63  }
0xca: {  	_ =	swait.ge [sflag:s6], $0x1800  }
0xcb: {  	s1 =	sld [smem:$0x7F2]  }
0xcc: {  	[sflag:s6] =	ssyncset.done $0x0  }
0xcd: {  	[sflag:s6] =	ssyncadd.s32 $0xFFFFE800  }
0xce: {  	[tilespmem:s10], [sflag:$0x3] =	stream.linear.gather [hbm4b:s1+s2], $0x1800, $0x38;
	[tilespmem:$0x6000] =	vst v63  }
0xcf: {  	_ =	swait.ge [sflag:s19], $0x1800  }
0xd0: {  	s1 =	sld [smem:$0x7F3]  }
0xd1: {  	[sflag:s19] =	ssyncset.done $0x0  }
0xd2: {  	[sflag:s19] =	ssyncadd.s32 $0xFFFFE800  }
0xd3: {  	[hbm4b:s1+s2] =	stream.linear.scatter [tilespmem:s16], [sflag:$0x6], $0x1800, $0x38;
	[tilespmem:$0x6000] =	vst v63  }
0xd4: {  	_ =	swait.ge [sflag:s5], $0x1800  }
0xd5: {  	s1 =	sld [smem:$0x7F4]  }
0xd6: {  	[sflag:s5] =	ssyncset.done $0x0  }
0xd7: {  	[sflag:s5] =	ssyncadd.s32 $0xFFFFE800  }
0xd8: {  	[tilespmem:s8], [sflag:$0x4] =	stream.linear.gather [hbm4b:s1+s2], $0x1800, $0x38;
	[tilespmem:$0x6000] =	vst v63  }
0xd9: {  	_ =	swait.ge [sflag:s17], $0x1800  }
0xda: {  	s1 =	sld [smem:$0x7F5]  }
0xdb: {  	[sflag:s17] =	ssyncset.done $0x0  }
0xdc: {  	[sflag:s17] =	ssyncadd.s32 $0xFFFFE800  }
0xdd: {  	[hbm4b:s1+s2] =	stream.linear.scatter [tilespmem:s10], [sflag:$0x7], $0x1800, $0x38;
	[tilespmem:$0x6000] =	vst v63  }
0xde: {  	_ =	swait.ge [sflag:s11], $0x1800  }
0xdf: {  	s1 =	sld [smem:$0x7F6]  }
0xe0: {  	[sflag:s11] =	ssyncset.done $0x0  }
0xe1: {  	[sflag:s11] =	ssyncadd.s32 $0xFFFFE800  }
0xe2: {  	[tilespmem:s2], [sflag:$0x1] =	stream.linear.gather [hbm4b:s1+s2], $0x1800, $0x38;
	[tilespmem:$0x6000] =	vst v63  }
0xe3: {  	_ =	swait.ge [sflag:s14], $0x1800  }
0xe4: {  	s1 =	sld [smem:$0x7F7]  }
0xe5: {  	[sflag:s14] =	ssyncset.done $0x0  }
0xe6: {  	[sflag:s14] =	ssyncadd.s32 $0xFFFFE800  }
0xe7: {  	[hbm4b:s1+s2] =	stream.linear.scatter [tilespmem:s8], [sflag:$0x8], $0x1800, $0x38;
	[tilespmem:$0x6000] =	vst v63  }
0xe8: {  	_ =	swait.ge [sflag:s9], $0x1800  }
0xe9: {  	s1 =	sld [smem:$0x7F8]  }
0xea: {  	[sflag:s9] =	ssyncset.done $0x0  }
0xeb: {  	[sflag:s9] =	ssyncadd.s32 $0xFFFFE800  }
0xec: {  	[tilespmem:s16], [sflag:$0x2] =	stream.linear.gather [hbm4b:s1+s2], $0x1800, $0x38;
	[tilespmem:$0x6000] =	vst v63  }
0xed: {  	_ =	swait.ge [sflag:s22], $0x1800  }
0xee: {  	s1 =	sld [smem:$0x7F9]  }
0xef: {  	[sflag:s22] =	ssyncset.done $0x0  }
0xf0: {  	[sflag:s22] =	ssyncadd.s32 $0xFFFFE800  }
0xf1: {  	[hbm4b:s1+s2] =	stream.linear.scatter [tilespmem:s2], [sflag:$0x5], $0x1800, $0x38;
	[tilespmem:$0x6000] =	vst v63  }
0xf2: {  	_ =	swait.ge [sflag:s6], $0x1800  }
0xf3: {  	s1 =	sld [smem:$0x7FA]  }
0xf4: {  	[sflag:s6] =	ssyncset.done $0x0  }
0xf5: {  	[sflag:s6] =	ssyncadd.s32 $0xFFFFE800  }
0xf6: {  	[tilespmem:s10], [sflag:$0x3] =	stream.linear.gather [hbm4b:s1+s2], $0x1800, $0x38;
	[tilespmem:$0x6000] =	vst v63  }
0xf7: {  	_ =	swait.ge [sflag:s19], $0x1800  }
0xf8: {  	s1 =	sld [smem:$0x7FB]  }
0xf9: {  	[sflag:s19] =	ssyncset.done $0x0  }
0xfa: {  	[sflag:s19] =	ssyncadd.s32 $0xFFFFE800  }
0xfb: {  	[hbm4b:s1+s2] =	stream.linear.scatter [tilespmem:s16], [sflag:$0x6], $0x1800, $0x38;
	[tilespmem:$0x6000] =	vst v63  }
0xfc: {  	_ =	swait.ge [sflag:s5], $0x1800  }
0xfd: {  	s1 =	sld [smem:$0x7FC]  }
0xfe: {  	[sflag:s5] =	ssyncset.done $0x0  }
0xff: {  	[sflag:s5] =	ssyncadd.s32 $0xFFFFE800  }
0x100: {  	[tilespmem:s8], [sflag:$0x4] =	stream.linear.gather [hbm4b:s1+s2], $0x1800, $0x38;
	[tilespmem:$0x6000] =	vst v63  }
0x101: {  	_ =	swait.ge [sflag:s17], $0x1800  }
0x102: {  	s1 =	sld [smem:$0x7FD]  }
0x103: {  	[sflag:s17] =	ssyncset.done $0x0  }
0x104: {  	[sflag:s17] =	ssyncadd.s32 $0xFFFFE800  }
0x105: {  	[hbm4b:s1+s2] =	stream.linear.scatter [tilespmem:s10], [sflag:$0x7], $0x1800, $0x38;
	[tilespmem:$0x6000] =	vst v63  }
0x106: {  	_ =	swait.ge [sflag:s11], $0x1800  }
0x107: {  	[sflag:s11] =	ssyncset.done $0x0  }
0x108: {  	[sflag:s11] =	ssyncadd.s32 $0xFFFFE800  }
0x109: {  	[tilespmem:s2], [sflag:$0x1] =	stream.linear.gather [hbm4b:s31+s2], $0x1800, $0x38;
	[tilespmem:$0x6000] =	vst v63  }
0x10a: {  	_ =	swait.ge [sflag:s14], $0x1800  }
0x10b: {  	[sflag:s14] =	ssyncset.done $0x0  }
0x10c: {  	[sflag:s14] =	ssyncadd.s32 $0xFFFFE800  }
0x10d: {  	[hbm4b:s30+s2] =	stream.linear.scatter [tilespmem:s8], [sflag:$0x8], $0x1800, $0x38;
	[tilespmem:$0x6000] =	vst v63  }
0x10e: {  	_ =	swait.ge [sflag:s9], $0x1800  }
0x10f: {  	[sflag:s9] =	ssyncset.done $0x0  }
0x110: {  	[sflag:s9] =	ssyncadd.s32 $0xFFFFE800  }
0x111: {  	[tilespmem:s16], [sflag:$0x2] =	stream.linear.gather [hbm4b:s29+s2], $0x1800, $0x38;
	[tilespmem:$0x6000] =	vst v63  }
0x112: {  	_ =	swait.ge [sflag:s22], $0x1800  }
0x113: {  	[sflag:s22] =	ssyncset.done $0x0  }
0x114: {  	[sflag:s22] =	ssyncadd.s32 $0xFFFFE800  }
0x115: {  	[hbm4b:s28+s2] =	stream.linear.scatter [tilespmem:s2], [sflag:$0x5], $0x1800, $0x38;
	[tilespmem:$0x6000] =	vst v63  }
0x116: {  	_ =	swait.ge [sflag:s6], $0x1800  }
0x117: {  	[sflag:s6] =	ssyncset.done $0x0  }
0x118: {  	[sflag:s6] =	ssyncadd.s32 $0xFFFFE800  }
0x119: {  	[tilespmem:s10], [sflag:$0x3] =	stream.linear.gather [hbm4b:s26+s2], $0x1800, $0x38;
	[tilespmem:$0x6000] =	vst v63  }
0x11a: {  	_ =	swait.ge [sflag:s19], $0x1800  }
0x11b: {  	[sflag:s19] =	ssyncset.done $0x0  }
0x11c: {  	[sflag:s19] =	ssyncadd.s32 $0xFFFFE800  }
0x11d: {  	[hbm4b:s25+s2] =	stream.linear.scatter [tilespmem:s16], [sflag:$0x6], $0x1800, $0x38;
	[tilespmem:$0x6000] =	vst v63  }
0x11e: {  	_ =	swait.ge [sflag:s5], $0x1800  }
0x11f: {  	[sflag:s5] =	ssyncset.done $0x0  }
0x120: {  	[sflag:s5] =	ssyncadd.s32 $0xFFFFE800  }
0x121: {  	[tilespmem:s8], [sflag:$0x4] =	stream.linear.gather [hbm4b:s24+s2], $0x1800, $0x38;
	[tilespmem:$0x6000] =	vst v63  }
0x122: {  	_ =	swait.ge [sflag:s17], $0x1800  }
0x123: {  	[sflag:s17] =	ssyncset.done $0x0  }
0x124: {  	[sflag:s17] =	ssyncadd.s32 $0xFFFFE800  }
0x125: {  	[hbm4b:s23+s2] =	stream.linear.scatter [tilespmem:s10], [sflag:$0x7], $0x1800, $0x38;
	[tilespmem:$0x6000] =	vst v63  }
0x126: {  	_ =	swait.ge [sflag:s11], $0x1800  }
0x127: {  	[sflag:s11] =	ssyncset.done $0x0  }
0x128: {  	[sflag:s11] =	ssyncadd.s32 $0xFFFFE800  }
0x129: {  	[tilespmem:s2], [sflag:$0x1] =	stream.linear.gather [hbm4b:s21+s2], $0x1800, $0x38;
	[tilespmem:$0x6000] =	vst v63  }
0x12a: {  	_ =	swait.ge [sflag:s14], $0x1800  }
0x12b: {  	[sflag:s14] =	ssyncset.done $0x0  }
0x12c: {  	[sflag:s14] =	ssyncadd.s32 $0xFFFFE800  }
0x12d: {  	[hbm4b:s20+s2] =	stream.linear.scatter [tilespmem:s8], [sflag:$0x8], $0x1800, $0x38;
	[tilespmem:$0x6000] =	vst v63  }
0x12e: {  	_ =	swait.ge [sflag:s9], $0x1800  }
0x12f: {  	[sflag:s9] =	ssyncset.done $0x0  }
0x130: {  	[sflag:s9] =	ssyncadd.s32 $0xFFFFE800  }
0x131: {  	[tilespmem:s16], [sflag:$0x2] =	stream.linear.gather [hbm4b:s18+s2], $0x1800, $0x38;
	[tilespmem:$0x6000] =	vst v63  }
0x132: {  	_ =	swait.ge [sflag:s22], $0x1800  }
0x133: {  	[sflag:s22] =	ssyncset.done $0x0  }
0x134: {  	[sflag:s22] =	ssyncadd.s32 $0xFFFFE800  }
0x135: {  	[hbm4b:s15+s2] =	stream.linear.scatter [tilespmem:s2], [sflag:$0x5], $0x1800, $0x38;
	[tilespmem:$0x6000] =	vst v63  }
0x136: {  	_ =	swait.ge [sflag:s6], $0x1800  }
0x137: {  	[sflag:s6] =	ssyncset.done $0x0  }
0x138: {  	[sflag:s6] =	ssyncadd.s32 $0xFFFFE800  }
0x139: {  	[tilespmem:s10], [sflag:$0x3] =	stream.linear.gather [hbm4b:s13+s2], $0x1800, $0x38;
	[tilespmem:$0x6000] =	vst v63  }
0x13a: {  	_ =	swait.ge [sflag:s19], $0x1800  }
0x13b: {  	[sflag:s19] =	ssyncset.done $0x0  }
0x13c: {  	[sflag:s19] =	ssyncadd.s32 $0xFFFFE800  }
0x13d: {  	[hbm4b:s12+s2] =	stream.linear.scatter [tilespmem:s16], [sflag:$0x6], $0x1800, $0x38;
	[tilespmem:$0x6000] =	vst v63  }
0x13e: {  	_ =	swait.ge [sflag:s5], $0x1800  }
0x13f: {  	[sflag:s5] =	ssyncset.done $0x0  }
0x140: {  	[sflag:s5] =	ssyncadd.s32 $0xFFFFE800  }
0x141: {  	[tilespmem:s8], [sflag:$0x4] =	stream.linear.gather [hbm4b:s7+s2], $0x1800, $0x38;
	[tilespmem:$0x6000] =	vst v63  }
0x142: {  	_ =	swait.ge [sflag:s17], $0x1800  }
0x143: {  	[sflag:s17] =	ssyncset.done $0x0  }
0x144: {  	[sflag:s17] =	ssyncadd.s32 $0xFFFFE800  }
0x145: {  	[hbm4b:s4+s2] =	stream.linear.scatter [tilespmem:s10], [sflag:$0x7], $0x1800, $0x38;
	[tilespmem:$0x6000] =	vst v63  }
0x146: {  	_ =	swait.ge [sflag:s14], $0x1800  }
0x147: {  	[sflag:s14] =	ssyncset.done $0x0  }
0x148: {  	[sflag:s14] =	ssyncadd.s32 $0xFFFFE800  }
0x149: {  	[hbm4b:s3+s2] =	stream.linear.scatter [tilespmem:s8], [sflag:$0x8], $0x1800, $0x38;
	[tilespmem:$0x6000] =	vst v63  }
0x14a: {  	_ =	swait.ge [sflag:s11], $0x1800  }
0x14b: {  	[sflag:s11] =	ssyncset.done $0x0  }
0x14c: {  	[sflag:s11] =	ssyncadd.s32 $0xFFFFE800  }
0x14d: {  	_ =	swait.ge [sflag:s9], $0x1800  }
0x14e: {  	[sflag:s9] =	ssyncset.done $0x0  }
0x14f: {  	[sflag:s9] =	ssyncadd.s32 $0xFFFFE800  }
0x150: {  	_ =	swait.ge [sflag:s6], $0x1800  }
0x151: {  	s1 =	sld [smem:$0x7EB];
	_ =	sdelay $0x2  }
0x152: {  	p1 =	sne.s32 s1, $0x1  }
.Ltmp1:
0x153: {  	_ = 	snop;
	(pc) =	sbr.rel @!p1 .LBB2_3-.Ltmp1, $4  }
0x154: {  	[sflag:s6] =	ssyncset.done $0x0  }
0x155: {  	[sflag:s6] =	ssyncadd.s32 $0xFFFFE800  }
0x156: {  	p0 =	por $0x1, $0x1;
	_ =	swait.ge [sflag:s5], $0x1800  }
0x157: {  	s1 =	sadd.s32 $0xFFFFFFFF, s1;
	s0 =	rddreg [dreg:$0x3];
	[sflag:s5] =	ssyncset.done $0x0  }
.LBB2_2:
0x158: {  	[sflag:s5] =	ssyncadd.s32 $0xFFFFE800;
	s5 =	simm.s32 $0x1800  }
0x159: {  	s8 =	smov.u32 s31;
	s31 =	smov.u32 s30;
	s30 =	smov.u32 s29  }
0x15a: {  	s29 =	smov.u32 s28;
	s28 =	smov.u32 s26;
	s26 =	smov.u32 s25  }
0x15b: {  	s25 =	smov.u32 s24;
	s24 =	smov.u32 s23;
	s23 =	smov.u32 s21  }
0x15c: {  	s21 =	smov.u32 s20;
	s20 =	smov.u32 s18;
	s18 =	smov.u32 s15  }
0x15d: {  	s15 =	smov.u32 s13;
	s13 =	smov.u32 s12;
	s12 =	smov.u32 s7  }
0x15e: {  	[tilespmem:s2], [sflag:$0x1] =	stream.linear.gather [hbm4b:s0+s2], $0x1800, $0x38;
	[tilespmem:$0x6000] =	vst v63  }
0x15f: {  	s7 =	smov.u32 s4;
	s4 =	smov.u32 s3;
	s3 =	rddreg [dreg:$0x4]  }
0x160: {  	[tilespmem:s5], [sflag:$0x2] =	stream.linear.gather [hbm4b:s3+s2], $0x1800, $0x38;
	[tilespmem:$0x6000] =	vst v63  }
0x161: {  	_ =	swait.ge [sflag:s22], $0x1800  }
0x162: {  	[sflag:s22] =	ssyncset.done $0x0  }
0x163: {  	s0 =	rddreg [dreg:$0x5];
	[sflag:s22] =	ssyncadd.s32 $0xFFFFE800  }
0x164: {  	[hbm4b:s0+s2] =	stream.linear.scatter [tilespmem:s2], [sflag:$0x5], $0x1800, $0x38;
	[tilespmem:$0x6000] =	vst v63  }
0x165: {  	s16 =	simm.s32 $0x3000;
	s3 =	rddreg [dreg:$0x6]  }
0x166: {  	[tilespmem:s16], [sflag:$0x3] =	stream.linear.gather [hbm4b:s3+s2], $0x1800, $0x38;
	[tilespmem:$0x6000] =	vst v63  }
0x167: {  	_ =	swait.ge [sflag:s19], $0x1800  }
0x168: {  	[sflag:s19] =	ssyncset.done $0x0  }
0x169: {  	s16 =	simm.s32 $0x1800;
	s0 =	rddreg [dreg:$0x7];
	[sflag:s19] =	ssyncadd.s32 $0xFFFFE800  }
0x16a: {  	[hbm4b:s0+s2] =	stream.linear.scatter [tilespmem:s16], [sflag:$0x6], $0x1800, $0x38;
	[tilespmem:$0x6000] =	vst v63  }
0x16b: {  	s10 =	simm.s32 $0x4800;
	s3 =	rddreg [dreg:$0x8]  }
0x16c: {  	[tilespmem:s10], [sflag:$0x4] =	stream.linear.gather [hbm4b:s3+s2], $0x1800, $0x38;
	[tilespmem:$0x6000] =	vst v63  }
0x16d: {  	s10 =	simm.s32 $0x3000  }
0x16e: {  	s3 =	smov.u32 s4;
	s4 =	smov.u32 s7;
	s7 =	smov.u32 s12  }
0x16f: {  	s12 =	smov.u32 s13;
	s13 =	smov.u32 s15;
	_ =	swait.ge [sflag:s17], $0x1800  }
0x170: {  	s15 =	smov.u32 s18;
	s18 =	smov.u32 s20;
	[sflag:s17] =	ssyncset.done $0x0  }
0x171: {  	s20 =	smov.u32 s21;
	s0 =	rddreg [dreg:$0x9];
	[sflag:s17] =	ssyncadd.s32 $0xFFFFE800  }
0x172: {  	[hbm4b:s0+s2] =	stream.linear.scatter [tilespmem:s10], [sflag:$0x7], $0x1800, $0x38;
	[tilespmem:$0x6000] =	vst v63  }
0x173: {  	s21 =	smov.u32 s23;
	s23 =	smov.u32 s24;
	_ =	swait.ge [sflag:s11], $0x1800  }
0x174: {  	s24 =	smov.u32 s25;
	s25 =	smov.u32 s26;
	[sflag:s11] =	ssyncset.done $0x0  }
0x175: {  	s26 =	smov.u32 s28;
	s0 =	rddreg [dreg:$0xa];
	[sflag:s11] =	ssyncadd.s32 $0xFFFFE800  }
0x176: {  	[tilespmem:s2], [sflag:$0x1] =	stream.linear.gather [hbm4b:s0+s2], $0x1800, $0x38;
	[tilespmem:$0x6000] =	vst v63  }
0x177: {  	s28 =	smov.u32 s29;
	s29 =	smov.u32 s30;
	_ =	swait.ge [sflag:s14], $0x1800  }
0x178: {  	s30 =	smov.u32 s31;
	s31 =	smov.u32 s8;
	[sflag:s14] =	ssyncset.done $0x0  }
0x179: {  	s8 =	simm.s32 $0x4800;
	s0 =	rddreg [dreg:$0xb];
	[sflag:s14] =	ssyncadd.s32 $0xFFFFE800  }
0x17a: {  	[hbm4b:s0+s2] =	stream.linear.scatter [tilespmem:s8], [sflag:$0x8], $0x1800, $0x38;
	[tilespmem:$0x6000] =	vst v63  }
0x17b: {  	_ =	swait.ge [sflag:s9], $0x1800  }
0x17c: {  	[sflag:s9] =	ssyncset.done $0x0  }
0x17d: {  	s0 =	rddreg [dreg:$0xc];
	[sflag:s9] =	ssyncadd.s32 $0xFFFFE800  }
0x17e: {  	[tilespmem:s16], [sflag:$0x2] =	stream.linear.gather [hbm4b:s0+s2], $0x1800, $0x38;
	[tilespmem:$0x6000] =	vst v63  }
0x17f: {  	_ =	swait.ge [sflag:s22], $0x1800  }
0x180: {  	[sflag:s22] =	ssyncset.done $0x0  }
0x181: {  	s0 =	rddreg [dreg:$0xd];
	[sflag:s22] =	ssyncadd.s32 $0xFFFFE800  }
0x182: {  	[hbm4b:s0+s2] =	stream.linear.scatter [tilespmem:s2], [sflag:$0x5], $0x1800, $0x38;
	[tilespmem:$0x6000] =	vst v63  }
0x183: {  	_ =	swait.ge [sflag:s6], $0x1800  }
0x184: {  	[sflag:s6] =	ssyncset.done $0x0  }
0x185: {  	s0 =	rddreg [dreg:$0xe];
	[sflag:s6] =	ssyncadd.s32 $0xFFFFE800  }
0x186: {  	[tilespmem:s10], [sflag:$0x3] =	stream.linear.gather [hbm4b:s0+s2], $0x1800, $0x38;
	[tilespmem:$0x6000] =	vst v63  }
0x187: {  	_ =	swait.ge [sflag:s19], $0x1800  }
0x188: {  	[sflag:s19] =	ssyncset.done $0x0  }
0x189: {  	s5 =	simm.s32 $0x8;
	s0 =	rddreg [dreg:$0xf];
	[sflag:s19] =	ssyncadd.s32 $0xFFFFE800  }
0x18a: {  	[hbm4b:s0+s2] =	stream.linear.scatter [tilespmem:s16], [sflag:$0x6], $0x1800, $0x38;
	[tilespmem:$0x6000] =	vst v63  }
0x18b: {  	_ =	swait.ge [sflag:s5], $0x1800  }
0x18c: {  	[sflag:s5] =	ssyncset.done $0x0  }
0x18d: {  	s0 =	rddreg [dreg:$0x10];
	[sflag:s5] =	ssyncadd.s32 $0xFFFFE800  }
0x18e: {  	[tilespmem:s8], [sflag:$0x4] =	stream.linear.gather [hbm4b:s0+s2], $0x1800, $0x38;
	[tilespmem:$0x6000] =	vst v63  }
0x18f: {  	_ =	swait.ge [sflag:s17], $0x1800  }
0x190: {  	[sflag:s17] =	ssyncset.done $0x0  }
0x191: {  	s0 =	rddreg [dreg:$0x11];
	[sflag:s17] =	ssyncadd.s32 $0xFFFFE800  }
0x192: {  	[hbm4b:s0+s2] =	stream.linear.scatter [tilespmem:s10], [sflag:$0x7], $0x1800, $0x38;
	[tilespmem:$0x6000] =	vst v63  }
0x193: {  	_ =	swait.ge [sflag:s11], $0x1800  }
0x194: {  	[sflag:s11] =	ssyncset.done $0x0  }
0x195: {  	s0 =	rddreg [dreg:$0x12];
	[sflag:s11] =	ssyncadd.s32 $0xFFFFE800  }
0x196: {  	[tilespmem:s2], [sflag:$0x1] =	stream.linear.gather [hbm4b:s0+s2], $0x1800, $0x38;
	[tilespmem:$0x6000] =	vst v63  }
0x197: {  	_ =	swait.ge [sflag:s14], $0x1800  }
0x198: {  	[sflag:s14] =	ssyncset.done $0x0  }
0x199: {  	s0 =	rddreg [dreg:$0x13];
	[sflag:s14] =	ssyncadd.s32 $0xFFFFE800  }
0x19a: {  	[hbm4b:s0+s2] =	stream.linear.scatter [tilespmem:s8], [sflag:$0x8], $0x1800, $0x38;
	[tilespmem:$0x6000] =	vst v63  }
0x19b: {  	_ =	swait.ge [sflag:s9], $0x1800  }
0x19c: {  	[sflag:s9] =	ssyncset.done $0x0  }
0x19d: {  	s0 =	rddreg [dreg:$0x14];
	[sflag:s9] =	ssyncadd.s32 $0xFFFFE800  }
0x19e: {  	[tilespmem:s16], [sflag:$0x2] =	stream.linear.gather [hbm4b:s0+s2], $0x1800, $0x38;
	[tilespmem:$0x6000] =	vst v63  }
0x19f: {  	_ =	swait.ge [sflag:s22], $0x1800  }
0x1a0: {  	[sflag:s22] =	ssyncset.done $0x0  }
0x1a1: {  	s0 =	rddreg [dreg:$0x15];
	[sflag:s22] =	ssyncadd.s32 $0xFFFFE800  }
0x1a2: {  	[hbm4b:s0+s2] =	stream.linear.scatter [tilespmem:s2], [sflag:$0x5], $0x1800, $0x38;
	[tilespmem:$0x6000] =	vst v63  }
0x1a3: {  	_ =	swait.ge [sflag:s6], $0x1800  }
0x1a4: {  	[sflag:s6] =	ssyncset.done $0x0  }
0x1a5: {  	s0 =	rddreg [dreg:$0x16];
	[sflag:s6] =	ssyncadd.s32 $0xFFFFE800  }
0x1a6: {  	[tilespmem:s10], [sflag:$0x3] =	stream.linear.gather [hbm4b:s0+s2], $0x1800, $0x38;
	[tilespmem:$0x6000] =	vst v63  }
0x1a7: {  	_ =	swait.ge [sflag:s19], $0x1800  }
0x1a8: {  	[sflag:s19] =	ssyncset.done $0x0  }
0x1a9: {  	s0 =	rddreg [dreg:$0x17];
	[sflag:s19] =	ssyncadd.s32 $0xFFFFE800  }
0x1aa: {  	[hbm4b:s0+s2] =	stream.linear.scatter [tilespmem:s16], [sflag:$0x6], $0x1800, $0x38;
	[tilespmem:$0x6000] =	vst v63  }
0x1ab: {  	_ =	swait.ge [sflag:s5], $0x1800  }
0x1ac: {  	[sflag:s5] =	ssyncset.done $0x0  }
0x1ad: {  	s0 =	rddreg [dreg:$0x18];
	[sflag:s5] =	ssyncadd.s32 $0xFFFFE800  }
0x1ae: {  	[tilespmem:s8], [sflag:$0x4] =	stream.linear.gather [hbm4b:s0+s2], $0x1800, $0x38;
	[tilespmem:$0x6000] =	vst v63  }
0x1af: {  	_ =	swait.ge [sflag:s17], $0x1800  }
0x1b0: {  	[sflag:s17] =	ssyncset.done $0x0  }
0x1b1: {  	s0 =	rddreg [dreg:$0x19];
	[sflag:s17] =	ssyncadd.s32 $0xFFFFE800  }
0x1b2: {  	[hbm4b:s0+s2] =	stream.linear.scatter [tilespmem:s10], [sflag:$0x7], $0x1800, $0x38;
	[tilespmem:$0x6000] =	vst v63  }
0x1b3: {  	_ =	swait.ge [sflag:s11], $0x1800  }
0x1b4: {  	[sflag:s11] =	ssyncset.done $0x0  }
0x1b5: {  	s0 =	rddreg [dreg:$0x1a];
	[sflag:s11] =	ssyncadd.s32 $0xFFFFE800  }
0x1b6: {  	[tilespmem:s2], [sflag:$0x1] =	stream.linear.gather [hbm4b:s0+s2], $0x1800, $0x38;
	[tilespmem:$0x6000] =	vst v63  }
0x1b7: {  	_ =	swait.ge [sflag:s14], $0x1800  }
0x1b8: {  	[sflag:s14] =	ssyncset.done $0x0  }
0x1b9: {  	s0 =	rddreg [dreg:$0x1b];
	[sflag:s14] =	ssyncadd.s32 $0xFFFFE800  }
0x1ba: {  	[hbm4b:s0+s2] =	stream.linear.scatter [tilespmem:s8], [sflag:$0x8], $0x1800, $0x38;
	[tilespmem:$0x6000] =	vst v63  }
0x1bb: {  	_ =	swait.ge [sflag:s9], $0x1800  }
0x1bc: {  	[sflag:s9] =	ssyncset.done $0x0  }
0x1bd: {  	s0 =	rddreg [dreg:$0x1c];
	[sflag:s9] =	ssyncadd.s32 $0xFFFFE800  }
0x1be: {  	[tilespmem:s16], [sflag:$0x2] =	stream.linear.gather [hbm4b:s0+s2], $0x1800, $0x38;
	[tilespmem:$0x6000] =	vst v63  }
0x1bf: {  	_ =	swait.ge [sflag:s22], $0x1800  }
0x1c0: {  	[sflag:s22] =	ssyncset.done $0x0  }
0x1c1: {  	s0 =	rddreg [dreg:$0x1d];
	[sflag:s22] =	ssyncadd.s32 $0xFFFFE800  }
0x1c2: {  	[hbm4b:s0+s2] =	stream.linear.scatter [tilespmem:s2], [sflag:$0x5], $0x1800, $0x38;
	[tilespmem:$0x6000] =	vst v63  }
0x1c3: {  	_ =	swait.ge [sflag:s6], $0x1800  }
0x1c4: {  	[sflag:s6] =	ssyncset.done $0x0  }
0x1c5: {  	s0 =	rddreg [dreg:$0x1e];
	[sflag:s6] =	ssyncadd.s32 $0xFFFFE800  }
0x1c6: {  	[tilespmem:s10], [sflag:$0x3] =	stream.linear.gather [hbm4b:s0+s2], $0x1800, $0x38;
	[tilespmem:$0x6000] =	vst v63  }
0x1c7: {  	_ =	swait.ge [sflag:s19], $0x1800  }
0x1c8: {  	[sflag:s19] =	ssyncset.done $0x0  }
0x1c9: {  	s0 =	rddreg [dreg:$0x1f];
	[sflag:s19] =	ssyncadd.s32 $0xFFFFE800  }
0x1ca: {  	[hbm4b:s0+s2] =	stream.linear.scatter [tilespmem:s16], [sflag:$0x6], $0x1800, $0x38;
	[tilespmem:$0x6000] =	vst v63  }
0x1cb: {  	_ =	swait.ge [sflag:s5], $0x1800  }
0x1cc: {  	s0 =	sld [smem:$0x7EC]  }
0x1cd: {  	[sflag:s5] =	ssyncset.done $0x0  }
0x1ce: {  	[sflag:s5] =	ssyncadd.s32 $0xFFFFE800  }
0x1cf: {  	[tilespmem:s8], [sflag:$0x4] =	stream.linear.gather [hbm4b:s0+s2], $0x1800, $0x38;
	[tilespmem:$0x6000] =	vst v63  }
0x1d0: {  	_ =	swait.ge [sflag:s17], $0x1800  }
0x1d1: {  	s0 =	sld [smem:$0x7ED]  }
0x1d2: {  	[sflag:s17] =	ssyncset.done $0x0  }
0x1d3: {  	[sflag:s17] =	ssyncadd.s32 $0xFFFFE800  }
0x1d4: {  	[hbm4b:s0+s2] =	stream.linear.scatter [tilespmem:s10], [sflag:$0x7], $0x1800, $0x38;
	[tilespmem:$0x6000] =	vst v63  }
0x1d5: {  	_ =	swait.ge [sflag:s11], $0x1800  }
0x1d6: {  	s0 =	sld [smem:$0x7EE]  }
0x1d7: {  	[sflag:s11] =	ssyncset.done $0x0  }
0x1d8: {  	[sflag:s11] =	ssyncadd.s32 $0xFFFFE800  }
0x1d9: {  	[tilespmem:s2], [sflag:$0x1] =	stream.linear.gather [hbm4b:s0+s2], $0x1800, $0x38;
	[tilespmem:$0x6000] =	vst v63  }
0x1da: {  	_ =	swait.ge [sflag:s14], $0x1800  }
0x1db: {  	s0 =	sld [smem:$0x7EF]  }
0x1dc: {  	[sflag:s14] =	ssyncset.done $0x0  }
0x1dd: {  	[sflag:s14] =	ssyncadd.s32 $0xFFFFE800  }
0x1de: {  	[hbm4b:s0+s2] =	stream.linear.scatter [tilespmem:s8], [sflag:$0x8], $0x1800, $0x38;
	[tilespmem:$0x6000] =	vst v63  }
0x1df: {  	_ =	swait.ge [sflag:s9], $0x1800  }
0x1e0: {  	s0 =	sld [smem:$0x7F0]  }
0x1e1: {  	[sflag:s9] =	ssyncset.done $0x0  }
0x1e2: {  	[sflag:s9] =	ssyncadd.s32 $0xFFFFE800  }
0x1e3: {  	[tilespmem:s16], [sflag:$0x2] =	stream.linear.gather [hbm4b:s0+s2], $0x1800, $0x38;
	[tilespmem:$0x6000] =	vst v63  }
0x1e4: {  	_ =	swait.ge [sflag:s22], $0x1800  }
0x1e5: {  	s0 =	sld [smem:$0x7F1]  }
0x1e6: {  	[sflag:s22] =	ssyncset.done $0x0  }
0x1e7: {  	[sflag:s22] =	ssyncadd.s32 $0xFFFFE800  }
0x1e8: {  	[hbm4b:s0+s2] =	stream.linear.scatter [tilespmem:s2], [sflag:$0x5], $0x1800, $0x38;
	[tilespmem:$0x6000] =	vst v63  }
0x1e9: {  	_ =	swait.ge [sflag:s6], $0x1800  }
0x1ea: {  	s0 =	sld [smem:$0x7F2]  }
0x1eb: {  	[sflag:s6] =	ssyncset.done $0x0  }
0x1ec: {  	[sflag:s6] =	ssyncadd.s32 $0xFFFFE800  }
0x1ed: {  	[tilespmem:s10], [sflag:$0x3] =	stream.linear.gather [hbm4b:s0+s2], $0x1800, $0x38;
	[tilespmem:$0x6000] =	vst v63  }
0x1ee: {  	_ =	swait.ge [sflag:s19], $0x1800  }
0x1ef: {  	s0 =	sld [smem:$0x7F3]  }
0x1f0: {  	[sflag:s19] =	ssyncset.done $0x0  }
0x1f1: {  	[sflag:s19] =	ssyncadd.s32 $0xFFFFE800  }
0x1f2: {  	[hbm4b:s0+s2] =	stream.linear.scatter [tilespmem:s16], [sflag:$0x6], $0x1800, $0x38;
	[tilespmem:$0x6000] =	vst v63  }
0x1f3: {  	_ =	swait.ge [sflag:s5], $0x1800  }
0x1f4: {  	s0 =	sld [smem:$0x7F4]  }
0x1f5: {  	[sflag:s5] =	ssyncset.done $0x0  }
0x1f6: {  	[sflag:s5] =	ssyncadd.s32 $0xFFFFE800  }
0x1f7: {  	[tilespmem:s8], [sflag:$0x4] =	stream.linear.gather [hbm4b:s0+s2], $0x1800, $0x38;
	[tilespmem:$0x6000] =	vst v63  }
0x1f8: {  	_ =	swait.ge [sflag:s17], $0x1800  }
0x1f9: {  	s0 =	sld [smem:$0x7F5]  }
0x1fa: {  	[sflag:s17] =	ssyncset.done $0x0  }
0x1fb: {  	[sflag:s17] =	ssyncadd.s32 $0xFFFFE800  }
0x1fc: {  	[hbm4b:s0+s2] =	stream.linear.scatter [tilespmem:s10], [sflag:$0x7], $0x1800, $0x38;
	[tilespmem:$0x6000] =	vst v63  }
0x1fd: {  	_ =	swait.ge [sflag:s11], $0x1800  }
0x1fe: {  	s0 =	sld [smem:$0x7F6]  }
0x1ff: {  	[sflag:s11] =	ssyncset.done $0x0  }
0x200: {  	[sflag:s11] =	ssyncadd.s32 $0xFFFFE800  }
0x201: {  	[tilespmem:s2], [sflag:$0x1] =	stream.linear.gather [hbm4b:s0+s2], $0x1800, $0x38;
	[tilespmem:$0x6000] =	vst v63  }
0x202: {  	_ =	swait.ge [sflag:s14], $0x1800  }
0x203: {  	s0 =	sld [smem:$0x7F7]  }
0x204: {  	[sflag:s14] =	ssyncset.done $0x0  }
0x205: {  	[sflag:s14] =	ssyncadd.s32 $0xFFFFE800  }
0x206: {  	[hbm4b:s0+s2] =	stream.linear.scatter [tilespmem:s8], [sflag:$0x8], $0x1800, $0x38;
	[tilespmem:$0x6000] =	vst v63  }
0x207: {  	_ =	swait.ge [sflag:s9], $0x1800  }
0x208: {  	s0 =	sld [smem:$0x7F8]  }
0x209: {  	[sflag:s9] =	ssyncset.done $0x0  }
0x20a: {  	[sflag:s9] =	ssyncadd.s32 $0xFFFFE800  }
0x20b: {  	[tilespmem:s16], [sflag:$0x2] =	stream.linear.gather [hbm4b:s0+s2], $0x1800, $0x38;
	[tilespmem:$0x6000] =	vst v63  }
0x20c: {  	_ =	swait.ge [sflag:s22], $0x1800  }
0x20d: {  	s0 =	sld [smem:$0x7F9]  }
0x20e: {  	[sflag:s22] =	ssyncset.done $0x0  }
0x20f: {  	[sflag:s22] =	ssyncadd.s32 $0xFFFFE800  }
0x210: {  	[hbm4b:s0+s2] =	stream.linear.scatter [tilespmem:s2], [sflag:$0x5], $0x1800, $0x38;
	[tilespmem:$0x6000] =	vst v63  }
0x211: {  	_ =	swait.ge [sflag:s6], $0x1800  }
0x212: {  	s0 =	sld [smem:$0x7FA]  }
0x213: {  	[sflag:s6] =	ssyncset.done $0x0  }
0x214: {  	[sflag:s6] =	ssyncadd.s32 $0xFFFFE800  }
0x215: {  	[tilespmem:s10], [sflag:$0x3] =	stream.linear.gather [hbm4b:s0+s2], $0x1800, $0x38;
	[tilespmem:$0x6000] =	vst v63  }
0x216: {  	_ =	swait.ge [sflag:s19], $0x1800  }
0x217: {  	s0 =	sld [smem:$0x7FB]  }
0x218: {  	[sflag:s19] =	ssyncset.done $0x0  }
0x219: {  	[sflag:s19] =	ssyncadd.s32 $0xFFFFE800  }
0x21a: {  	[hbm4b:s0+s2] =	stream.linear.scatter [tilespmem:s16], [sflag:$0x6], $0x1800, $0x38;
	[tilespmem:$0x6000] =	vst v63  }
0x21b: {  	_ =	swait.ge [sflag:s5], $0x1800  }
0x21c: {  	s0 =	sld [smem:$0x7FC]  }
0x21d: {  	[sflag:s5] =	ssyncset.done $0x0  }
0x21e: {  	[sflag:s5] =	ssyncadd.s32 $0xFFFFE800  }
0x21f: {  	[tilespmem:s8], [sflag:$0x4] =	stream.linear.gather [hbm4b:s0+s2], $0x1800, $0x38;
	[tilespmem:$0x6000] =	vst v63  }
0x220: {  	_ =	swait.ge [sflag:s17], $0x1800  }
0x221: {  	s0 =	sld [smem:$0x7FD]  }
0x222: {  	[sflag:s17] =	ssyncset.done $0x0  }
0x223: {  	[sflag:s17] =	ssyncadd.s32 $0xFFFFE800  }
0x224: {  	[hbm4b:s0+s2] =	stream.linear.scatter [tilespmem:s10], [sflag:$0x7], $0x1800, $0x38;
	[tilespmem:$0x6000] =	vst v63  }
0x225: {  	_ =	swait.ge [sflag:s11], $0x1800  }
0x226: {  	[sflag:s11] =	ssyncset.done $0x0  }
0x227: {  	[sflag:s11] =	ssyncadd.s32 $0xFFFFE800  }
0x228: {  	[tilespmem:s2], [sflag:$0x1] =	stream.linear.gather [hbm4b:s31+s2], $0x1800, $0x38;
	[tilespmem:$0x6000] =	vst v63  }
0x229: {  	_ =	swait.ge [sflag:s14], $0x1800  }
0x22a: {  	[sflag:s14] =	ssyncset.done $0x0  }
0x22b: {  	[sflag:s14] =	ssyncadd.s32 $0xFFFFE800  }
0x22c: {  	[hbm4b:s30+s2] =	stream.linear.scatter [tilespmem:s8], [sflag:$0x8], $0x1800, $0x38;
	[tilespmem:$0x6000] =	vst v63  }
0x22d: {  	_ =	swait.ge [sflag:s9], $0x1800  }
0x22e: {  	[sflag:s9] =	ssyncset.done $0x0  }
0x22f: {  	[sflag:s9] =	ssyncadd.s32 $0xFFFFE800  }
0x230: {  	[tilespmem:s16], [sflag:$0x2] =	stream.linear.gather [hbm4b:s29+s2], $0x1800, $0x38;
	[tilespmem:$0x6000] =	vst v63  }
0x231: {  	_ =	swait.ge [sflag:s22], $0x1800  }
0x232: {  	[sflag:s22] =	ssyncset.done $0x0  }
0x233: {  	[sflag:s22] =	ssyncadd.s32 $0xFFFFE800  }
0x234: {  	[hbm4b:s28+s2] =	stream.linear.scatter [tilespmem:s2], [sflag:$0x5], $0x1800, $0x38;
	[tilespmem:$0x6000] =	vst v63  }
0x235: {  	_ =	swait.ge [sflag:s6], $0x1800  }
0x236: {  	[sflag:s6] =	ssyncset.done $0x0  }
0x237: {  	[sflag:s6] =	ssyncadd.s32 $0xFFFFE800  }
0x238: {  	[tilespmem:s10], [sflag:$0x3] =	stream.linear.gather [hbm4b:s26+s2], $0x1800, $0x38;
	[tilespmem:$0x6000] =	vst v63  }
0x239: {  	_ =	swait.ge [sflag:s19], $0x1800  }
0x23a: {  	[sflag:s19] =	ssyncset.done $0x0  }
0x23b: {  	[sflag:s19] =	ssyncadd.s32 $0xFFFFE800  }
0x23c: {  	[hbm4b:s25+s2] =	stream.linear.scatter [tilespmem:s16], [sflag:$0x6], $0x1800, $0x38;
	[tilespmem:$0x6000] =	vst v63  }
0x23d: {  	_ =	swait.ge [sflag:s5], $0x1800  }
0x23e: {  	[sflag:s5] =	ssyncset.done $0x0  }
0x23f: {  	[sflag:s5] =	ssyncadd.s32 $0xFFFFE800  }
0x240: {  	[tilespmem:s8], [sflag:$0x4] =	stream.linear.gather [hbm4b:s24+s2], $0x1800, $0x38;
	[tilespmem:$0x6000] =	vst v63  }
0x241: {  	_ =	swait.ge [sflag:s17], $0x1800  }
0x242: {  	[sflag:s17] =	ssyncset.done $0x0  }
0x243: {  	[sflag:s17] =	ssyncadd.s32 $0xFFFFE800  }
0x244: {  	[hbm4b:s23+s2] =	stream.linear.scatter [tilespmem:s10], [sflag:$0x7], $0x1800, $0x38;
	[tilespmem:$0x6000] =	vst v63  }
0x245: {  	_ =	swait.ge [sflag:s11], $0x1800  }
0x246: {  	[sflag:s11] =	ssyncset.done $0x0  }
0x247: {  	[sflag:s11] =	ssyncadd.s32 $0xFFFFE800  }
0x248: {  	[tilespmem:s2], [sflag:$0x1] =	stream.linear.gather [hbm4b:s21+s2], $0x1800, $0x38;
	[tilespmem:$0x6000] =	vst v63  }
0x249: {  	_ =	swait.ge [sflag:s14], $0x1800  }
0x24a: {  	[sflag:s14] =	ssyncset.done $0x0  }
0x24b: {  	[sflag:s14] =	ssyncadd.s32 $0xFFFFE800  }
0x24c: {  	[hbm4b:s20+s2] =	stream.linear.scatter [tilespmem:s8], [sflag:$0x8], $0x1800, $0x38;
	[tilespmem:$0x6000] =	vst v63  }
0x24d: {  	_ =	swait.ge [sflag:s9], $0x1800  }
0x24e: {  	[sflag:s9] =	ssyncset.done $0x0  }
0x24f: {  	[sflag:s9] =	ssyncadd.s32 $0xFFFFE800  }
0x250: {  	[tilespmem:s16], [sflag:$0x2] =	stream.linear.gather [hbm4b:s18+s2], $0x1800, $0x38;
	[tilespmem:$0x6000] =	vst v63  }
0x251: {  	_ =	swait.ge [sflag:s22], $0x1800  }
0x252: {  	[sflag:s22] =	ssyncset.done $0x0  }
0x253: {  	[sflag:s22] =	ssyncadd.s32 $0xFFFFE800  }
0x254: {  	[hbm4b:s15+s2] =	stream.linear.scatter [tilespmem:s2], [sflag:$0x5], $0x1800, $0x38;
	[tilespmem:$0x6000] =	vst v63  }
0x255: {  	_ =	swait.ge [sflag:s6], $0x1800  }
0x256: {  	[sflag:s6] =	ssyncset.done $0x0  }
0x257: {  	[sflag:s6] =	ssyncadd.s32 $0xFFFFE800  }
0x258: {  	[tilespmem:s10], [sflag:$0x3] =	stream.linear.gather [hbm4b:s13+s2], $0x1800, $0x38;
	[tilespmem:$0x6000] =	vst v63  }
0x259: {  	_ =	swait.ge [sflag:s19], $0x1800  }
0x25a: {  	[sflag:s19] =	ssyncset.done $0x0  }
0x25b: {  	[sflag:s19] =	ssyncadd.s32 $0xFFFFE800  }
0x25c: {  	[hbm4b:s12+s2] =	stream.linear.scatter [tilespmem:s16], [sflag:$0x6], $0x1800, $0x38;
	[tilespmem:$0x6000] =	vst v63  }
0x25d: {  	_ =	swait.ge [sflag:s5], $0x1800  }
0x25e: {  	[sflag:s5] =	ssyncset.done $0x0  }
0x25f: {  	[sflag:s5] =	ssyncadd.s32 $0xFFFFE800  }
0x260: {  	[tilespmem:s8], [sflag:$0x4] =	stream.linear.gather [hbm4b:s7+s2], $0x1800, $0x38;
	[tilespmem:$0x6000] =	vst v63  }
0x261: {  	_ =	swait.ge [sflag:s17], $0x1800  }
0x262: {  	[sflag:s17] =	ssyncset.done $0x0  }
0x263: {  	[sflag:s17] =	ssyncadd.s32 $0xFFFFE800  }
0x264: {  	[hbm4b:s4+s2] =	stream.linear.scatter [tilespmem:s10], [sflag:$0x7], $0x1800, $0x38;
	[tilespmem:$0x6000] =	vst v63  }
0x265: {  	_ =	swait.ge [sflag:s14], $0x1800  }
0x266: {  	[sflag:s14] =	ssyncset.done $0x0  }
0x267: {  	[sflag:s14] =	ssyncadd.s32 $0xFFFFE800  }
0x268: {  	[hbm4b:s3+s2] =	stream.linear.scatter [tilespmem:s8], [sflag:$0x8], $0x1800, $0x38;
	[tilespmem:$0x6000] =	vst v63  }
0x269: {  	_ =	swait.ge [sflag:s11], $0x1800  }
0x26a: {  	[sflag:s11] =	ssyncset.done $0x0  }
0x26b: {  	[sflag:s11] =	ssyncadd.s32 $0xFFFFE800  }
0x26c: {  	_ =	swait.ge [sflag:s9], $0x1800  }
0x26d: {  	[sflag:s9] =	ssyncset.done $0x0  }
0x26e: {  	p1 =	sne.s32 s1, $0x1;
	[sflag:s9] =	ssyncadd.s32 $0xFFFFE800  }
.Ltmp2:
0x26f: {  	_ =	swait.ge [sflag:s6], $0x1800;
	(pc) =	sbr.rel @p1 .LBB2_2-.Ltmp2, $4  }
0x270: {  	[sflag:s6] =	ssyncset.done $0x0  }
0x271: {  	[sflag:s6] =	ssyncadd.s32 $0xFFFFE800  }
0x272: {  	_ =	swait.ge [sflag:s5], $0x1800  }
0x273: {  	s1 =	sadd.s32 $0xFFFFFFFF, s1;
	s0 =	rddreg [dreg:$0x3];
	[sflag:s5] =	ssyncset.done $0x0  }
.LBB2_3:
0x274: {  	[sflag:s5] =	ssyncadd.s32 @p0 $0xFFFFE800  }
0x275: {  	[tilespmem:s2], [sflag:$0x1] =	stream.linear.gather [hbm4b:s0+s2], $0x1800, $0x38;
	[tilespmem:$0x6000] =	vst v63  }
0x276: {  	s1 =	rddreg [dreg:$0x4]  }
0x277: {  	[tilespmem:s16], [sflag:$0x2] =	stream.linear.gather [hbm4b:s1+s2], $0x1800, $0x38;
	[tilespmem:$0x6000] =	vst v63  }
0x278: {  	_ =	swait.ge [sflag:s22], $0x1800  }
0x279: {  	[sflag:s22] =	ssyncset.done $0x0  }
0x27a: {  	s0 =	rddreg [dreg:$0x5];
	[sflag:s22] =	ssyncadd.s32 $0xFFFFE800  }
0x27b: {  	[hbm4b:s0+s2] =	stream.linear.scatter [tilespmem:s2], [sflag:$0x5], $0x1800, $0x38;
	[tilespmem:$0x6000] =	vst v63  }
0x27c: {  	s1 =	rddreg [dreg:$0x6]  }
0x27d: {  	[tilespmem:s10], [sflag:$0x3] =	stream.linear.gather [hbm4b:s1+s2], $0x1800, $0x38;
	[tilespmem:$0x6000] =	vst v63  }
0x27e: {  	_ =	swait.ge [sflag:s19], $0x1800  }
0x27f: {  	[sflag:s19] =	ssyncset.done $0x0  }
0x280: {  	s0 =	rddreg [dreg:$0x7];
	[sflag:s19] =	ssyncadd.s32 $0xFFFFE800  }
0x281: {  	[hbm4b:s0+s2] =	stream.linear.scatter [tilespmem:s16], [sflag:$0x6], $0x1800, $0x38;
	[tilespmem:$0x6000] =	vst v63  }
0x282: {  	s1 =	rddreg [dreg:$0x8]  }
0x283: {  	[tilespmem:s8], [sflag:$0x4] =	stream.linear.gather [hbm4b:s1+s2], $0x1800, $0x38;
	[tilespmem:$0x6000] =	vst v63  }
0x284: {  	_ =	swait.ge [sflag:s17], $0x1800  }
0x285: {  	[sflag:s17] =	ssyncset.done $0x0  }
0x286: {  	s1 =	rddreg [dreg:$0x9];
	[sflag:s17] =	ssyncadd.s32 $0xFFFFE800  }
0x287: {  	[hbm4b:s1+s2] =	stream.linear.scatter [tilespmem:s10], [sflag:$0x7], $0x1800, $0x38;
	[tilespmem:$0x6000] =	vst v63  }
0x288: {  	_ =	swait.ge [sflag:s11], $0x1800  }
0x289: {  	[sflag:s11] =	ssyncset.done $0x0  }
0x28a: {  	s1 =	rddreg [dreg:$0xa];
	[sflag:s11] =	ssyncadd.s32 $0xFFFFE800  }
0x28b: {  	[tilespmem:s2], [sflag:$0x1] =	stream.linear.gather [hbm4b:s1+s2], $0x1800, $0x38;
	[tilespmem:$0x6000] =	vst v63  }
0x28c: {  	_ =	swait.ge [sflag:s14], $0x1800  }
0x28d: {  	[sflag:s14] =	ssyncset.done $0x0  }
0x28e: {  	s1 =	rddreg [dreg:$0xb];
	[sflag:s14] =	ssyncadd.s32 $0xFFFFE800  }
0x28f: {  	[hbm4b:s1+s2] =	stream.linear.scatter [tilespmem:s8], [sflag:$0x8], $0x1800, $0x38;
	[tilespmem:$0x6000] =	vst v63  }
0x290: {  	_ =	swait.ge [sflag:s9], $0x1800  }
0x291: {  	[sflag:s9] =	ssyncset.done $0x0  }
0x292: {  	s1 =	rddreg [dreg:$0xc];
	[sflag:s9] =	ssyncadd.s32 $0xFFFFE800  }
0x293: {  	[tilespmem:s16], [sflag:$0x2] =	stream.linear.gather [hbm4b:s1+s2], $0x1800, $0x38;
	[tilespmem:$0x6000] =	vst v63  }
0x294: {  	_ =	swait.ge [sflag:s22], $0x1800  }
0x295: {  	[sflag:s22] =	ssyncset.done $0x0  }
0x296: {  	s1 =	rddreg [dreg:$0xd];
	[sflag:s22] =	ssyncadd.s32 $0xFFFFE800  }
0x297: {  	[hbm4b:s1+s2] =	stream.linear.scatter [tilespmem:s2], [sflag:$0x5], $0x1800, $0x38;
	[tilespmem:$0x6000] =	vst v63  }
0x298: {  	_ =	swait.ge [sflag:s6], $0x1800  }
0x299: {  	[sflag:s6] =	ssyncset.done $0x0  }
0x29a: {  	s1 =	rddreg [dreg:$0xe];
	[sflag:s6] =	ssyncadd.s32 $0xFFFFE800  }
0x29b: {  	[tilespmem:s10], [sflag:$0x3] =	stream.linear.gather [hbm4b:s1+s2], $0x1800, $0x38;
	[tilespmem:$0x6000] =	vst v63  }
0x29c: {  	_ =	swait.ge [sflag:s19], $0x1800  }
0x29d: {  	[sflag:s19] =	ssyncset.done $0x0  }
0x29e: {  	s1 =	rddreg [dreg:$0xf];
	[sflag:s19] =	ssyncadd.s32 $0xFFFFE800  }
0x29f: {  	[hbm4b:s1+s2] =	stream.linear.scatter [tilespmem:s16], [sflag:$0x6], $0x1800, $0x38;
	[tilespmem:$0x6000] =	vst v63  }
0x2a0: {  	_ =	swait.ge [sflag:s5], $0x1800  }
0x2a1: {  	[sflag:s5] =	ssyncset.done $0x0  }
0x2a2: {  	s1 =	rddreg [dreg:$0x10];
	[sflag:s5] =	ssyncadd.s32 $0xFFFFE800  }
0x2a3: {  	[tilespmem:s8], [sflag:$0x4] =	stream.linear.gather [hbm4b:s1+s2], $0x1800, $0x38;
	[tilespmem:$0x6000] =	vst v63  }
0x2a4: {  	_ =	swait.ge [sflag:s17], $0x1800  }
0x2a5: {  	[sflag:s17] =	ssyncset.done $0x0  }
0x2a6: {  	s1 =	rddreg [dreg:$0x11];
	[sflag:s17] =	ssyncadd.s32 $0xFFFFE800  }
0x2a7: {  	[hbm4b:s1+s2] =	stream.linear.scatter [tilespmem:s10], [sflag:$0x7], $0x1800, $0x38;
	[tilespmem:$0x6000] =	vst v63  }
0x2a8: {  	_ =	swait.ge [sflag:s11], $0x1800  }
0x2a9: {  	[sflag:s11] =	ssyncset.done $0x0  }
0x2aa: {  	s1 =	rddreg [dreg:$0x12];
	[sflag:s11] =	ssyncadd.s32 $0xFFFFE800  }
0x2ab: {  	[tilespmem:s2], [sflag:$0x1] =	stream.linear.gather [hbm4b:s1+s2], $0x1800, $0x38;
	[tilespmem:$0x6000] =	vst v63  }
0x2ac: {  	_ =	swait.ge [sflag:s14], $0x1800  }
0x2ad: {  	[sflag:s14] =	ssyncset.done $0x0  }
0x2ae: {  	s1 =	rddreg [dreg:$0x13];
	[sflag:s14] =	ssyncadd.s32 $0xFFFFE800  }
0x2af: {  	[hbm4b:s1+s2] =	stream.linear.scatter [tilespmem:s8], [sflag:$0x8], $0x1800, $0x38;
	[tilespmem:$0x6000] =	vst v63  }
0x2b0: {  	_ =	swait.ge [sflag:s9], $0x1800  }
0x2b1: {  	[sflag:s9] =	ssyncset.done $0x0  }
0x2b2: {  	s1 =	rddreg [dreg:$0x14];
	[sflag:s9] =	ssyncadd.s32 $0xFFFFE800  }
0x2b3: {  	[tilespmem:s16], [sflag:$0x2] =	stream.linear.gather [hbm4b:s1+s2], $0x1800, $0x38;
	[tilespmem:$0x6000] =	vst v63  }
0x2b4: {  	_ =	swait.ge [sflag:s22], $0x1800  }
0x2b5: {  	[sflag:s22] =	ssyncset.done $0x0  }
0x2b6: {  	s1 =	rddreg [dreg:$0x15];
	[sflag:s22] =	ssyncadd.s32 $0xFFFFE800  }
0x2b7: {  	[hbm4b:s1+s2] =	stream.linear.scatter [tilespmem:s2], [sflag:$0x5], $0x1800, $0x38;
	[tilespmem:$0x6000] =	vst v63  }
0x2b8: {  	_ =	swait.ge [sflag:s6], $0x1800  }
0x2b9: {  	[sflag:s6] =	ssyncset.done $0x0  }
0x2ba: {  	s1 =	rddreg [dreg:$0x16];
	[sflag:s6] =	ssyncadd.s32 $0xFFFFE800  }
0x2bb: {  	[tilespmem:s10], [sflag:$0x3] =	stream.linear.gather [hbm4b:s1+s2], $0x1800, $0x38;
	[tilespmem:$0x6000] =	vst v63  }
0x2bc: {  	_ =	swait.ge [sflag:s19], $0x1800  }
0x2bd: {  	[sflag:s19] =	ssyncset.done $0x0  }
0x2be: {  	s1 =	rddreg [dreg:$0x17];
	[sflag:s19] =	ssyncadd.s32 $0xFFFFE800  }
0x2bf: {  	[hbm4b:s1+s2] =	stream.linear.scatter [tilespmem:s16], [sflag:$0x6], $0x1800, $0x38;
	[tilespmem:$0x6000] =	vst v63  }
0x2c0: {  	_ =	swait.ge [sflag:s5], $0x1800  }
0x2c1: {  	[sflag:s5] =	ssyncset.done $0x0  }
0x2c2: {  	s1 =	rddreg [dreg:$0x18];
	[sflag:s5] =	ssyncadd.s32 $0xFFFFE800  }
0x2c3: {  	[tilespmem:s8], [sflag:$0x4] =	stream.linear.gather [hbm4b:s1+s2], $0x1800, $0x38;
	[tilespmem:$0x6000] =	vst v63  }
0x2c4: {  	_ =	swait.ge [sflag:s17], $0x1800  }
0x2c5: {  	[sflag:s17] =	ssyncset.done $0x0  }
0x2c6: {  	s1 =	rddreg [dreg:$0x19];
	[sflag:s17] =	ssyncadd.s32 $0xFFFFE800  }
0x2c7: {  	[hbm4b:s1+s2] =	stream.linear.scatter [tilespmem:s10], [sflag:$0x7], $0x1800, $0x38;
	[tilespmem:$0x6000] =	vst v63  }
0x2c8: {  	_ =	swait.ge [sflag:s11], $0x1800  }
0x2c9: {  	[sflag:s11] =	ssyncset.done $0x0  }
0x2ca: {  	s1 =	rddreg [dreg:$0x1a];
	[sflag:s11] =	ssyncadd.s32 $0xFFFFE800  }
0x2cb: {  	[tilespmem:s2], [sflag:$0x1] =	stream.linear.gather [hbm4b:s1+s2], $0x1800, $0x38;
	[tilespmem:$0x6000] =	vst v63  }
0x2cc: {  	_ =	swait.ge [sflag:s14], $0x1800  }
0x2cd: {  	[sflag:s14] =	ssyncset.done $0x0  }
0x2ce: {  	s1 =	rddreg [dreg:$0x1b];
	[sflag:s14] =	ssyncadd.s32 $0xFFFFE800  }
0x2cf: {  	[hbm4b:s1+s2] =	stream.linear.scatter [tilespmem:s8], [sflag:$0x8], $0x1800, $0x38;
	[tilespmem:$0x6000] =	vst v63  }
0x2d0: {  	_ =	swait.ge [sflag:s9], $0x1800  }
0x2d1: {  	[sflag:s9] =	ssyncset.done $0x0  }
0x2d2: {  	s1 =	rddreg [dreg:$0x1c];
	[sflag:s9] =	ssyncadd.s32 $0xFFFFE800  }
0x2d3: {  	[tilespmem:s16], [sflag:$0x2] =	stream.linear.gather [hbm4b:s1+s2], $0x1800, $0x38;
	[tilespmem:$0x6000] =	vst v63  }
0x2d4: {  	_ =	swait.ge [sflag:s22], $0x1800  }
0x2d5: {  	[sflag:s22] =	ssyncset.done $0x0  }
0x2d6: {  	s1 =	rddreg [dreg:$0x1d];
	[sflag:s22] =	ssyncadd.s32 $0xFFFFE800  }
0x2d7: {  	[hbm4b:s1+s2] =	stream.linear.scatter [tilespmem:s2], [sflag:$0x5], $0x1800, $0x38;
	[tilespmem:$0x6000] =	vst v63  }
0x2d8: {  	_ =	swait.ge [sflag:s6], $0x1800  }
0x2d9: {  	[sflag:s6] =	ssyncset.done $0x0  }
0x2da: {  	s1 =	rddreg [dreg:$0x1e];
	[sflag:s6] =	ssyncadd.s32 $0xFFFFE800  }
0x2db: {  	[tilespmem:s10], [sflag:$0x3] =	stream.linear.gather [hbm4b:s1+s2], $0x1800, $0x38;
	[tilespmem:$0x6000] =	vst v63  }
0x2dc: {  	_ =	swait.ge [sflag:s19], $0x1800  }
0x2dd: {  	[sflag:s19] =	ssyncset.done $0x0  }
0x2de: {  	s1 =	rddreg [dreg:$0x1f];
	[sflag:s19] =	ssyncadd.s32 $0xFFFFE800  }
0x2df: {  	[hbm4b:s1+s2] =	stream.linear.scatter [tilespmem:s16], [sflag:$0x6], $0x1800, $0x38;
	[tilespmem:$0x6000] =	vst v63  }
0x2e0: {  	_ =	swait.ge [sflag:s5], $0x1800  }
0x2e1: {  	s1 =	sld [smem:$0x7EC]  }
0x2e2: {  	[sflag:s5] =	ssyncset.done $0x0  }
0x2e3: {  	[sflag:s5] =	ssyncadd.s32 $0xFFFFE800  }
0x2e4: {  	[tilespmem:s8], [sflag:$0x4] =	stream.linear.gather [hbm4b:s1+s2], $0x1800, $0x38;
	[tilespmem:$0x6000] =	vst v63  }
0x2e5: {  	_ =	swait.ge [sflag:s17], $0x1800  }
0x2e6: {  	s1 =	sld [smem:$0x7ED]  }
0x2e7: {  	[sflag:s17] =	ssyncset.done $0x0  }
0x2e8: {  	[sflag:s17] =	ssyncadd.s32 $0xFFFFE800  }
0x2e9: {  	[hbm4b:s1+s2] =	stream.linear.scatter [tilespmem:s10], [sflag:$0x7], $0x1800, $0x38;
	[tilespmem:$0x6000] =	vst v63  }
0x2ea: {  	_ =	swait.ge [sflag:s11], $0x1800  }
0x2eb: {  	s1 =	sld [smem:$0x7EE]  }
0x2ec: {  	[sflag:s11] =	ssyncset.done $0x0  }
0x2ed: {  	[sflag:s11] =	ssyncadd.s32 $0xFFFFE800  }
0x2ee: {  	[tilespmem:s2], [sflag:$0x1] =	stream.linear.gather [hbm4b:s1+s2], $0x1800, $0x38;
	[tilespmem:$0x6000] =	vst v63  }
0x2ef: {  	_ =	swait.ge [sflag:s14], $0x1800  }
0x2f0: {  	s1 =	sld [smem:$0x7EF]  }
0x2f1: {  	[sflag:s14] =	ssyncset.done $0x0  }
0x2f2: {  	[sflag:s14] =	ssyncadd.s32 $0xFFFFE800  }
0x2f3: {  	[hbm4b:s1+s2] =	stream.linear.scatter [tilespmem:s8], [sflag:$0x8], $0x1800, $0x38;
	[tilespmem:$0x6000] =	vst v63  }
0x2f4: {  	_ =	swait.ge [sflag:s9], $0x1800  }
0x2f5: {  	s1 =	sld [smem:$0x7F0]  }
0x2f6: {  	[sflag:s9] =	ssyncset.done $0x0  }
0x2f7: {  	[sflag:s9] =	ssyncadd.s32 $0xFFFFE800  }
0x2f8: {  	[tilespmem:s16], [sflag:$0x2] =	stream.linear.gather [hbm4b:s1+s2], $0x1800, $0x38;
	[tilespmem:$0x6000] =	vst v63  }
0x2f9: {  	_ =	swait.ge [sflag:s22], $0x1800  }
0x2fa: {  	s1 =	sld [smem:$0x7F1]  }
0x2fb: {  	[sflag:s22] =	ssyncset.done $0x0  }
0x2fc: {  	[sflag:s22] =	ssyncadd.s32 $0xFFFFE800  }
0x2fd: {  	[hbm4b:s1+s2] =	stream.linear.scatter [tilespmem:s2], [sflag:$0x5], $0x1800, $0x38;
	[tilespmem:$0x6000] =	vst v63  }
0x2fe: {  	_ =	swait.ge [sflag:s6], $0x1800  }
0x2ff: {  	s1 =	sld [smem:$0x7F2]  }
0x300: {  	[sflag:s6] =	ssyncset.done $0x0  }
0x301: {  	[sflag:s6] =	ssyncadd.s32 $0xFFFFE800  }
0x302: {  	[tilespmem:s10], [sflag:$0x3] =	stream.linear.gather [hbm4b:s1+s2], $0x1800, $0x38;
	[tilespmem:$0x6000] =	vst v63  }
0x303: {  	_ =	swait.ge [sflag:s19], $0x1800  }
0x304: {  	s1 =	sld [smem:$0x7F3]  }
0x305: {  	[sflag:s19] =	ssyncset.done $0x0  }
0x306: {  	[sflag:s19] =	ssyncadd.s32 $0xFFFFE800  }
0x307: {  	[hbm4b:s1+s2] =	stream.linear.scatter [tilespmem:s16], [sflag:$0x6], $0x1800, $0x38;
	[tilespmem:$0x6000] =	vst v63  }
0x308: {  	_ =	swait.ge [sflag:s5], $0x1800  }
0x309: {  	s1 =	sld [smem:$0x7F4]  }
0x30a: {  	[sflag:s5] =	ssyncset.done $0x0  }
0x30b: {  	[sflag:s5] =	ssyncadd.s32 $0xFFFFE800  }
0x30c: {  	[tilespmem:s8], [sflag:$0x4] =	stream.linear.gather [hbm4b:s1+s2], $0x1800, $0x38;
	[tilespmem:$0x6000] =	vst v63  }
0x30d: {  	_ =	swait.ge [sflag:s17], $0x1800  }
0x30e: {  	s1 =	sld [smem:$0x7F5]  }
0x30f: {  	[sflag:s17] =	ssyncset.done $0x0  }
0x310: {  	[sflag:s17] =	ssyncadd.s32 $0xFFFFE800  }
0x311: {  	[hbm4b:s1+s2] =	stream.linear.scatter [tilespmem:s10], [sflag:$0x7], $0x1800, $0x38;
	[tilespmem:$0x6000] =	vst v63  }
0x312: {  	_ =	swait.ge [sflag:s11], $0x1800  }
0x313: {  	s1 =	sld [smem:$0x7F6]  }
0x314: {  	[sflag:s11] =	ssyncset.done $0x0  }
0x315: {  	[sflag:s11] =	ssyncadd.s32 $0xFFFFE800  }
0x316: {  	[tilespmem:s2], [sflag:$0x1] =	stream.linear.gather [hbm4b:s1+s2], $0x1800, $0x38;
	[tilespmem:$0x6000] =	vst v63  }
0x317: {  	_ =	swait.ge [sflag:s14], $0x1800  }
0x318: {  	s1 =	sld [smem:$0x7F7]  }
0x319: {  	[sflag:s14] =	ssyncset.done $0x0  }
0x31a: {  	[sflag:s14] =	ssyncadd.s32 $0xFFFFE800  }
0x31b: {  	[hbm4b:s1+s2] =	stream.linear.scatter [tilespmem:s8], [sflag:$0x8], $0x1800, $0x38;
	[tilespmem:$0x6000] =	vst v63  }
0x31c: {  	_ =	swait.ge [sflag:s9], $0x1800  }
0x31d: {  	s1 =	sld [smem:$0x7F8]  }
0x31e: {  	[sflag:s9] =	ssyncset.done $0x0  }
0x31f: {  	[sflag:s9] =	ssyncadd.s32 $0xFFFFE800  }
0x320: {  	[tilespmem:s16], [sflag:$0x2] =	stream.linear.gather [hbm4b:s1+s2], $0x1800, $0x38;
	[tilespmem:$0x6000] =	vst v63  }
0x321: {  	_ =	swait.ge [sflag:s22], $0x1800  }
0x322: {  	s1 =	sld [smem:$0x7F9]  }
0x323: {  	[sflag:s22] =	ssyncset.done $0x0  }
0x324: {  	[sflag:s22] =	ssyncadd.s32 $0xFFFFE800  }
0x325: {  	[hbm4b:s1+s2] =	stream.linear.scatter [tilespmem:s2], [sflag:$0x5], $0x1800, $0x38;
	[tilespmem:$0x6000] =	vst v63  }
0x326: {  	_ =	swait.ge [sflag:s6], $0x1800  }
0x327: {  	s1 =	sld [smem:$0x7FA]  }
0x328: {  	[sflag:s6] =	ssyncset.done $0x0  }
0x329: {  	[sflag:s6] =	ssyncadd.s32 $0xFFFFE800  }
0x32a: {  	[tilespmem:s10], [sflag:$0x3] =	stream.linear.gather [hbm4b:s1+s2], $0x1800, $0x38;
	[tilespmem:$0x6000] =	vst v63  }
0x32b: {  	_ =	swait.ge [sflag:s19], $0x1800  }
0x32c: {  	s1 =	sld [smem:$0x7FB]  }
0x32d: {  	[sflag:s19] =	ssyncset.done $0x0  }
0x32e: {  	[sflag:s19] =	ssyncadd.s32 $0xFFFFE800  }
0x32f: {  	[hbm4b:s1+s2] =	stream.linear.scatter [tilespmem:s16], [sflag:$0x6], $0x1800, $0x38;
	[tilespmem:$0x6000] =	vst v63  }
0x330: {  	_ =	swait.ge [sflag:s5], $0x1800  }
0x331: {  	s1 =	sld [smem:$0x7FC]  }
0x332: {  	[sflag:s5] =	ssyncset.done $0x0  }
0x333: {  	[sflag:s5] =	ssyncadd.s32 $0xFFFFE800  }
0x334: {  	[tilespmem:s8], [sflag:$0x4] =	stream.linear.gather [hbm4b:s1+s2], $0x1800, $0x38;
	[tilespmem:$0x6000] =	vst v63  }
0x335: {  	_ =	swait.ge [sflag:s17], $0x1800  }
0x336: {  	s1 =	sld [smem:$0x7FD]  }
0x337: {  	[sflag:s17] =	ssyncset.done $0x0  }
0x338: {  	[sflag:s17] =	ssyncadd.s32 $0xFFFFE800  }
0x339: {  	[hbm4b:s1+s2] =	stream.linear.scatter [tilespmem:s10], [sflag:$0x7], $0x1800, $0x38;
	[tilespmem:$0x6000] =	vst v63  }
0x33a: {  	_ =	swait.ge [sflag:s11], $0x1800  }
0x33b: {  	[sflag:s11] =	ssyncset.done $0x0  }
0x33c: {  	[sflag:s11] =	ssyncadd.s32 $0xFFFFE800  }
0x33d: {  	[tilespmem:s2], [sflag:$0x1] =	stream.linear.gather [hbm4b:s31+s2], $0x1800, $0x38;
	[tilespmem:$0x6000] =	vst v63  }
0x33e: {  	_ =	swait.ge [sflag:s14], $0x1800  }
0x33f: {  	[sflag:s14] =	ssyncset.done $0x0  }
0x340: {  	[sflag:s14] =	ssyncadd.s32 $0xFFFFE800  }
0x341: {  	[hbm4b:s30+s2] =	stream.linear.scatter [tilespmem:s8], [sflag:$0x8], $0x1800, $0x38;
	[tilespmem:$0x6000] =	vst v63  }
0x342: {  	_ =	swait.ge [sflag:s9], $0x1800  }
0x343: {  	[sflag:s9] =	ssyncset.done $0x0  }
0x344: {  	[sflag:s9] =	ssyncadd.s32 $0xFFFFE800  }
0x345: {  	[tilespmem:s16], [sflag:$0x2] =	stream.linear.gather [hbm4b:s29+s2], $0x1800, $0x38;
	[tilespmem:$0x6000] =	vst v63  }
0x346: {  	_ =	swait.ge [sflag:s22], $0x1800  }
0x347: {  	[sflag:s22] =	ssyncset.done $0x0  }
0x348: {  	[sflag:s22] =	ssyncadd.s32 $0xFFFFE800  }
0x349: {  	[hbm4b:s28+s2] =	stream.linear.scatter [tilespmem:s2], [sflag:$0x5], $0x1800, $0x38;
	[tilespmem:$0x6000] =	vst v63  }
0x34a: {  	_ =	swait.ge [sflag:s6], $0x1800  }
0x34b: {  	[sflag:s6] =	ssyncset.done $0x0  }
0x34c: {  	[sflag:s6] =	ssyncadd.s32 $0xFFFFE800  }
0x34d: {  	[tilespmem:s10], [sflag:$0x3] =	stream.linear.gather [hbm4b:s26+s2], $0x1800, $0x38;
	[tilespmem:$0x6000] =	vst v63  }
0x34e: {  	_ =	swait.ge [sflag:s19], $0x1800  }
0x34f: {  	[sflag:s19] =	ssyncset.done $0x0  }
0x350: {  	[sflag:s19] =	ssyncadd.s32 $0xFFFFE800  }
0x351: {  	[hbm4b:s25+s2] =	stream.linear.scatter [tilespmem:s16], [sflag:$0x6], $0x1800, $0x38;
	[tilespmem:$0x6000] =	vst v63  }
0x352: {  	_ =	swait.ge [sflag:s5], $0x1800  }
0x353: {  	[sflag:s5] =	ssyncset.done $0x0  }
0x354: {  	[sflag:s5] =	ssyncadd.s32 $0xFFFFE800  }
0x355: {  	[tilespmem:s8], [sflag:$0x4] =	stream.linear.gather [hbm4b:s24+s2], $0x1800, $0x38;
	[tilespmem:$0x6000] =	vst v63  }
0x356: {  	_ =	swait.ge [sflag:s17], $0x1800  }
0x357: {  	[sflag:s17] =	ssyncset.done $0x0  }
0x358: {  	[sflag:s17] =	ssyncadd.s32 $0xFFFFE800  }
0x359: {  	[hbm4b:s23+s2] =	stream.linear.scatter [tilespmem:s10], [sflag:$0x7], $0x1800, $0x38;
	[tilespmem:$0x6000] =	vst v63  }
0x35a: {  	_ =	swait.ge [sflag:s11], $0x1800  }
0x35b: {  	[sflag:s11] =	ssyncset.done $0x0  }
0x35c: {  	[sflag:s11] =	ssyncadd.s32 $0xFFFFE800  }
0x35d: {  	[tilespmem:s2], [sflag:$0x1] =	stream.linear.gather [hbm4b:s21+s2], $0x1800, $0x38;
	[tilespmem:$0x6000] =	vst v63  }
0x35e: {  	_ =	swait.ge [sflag:s14], $0x1800  }
0x35f: {  	[sflag:s14] =	ssyncset.done $0x0  }
0x360: {  	[sflag:s14] =	ssyncadd.s32 $0xFFFFE800  }
0x361: {  	[hbm4b:s20+s2] =	stream.linear.scatter [tilespmem:s8], [sflag:$0x8], $0x1800, $0x38;
	[tilespmem:$0x6000] =	vst v63  }
0x362: {  	_ =	swait.ge [sflag:s9], $0x1800  }
0x363: {  	[sflag:s9] =	ssyncset.done $0x0  }
0x364: {  	[sflag:s9] =	ssyncadd.s32 $0xFFFFE800  }
0x365: {  	[tilespmem:s16], [sflag:$0x2] =	stream.linear.gather [hbm4b:s18+s2], $0x1800, $0x38;
	[tilespmem:$0x6000] =	vst v63  }
0x366: {  	_ =	swait.ge [sflag:s22], $0x1800  }
0x367: {  	[sflag:s22] =	ssyncset.done $0x0  }
0x368: {  	[sflag:s22] =	ssyncadd.s32 $0xFFFFE800  }
0x369: {  	[hbm4b:s15+s2] =	stream.linear.scatter [tilespmem:s2], [sflag:$0x5], $0x1800, $0x38;
	[tilespmem:$0x6000] =	vst v63  }
0x36a: {  	_ =	swait.ge [sflag:s6], $0x1800  }
0x36b: {  	[sflag:s6] =	ssyncset.done $0x0  }
0x36c: {  	[sflag:s6] =	ssyncadd.s32 $0xFFFFE800  }
0x36d: {  	[tilespmem:s10], [sflag:$0x3] =	stream.linear.gather [hbm4b:s13+s2], $0x1800, $0x38;
	[tilespmem:$0x6000] =	vst v63  }
0x36e: {  	_ =	swait.ge [sflag:s19], $0x1800  }
0x36f: {  	[sflag:s19] =	ssyncset.done $0x0  }
0x370: {  	[sflag:s19] =	ssyncadd.s32 $0xFFFFE800  }
0x371: {  	[hbm4b:s12+s2] =	stream.linear.scatter [tilespmem:s16], [sflag:$0x6], $0x1800, $0x38;
	[tilespmem:$0x6000] =	vst v63  }
0x372: {  	_ =	swait.ge [sflag:s5], $0x1800  }
0x373: {  	[sflag:s5] =	ssyncset.done $0x0  }
0x374: {  	[sflag:s5] =	ssyncadd.s32 $0xFFFFE800  }
0x375: {  	[tilespmem:s8], [sflag:$0x4] =	stream.linear.gather [hbm4b:s7+s2], $0x1800, $0x38;
	[tilespmem:$0x6000] =	vst v63  }
0x376: {  	_ =	swait.ge [sflag:s17], $0x1800  }
0x377: {  	[sflag:s17] =	ssyncset.done $0x0  }
0x378: {  	[sflag:s17] =	ssyncadd.s32 $0xFFFFE800  }
0x379: {  	[hbm4b:s4+s2] =	stream.linear.scatter [tilespmem:s10], [sflag:$0x7], $0x1800, $0x38;
	[tilespmem:$0x6000] =	vst v63  }
0x37a: {  	_ =	swait.ge [sflag:s14], $0x1800  }
0x37b: {  	[sflag:s14] =	ssyncset.done $0x0  }
0x37c: {  	[sflag:s14] =	ssyncadd.s32 $0xFFFFE800  }
0x37d: {  	[hbm4b:s3+s2] =	stream.linear.scatter [tilespmem:s8], [sflag:$0x8], $0x1800, $0x38;
	[tilespmem:$0x6000] =	vst v63  }
0x37e: {  	_ =	swait.ge [sflag:s11], $0x1800  }
0x37f: {  	[sflag:s11] =	ssyncset.done $0x0  }
0x380: {  	[sflag:s11] =	ssyncadd.s32 $0xFFFFE800  }
0x381: {  	_ =	swait.ge [sflag:s9], $0x1800  }
0x382: {  	[sflag:s9] =	ssyncset.done $0x0  }
0x383: {  	[sflag:s9] =	ssyncadd.s32 $0xFFFFE800  }
0x384: {  	_ =	swait.ge [sflag:s6], $0x1800  }
0x385: {  	[sflag:s6] =	ssyncset.done $0x0  }
0x386: {  	[sflag:s6] =	ssyncadd.s32 $0xFFFFE800  }
0x387: {  	_ =	swait.ge [sflag:s5], $0x1800  }
0x388: {  	[sflag:s5] =	ssyncset.done $0x0  }
0x389: {  	[sflag:s5] =	ssyncadd.s32 $0xFFFFE800  }
0x38a: {  	_ =	sfence.sel $0x180000  }
0x38b: {  	[bflag:$0x0] =	sbarrier.arrive $0xFFFF  }
0x38c: {  	_ =	strace $0x90000047  }
0x38d: {  	s31 =	stileid.u32;
	[bflag:$0x2] =	sbarrier.arrive $0xFFFF  }
0x38e: {  	p0 =	sne.s32 s31, $0x0;
	s0 =	rddreg [dreg:$0x2]  }
0x38f: {  	s0 =	sadd.s32 @!p0 $0x100000, s0  }
0x390: {  	[sflag:s0] =	ssyncadd.tile.s32 @!p0 $0x1;
	_ =	shalt  }
.Lfunc_end2:
_tile_overlayer_lowered:
.L_overlay_start_2:
0x391: {  	(tag) =	ssettag $0x2  }
0x392: {  	s0 =	rddreg [dreg:$0x0];
	s2 =	stileid.u32  }
0x393: {  	s1 =	rddreg [dreg:$0x1];
	p0 =	sne.s32 s2, $0x0  }
0x394: {  	s3 =	rddreg [dreg:$0x2];
	[bflag:$0x3] =	sbarrier.arrive $0xFFFF;
	s2 =	simm.s32 @!p0 $0x1C09  }
0x395: {  	[timem:s3], [sflag:s2] =	dma.local @!p0 [hbm:s0], s1  }
0x396: {  	s0 =	simm.s32 @!p0 $0x9  }
0x397: {  	_ =	swait.ge @!p0 [sflag:s0], s1  }
0x398: {  	s1 =	ssub.s32 @!p0 $0x0, s1;
	[sflag:s0] =	ssyncset.done @!p0 $0x0  }
0x399: {  	[sflag:s0] =	ssyncadd.s32 @!p0 s1  }
0x39a: {  	[bflag:$0x3] =	sbarrier.arrive $0xFFFF  }
0x39b: {  	_ =	shalt  }

</sc_bundles>
